<compile_context>
chip_gen: v7x
topology: tpu7x:2x2x1
jax: 0.10.2.dev20260603
libtpu: 0.0.44.dev20260713+nightly
codegen_flags: <defaults>
</compile_context>

<pallas_src>
import jax
import jax.numpy as jnp
from jax import lax
from jax.experimental import pallas as pl
from jax.experimental.pallas import tpu as pltpu
from jax.experimental.pallas import tpu_sc as plsc

_B, _L, _D = 4, 4096, 1024
_NW = 32
_LW = _L // _NW
_CH = 16
_NCH = _LW // _CH
_STEPS = _NCH * _B
_XNB = 5
_PF = 3


def _sc_body(x_hbm, emb_hbm, p_hbm, out_hbm, idx_v, *rest):
    xb = rest[:_XNB]
    eb = rest[_XNB:_XNB + 2]
    xl_sem = rest[_XNB + 2:2 * _XNB + 2]
    st_sem = rest[2 * _XNB + 2:3 * _XNB + 2]
    eg_sem = rest[3 * _XNB + 2:]

    wid = lax.axis_index("s") * 2 + lax.axis_index("c")
    lw0 = wid * _LW

    pltpu.sync_copy(p_hbm.at[pl.ds(wid * _NCH, _NCH)], idx_v)

    def egather(c):
        return pltpu.make_async_copy(emb_hbm.at[idx_v.at[c]], eb[c % 2],
                                     eg_sem[c % 2])

    def xcopy(t, store):
        c, b = t // _B, t % _B
        hbm_slice = out_hbm if store else x_hbm
        hbm_slice = hbm_slice.at[b, pl.ds(lw0 + c * _CH, _CH)]
        buf = xb[t % _XNB]
        sem = (st_sem if store else xl_sem)[t % _XNB]
        if store:
            return pltpu.make_async_copy(buf, hbm_slice, sem)
        return pltpu.make_async_copy(hbm_slice, buf, sem)

    egather(0).start()
    egather(1).start()
    for t in range(_PF):
        xcopy(t, False).start()

    for t in range(_STEPS):
        c, b = t // _B, t % _B
        xs, es = t % _XNB, c % 2

        if b == 0:
            egather(c).wait()
        xcopy(t, False).wait()

        xbuf, ebuf = xb[xs], eb[es]

        @plsc.parallel_loop(0, _CH * _D // 16, 1, unroll=4)
        def _(i):
            r = i // (_D // 16)
            off = (i - r * (_D // 16)) * 16
            plsc.addupdate(xbuf.at[r, pl.ds(off, 16)],
                           ebuf[r, pl.ds(off, 16)])

        xcopy(t, True).start()

        if b == _B - 1 and c + 2 < _NCH:
            egather(c + 2).start()
        if t + _PF < _STEPS:
            if t - 2 >= 0:
                xcopy(t - 2, True).wait()
            xcopy(t + _PF, False).start()

    for t in range(_STEPS - _XNB, _STEPS):
        xcopy(t, True).wait()


def kernel(X, embedding, offset):
    B, L, D = X.shape
    P = (jnp.arange(L, dtype=jnp.int32)
         + jnp.asarray(offset, jnp.int32)).reshape(L // _CH, _CH)
    f = pl.kernel(
        _sc_body,
        out_type=jax.ShapeDtypeStruct(X.shape, X.dtype),
        mesh=plsc.VectorSubcoreMesh(core_axis_name="c", subcore_axis_name="s"),
        scratch_types=[
            pltpu.VMEM((_NCH, _CH), jnp.int32),
            *[pltpu.VMEM((_CH, D), jnp.float32) for _ in range(_XNB)],
            *[pltpu.VMEM((_CH, D), jnp.float32) for _ in range(2)],
            *[pltpu.SemaphoreType.DMA for _ in range(2 * _XNB + 2)],
        ],
    )
    return f(X, embedding, P)

# --- scband reference (transcript-rebuilt; emitter-appended) ---
"""Pipeline reference for scband-learned-positional-encoding-54537494724803 (READ-ONLY COPY).

The authoritative reference and input builder live on the scoring server;
editing this copy changes nothing except your own understanding.
"""

import jax, jax.numpy as jnp
import numpy as np


def setup_inputs(seed: int = 0) -> dict:
    key = jax.random.key(seed)
    k1, k2 = jax.random.split(key)
    X = jax.random.normal(k1, (4, 4096, 1024), dtype=jnp.float32)
    embedding = jax.random.normal(k2, (8192, 1024), dtype=jnp.float32) * 0.02
    return {"X": X, "embedding": embedding, "offset": 0}


def reference(X, embedding, offset):
    L, D = X.shape[-2:]
    sequence_length = embedding.shape[0]
    offset_static = 0
    if L + offset_static >= sequence_length:
        raise ValueError("sequence too long for learned positions")
    P = jnp.arange(L) + offset
    pos = jnp.take(embedding, P, axis=0)
    shape = (1,) * (X.ndim - 2) + (L, D)
    return X + pos.reshape(shape)

if __name__ == "__main__":
    import jax
    _d = setup_inputs()
    print(jax.jit(kernel)(*tuple(_d.values())))

</pallas_src>

<mosaic_0001>
#map = affine_map<(d0, d1) -> (0, 0, 0)>
#map1 = affine_map<(d0, d1) -> (0, 0)>
module attributes {stable_mosaic.version = 14 : i64} {
  func.func @_sc_body(%arg0: i32, %arg1: i32, %arg2: memref<4x4096x1024xf32, #tpu.memory_space<hbm>>, %arg3: memref<8192x1024xf32, #tpu.memory_space<hbm>>, %arg4: memref<256x16xi32, #tpu.memory_space<hbm>>, %arg5: memref<4x4096x1024xf32, #tpu.memory_space<hbm>>, %arg6: memref<8x16xi32, #tpu.memory_space<vmem>>, %arg7: memref<16x1024xf32, #tpu.memory_space<vmem>>, %arg8: memref<16x1024xf32, #tpu.memory_space<vmem>>, %arg9: memref<16x1024xf32, #tpu.memory_space<vmem>>, %arg10: memref<16x1024xf32, #tpu.memory_space<vmem>>, %arg11: memref<16x1024xf32, #tpu.memory_space<vmem>>, %arg12: memref<16x1024xf32, #tpu.memory_space<vmem>>, %arg13: memref<16x1024xf32, #tpu.memory_space<vmem>>, %arg14: memref<!tpu.dma_semaphore, #tpu.memory_space<semaphore_mem>>, %arg15: memref<!tpu.dma_semaphore, #tpu.memory_space<semaphore_mem>>, %arg16: memref<!tpu.dma_semaphore, #tpu.memory_space<semaphore_mem>>, %arg17: memref<!tpu.dma_semaphore, #tpu.memory_space<semaphore_mem>>, %arg18: memref<!tpu.dma_semaphore, #tpu.memory_space<semaphore_mem>>, %arg19: memref<!tpu.dma_semaphore, #tpu.memory_space<semaphore_mem>>, %arg20: memref<!tpu.dma_semaphore, #tpu.memory_space<semaphore_mem>>, %arg21: memref<!tpu.dma_semaphore, #tpu.memory_space<semaphore_mem>>, %arg22: memref<!tpu.dma_semaphore, #tpu.memory_space<semaphore_mem>>, %arg23: memref<!tpu.dma_semaphore, #tpu.memory_space<semaphore_mem>>, %arg24: memref<!tpu.dma_semaphore, #tpu.memory_space<semaphore_mem>>, %arg25: memref<!tpu.dma_semaphore, #tpu.memory_space<semaphore_mem>>) attributes {dimension_semantics = [#tpu.dimension_semantics<core_parallel>, #tpu.dimension_semantics<subcore_parallel>], iteration_bounds = array<i64: 2, 16>, scalar_prefetch = 0 : i64, scratch_operands = 20 : i64, tpu.core_type = #tpu.core_type<sc_vector_subcore>, window_params = [{transform_indices = #map}, {transform_indices = #map1}, {transform_indices = #map1}, {transform_indices = #map}]} {
    %mul3A = arith.constant 2 : i32
    %mul3A_0 = arith.muli %arg1, %mul3A : i32
    %add3A = arith.addi %mul3A_0, %arg0 : i32
    %mul3A_1 = arith.constant 128 : i32
    %mul3A_2 = arith.muli %add3A, %mul3A_1 : i32
    %mul3A_3 = arith.constant 8 : i32
    %mul3A_4 = arith.muli %add3A, %mul3A_3 : i32
    "tpu.region"() ({
      %run_scoped3A = tpu.sem_alloc : memref<!tpu.dma_semaphore, #tpu.memory_space<semaphore_mem>>
      %dma_start3A_1362 = arith.constant 0 : i32
      %dma_start3A_1363 = tpu.memref_slice %arg4[%mul3A_4, %dma_start3A_1362] : memref<256x16xi32, #tpu.memory_space<hbm>> -> memref<8x16xi32, #tpu.memory_space<hbm>>
      %dma_start3A_1364 = arith.constant 0 : i32
      %dma_start3A_1365 = tpu.memref_slice %arg4[%mul3A_4, %dma_start3A_1364] : memref<256x16xi32, #tpu.memory_space<hbm>> -> memref<8x16xi32, #tpu.memory_space<hbm>>
      tpu.enqueue_dma source(%dma_start3A_1365 : memref<8x16xi32, #tpu.memory_space<hbm>>) target(%arg6 : memref<8x16xi32, #tpu.memory_space<vmem>>) target_semaphore(%run_scoped3A : memref<!tpu.dma_semaphore, #tpu.memory_space<semaphore_mem>>)
      %dma_wait3A_1366 = arith.constant 0 : i32
      %dma_wait3A_1367 = tpu.memref_slice %arg4[%mul3A_4, %dma_wait3A_1366] : memref<256x16xi32, #tpu.memory_space<hbm>> -> memref<8x16xi32, #tpu.memory_space<hbm>>
      %dma_wait3A_1368 = arith.constant 0 : i32
      %dma_wait3A_1369 = tpu.memref_slice %arg4[%mul3A_4, %dma_wait3A_1368] : memref<256x16xi32, #tpu.memory_space<hbm>> -> memref<8x16xi32, #tpu.memory_space<hbm>>
      tpu.wait_dma2 semaphore(%run_scoped3A : memref<!tpu.dma_semaphore, #tpu.memory_space<semaphore_mem>>) src(%dma_wait3A_1369 : memref<8x16xi32, #tpu.memory_space<hbm>>) dst(%arg6 : memref<8x16xi32, #tpu.memory_space<vmem>>)
      tpu.yield
    }) : () -> ()
    %dma_start3A = arith.constant 0 : i32
    %dma_start3A_5 = arith.constant 0 : i32
    %dma_start3A_6 = tpu.memref_slice %arg6[%dma_start3A, %dma_start3A_5] : memref<8x16xi32, #tpu.memory_space<vmem>> -> memref<1x16xi32, #tpu.memory_space<vmem>>
    %dma_start3A_7 = tpu.memref_squeeze %dma_start3A_6 : memref<1x16xi32, #tpu.memory_space<vmem>> -> memref<16xi32, #tpu.memory_space<vmem>>
    %dma_start3A_8 = arith.constant 0 : i32
    %dma_start3A_9 = arith.constant 0 : i32
    %dma_start3A_10 = tpu.memref_slice %arg3[%dma_start3A_8, %dma_start3A_9] : memref<8192x1024xf32, #tpu.memory_space<hbm>> -> memref<8192x1024xf32, #tpu.memory_space<hbm>>
    tpu.enqueue_indirect_dma source(%dma_start3A_10 : memref<8192x1024xf32, #tpu.memory_space<hbm>>) target(%arg12 : memref<16x1024xf32, #tpu.memory_space<vmem>>) offsets(%dma_start3A_7 : memref<16xi32, #tpu.memory_space<vmem>>) semaphore(%arg24 : memref<!tpu.dma_semaphore, #tpu.memory_space<semaphore_mem>>)
    %dma_start3A_11 = arith.constant 1 : i32
    %dma_start3A_12 = arith.constant 0 : i32
    %dma_start3A_13 = tpu.memref_slice %arg6[%dma_start3A_11, %dma_start3A_12] : memref<8x16xi32, #tpu.memory_space<vmem>> -> memref<1x16xi32, #tpu.memory_space<vmem>>
    %dma_start3A_14 = tpu.memref_squeeze %dma_start3A_13 : memref<1x16xi32, #tpu.memory_space<vmem>> -> memref<16xi32, #tpu.memory_space<vmem>>
    %dma_start3A_15 = arith.constant 0 : i32
    %dma_start3A_16 = arith.constant 0 : i32
    %dma_start3A_17 = tpu.memref_slice %arg3[%dma_start3A_15, %dma_start3A_16] : memref<8192x1024xf32, #tpu.memory_space<hbm>> -> memref<8192x1024xf32, #tpu.memory_space<hbm>>
    tpu.enqueue_indirect_dma source(%dma_start3A_17 : memref<8192x1024xf32, #tpu.memory_space<hbm>>) target(%arg13 : memref<16x1024xf32, #tpu.memory_space<vmem>>) offsets(%dma_start3A_14 : memref<16xi32, #tpu.memory_space<vmem>>) semaphore(%arg25 : memref<!tpu.dma_semaphore, #tpu.memory_space<semaphore_mem>>)
    %add3A_18 = arith.constant 0 : i32
    %add3A_19 = arith.addi %mul3A_2, %add3A_18 : i32
    %dma_start3A_20 = arith.constant 0 : i32
    %dma_start3A_21 = arith.constant 0 : i32
    %dma_start3A_22 = tpu.memref_slice %arg2[%dma_start3A_20, %add3A_19, %dma_start3A_21] : memref<4x4096x1024xf32, #tpu.memory_space<hbm>> -> memref<1x16x1024xf32, #tpu.memory_space<hbm>>
    %dma_start3A_23 = tpu.memref_squeeze %dma_start3A_22 : memref<1x16x1024xf32, #tpu.memory_space<hbm>> -> memref<16x1024xf32, #tpu.memory_space<hbm>>
    %dma_start3A_24 = arith.constant 0 : i32
    %dma_start3A_25 = tpu.memref_slice %arg2[%dma_start3A_20, %add3A_19, %dma_start3A_24] : memref<4x4096x1024xf32, #tpu.memory_space<hbm>> -> memref<1x16x1024xf32, #tpu.memory_space<hbm>>
    %dma_start3A_26 = tpu.memref_squeeze %dma_start3A_25 : memref<1x16x1024xf32, #tpu.memory_space<hbm>> -> memref<16x1024xf32, #tpu.memory_space<hbm>>
    tpu.enqueue_dma source(%dma_start3A_26 : memref<16x1024xf32, #tpu.memory_space<hbm>>) target(%arg7 : memref<16x1024xf32, #tpu.memory_space<vmem>>) target_semaphore(%arg14 : memref<!tpu.dma_semaphore, #tpu.memory_space<semaphore_mem>>)
    %add3A_27 = arith.constant 0 : i32
    %add3A_28 = arith.addi %mul3A_2, %add3A_27 : i32
    %dma_start3A_29 = arith.constant 1 : i32
    %dma_start3A_30 = arith.constant 0 : i32
    %dma_start3A_31 = tpu.memref_slice %arg2[%dma_start3A_29, %add3A_28, %dma_start3A_30] : memref<4x4096x1024xf32, #tpu.memory_space<hbm>> -> memref<1x16x1024xf32, #tpu.memory_space<hbm>>
    %dma_start3A_32 = tpu.memref_squeeze %dma_start3A_31 : memref<1x16x1024xf32, #tpu.memory_space<hbm>> -> memref<16x1024xf32, #tpu.memory_space<hbm>>
    %dma_start3A_33 = arith.constant 0 : i32
    %dma_start3A_34 = tpu.memref_slice %arg2[%dma_start3A_29, %add3A_28, %dma_start3A_33] : memref<4x4096x1024xf32, #tpu.memory_space<hbm>> -> memref<1x16x1024xf32, #tpu.memory_space<hbm>>
    %dma_start3A_35 = tpu.memref_squeeze %dma_start3A_34 : memref<1x16x1024xf32, #tpu.memory_space<hbm>> -> memref<16x1024xf32, #tpu.memory_space<hbm>>
    tpu.enqueue_dma source(%dma_start3A_35 : memref<16x1024xf32, #tpu.memory_space<hbm>>) target(%arg8 : memref<16x1024xf32, #tpu.memory_space<vmem>>) target_semaphore(%arg15 : memref<!tpu.dma_semaphore, #tpu.memory_space<semaphore_mem>>)
    %add3A_36 = arith.constant 0 : i32
    %add3A_37 = arith.addi %mul3A_2, %add3A_36 : i32
    %dma_start3A_38 = arith.constant 2 : i32
    %dma_start3A_39 = arith.constant 0 : i32
    %dma_start3A_40 = tpu.memref_slice %arg2[%dma_start3A_38, %add3A_37, %dma_start3A_39] : memref<4x4096x1024xf32, #tpu.memory_space<hbm>> -> memref<1x16x1024xf32, #tpu.memory_space<hbm>>
    %dma_start3A_41 = tpu.memref_squeeze %dma_start3A_40 : memref<1x16x1024xf32, #tpu.memory_space<hbm>> -> memref<16x1024xf32, #tpu.memory_space<hbm>>
    %dma_start3A_42 = arith.constant 0 : i32
    %dma_start3A_43 = tpu.memref_slice %arg2[%dma_start3A_38, %add3A_37, %dma_start3A_42] : memref<4x4096x1024xf32, #tpu.memory_space<hbm>> -> memref<1x16x1024xf32, #tpu.memory_space<hbm>>
    %dma_start3A_44 = tpu.memref_squeeze %dma_start3A_43 : memref<1x16x1024xf32, #tpu.memory_space<hbm>> -> memref<16x1024xf32, #tpu.memory_space<hbm>>
    tpu.enqueue_dma source(%dma_start3A_44 : memref<16x1024xf32, #tpu.memory_space<hbm>>) target(%arg9 : memref<16x1024xf32, #tpu.memory_space<vmem>>) target_semaphore(%arg16 : memref<!tpu.dma_semaphore, #tpu.memory_space<semaphore_mem>>)
    %dma_wait3A = arith.constant 0 : i32
    %dma_wait3A_45 = arith.constant 0 : i32
    %dma_wait3A_46 = tpu.memref_slice %arg6[%dma_wait3A, %dma_wait3A_45] : memref<8x16xi32, #tpu.memory_space<vmem>> -> memref<1x16xi32, #tpu.memory_space<vmem>>
    %dma_wait3A_47 = tpu.memref_squeeze %dma_wait3A_46 : memref<1x16xi32, #tpu.memory_space<vmem>> -> memref<16xi32, #tpu.memory_space<vmem>>
    %dma_wait3A_48 = arith.constant 0 : i32
    %dma_wait3A_49 = arith.constant 0 : i32
    %dma_wait3A_50 = tpu.memref_slice %arg3[%dma_wait3A_48, %dma_wait3A_49] : memref<8192x1024xf32, #tpu.memory_space<hbm>> -> memref<8192x1024xf32, #tpu.memory_space<hbm>>
    tpu.wait_indirect_dma semaphore(%arg24 : memref<!tpu.dma_semaphore, #tpu.memory_space<semaphore_mem>>) src(%dma_wait3A_50 : memref<8192x1024xf32, #tpu.memory_space<hbm>>) dst(%arg12 : memref<16x1024xf32, #tpu.memory_space<vmem>>)
    %add3A_51 = arith.constant 0 : i32
    %add3A_52 = arith.addi %mul3A_2, %add3A_51 : i32
    %dma_wait3A_53 = arith.constant 0 : i32
    %dma_wait3A_54 = arith.constant 0 : i32
    %dma_wait3A_55 = tpu.memref_slice %arg2[%dma_wait3A_53, %add3A_52, %dma_wait3A_54] : memref<4x4096x1024xf32, #tpu.memory_space<hbm>> -> memref<1x16x1024xf32, #tpu.memory_space<hbm>>
    %dma_wait3A_56 = tpu.memref_squeeze %dma_wait3A_55 : memref<1x16x1024xf32, #tpu.memory_space<hbm>> -> memref<16x1024xf32, #tpu.memory_space<hbm>>
    %dma_wait3A_57 = arith.constant 0 : i32
    %dma_wait3A_58 = tpu.memref_slice %arg2[%dma_wait3A_53, %add3A_52, %dma_wait3A_57] : memref<4x4096x1024xf32, #tpu.memory_space<hbm>> -> memref<1x16x1024xf32, #tpu.memory_space<hbm>>
    %dma_wait3A_59 = tpu.memref_squeeze %dma_wait3A_58 : memref<1x16x1024xf32, #tpu.memory_space<hbm>> -> memref<16x1024xf32, #tpu.memory_space<hbm>>
    tpu.wait_dma2 semaphore(%arg14 : memref<!tpu.dma_semaphore, #tpu.memory_space<semaphore_mem>>) src(%dma_wait3A_59 : memref<16x1024xf32, #tpu.memory_space<hbm>>) dst(%arg7 : memref<16x1024xf32, #tpu.memory_space<vmem>>)
    %parallel_loop3A = arith.constant 0 : i32
    %parallel_loop3A_60 = arith.constant 1024 : i32
    %parallel_loop3A_61 = arith.constant 1 : i32
    scf.for %parallel_loop3A_1362 = %parallel_loop3A to %parallel_loop3A_60 step %parallel_loop3A_61  : i32 {
      %parallel_loop3A_1363 = arith.constant 64 : i32
      %parallel_loop3A_1364 = arith.divsi %parallel_loop3A_1362, %parallel_loop3A_1363 : i32
      %parallel_loop3A_1365 = arith.constant 0 : i32
      %parallel_loop3A_1366 = arith.cmpi sgt, %parallel_loop3A_1362, %parallel_loop3A_1365 : i32
      %parallel_loop3A_1367 = arith.extui %parallel_loop3A_1366 : i1 to i32
      %parallel_loop3A_1368 = arith.constant 0 : i32
      %parallel_loop3A_1369 = arith.cmpi slt, %parallel_loop3A_1362, %parallel_loop3A_1368 : i32
      %parallel_loop3A_1370 = arith.extui %parallel_loop3A_1369 : i1 to i32
      %parallel_loop3A_1371 = arith.subi %parallel_loop3A_1367, %parallel_loop3A_1370 : i32
      %parallel_loop3A_1372 = arith.constant 0 : i32
      %parallel_loop3A_1373 = arith.cmpi sgt, %parallel_loop3A_1363, %parallel_loop3A_1372 : i32
      %parallel_loop3A_1374 = arith.extui %parallel_loop3A_1373 : i1 to i32
      %parallel_loop3A_1375 = arith.constant 0 : i32
      %parallel_loop3A_1376 = arith.cmpi slt, %parallel_loop3A_1363, %parallel_loop3A_1375 : i32
      %parallel_loop3A_1377 = arith.extui %parallel_loop3A_1376 : i1 to i32
      %parallel_loop3A_1378 = arith.subi %parallel_loop3A_1374, %parallel_loop3A_1377 : i32
      %parallel_loop3A_1379 = arith.cmpi ne, %parallel_loop3A_1371, %parallel_loop3A_1378 : i32
      %parallel_loop3A_1380 = arith.remsi %parallel_loop3A_1362, %parallel_loop3A_1363 : i32
      %parallel_loop3A_1381 = arith.constant 0 : i32
      %parallel_loop3A_1382 = arith.cmpi ne, %parallel_loop3A_1380, %parallel_loop3A_1381 : i32
      %parallel_loop3A_1383 = arith.andi %parallel_loop3A_1379, %parallel_loop3A_1382 : i1
      %parallel_loop3A_1384 = arith.constant 1 : i32
      %parallel_loop3A_1385 = arith.subi %parallel_loop3A_1364, %parallel_loop3A_1384 : i32
      %parallel_loop3A_1386 = arith.select %parallel_loop3A_1383, %parallel_loop3A_1385, %parallel_loop3A_1364 : i32
      %parallel_loop3A_1387 = arith.constant 64 : i32
      %parallel_loop3A_1388 = arith.muli %parallel_loop3A_1386, %parallel_loop3A_1387 : i32
      %parallel_loop3A_1389 = arith.subi %parallel_loop3A_1362, %parallel_loop3A_1388 : i32
      %parallel_loop3A_1390 = arith.constant 16 : i32
      %parallel_loop3A_1391 = arith.muli %parallel_loop3A_1389, %parallel_loop3A_1390 : i32
      %parallel_loop3A_1392 = arith.index_cast %parallel_loop3A_1386 : i32 to index
      %parallel_loop3A_1393 = arith.index_cast %parallel_loop3A_1391 : i32 to index
      %parallel_loop3A_1394 = tpu.vector_load %arg12[%parallel_loop3A_1392, %parallel_loop3A_1393] {strides = array<i32>} : memref<16x1024xf32, #tpu.memory_space<vmem>>, vector<1x16xf32>,
      %parallel_loop3A_1395 = vector.shape_cast %parallel_loop3A_1394 : vector<1x16xf32> to vector<16xf32>
      %parallel_loop3A_1396 = arith.index_cast %parallel_loop3A_1386 : i32 to index
      %parallel_loop3A_1397 = arith.index_cast %parallel_loop3A_1391 : i32 to index
      %parallel_loop3A_1398 = tpu.vector_load %arg7[%parallel_loop3A_1396, %parallel_loop3A_1397] {strides = array<i32>} : memref<16x1024xf32, #tpu.memory_space<vmem>>, vector<1x16xf32>,
      %parallel_loop3A_1399 = vector.shape_cast %parallel_loop3A_1398 : vector<1x16xf32> to vector<16xf32>
      %parallel_loop3A_1400 = vector.shape_cast %parallel_loop3A_1395 : vector<16xf32> to vector<1x16xf32>
      tpu.vector_store %arg7[%parallel_loop3A_1396, %parallel_loop3A_1397], %parallel_loop3A_1400 {add = true, strides = array<i32>} : memref<16x1024xf32, #tpu.memory_space<vmem>>, vector<1x16xf32>,
    } {sc.loop_unroll_factor = 4 : i64, sc.parallel_access}
    %add3A_62 = arith.constant 0 : i32
    %add3A_63 = arith.addi %mul3A_2, %add3A_62 : i32
    %dma_start3A_64 = arith.constant 0 : i32
    %dma_start3A_65 = arith.constant 0 : i32
    %dma_start3A_66 = tpu.memref_slice %arg5[%dma_start3A_64, %add3A_63, %dma_start3A_65] : memref<4x4096x1024xf32, #tpu.memory_space<hbm>> -> memref<1x16x1024xf32, #tpu.memory_space<hbm>>
    %dma_start3A_67 = tpu.memref_squeeze %dma_start3A_66 : memref<1x16x1024xf32, #tpu.memory_space<hbm>> -> memref<16x1024xf32, #tpu.memory_space<hbm>>
    %dma_start3A_68 = arith.constant 0 : i32
    %dma_start3A_69 = tpu.memref_slice %arg5[%dma_start3A_64, %add3A_63, %dma_start3A_68] : memref<4x4096x1024xf32, #tpu.memory_space<hbm>> -> memref<1x16x1024xf32, #tpu.memory_space<hbm>>
    %dma_start3A_70 = tpu.memref_squeeze %dma_start3A_69 : memref<1x16x1024xf32, #tpu.memory_space<hbm>> -> memref<16x1024xf32, #tpu.memory_space<hbm>>
    tpu.enqueue_dma source(%arg7 : memref<16x1024xf32, #tpu.memory_space<vmem>>) target(%dma_start3A_70 : memref<16x1024xf32, #tpu.memory_space<hbm>>) target_semaphore(%arg19 : memref<!tpu.dma_semaphore, #tpu.memory_space<semaphore_mem>>)
    %add3A_71 = arith.constant 0 : i32
    %add3A_72 = arith.addi %mul3A_2, %add3A_71 : i32
    %dma_start3A_73 = arith.constant 3 : i32
    %dma_start3A_74 = arith.constant 0 : i32
    %dma_start3A_75 = tpu.memref_slice %arg2[%dma_start3A_73, %add3A_72, %dma_start3A_74] : memref<4x4096x1024xf32, #tpu.memory_space<hbm>> -> memref<1x16x1024xf32, #tpu.memory_space<hbm>>
    %dma_start3A_76 = tpu.memref_squeeze %dma_start3A_75 : memref<1x16x1024xf32, #tpu.memory_space<hbm>> -> memref<16x1024xf32, #tpu.memory_space<hbm>>
    %dma_start3A_77 = arith.constant 0 : i32
    %dma_start3A_78 = tpu.memref_slice %arg2[%dma_start3A_73, %add3A_72, %dma_start3A_77] : memref<4x4096x1024xf32, #tpu.memory_space<hbm>> -> memref<1x16x1024xf32, #tpu.memory_space<hbm>>
    %dma_start3A_79 = tpu.memref_squeeze %dma_start3A_78 : memref<1x16x1024xf32, #tpu.memory_space<hbm>> -> memref<16x1024xf32, #tpu.memory_space<hbm>>
    tpu.enqueue_dma source(%dma_start3A_79 : memref<16x1024xf32, #tpu.memory_space<hbm>>) target(%arg10 : memref<16x1024xf32, #tpu.memory_space<vmem>>) target_semaphore(%arg17 : memref<!tpu.dma_semaphore, #tpu.memory_space<semaphore_mem>>)
    %add3A_80 = arith.constant 0 : i32
    %add3A_81 = arith.addi %mul3A_2, %add3A_80 : i32
    %dma_wait3A_82 = arith.constant 1 : i32
    %dma_wait3A_83 = arith.constant 0 : i32
    %dma_wait3A_84 = tpu.memref_slice %arg2[%dma_wait3A_82, %add3A_81, %dma_wait3A_83] : memref<4x4096x1024xf32, #tpu.memory_space<hbm>> -> memref<1x16x1024xf32, #tpu.memory_space<hbm>>
    %dma_wait3A_85 = tpu.memref_squeeze %dma_wait3A_84 : memref<1x16x1024xf32, #tpu.memory_space<hbm>> -> memref<16x1024xf32, #tpu.memory_space<hbm>>
    %dma_wait3A_86 = arith.constant 0 : i32
    %dma_wait3A_87 = tpu.memref_slice %arg2[%dma_wait3A_82, %add3A_81, %dma_wait3A_86] : memref<4x4096x1024xf32, #tpu.memory_space<hbm>> -> memref<1x16x1024xf32, #tpu.memory_space<hbm>>
    %dma_wait3A_88 = tpu.memref_squeeze %dma_wait3A_87 : memref<1x16x1024xf32, #tpu.memory_space<hbm>> -> memref<16x1024xf32, #tpu.memory_space<hbm>>
    tpu.wait_dma2 semaphore(%arg15 : memref<!tpu.dma_semaphore, #tpu.memory_space<semaphore_mem>>) src(%dma_wait3A_88 : memref<16x1024xf32, #tpu.memory_space<hbm>>) dst(%arg8 : memref<16x1024xf32, #tpu.memory_space<vmem>>)
    %parallel_loop3A_89 = arith.constant 0 : i32
    %parallel_loop3A_90 = arith.constant 1024 : i32
    %parallel_loop3A_91 = arith.constant 1 : i32
    scf.for %parallel_loop3A_1362 = %parallel_loop3A_89 to %parallel_loop3A_90 step %parallel_loop3A_91  : i32 {
      %parallel_loop3A_1363 = arith.constant 64 : i32
      %parallel_loop3A_1364 = arith.divsi %parallel_loop3A_1362, %parallel_loop3A_1363 : i32
      %parallel_loop3A_1365 = arith.constant 0 : i32
      %parallel_loop3A_1366 = arith.cmpi sgt, %parallel_loop3A_1362, %parallel_loop3A_1365 : i32
      %parallel_loop3A_1367 = arith.extui %parallel_loop3A_1366 : i1 to i32
      %parallel_loop3A_1368 = arith.constant 0 : i32
      %parallel_loop3A_1369 = arith.cmpi slt, %parallel_loop3A_1362, %parallel_loop3A_1368 : i32
      %parallel_loop3A_1370 = arith.extui %parallel_loop3A_1369 : i1 to i32
      %parallel_loop3A_1371 = arith.subi %parallel_loop3A_1367, %parallel_loop3A_1370 : i32
      %parallel_loop3A_1372 = arith.constant 0 : i32
      %parallel_loop3A_1373 = arith.cmpi sgt, %parallel_loop3A_1363, %parallel_loop3A_1372 : i32
      %parallel_loop3A_1374 = arith.extui %parallel_loop3A_1373 : i1 to i32
      %parallel_loop3A_1375 = arith.constant 0 : i32
      %parallel_loop3A_1376 = arith.cmpi slt, %parallel_loop3A_1363, %parallel_loop3A_1375 : i32
      %parallel_loop3A_1377 = arith.extui %parallel_loop3A_1376 : i1 to i32
      %parallel_loop3A_1378 = arith.subi %parallel_loop3A_1374, %parallel_loop3A_1377 : i32
      %parallel_loop3A_1379 = arith.cmpi ne, %parallel_loop3A_1371, %parallel_loop3A_1378 : i32
      %parallel_loop3A_1380 = arith.remsi %parallel_loop3A_1362, %parallel_loop3A_1363 : i32
      %parallel_loop3A_1381 = arith.constant 0 : i32
      %parallel_loop3A_1382 = arith.cmpi ne, %parallel_loop3A_1380, %parallel_loop3A_1381 : i32
      %parallel_loop3A_1383 = arith.andi %parallel_loop3A_1379, %parallel_loop3A_1382 : i1
      %parallel_loop3A_1384 = arith.constant 1 : i32
      %parallel_loop3A_1385 = arith.subi %parallel_loop3A_1364, %parallel_loop3A_1384 : i32
      %parallel_loop3A_1386 = arith.select %parallel_loop3A_1383, %parallel_loop3A_1385, %parallel_loop3A_1364 : i32
      %parallel_loop3A_1387 = arith.constant 64 : i32
      %parallel_loop3A_1388 = arith.muli %parallel_loop3A_1386, %parallel_loop3A_1387 : i32
      %parallel_loop3A_1389 = arith.subi %parallel_loop3A_1362, %parallel_loop3A_1388 : i32
      %parallel_loop3A_1390 = arith.constant 16 : i32
      %parallel_loop3A_1391 = arith.muli %parallel_loop3A_1389, %parallel_loop3A_1390 : i32
      %parallel_loop3A_1392 = arith.index_cast %parallel_loop3A_1386 : i32 to index
      %parallel_loop3A_1393 = arith.index_cast %parallel_loop3A_1391 : i32 to index
      %parallel_loop3A_1394 = tpu.vector_load %arg12[%parallel_loop3A_1392, %parallel_loop3A_1393] {strides = array<i32>} : memref<16x1024xf32, #tpu.memory_space<vmem>>, vector<1x16xf32>,
      %parallel_loop3A_1395 = vector.shape_cast %parallel_loop3A_1394 : vector<1x16xf32> to vector<16xf32>
      %parallel_loop3A_1396 = arith.index_cast %parallel_loop3A_1386 : i32 to index
      %parallel_loop3A_1397 = arith.index_cast %parallel_loop3A_1391 : i32 to index
      %parallel_loop3A_1398 = tpu.vector_load %arg8[%parallel_loop3A_1396, %parallel_loop3A_1397] {strides = array<i32>} : memref<16x1024xf32, #tpu.memory_space<vmem>>, vector<1x16xf32>,
      %parallel_loop3A_1399 = vector.shape_cast %parallel_loop3A_1398 : vector<1x16xf32> to vector<16xf32>
      %parallel_loop3A_1400 = vector.shape_cast %parallel_loop3A_1395 : vector<16xf32> to vector<1x16xf32>
      tpu.vector_store %arg8[%parallel_loop3A_1396, %parallel_loop3A_1397], %parallel_loop3A_1400 {add = true, strides = array<i32>} : memref<16x1024xf32, #tpu.memory_space<vmem>>, vector<1x16xf32>,
    } {sc.loop_unroll_factor = 4 : i64, sc.parallel_access}
    %add3A_92 = arith.constant 0 : i32
    %add3A_93 = arith.addi %mul3A_2, %add3A_92 : i32
    %dma_start3A_94 = arith.constant 1 : i32
    %dma_start3A_95 = arith.constant 0 : i32
    %dma_start3A_96 = tpu.memref_slice %arg5[%dma_start3A_94, %add3A_93, %dma_start3A_95] : memref<4x4096x1024xf32, #tpu.memory_space<hbm>> -> memref<1x16x1024xf32, #tpu.memory_space<hbm>>
    %dma_start3A_97 = tpu.memref_squeeze %dma_start3A_96 : memref<1x16x1024xf32, #tpu.memory_space<hbm>> -> memref<16x1024xf32, #tpu.memory_space<hbm>>
    %dma_start3A_98 = arith.constant 0 : i32
    %dma_start3A_99 = tpu.memref_slice %arg5[%dma_start3A_94, %add3A_93, %dma_start3A_98] : memref<4x4096x1024xf32, #tpu.memory_space<hbm>> -> memref<1x16x1024xf32, #tpu.memory_space<hbm>>
    %dma_start3A_100 = tpu.memref_squeeze %dma_start3A_99 : memref<1x16x1024xf32, #tpu.memory_space<hbm>> -> memref<16x1024xf32, #tpu.memory_space<hbm>>
    tpu.enqueue_dma source(%arg8 : memref<16x1024xf32, #tpu.memory_space<vmem>>) target(%dma_start3A_100 : memref<16x1024xf32, #tpu.memory_space<hbm>>) target_semaphore(%arg20 : memref<!tpu.dma_semaphore, #tpu.memory_space<semaphore_mem>>)
    %add3A_101 = arith.constant 16 : i32
    %add3A_102 = arith.addi %mul3A_2, %add3A_101 : i32
    %dma_start3A_103 = arith.constant 0 : i32
    %dma_start3A_104 = arith.constant 0 : i32
    %dma_start3A_105 = tpu.memref_slice %arg2[%dma_start3A_103, %add3A_102, %dma_start3A_104] : memref<4x4096x1024xf32, #tpu.memory_space<hbm>> -> memref<1x16x1024xf32, #tpu.memory_space<hbm>>
    %dma_start3A_106 = tpu.memref_squeeze %dma_start3A_105 : memref<1x16x1024xf32, #tpu.memory_space<hbm>> -> memref<16x1024xf32, #tpu.memory_space<hbm>>
    %dma_start3A_107 = arith.constant 0 : i32
    %dma_start3A_108 = tpu.memref_slice %arg2[%dma_start3A_103, %add3A_102, %dma_start3A_107] : memref<4x4096x1024xf32, #tpu.memory_space<hbm>> -> memref<1x16x1024xf32, #tpu.memory_space<hbm>>
    %dma_start3A_109 = tpu.memref_squeeze %dma_start3A_108 : memref<1x16x1024xf32, #tpu.memory_space<hbm>> -> memref<16x1024xf32, #tpu.memory_space<hbm>>
    tpu.enqueue_dma source(%dma_start3A_109 : memref<16x1024xf32, #tpu.memory_space<hbm>>) target(%arg11 : memref<16x1024xf32, #tpu.memory_space<vmem>>) target_semaphore(%arg18 : memref<!tpu.dma_semaphore, #tpu.memory_space<semaphore_mem>>)
    %add3A_110 = arith.constant 0 : i32
    %add3A_111 = arith.addi %mul3A_2, %add3A_110 : i32
    %dma_wait3A_112 = arith.constant 2 : i32
    %dma_wait3A_113 = arith.constant 0 : i32
    %dma_wait3A_114 = tpu.memref_slice %arg2[%dma_wait3A_112, %add3A_111, %dma_wait3A_113] : memref<4x4096x1024xf32, #tpu.memory_space<hbm>> -> memref<1x16x1024xf32, #tpu.memory_space<hbm>>
    %dma_wait3A_115 = tpu.memref_squeeze %dma_wait3A_114 : memref<1x16x1024xf32, #tpu.memory_space<hbm>> -> memref<16x1024xf32, #tpu.memory_space<hbm>>
    %dma_wait3A_116 = arith.constant 0 : i32
    %dma_wait3A_117 = tpu.memref_slice %arg2[%dma_wait3A_112, %add3A_111, %dma_wait3A_116] : memref<4x4096x1024xf32, #tpu.memory_space<hbm>> -> memref<1x16x1024xf32, #tpu.memory_space<hbm>>
    %dma_wait3A_118 = tpu.memref_squeeze %dma_wait3A_117 : memref<1x16x1024xf32, #tpu.memory_space<hbm>> -> memref<16x1024xf32, #tpu.memory_space<hbm>>
    tpu.wait_dma2 semaphore(%arg16 : memref<!tpu.dma_semaphore, #tpu.memory_space<semaphore_mem>>) src(%dma_wait3A_118 : memref<16x1024xf32, #tpu.memory_space<hbm>>) dst(%arg9 : memref<16x1024xf32, #tpu.memory_space<vmem>>)
    %parallel_loop3A_119 = arith.constant 0 : i32
    %parallel_loop3A_120 = arith.constant 1024 : i32
    %parallel_loop3A_121 = arith.constant 1 : i32
    scf.for %parallel_loop3A_1362 = %parallel_loop3A_119 to %parallel_loop3A_120 step %parallel_loop3A_121  : i32 {
      %parallel_loop3A_1363 = arith.constant 64 : i32
      %parallel_loop3A_1364 = arith.divsi %parallel_loop3A_1362, %parallel_loop3A_1363 : i32
      %parallel_loop3A_1365 = arith.constant 0 : i32
      %parallel_loop3A_1366 = arith.cmpi sgt, %parallel_loop3A_1362, %parallel_loop3A_1365 : i32
      %parallel_loop3A_1367 = arith.extui %parallel_loop3A_1366 : i1 to i32
      %parallel_loop3A_1368 = arith.constant 0 : i32
      %parallel_loop3A_1369 = arith.cmpi slt, %parallel_loop3A_1362, %parallel_loop3A_1368 : i32
      %parallel_loop3A_1370 = arith.extui %parallel_loop3A_1369 : i1 to i32
      %parallel_loop3A_1371 = arith.subi %parallel_loop3A_1367, %parallel_loop3A_1370 : i32
      %parallel_loop3A_1372 = arith.constant 0 : i32
      %parallel_loop3A_1373 = arith.cmpi sgt, %parallel_loop3A_1363, %parallel_loop3A_1372 : i32
      %parallel_loop3A_1374 = arith.extui %parallel_loop3A_1373 : i1 to i32
      %parallel_loop3A_1375 = arith.constant 0 : i32
      %parallel_loop3A_1376 = arith.cmpi slt, %parallel_loop3A_1363, %parallel_loop3A_1375 : i32
      %parallel_loop3A_1377 = arith.extui %parallel_loop3A_1376 : i1 to i32
      %parallel_loop3A_1378 = arith.subi %parallel_loop3A_1374, %parallel_loop3A_1377 : i32
      %parallel_loop3A_1379 = arith.cmpi ne, %parallel_loop3A_1371, %parallel_loop3A_1378 : i32
      %parallel_loop3A_1380 = arith.remsi %parallel_loop3A_1362, %parallel_loop3A_1363 : i32
      %parallel_loop3A_1381 = arith.constant 0 : i32
      %parallel_loop3A_1382 = arith.cmpi ne, %parallel_loop3A_1380, %parallel_loop3A_1381 : i32
      %parallel_loop3A_1383 = arith.andi %parallel_loop3A_1379, %parallel_loop3A_1382 : i1
      %parallel_loop3A_1384 = arith.constant 1 : i32
      %parallel_loop3A_1385 = arith.subi %parallel_loop3A_1364, %parallel_loop3A_1384 : i32
      %parallel_loop3A_1386 = arith.select %parallel_loop3A_1383, %parallel_loop3A_1385, %parallel_loop3A_1364 : i32
      %parallel_loop3A_1387 = arith.constant 64 : i32
      %parallel_loop3A_1388 = arith.muli %parallel_loop3A_1386, %parallel_loop3A_1387 : i32
      %parallel_loop3A_1389 = arith.subi %parallel_loop3A_1362, %parallel_loop3A_1388 : i32
      %parallel_loop3A_1390 = arith.constant 16 : i32
      %parallel_loop3A_1391 = arith.muli %parallel_loop3A_1389, %parallel_loop3A_1390 : i32
      %parallel_loop3A_1392 = arith.index_cast %parallel_loop3A_1386 : i32 to index
      %parallel_loop3A_1393 = arith.index_cast %parallel_loop3A_1391 : i32 to index
      %parallel_loop3A_1394 = tpu.vector_load %arg12[%parallel_loop3A_1392, %parallel_loop3A_1393] {strides = array<i32>} : memref<16x1024xf32, #tpu.memory_space<vmem>>, vector<1x16xf32>,
      %parallel_loop3A_1395 = vector.shape_cast %parallel_loop3A_1394 : vector<1x16xf32> to vector<16xf32>
      %parallel_loop3A_1396 = arith.index_cast %parallel_loop3A_1386 : i32 to index
      %parallel_loop3A_1397 = arith.index_cast %parallel_loop3A_1391 : i32 to index
      %parallel_loop3A_1398 = tpu.vector_load %arg9[%parallel_loop3A_1396, %parallel_loop3A_1397] {strides = array<i32>} : memref<16x1024xf32, #tpu.memory_space<vmem>>, vector<1x16xf32>,
      %parallel_loop3A_1399 = vector.shape_cast %parallel_loop3A_1398 : vector<1x16xf32> to vector<16xf32>
      %parallel_loop3A_1400 = vector.shape_cast %parallel_loop3A_1395 : vector<16xf32> to vector<1x16xf32>
      tpu.vector_store %arg9[%parallel_loop3A_1396, %parallel_loop3A_1397], %parallel_loop3A_1400 {add = true, strides = array<i32>} : memref<16x1024xf32, #tpu.memory_space<vmem>>, vector<1x16xf32>,
    } {sc.loop_unroll_factor = 4 : i64, sc.parallel_access}
    %add3A_122 = arith.constant 0 : i32
    %add3A_123 = arith.addi %mul3A_2, %add3A_122 : i32
    %dma_start3A_124 = arith.constant 2 : i32
    %dma_start3A_125 = arith.constant 0 : i32
    %dma_start3A_126 = tpu.memref_slice %arg5[%dma_start3A_124, %add3A_123, %dma_start3A_125] : memref<4x4096x1024xf32, #tpu.memory_space<hbm>> -> memref<1x16x1024xf32, #tpu.memory_space<hbm>>
    %dma_start3A_127 = tpu.memref_squeeze %dma_start3A_126 : memref<1x16x1024xf32, #tpu.memory_space<hbm>> -> memref<16x1024xf32, #tpu.memory_space<hbm>>
    %dma_start3A_128 = arith.constant 0 : i32
    %dma_start3A_129 = tpu.memref_slice %arg5[%dma_start3A_124, %add3A_123, %dma_start3A_128] : memref<4x4096x1024xf32, #tpu.memory_space<hbm>> -> memref<1x16x1024xf32, #tpu.memory_space<hbm>>
    %dma_start3A_130 = tpu.memref_squeeze %dma_start3A_129 : memref<1x16x1024xf32, #tpu.memory_space<hbm>> -> memref<16x1024xf32, #tpu.memory_space<hbm>>
    tpu.enqueue_dma source(%arg9 : memref<16x1024xf32, #tpu.memory_space<vmem>>) target(%dma_start3A_130 : memref<16x1024xf32, #tpu.memory_space<hbm>>) target_semaphore(%arg21 : memref<!tpu.dma_semaphore, #tpu.memory_space<semaphore_mem>>)
    %add3A_131 = arith.constant 0 : i32
    %add3A_132 = arith.addi %mul3A_2, %add3A_131 : i32
    %dma_wait3A_133 = arith.constant 0 : i32
    %dma_wait3A_134 = arith.constant 0 : i32
    %dma_wait3A_135 = tpu.memref_slice %arg5[%dma_wait3A_133, %add3A_132, %dma_wait3A_134] : memref<4x4096x1024xf32, #tpu.memory_space<hbm>> -> memref<1x16x1024xf32, #tpu.memory_space<hbm>>
    %dma_wait3A_136 = tpu.memref_squeeze %dma_wait3A_135 : memref<1x16x1024xf32, #tpu.memory_space<hbm>> -> memref<16x1024xf32, #tpu.memory_space<hbm>>
    %dma_wait3A_137 = arith.constant 0 : i32
    %dma_wait3A_138 = tpu.memref_slice %arg5[%dma_wait3A_133, %add3A_132, %dma_wait3A_137] : memref<4x4096x1024xf32, #tpu.memory_space<hbm>> -> memref<1x16x1024xf32, #tpu.memory_space<hbm>>
    %dma_wait3A_139 = tpu.memref_squeeze %dma_wait3A_138 : memref<1x16x1024xf32, #tpu.memory_space<hbm>> -> memref<16x1024xf32, #tpu.memory_space<hbm>>
    tpu.wait_dma2 semaphore(%arg19 : memref<!tpu.dma_semaphore, #tpu.memory_space<semaphore_mem>>) src(%arg7 : memref<16x1024xf32, #tpu.memory_space<vmem>>) dst(%dma_wait3A_139 : memref<16x1024xf32, #tpu.memory_space<hbm>>)
    %add3A_140 = arith.constant 16 : i32
    %add3A_141 = arith.addi %mul3A_2, %add3A_140 : i32
    %dma_start3A_142 = arith.constant 1 : i32
    %dma_start3A_143 = arith.constant 0 : i32
    %dma_start3A_144 = tpu.memref_slice %arg2[%dma_start3A_142, %add3A_141, %dma_start3A_143] : memref<4x4096x1024xf32, #tpu.memory_space<hbm>> -> memref<1x16x1024xf32, #tpu.memory_space<hbm>>
    %dma_start3A_145 = tpu.memref_squeeze %dma_start3A_144 : memref<1x16x1024xf32, #tpu.memory_space<hbm>> -> memref<16x1024xf32, #tpu.memory_space<hbm>>
    %dma_start3A_146 = arith.constant 0 : i32
    %dma_start3A_147 = tpu.memref_slice %arg2[%dma_start3A_142, %add3A_141, %dma_start3A_146] : memref<4x4096x1024xf32, #tpu.memory_space<hbm>> -> memref<1x16x1024xf32, #tpu.memory_space<hbm>>
    %dma_start3A_148 = tpu.memref_squeeze %dma_start3A_147 : memref<1x16x1024xf32, #tpu.memory_space<hbm>> -> memref<16x1024xf32, #tpu.memory_space<hbm>>
    tpu.enqueue_dma source(%dma_start3A_148 : memref<16x1024xf32, #tpu.memory_space<hbm>>) target(%arg7 : memref<16x1024xf32, #tpu.memory_space<vmem>>) target_semaphore(%arg14 : memref<!tpu.dma_semaphore, #tpu.memory_space<semaphore_mem>>)
    %add3A_149 = arith.constant 0 : i32
    %add3A_150 = arith.addi %mul3A_2, %add3A_149 : i32
    %dma_wait3A_151 = arith.constant 3 : i32
    %dma_wait3A_152 = arith.constant 0 : i32
    %dma_wait3A_153 = tpu.memref_slice %arg2[%dma_wait3A_151, %add3A_150, %dma_wait3A_152] : memref<4x4096x1024xf32, #tpu.memory_space<hbm>> -> memref<1x16x1024xf32, #tpu.memory_space<hbm>>
    %dma_wait3A_154 = tpu.memref_squeeze %dma_wait3A_153 : memref<1x16x1024xf32, #tpu.memory_space<hbm>> -> memref<16x1024xf32, #tpu.memory_space<hbm>>
    %dma_wait3A_155 = arith.constant 0 : i32
    %dma_wait3A_156 = tpu.memref_slice %arg2[%dma_wait3A_151, %add3A_150, %dma_wait3A_155] : memref<4x4096x1024xf32, #tpu.memory_space<hbm>> -> memref<1x16x1024xf32, #tpu.memory_space<hbm>>
    %dma_wait3A_157 = tpu.memref_squeeze %dma_wait3A_156 : memref<1x16x1024xf32, #tpu.memory_space<hbm>> -> memref<16x1024xf32, #tpu.memory_space<hbm>>
    tpu.wait_dma2 semaphore(%arg17 : memref<!tpu.dma_semaphore, #tpu.memory_space<semaphore_mem>>) src(%dma_wait3A_157 : memref<16x1024xf32, #tpu.memory_space<hbm>>) dst(%arg10 : memref<16x1024xf32, #tpu.memory_space<vmem>>)
    %parallel_loop3A_158 = arith.constant 0 : i32
    %parallel_loop3A_159 = arith.constant 1024 : i32
    %parallel_loop3A_160 = arith.constant 1 : i32
    scf.for %parallel_loop3A_1362 = %parallel_loop3A_158 to %parallel_loop3A_159 step %parallel_loop3A_160  : i32 {
      %parallel_loop3A_1363 = arith.constant 64 : i32
      %parallel_loop3A_1364 = arith.divsi %parallel_loop3A_1362, %parallel_loop3A_1363 : i32
      %parallel_loop3A_1365 = arith.constant 0 : i32
      %parallel_loop3A_1366 = arith.cmpi sgt, %parallel_loop3A_1362, %parallel_loop3A_1365 : i32
      %parallel_loop3A_1367 = arith.extui %parallel_loop3A_1366 : i1 to i32
      %parallel_loop3A_1368 = arith.constant 0 : i32
      %parallel_loop3A_1369 = arith.cmpi slt, %parallel_loop3A_1362, %parallel_loop3A_1368 : i32
      %parallel_loop3A_1370 = arith.extui %parallel_loop3A_1369 : i1 to i32
      %parallel_loop3A_1371 = arith.subi %parallel_loop3A_1367, %parallel_loop3A_1370 : i32
      %parallel_loop3A_1372 = arith.constant 0 : i32
      %parallel_loop3A_1373 = arith.cmpi sgt, %parallel_loop3A_1363, %parallel_loop3A_1372 : i32
      %parallel_loop3A_1374 = arith.extui %parallel_loop3A_1373 : i1 to i32
      %parallel_loop3A_1375 = arith.constant 0 : i32
      %parallel_loop3A_1376 = arith.cmpi slt, %parallel_loop3A_1363, %parallel_loop3A_1375 : i32
      %parallel_loop3A_1377 = arith.extui %parallel_loop3A_1376 : i1 to i32
      %parallel_loop3A_1378 = arith.subi %parallel_loop3A_1374, %parallel_loop3A_1377 : i32
      %parallel_loop3A_1379 = arith.cmpi ne, %parallel_loop3A_1371, %parallel_loop3A_1378 : i32
      %parallel_loop3A_1380 = arith.remsi %parallel_loop3A_1362, %parallel_loop3A_1363 : i32
      %parallel_loop3A_1381 = arith.constant 0 : i32
      %parallel_loop3A_1382 = arith.cmpi ne, %parallel_loop3A_1380, %parallel_loop3A_1381 : i32
      %parallel_loop3A_1383 = arith.andi %parallel_loop3A_1379, %parallel_loop3A_1382 : i1
      %parallel_loop3A_1384 = arith.constant 1 : i32
      %parallel_loop3A_1385 = arith.subi %parallel_loop3A_1364, %parallel_loop3A_1384 : i32
      %parallel_loop3A_1386 = arith.select %parallel_loop3A_1383, %parallel_loop3A_1385, %parallel_loop3A_1364 : i32
      %parallel_loop3A_1387 = arith.constant 64 : i32
      %parallel_loop3A_1388 = arith.muli %parallel_loop3A_1386, %parallel_loop3A_1387 : i32
      %parallel_loop3A_1389 = arith.subi %parallel_loop3A_1362, %parallel_loop3A_1388 : i32
      %parallel_loop3A_1390 = arith.constant 16 : i32
      %parallel_loop3A_1391 = arith.muli %parallel_loop3A_1389, %parallel_loop3A_1390 : i32
      %parallel_loop3A_1392 = arith.index_cast %parallel_loop3A_1386 : i32 to index
      %parallel_loop3A_1393 = arith.index_cast %parallel_loop3A_1391 : i32 to index
      %parallel_loop3A_1394 = tpu.vector_load %arg12[%parallel_loop3A_1392, %parallel_loop3A_1393] {strides = array<i32>} : memref<16x1024xf32, #tpu.memory_space<vmem>>, vector<1x16xf32>,
      %parallel_loop3A_1395 = vector.shape_cast %parallel_loop3A_1394 : vector<1x16xf32> to vector<16xf32>
      %parallel_loop3A_1396 = arith.index_cast %parallel_loop3A_1386 : i32 to index
      %parallel_loop3A_1397 = arith.index_cast %parallel_loop3A_1391 : i32 to index
      %parallel_loop3A_1398 = tpu.vector_load %arg10[%parallel_loop3A_1396, %parallel_loop3A_1397] {strides = array<i32>} : memref<16x1024xf32, #tpu.memory_space<vmem>>, vector<1x16xf32>,
      %parallel_loop3A_1399 = vector.shape_cast %parallel_loop3A_1398 : vector<1x16xf32> to vector<16xf32>
      %parallel_loop3A_1400 = vector.shape_cast %parallel_loop3A_1395 : vector<16xf32> to vector<1x16xf32>
      tpu.vector_store %arg10[%parallel_loop3A_1396, %parallel_loop3A_1397], %parallel_loop3A_1400 {add = true, strides = array<i32>} : memref<16x1024xf32, #tpu.memory_space<vmem>>, vector<1x16xf32>,
    } {sc.loop_unroll_factor = 4 : i64, sc.parallel_access}
    %add3A_161 = arith.constant 0 : i32
    %add3A_162 = arith.addi %mul3A_2, %add3A_161 : i32
    %dma_start3A_163 = arith.constant 3 : i32
    %dma_start3A_164 = arith.constant 0 : i32
    %dma_start3A_165 = tpu.memref_slice %arg5[%dma_start3A_163, %add3A_162, %dma_start3A_164] : memref<4x4096x1024xf32, #tpu.memory_space<hbm>> -> memref<1x16x1024xf32, #tpu.memory_space<hbm>>
    %dma_start3A_166 = tpu.memref_squeeze %dma_start3A_165 : memref<1x16x1024xf32, #tpu.memory_space<hbm>> -> memref<16x1024xf32, #tpu.memory_space<hbm>>
    %dma_start3A_167 = arith.constant 0 : i32
    %dma_start3A_168 = tpu.memref_slice %arg5[%dma_start3A_163, %add3A_162, %dma_start3A_167] : memref<4x4096x1024xf32, #tpu.memory_space<hbm>> -> memref<1x16x1024xf32, #tpu.memory_space<hbm>>
    %dma_start3A_169 = tpu.memref_squeeze %dma_start3A_168 : memref<1x16x1024xf32, #tpu.memory_space<hbm>> -> memref<16x1024xf32, #tpu.memory_space<hbm>>
    tpu.enqueue_dma source(%arg10 : memref<16x1024xf32, #tpu.memory_space<vmem>>) target(%dma_start3A_169 : memref<16x1024xf32, #tpu.memory_space<hbm>>) target_semaphore(%arg22 : memref<!tpu.dma_semaphore, #tpu.memory_space<semaphore_mem>>)
    %dma_start3A_170 = arith.constant 2 : i32
    %dma_start3A_171 = arith.constant 0 : i32
    %dma_start3A_172 = tpu.memref_slice %arg6[%dma_start3A_170, %dma_start3A_171] : memref<8x16xi32, #tpu.memory_space<vmem>> -> memref<1x16xi32, #tpu.memory_space<vmem>>
    %dma_start3A_173 = tpu.memref_squeeze %dma_start3A_172 : memref<1x16xi32, #tpu.memory_space<vmem>> -> memref<16xi32, #tpu.memory_space<vmem>>
    %dma_start3A_174 = arith.constant 0 : i32
    %dma_start3A_175 = arith.constant 0 : i32
    %dma_start3A_176 = tpu.memref_slice %arg3[%dma_start3A_174, %dma_start3A_175] : memref<8192x1024xf32, #tpu.memory_space<hbm>> -> memref<8192x1024xf32, #tpu.memory_space<hbm>>
    tpu.enqueue_indirect_dma source(%dma_start3A_176 : memref<8192x1024xf32, #tpu.memory_space<hbm>>) target(%arg12 : memref<16x1024xf32, #tpu.memory_space<vmem>>) offsets(%dma_start3A_173 : memref<16xi32, #tpu.memory_space<vmem>>) semaphore(%arg24 : memref<!tpu.dma_semaphore, #tpu.memory_space<semaphore_mem>>)
    %add3A_177 = arith.constant 0 : i32
    %add3A_178 = arith.addi %mul3A_2, %add3A_177 : i32
    %dma_wait3A_179 = arith.constant 1 : i32
    %dma_wait3A_180 = arith.constant 0 : i32
    %dma_wait3A_181 = tpu.memref_slice %arg5[%dma_wait3A_179, %add3A_178, %dma_wait3A_180] : memref<4x4096x1024xf32, #tpu.memory_space<hbm>> -> memref<1x16x1024xf32, #tpu.memory_space<hbm>>
    %dma_wait3A_182 = tpu.memref_squeeze %dma_wait3A_181 : memref<1x16x1024xf32, #tpu.memory_space<hbm>> -> memref<16x1024xf32, #tpu.memory_space<hbm>>
    %dma_wait3A_183 = arith.constant 0 : i32
    %dma_wait3A_184 = tpu.memref_slice %arg5[%dma_wait3A_179, %add3A_178, %dma_wait3A_183] : memref<4x4096x1024xf32, #tpu.memory_space<hbm>> -> memref<1x16x1024xf32, #tpu.memory_space<hbm>>
    %dma_wait3A_185 = tpu.memref_squeeze %dma_wait3A_184 : memref<1x16x1024xf32, #tpu.memory_space<hbm>> -> memref<16x1024xf32, #tpu.memory_space<hbm>>
    tpu.wait_dma2 semaphore(%arg20 : memref<!tpu.dma_semaphore, #tpu.memory_space<semaphore_mem>>) src(%arg8 : memref<16x1024xf32, #tpu.memory_space<vmem>>) dst(%dma_wait3A_185 : memref<16x1024xf32, #tpu.memory_space<hbm>>)
    %add3A_186 = arith.constant 16 : i32
    %add3A_187 = arith.addi %mul3A_2, %add3A_186 : i32
    %dma_start3A_188 = arith.constant 2 : i32
    %dma_start3A_189 = arith.constant 0 : i32
    %dma_start3A_190 = tpu.memref_slice %arg2[%dma_start3A_188, %add3A_187, %dma_start3A_189] : memref<4x4096x1024xf32, #tpu.memory_space<hbm>> -> memref<1x16x1024xf32, #tpu.memory_space<hbm>>
    %dma_start3A_191 = tpu.memref_squeeze %dma_start3A_190 : memref<1x16x1024xf32, #tpu.memory_space<hbm>> -> memref<16x1024xf32, #tpu.memory_space<hbm>>
    %dma_start3A_192 = arith.constant 0 : i32
    %dma_start3A_193 = tpu.memref_slice %arg2[%dma_start3A_188, %add3A_187, %dma_start3A_192] : memref<4x4096x1024xf32, #tpu.memory_space<hbm>> -> memref<1x16x1024xf32, #tpu.memory_space<hbm>>
    %dma_start3A_194 = tpu.memref_squeeze %dma_start3A_193 : memref<1x16x1024xf32, #tpu.memory_space<hbm>> -> memref<16x1024xf32, #tpu.memory_space<hbm>>
    tpu.enqueue_dma source(%dma_start3A_194 : memref<16x1024xf32, #tpu.memory_space<hbm>>) target(%arg8 : memref<16x1024xf32, #tpu.memory_space<vmem>>) target_semaphore(%arg15 : memref<!tpu.dma_semaphore, #tpu.memory_space<semaphore_mem>>)
    %dma_wait3A_195 = arith.constant 1 : i32
    %dma_wait3A_196 = arith.constant 0 : i32
    %dma_wait3A_197 = tpu.memref_slice %arg6[%dma_wait3A_195, %dma_wait3A_196] : memref<8x16xi32, #tpu.memory_space<vmem>> -> memref<1x16xi32, #tpu.memory_space<vmem>>
    %dma_wait3A_198 = tpu.memref_squeeze %dma_wait3A_197 : memref<1x16xi32, #tpu.memory_space<vmem>> -> memref<16xi32, #tpu.memory_space<vmem>>
    %dma_wait3A_199 = arith.constant 0 : i32
    %dma_wait3A_200 = arith.constant 0 : i32
    %dma_wait3A_201 = tpu.memref_slice %arg3[%dma_wait3A_199, %dma_wait3A_200] : memref<8192x1024xf32, #tpu.memory_space<hbm>> -> memref<8192x1024xf32, #tpu.memory_space<hbm>>
    tpu.wait_indirect_dma semaphore(%arg25 : memref<!tpu.dma_semaphore, #tpu.memory_space<semaphore_mem>>) src(%dma_wait3A_201 : memref<8192x1024xf32, #tpu.memory_space<hbm>>) dst(%arg13 : memref<16x1024xf32, #tpu.memory_space<vmem>>)
    %add3A_202 = arith.constant 16 : i32
    %add3A_203 = arith.addi %mul3A_2, %add3A_202 : i32
    %dma_wait3A_204 = arith.constant 0 : i32
    %dma_wait3A_205 = arith.constant 0 : i32
    %dma_wait3A_206 = tpu.memref_slice %arg2[%dma_wait3A_204, %add3A_203, %dma_wait3A_205] : memref<4x4096x1024xf32, #tpu.memory_space<hbm>> -> memref<1x16x1024xf32, #tpu.memory_space<hbm>>
    %dma_wait3A_207 = tpu.memref_squeeze %dma_wait3A_206 : memref<1x16x1024xf32, #tpu.memory_space<hbm>> -> memref<16x1024xf32, #tpu.memory_space<hbm>>
    %dma_wait3A_208 = arith.constant 0 : i32
    %dma_wait3A_209 = tpu.memref_slice %arg2[%dma_wait3A_204, %add3A_203, %dma_wait3A_208] : memref<4x4096x1024xf32, #tpu.memory_space<hbm>> -> memref<1x16x1024xf32, #tpu.memory_space<hbm>>
    %dma_wait3A_210 = tpu.memref_squeeze %dma_wait3A_209 : memref<1x16x1024xf32, #tpu.memory_space<hbm>> -> memref<16x1024xf32, #tpu.memory_space<hbm>>
    tpu.wait_dma2 semaphore(%arg18 : memref<!tpu.dma_semaphore, #tpu.memory_space<semaphore_mem>>) src(%dma_wait3A_210 : memref<16x1024xf32, #tpu.memory_space<hbm>>) dst(%arg11 : memref<16x1024xf32, #tpu.memory_space<vmem>>)
    %parallel_loop3A_211 = arith.constant 0 : i32
    %parallel_loop3A_212 = arith.constant 1024 : i32
    %parallel_loop3A_213 = arith.constant 1 : i32
    scf.for %parallel_loop3A_1362 = %parallel_loop3A_211 to %parallel_loop3A_212 step %parallel_loop3A_213  : i32 {
      %parallel_loop3A_1363 = arith.constant 64 : i32
      %parallel_loop3A_1364 = arith.divsi %parallel_loop3A_1362, %parallel_loop3A_1363 : i32
      %parallel_loop3A_1365 = arith.constant 0 : i32
      %parallel_loop3A_1366 = arith.cmpi sgt, %parallel_loop3A_1362, %parallel_loop3A_1365 : i32
      %parallel_loop3A_1367 = arith.extui %parallel_loop3A_1366 : i1 to i32
      %parallel_loop3A_1368 = arith.constant 0 : i32
      %parallel_loop3A_1369 = arith.cmpi slt, %parallel_loop3A_1362, %parallel_loop3A_1368 : i32
      %parallel_loop3A_1370 = arith.extui %parallel_loop3A_1369 : i1 to i32
      %parallel_loop3A_1371 = arith.subi %parallel_loop3A_1367, %parallel_loop3A_1370 : i32
      %parallel_loop3A_1372 = arith.constant 0 : i32
      %parallel_loop3A_1373 = arith.cmpi sgt, %parallel_loop3A_1363, %parallel_loop3A_1372 : i32
      %parallel_loop3A_1374 = arith.extui %parallel_loop3A_1373 : i1 to i32
      %parallel_loop3A_1375 = arith.constant 0 : i32
      %parallel_loop3A_1376 = arith.cmpi slt, %parallel_loop3A_1363, %parallel_loop3A_1375 : i32
      %parallel_loop3A_1377 = arith.extui %parallel_loop3A_1376 : i1 to i32
      %parallel_loop3A_1378 = arith.subi %parallel_loop3A_1374, %parallel_loop3A_1377 : i32
      %parallel_loop3A_1379 = arith.cmpi ne, %parallel_loop3A_1371, %parallel_loop3A_1378 : i32
      %parallel_loop3A_1380 = arith.remsi %parallel_loop3A_1362, %parallel_loop3A_1363 : i32
      %parallel_loop3A_1381 = arith.constant 0 : i32
      %parallel_loop3A_1382 = arith.cmpi ne, %parallel_loop3A_1380, %parallel_loop3A_1381 : i32
      %parallel_loop3A_1383 = arith.andi %parallel_loop3A_1379, %parallel_loop3A_1382 : i1
      %parallel_loop3A_1384 = arith.constant 1 : i32
      %parallel_loop3A_1385 = arith.subi %parallel_loop3A_1364, %parallel_loop3A_1384 : i32
      %parallel_loop3A_1386 = arith.select %parallel_loop3A_1383, %parallel_loop3A_1385, %parallel_loop3A_1364 : i32
      %parallel_loop3A_1387 = arith.constant 64 : i32
      %parallel_loop3A_1388 = arith.muli %parallel_loop3A_1386, %parallel_loop3A_1387 : i32
      %parallel_loop3A_1389 = arith.subi %parallel_loop3A_1362, %parallel_loop3A_1388 : i32
      %parallel_loop3A_1390 = arith.constant 16 : i32
      %parallel_loop3A_1391 = arith.muli %parallel_loop3A_1389, %parallel_loop3A_1390 : i32
      %parallel_loop3A_1392 = arith.index_cast %parallel_loop3A_1386 : i32 to index
      %parallel_loop3A_1393 = arith.index_cast %parallel_loop3A_1391 : i32 to index
      %parallel_loop3A_1394 = tpu.vector_load %arg13[%parallel_loop3A_1392, %parallel_loop3A_1393] {strides = array<i32>} : memref<16x1024xf32, #tpu.memory_space<vmem>>, vector<1x16xf32>,
      %parallel_loop3A_1395 = vector.shape_cast %parallel_loop3A_1394 : vector<1x16xf32> to vector<16xf32>
      %parallel_loop3A_1396 = arith.index_cast %parallel_loop3A_1386 : i32 to index
      %parallel_loop3A_1397 = arith.index_cast %parallel_loop3A_1391 : i32 to index
      %parallel_loop3A_1398 = tpu.vector_load %arg11[%parallel_loop3A_1396, %parallel_loop3A_1397] {strides = array<i32>} : memref<16x1024xf32, #tpu.memory_space<vmem>>, vector<1x16xf32>,
      %parallel_loop3A_1399 = vector.shape_cast %parallel_loop3A_1398 : vector<1x16xf32> to vector<16xf32>
      %parallel_loop3A_1400 = vector.shape_cast %parallel_loop3A_1395 : vector<16xf32> to vector<1x16xf32>
      tpu.vector_store %arg11[%parallel_loop3A_1396, %parallel_loop3A_1397], %parallel_loop3A_1400 {add = true, strides = array<i32>} : memref<16x1024xf32, #tpu.memory_space<vmem>>, vector<1x16xf32>,
    } {sc.loop_unroll_factor = 4 : i64, sc.parallel_access}
    %add3A_214 = arith.constant 16 : i32
    %add3A_215 = arith.addi %mul3A_2, %add3A_214 : i32
    %dma_start3A_216 = arith.constant 0 : i32
    %dma_start3A_217 = arith.constant 0 : i32
    %dma_start3A_218 = tpu.memref_slice %arg5[%dma_start3A_216, %add3A_215, %dma_start3A_217] : memref<4x4096x1024xf32, #tpu.memory_space<hbm>> -> memref<1x16x1024xf32, #tpu.memory_space<hbm>>
    %dma_start3A_219 = tpu.memref_squeeze %dma_start3A_218 : memref<1x16x1024xf32, #tpu.memory_space<hbm>> -> memref<16x1024xf32, #tpu.memory_space<hbm>>
    %dma_start3A_220 = arith.constant 0 : i32
    %dma_start3A_221 = tpu.memref_slice %arg5[%dma_start3A_216, %add3A_215, %dma_start3A_220] : memref<4x4096x1024xf32, #tpu.memory_space<hbm>> -> memref<1x16x1024xf32, #tpu.memory_space<hbm>>
    %dma_start3A_222 = tpu.memref_squeeze %dma_start3A_221 : memref<1x16x1024xf32, #tpu.memory_space<hbm>> -> memref<16x1024xf32, #tpu.memory_space<hbm>>
    tpu.enqueue_dma source(%arg11 : memref<16x1024xf32, #tpu.memory_space<vmem>>) target(%dma_start3A_222 : memref<16x1024xf32, #tpu.memory_space<hbm>>) target_semaphore(%arg23 : memref<!tpu.dma_semaphore, #tpu.memory_space<semaphore_mem>>)
    %add3A_223 = arith.constant 0 : i32
    %add3A_224 = arith.addi %mul3A_2, %add3A_223 : i32
    %dma_wait3A_225 = arith.constant 2 : i32
    %dma_wait3A_226 = arith.constant 0 : i32
    %dma_wait3A_227 = tpu.memref_slice %arg5[%dma_wait3A_225, %add3A_224, %dma_wait3A_226] : memref<4x4096x1024xf32, #tpu.memory_space<hbm>> -> memref<1x16x1024xf32, #tpu.memory_space<hbm>>
    %dma_wait3A_228 = tpu.memref_squeeze %dma_wait3A_227 : memref<1x16x1024xf32, #tpu.memory_space<hbm>> -> memref<16x1024xf32, #tpu.memory_space<hbm>>
    %dma_wait3A_229 = arith.constant 0 : i32
    %dma_wait3A_230 = tpu.memref_slice %arg5[%dma_wait3A_225, %add3A_224, %dma_wait3A_229] : memref<4x4096x1024xf32, #tpu.memory_space<hbm>> -> memref<1x16x1024xf32, #tpu.memory_space<hbm>>
    %dma_wait3A_231 = tpu.memref_squeeze %dma_wait3A_230 : memref<1x16x1024xf32, #tpu.memory_space<hbm>> -> memref<16x1024xf32, #tpu.memory_space<hbm>>
    tpu.wait_dma2 semaphore(%arg21 : memref<!tpu.dma_semaphore, #tpu.memory_space<semaphore_mem>>) src(%arg9 : memref<16x1024xf32, #tpu.memory_space<vmem>>) dst(%dma_wait3A_231 : memref<16x1024xf32, #tpu.memory_space<hbm>>)
    %add3A_232 = arith.constant 16 : i32
    %add3A_233 = arith.addi %mul3A_2, %add3A_232 : i32
    %dma_start3A_234 = arith.constant 3 : i32
    %dma_start3A_235 = arith.constant 0 : i32
    %dma_start3A_236 = tpu.memref_slice %arg2[%dma_start3A_234, %add3A_233, %dma_start3A_235] : memref<4x4096x1024xf32, #tpu.memory_space<hbm>> -> memref<1x16x1024xf32, #tpu.memory_space<hbm>>
    %dma_start3A_237 = tpu.memref_squeeze %dma_start3A_236 : memref<1x16x1024xf32, #tpu.memory_space<hbm>> -> memref<16x1024xf32, #tpu.memory_space<hbm>>
    %dma_start3A_238 = arith.constant 0 : i32
    %dma_start3A_239 = tpu.memref_slice %arg2[%dma_start3A_234, %add3A_233, %dma_start3A_238] : memref<4x4096x1024xf32, #tpu.memory_space<hbm>> -> memref<1x16x1024xf32, #tpu.memory_space<hbm>>
    %dma_start3A_240 = tpu.memref_squeeze %dma_start3A_239 : memref<1x16x1024xf32, #tpu.memory_space<hbm>> -> memref<16x1024xf32, #tpu.memory_space<hbm>>
    tpu.enqueue_dma source(%dma_start3A_240 : memref<16x1024xf32, #tpu.memory_space<hbm>>) target(%arg9 : memref<16x1024xf32, #tpu.memory_space<vmem>>) target_semaphore(%arg16 : memref<!tpu.dma_semaphore, #tpu.memory_space<semaphore_mem>>)
    %add3A_241 = arith.constant 16 : i32
    %add3A_242 = arith.addi %mul3A_2, %add3A_241 : i32
    %dma_wait3A_243 = arith.constant 1 : i32
    %dma_wait3A_244 = arith.constant 0 : i32
    %dma_wait3A_245 = tpu.memref_slice %arg2[%dma_wait3A_243, %add3A_242, %dma_wait3A_244] : memref<4x4096x1024xf32, #tpu.memory_space<hbm>> -> memref<1x16x1024xf32, #tpu.memory_space<hbm>>
    %dma_wait3A_246 = tpu.memref_squeeze %dma_wait3A_245 : memref<1x16x1024xf32, #tpu.memory_space<hbm>> -> memref<16x1024xf32, #tpu.memory_space<hbm>>
    %dma_wait3A_247 = arith.constant 0 : i32
    %dma_wait3A_248 = tpu.memref_slice %arg2[%dma_wait3A_243, %add3A_242, %dma_wait3A_247] : memref<4x4096x1024xf32, #tpu.memory_space<hbm>> -> memref<1x16x1024xf32, #tpu.memory_space<hbm>>
    %dma_wait3A_249 = tpu.memref_squeeze %dma_wait3A_248 : memref<1x16x1024xf32, #tpu.memory_space<hbm>> -> memref<16x1024xf32, #tpu.memory_space<hbm>>
    tpu.wait_dma2 semaphore(%arg14 : memref<!tpu.dma_semaphore, #tpu.memory_space<semaphore_mem>>) src(%dma_wait3A_249 : memref<16x1024xf32, #tpu.memory_space<hbm>>) dst(%arg7 : memref<16x1024xf32, #tpu.memory_space<vmem>>)
    %parallel_loop3A_250 = arith.constant 0 : i32
    %parallel_loop3A_251 = arith.constant 1024 : i32
    %parallel_loop3A_252 = arith.constant 1 : i32
    scf.for %parallel_loop3A_1362 = %parallel_loop3A_250 to %parallel_loop3A_251 step %parallel_loop3A_252  : i32 {
      %parallel_loop3A_1363 = arith.constant 64 : i32
      %parallel_loop3A_1364 = arith.divsi %parallel_loop3A_1362, %parallel_loop3A_1363 : i32
      %parallel_loop3A_1365 = arith.constant 0 : i32
      %parallel_loop3A_1366 = arith.cmpi sgt, %parallel_loop3A_1362, %parallel_loop3A_1365 : i32
      %parallel_loop3A_1367 = arith.extui %parallel_loop3A_1366 : i1 to i32
      %parallel_loop3A_1368 = arith.constant 0 : i32
      %parallel_loop3A_1369 = arith.cmpi slt, %parallel_loop3A_1362, %parallel_loop3A_1368 : i32
      %parallel_loop3A_1370 = arith.extui %parallel_loop3A_1369 : i1 to i32
      %parallel_loop3A_1371 = arith.subi %parallel_loop3A_1367, %parallel_loop3A_1370 : i32
      %parallel_loop3A_1372 = arith.constant 0 : i32
      %parallel_loop3A_1373 = arith.cmpi sgt, %parallel_loop3A_1363, %parallel_loop3A_1372 : i32
      %parallel_loop3A_1374 = arith.extui %parallel_loop3A_1373 : i1 to i32
      %parallel_loop3A_1375 = arith.constant 0 : i32
      %parallel_loop3A_1376 = arith.cmpi slt, %parallel_loop3A_1363, %parallel_loop3A_1375 : i32
      %parallel_loop3A_1377 = arith.extui %parallel_loop3A_1376 : i1 to i32
      %parallel_loop3A_1378 = arith.subi %parallel_loop3A_1374, %parallel_loop3A_1377 : i32
      %parallel_loop3A_1379 = arith.cmpi ne, %parallel_loop3A_1371, %parallel_loop3A_1378 : i32
      %parallel_loop3A_1380 = arith.remsi %parallel_loop3A_1362, %parallel_loop3A_1363 : i32
      %parallel_loop3A_1381 = arith.constant 0 : i32
      %parallel_loop3A_1382 = arith.cmpi ne, %parallel_loop3A_1380, %parallel_loop3A_1381 : i32
      %parallel_loop3A_1383 = arith.andi %parallel_loop3A_1379, %parallel_loop3A_1382 : i1
      %parallel_loop3A_1384 = arith.constant 1 : i32
      %parallel_loop3A_1385 = arith.subi %parallel_loop3A_1364, %parallel_loop3A_1384 : i32
      %parallel_loop3A_1386 = arith.select %parallel_loop3A_1383, %parallel_loop3A_1385, %parallel_loop3A_1364 : i32
      %parallel_loop3A_1387 = arith.constant 64 : i32
      %parallel_loop3A_1388 = arith.muli %parallel_loop3A_1386, %parallel_loop3A_1387 : i32
      %parallel_loop3A_1389 = arith.subi %parallel_loop3A_1362, %parallel_loop3A_1388 : i32
      %parallel_loop3A_1390 = arith.constant 16 : i32
      %parallel_loop3A_1391 = arith.muli %parallel_loop3A_1389, %parallel_loop3A_1390 : i32
      %parallel_loop3A_1392 = arith.index_cast %parallel_loop3A_1386 : i32 to index
      %parallel_loop3A_1393 = arith.index_cast %parallel_loop3A_1391 : i32 to index
      %parallel_loop3A_1394 = tpu.vector_load %arg13[%parallel_loop3A_1392, %parallel_loop3A_1393] {strides = array<i32>} : memref<16x1024xf32, #tpu.memory_space<vmem>>, vector<1x16xf32>,
      %parallel_loop3A_1395 = vector.shape_cast %parallel_loop3A_1394 : vector<1x16xf32> to vector<16xf32>
      %parallel_loop3A_1396 = arith.index_cast %parallel_loop3A_1386 : i32 to index
      %parallel_loop3A_1397 = arith.index_cast %parallel_loop3A_1391 : i32 to index
      %parallel_loop3A_1398 = tpu.vector_load %arg7[%parallel_loop3A_1396, %parallel_loop3A_1397] {strides = array<i32>} : memref<16x1024xf32, #tpu.memory_space<vmem>>, vector<1x16xf32>,
      %parallel_loop3A_1399 = vector.shape_cast %parallel_loop3A_1398 : vector<1x16xf32> to vector<16xf32>
      %parallel_loop3A_1400 = vector.shape_cast %parallel_loop3A_1395 : vector<16xf32> to vector<1x16xf32>
      tpu.vector_store %arg7[%parallel_loop3A_1396, %parallel_loop3A_1397], %parallel_loop3A_1400 {add = true, strides = array<i32>} : memref<16x1024xf32, #tpu.memory_space<vmem>>, vector<1x16xf32>,
    } {sc.loop_unroll_factor = 4 : i64, sc.parallel_access}
    %add3A_253 = arith.constant 16 : i32
    %add3A_254 = arith.addi %mul3A_2, %add3A_253 : i32
    %dma_start3A_255 = arith.constant 1 : i32
    %dma_start3A_256 = arith.constant 0 : i32
    %dma_start3A_257 = tpu.memref_slice %arg5[%dma_start3A_255, %add3A_254, %dma_start3A_256] : memref<4x4096x1024xf32, #tpu.memory_space<hbm>> -> memref<1x16x1024xf32, #tpu.memory_space<hbm>>
    %dma_start3A_258 = tpu.memref_squeeze %dma_start3A_257 : memref<1x16x1024xf32, #tpu.memory_space<hbm>> -> memref<16x1024xf32, #tpu.memory_space<hbm>>
    %dma_start3A_259 = arith.constant 0 : i32
    %dma_start3A_260 = tpu.memref_slice %arg5[%dma_start3A_255, %add3A_254, %dma_start3A_259] : memref<4x4096x1024xf32, #tpu.memory_space<hbm>> -> memref<1x16x1024xf32, #tpu.memory_space<hbm>>
    %dma_start3A_261 = tpu.memref_squeeze %dma_start3A_260 : memref<1x16x1024xf32, #tpu.memory_space<hbm>> -> memref<16x1024xf32, #tpu.memory_space<hbm>>
    tpu.enqueue_dma source(%arg7 : memref<16x1024xf32, #tpu.memory_space<vmem>>) target(%dma_start3A_261 : memref<16x1024xf32, #tpu.memory_space<hbm>>) target_semaphore(%arg19 : memref<!tpu.dma_semaphore, #tpu.memory_space<semaphore_mem>>)
    %add3A_262 = arith.constant 0 : i32
    %add3A_263 = arith.addi %mul3A_2, %add3A_262 : i32
    %dma_wait3A_264 = arith.constant 3 : i32
    %dma_wait3A_265 = arith.constant 0 : i32
    %dma_wait3A_266 = tpu.memref_slice %arg5[%dma_wait3A_264, %add3A_263, %dma_wait3A_265] : memref<4x4096x1024xf32, #tpu.memory_space<hbm>> -> memref<1x16x1024xf32, #tpu.memory_space<hbm>>
    %dma_wait3A_267 = tpu.memref_squeeze %dma_wait3A_266 : memref<1x16x1024xf32, #tpu.memory_space<hbm>> -> memref<16x1024xf32, #tpu.memory_space<hbm>>
    %dma_wait3A_268 = arith.constant 0 : i32
    %dma_wait3A_269 = tpu.memref_slice %arg5[%dma_wait3A_264, %add3A_263, %dma_wait3A_268] : memref<4x4096x1024xf32, #tpu.memory_space<hbm>> -> memref<1x16x1024xf32, #tpu.memory_space<hbm>>
    %dma_wait3A_270 = tpu.memref_squeeze %dma_wait3A_269 : memref<1x16x1024xf32, #tpu.memory_space<hbm>> -> memref<16x1024xf32, #tpu.memory_space<hbm>>
    tpu.wait_dma2 semaphore(%arg22 : memref<!tpu.dma_semaphore, #tpu.memory_space<semaphore_mem>>) src(%arg10 : memref<16x1024xf32, #tpu.memory_space<vmem>>) dst(%dma_wait3A_270 : memref<16x1024xf32, #tpu.memory_space<hbm>>)
    %add3A_271 = arith.constant 32 : i32
    %add3A_272 = arith.addi %mul3A_2, %add3A_271 : i32
    %dma_start3A_273 = arith.constant 0 : i32
    %dma_start3A_274 = arith.constant 0 : i32
    %dma_start3A_275 = tpu.memref_slice %arg2[%dma_start3A_273, %add3A_272, %dma_start3A_274] : memref<4x4096x1024xf32, #tpu.memory_space<hbm>> -> memref<1x16x1024xf32, #tpu.memory_space<hbm>>
    %dma_start3A_276 = tpu.memref_squeeze %dma_start3A_275 : memref<1x16x1024xf32, #tpu.memory_space<hbm>> -> memref<16x1024xf32, #tpu.memory_space<hbm>>
    %dma_start3A_277 = arith.constant 0 : i32
    %dma_start3A_278 = tpu.memref_slice %arg2[%dma_start3A_273, %add3A_272, %dma_start3A_277] : memref<4x4096x1024xf32, #tpu.memory_space<hbm>> -> memref<1x16x1024xf32, #tpu.memory_space<hbm>>
    %dma_start3A_279 = tpu.memref_squeeze %dma_start3A_278 : memref<1x16x1024xf32, #tpu.memory_space<hbm>> -> memref<16x1024xf32, #tpu.memory_space<hbm>>
    tpu.enqueue_dma source(%dma_start3A_279 : memref<16x1024xf32, #tpu.memory_space<hbm>>) target(%arg10 : memref<16x1024xf32, #tpu.memory_space<vmem>>) target_semaphore(%arg17 : memref<!tpu.dma_semaphore, #tpu.memory_space<semaphore_mem>>)
    %add3A_280 = arith.constant 16 : i32
    %add3A_281 = arith.addi %mul3A_2, %add3A_280 : i32
    %dma_wait3A_282 = arith.constant 2 : i32
    %dma_wait3A_283 = arith.constant 0 : i32
    %dma_wait3A_284 = tpu.memref_slice %arg2[%dma_wait3A_282, %add3A_281, %dma_wait3A_283] : memref<4x4096x1024xf32, #tpu.memory_space<hbm>> -> memref<1x16x1024xf32, #tpu.memory_space<hbm>>
    %dma_wait3A_285 = tpu.memref_squeeze %dma_wait3A_284 : memref<1x16x1024xf32, #tpu.memory_space<hbm>> -> memref<16x1024xf32, #tpu.memory_space<hbm>>
    %dma_wait3A_286 = arith.constant 0 : i32
    %dma_wait3A_287 = tpu.memref_slice %arg2[%dma_wait3A_282, %add3A_281, %dma_wait3A_286] : memref<4x4096x1024xf32, #tpu.memory_space<hbm>> -> memref<1x16x1024xf32, #tpu.memory_space<hbm>>
    %dma_wait3A_288 = tpu.memref_squeeze %dma_wait3A_287 : memref<1x16x1024xf32, #tpu.memory_space<hbm>> -> memref<16x1024xf32, #tpu.memory_space<hbm>>
    tpu.wait_dma2 semaphore(%arg15 : memref<!tpu.dma_semaphore, #tpu.memory_space<semaphore_mem>>) src(%dma_wait3A_288 : memref<16x1024xf32, #tpu.memory_space<hbm>>) dst(%arg8 : memref<16x1024xf32, #tpu.memory_space<vmem>>)
    %parallel_loop3A_289 = arith.constant 0 : i32
    %parallel_loop3A_290 = arith.constant 1024 : i32
    %parallel_loop3A_291 = arith.constant 1 : i32
    scf.for %parallel_loop3A_1362 = %parallel_loop3A_289 to %parallel_loop3A_290 step %parallel_loop3A_291  : i32 {
      %parallel_loop3A_1363 = arith.constant 64 : i32
      %parallel_loop3A_1364 = arith.divsi %parallel_loop3A_1362, %parallel_loop3A_1363 : i32
      %parallel_loop3A_1365 = arith.constant 0 : i32
      %parallel_loop3A_1366 = arith.cmpi sgt, %parallel_loop3A_1362, %parallel_loop3A_1365 : i32
      %parallel_loop3A_1367 = arith.extui %parallel_loop3A_1366 : i1 to i32
      %parallel_loop3A_1368 = arith.constant 0 : i32
      %parallel_loop3A_1369 = arith.cmpi slt, %parallel_loop3A_1362, %parallel_loop3A_1368 : i32
      %parallel_loop3A_1370 = arith.extui %parallel_loop3A_1369 : i1 to i32
      %parallel_loop3A_1371 = arith.subi %parallel_loop3A_1367, %parallel_loop3A_1370 : i32
      %parallel_loop3A_1372 = arith.constant 0 : i32
      %parallel_loop3A_1373 = arith.cmpi sgt, %parallel_loop3A_1363, %parallel_loop3A_1372 : i32
      %parallel_loop3A_1374 = arith.extui %parallel_loop3A_1373 : i1 to i32
      %parallel_loop3A_1375 = arith.constant 0 : i32
      %parallel_loop3A_1376 = arith.cmpi slt, %parallel_loop3A_1363, %parallel_loop3A_1375 : i32
      %parallel_loop3A_1377 = arith.extui %parallel_loop3A_1376 : i1 to i32
      %parallel_loop3A_1378 = arith.subi %parallel_loop3A_1374, %parallel_loop3A_1377 : i32
      %parallel_loop3A_1379 = arith.cmpi ne, %parallel_loop3A_1371, %parallel_loop3A_1378 : i32
      %parallel_loop3A_1380 = arith.remsi %parallel_loop3A_1362, %parallel_loop3A_1363 : i32
      %parallel_loop3A_1381 = arith.constant 0 : i32
      %parallel_loop3A_1382 = arith.cmpi ne, %parallel_loop3A_1380, %parallel_loop3A_1381 : i32
      %parallel_loop3A_1383 = arith.andi %parallel_loop3A_1379, %parallel_loop3A_1382 : i1
      %parallel_loop3A_1384 = arith.constant 1 : i32
      %parallel_loop3A_1385 = arith.subi %parallel_loop3A_1364, %parallel_loop3A_1384 : i32
      %parallel_loop3A_1386 = arith.select %parallel_loop3A_1383, %parallel_loop3A_1385, %parallel_loop3A_1364 : i32
      %parallel_loop3A_1387 = arith.constant 64 : i32
      %parallel_loop3A_1388 = arith.muli %parallel_loop3A_1386, %parallel_loop3A_1387 : i32
      %parallel_loop3A_1389 = arith.subi %parallel_loop3A_1362, %parallel_loop3A_1388 : i32
      %parallel_loop3A_1390 = arith.constant 16 : i32
      %parallel_loop3A_1391 = arith.muli %parallel_loop3A_1389, %parallel_loop3A_1390 : i32
      %parallel_loop3A_1392 = arith.index_cast %parallel_loop3A_1386 : i32 to index
      %parallel_loop3A_1393 = arith.index_cast %parallel_loop3A_1391 : i32 to index
      %parallel_loop3A_1394 = tpu.vector_load %arg13[%parallel_loop3A_1392, %parallel_loop3A_1393] {strides = array<i32>} : memref<16x1024xf32, #tpu.memory_space<vmem>>, vector<1x16xf32>,
      %parallel_loop3A_1395 = vector.shape_cast %parallel_loop3A_1394 : vector<1x16xf32> to vector<16xf32>
      %parallel_loop3A_1396 = arith.index_cast %parallel_loop3A_1386 : i32 to index
      %parallel_loop3A_1397 = arith.index_cast %parallel_loop3A_1391 : i32 to index
      %parallel_loop3A_1398 = tpu.vector_load %arg8[%parallel_loop3A_1396, %parallel_loop3A_1397] {strides = array<i32>} : memref<16x1024xf32, #tpu.memory_space<vmem>>, vector<1x16xf32>,
      %parallel_loop3A_1399 = vector.shape_cast %parallel_loop3A_1398 : vector<1x16xf32> to vector<16xf32>
      %parallel_loop3A_1400 = vector.shape_cast %parallel_loop3A_1395 : vector<16xf32> to vector<1x16xf32>
      tpu.vector_store %arg8[%parallel_loop3A_1396, %parallel_loop3A_1397], %parallel_loop3A_1400 {add = true, strides = array<i32>} : memref<16x1024xf32, #tpu.memory_space<vmem>>, vector<1x16xf32>,
    } {sc.loop_unroll_factor = 4 : i64, sc.parallel_access}
    %add3A_292 = arith.constant 16 : i32
    %add3A_293 = arith.addi %mul3A_2, %add3A_292 : i32
    %dma_start3A_294 = arith.constant 2 : i32
    %dma_start3A_295 = arith.constant 0 : i32
    %dma_start3A_296 = tpu.memref_slice %arg5[%dma_start3A_294, %add3A_293, %dma_start3A_295] : memref<4x4096x1024xf32, #tpu.memory_space<hbm>> -> memref<1x16x1024xf32, #tpu.memory_space<hbm>>
    %dma_start3A_297 = tpu.memref_squeeze %dma_start3A_296 : memref<1x16x1024xf32, #tpu.memory_space<hbm>> -> memref<16x1024xf32, #tpu.memory_space<hbm>>
    %dma_start3A_298 = arith.constant 0 : i32
    %dma_start3A_299 = tpu.memref_slice %arg5[%dma_start3A_294, %add3A_293, %dma_start3A_298] : memref<4x4096x1024xf32, #tpu.memory_space<hbm>> -> memref<1x16x1024xf32, #tpu.memory_space<hbm>>
    %dma_start3A_300 = tpu.memref_squeeze %dma_start3A_299 : memref<1x16x1024xf32, #tpu.memory_space<hbm>> -> memref<16x1024xf32, #tpu.memory_space<hbm>>
    tpu.enqueue_dma source(%arg8 : memref<16x1024xf32, #tpu.memory_space<vmem>>) target(%dma_start3A_300 : memref<16x1024xf32, #tpu.memory_space<hbm>>) target_semaphore(%arg20 : memref<!tpu.dma_semaphore, #tpu.memory_space<semaphore_mem>>)
    %add3A_301 = arith.constant 16 : i32
    %add3A_302 = arith.addi %mul3A_2, %add3A_301 : i32
    %dma_wait3A_303 = arith.constant 0 : i32
    %dma_wait3A_304 = arith.constant 0 : i32
    %dma_wait3A_305 = tpu.memref_slice %arg5[%dma_wait3A_303, %add3A_302, %dma_wait3A_304] : memref<4x4096x1024xf32, #tpu.memory_space<hbm>> -> memref<1x16x1024xf32, #tpu.memory_space<hbm>>
    %dma_wait3A_306 = tpu.memref_squeeze %dma_wait3A_305 : memref<1x16x1024xf32, #tpu.memory_space<hbm>> -> memref<16x1024xf32, #tpu.memory_space<hbm>>
    %dma_wait3A_307 = arith.constant 0 : i32
    %dma_wait3A_308 = tpu.memref_slice %arg5[%dma_wait3A_303, %add3A_302, %dma_wait3A_307] : memref<4x4096x1024xf32, #tpu.memory_space<hbm>> -> memref<1x16x1024xf32, #tpu.memory_space<hbm>>
    %dma_wait3A_309 = tpu.memref_squeeze %dma_wait3A_308 : memref<1x16x1024xf32, #tpu.memory_space<hbm>> -> memref<16x1024xf32, #tpu.memory_space<hbm>>
    tpu.wait_dma2 semaphore(%arg23 : memref<!tpu.dma_semaphore, #tpu.memory_space<semaphore_mem>>) src(%arg11 : memref<16x1024xf32, #tpu.memory_space<vmem>>) dst(%dma_wait3A_309 : memref<16x1024xf32, #tpu.memory_space<hbm>>)
    %add3A_310 = arith.constant 32 : i32
    %add3A_311 = arith.addi %mul3A_2, %add3A_310 : i32
    %dma_start3A_312 = arith.constant 1 : i32
    %dma_start3A_313 = arith.constant 0 : i32
    %dma_start3A_314 = tpu.memref_slice %arg2[%dma_start3A_312, %add3A_311, %dma_start3A_313] : memref<4x4096x1024xf32, #tpu.memory_space<hbm>> -> memref<1x16x1024xf32, #tpu.memory_space<hbm>>
    %dma_start3A_315 = tpu.memref_squeeze %dma_start3A_314 : memref<1x16x1024xf32, #tpu.memory_space<hbm>> -> memref<16x1024xf32, #tpu.memory_space<hbm>>
    %dma_start3A_316 = arith.constant 0 : i32
    %dma_start3A_317 = tpu.memref_slice %arg2[%dma_start3A_312, %add3A_311, %dma_start3A_316] : memref<4x4096x1024xf32, #tpu.memory_space<hbm>> -> memref<1x16x1024xf32, #tpu.memory_space<hbm>>
    %dma_start3A_318 = tpu.memref_squeeze %dma_start3A_317 : memref<1x16x1024xf32, #tpu.memory_space<hbm>> -> memref<16x1024xf32, #tpu.memory_space<hbm>>
    tpu.enqueue_dma source(%dma_start3A_318 : memref<16x1024xf32, #tpu.memory_space<hbm>>) target(%arg11 : memref<16x1024xf32, #tpu.memory_space<vmem>>) target_semaphore(%arg18 : memref<!tpu.dma_semaphore, #tpu.memory_space<semaphore_mem>>)
    %add3A_319 = arith.constant 16 : i32
    %add3A_320 = arith.addi %mul3A_2, %add3A_319 : i32
    %dma_wait3A_321 = arith.constant 3 : i32
    %dma_wait3A_322 = arith.constant 0 : i32
    %dma_wait3A_323 = tpu.memref_slice %arg2[%dma_wait3A_321, %add3A_320, %dma_wait3A_322] : memref<4x4096x1024xf32, #tpu.memory_space<hbm>> -> memref<1x16x1024xf32, #tpu.memory_space<hbm>>
    %dma_wait3A_324 = tpu.memref_squeeze %dma_wait3A_323 : memref<1x16x1024xf32, #tpu.memory_space<hbm>> -> memref<16x1024xf32, #tpu.memory_space<hbm>>
    %dma_wait3A_325 = arith.constant 0 : i32
    %dma_wait3A_326 = tpu.memref_slice %arg2[%dma_wait3A_321, %add3A_320, %dma_wait3A_325] : memref<4x4096x1024xf32, #tpu.memory_space<hbm>> -> memref<1x16x1024xf32, #tpu.memory_space<hbm>>
    %dma_wait3A_327 = tpu.memref_squeeze %dma_wait3A_326 : memref<1x16x1024xf32, #tpu.memory_space<hbm>> -> memref<16x1024xf32, #tpu.memory_space<hbm>>
    tpu.wait_dma2 semaphore(%arg16 : memref<!tpu.dma_semaphore, #tpu.memory_space<semaphore_mem>>) src(%dma_wait3A_327 : memref<16x1024xf32, #tpu.memory_space<hbm>>) dst(%arg9 : memref<16x1024xf32, #tpu.memory_space<vmem>>)
    %parallel_loop3A_328 = arith.constant 0 : i32
    %parallel_loop3A_329 = arith.constant 1024 : i32
    %parallel_loop3A_330 = arith.constant 1 : i32
    scf.for %parallel_loop3A_1362 = %parallel_loop3A_328 to %parallel_loop3A_329 step %parallel_loop3A_330  : i32 {
      %parallel_loop3A_1363 = arith.constant 64 : i32
      %parallel_loop3A_1364 = arith.divsi %parallel_loop3A_1362, %parallel_loop3A_1363 : i32
      %parallel_loop3A_1365 = arith.constant 0 : i32
      %parallel_loop3A_1366 = arith.cmpi sgt, %parallel_loop3A_1362, %parallel_loop3A_1365 : i32
      %parallel_loop3A_1367 = arith.extui %parallel_loop3A_1366 : i1 to i32
      %parallel_loop3A_1368 = arith.constant 0 : i32
      %parallel_loop3A_1369 = arith.cmpi slt, %parallel_loop3A_1362, %parallel_loop3A_1368 : i32
      %parallel_loop3A_1370 = arith.extui %parallel_loop3A_1369 : i1 to i32
      %parallel_loop3A_1371 = arith.subi %parallel_loop3A_1367, %parallel_loop3A_1370 : i32
      %parallel_loop3A_1372 = arith.constant 0 : i32
      %parallel_loop3A_1373 = arith.cmpi sgt, %parallel_loop3A_1363, %parallel_loop3A_1372 : i32
      %parallel_loop3A_1374 = arith.extui %parallel_loop3A_1373 : i1 to i32
      %parallel_loop3A_1375 = arith.constant 0 : i32
      %parallel_loop3A_1376 = arith.cmpi slt, %parallel_loop3A_1363, %parallel_loop3A_1375 : i32
      %parallel_loop3A_1377 = arith.extui %parallel_loop3A_1376 : i1 to i32
      %parallel_loop3A_1378 = arith.subi %parallel_loop3A_1374, %parallel_loop3A_1377 : i32
      %parallel_loop3A_1379 = arith.cmpi ne, %parallel_loop3A_1371, %parallel_loop3A_1378 : i32
      %parallel_loop3A_1380 = arith.remsi %parallel_loop3A_1362, %parallel_loop3A_1363 : i32
      %parallel_loop3A_1381 = arith.constant 0 : i32
      %parallel_loop3A_1382 = arith.cmpi ne, %parallel_loop3A_1380, %parallel_loop3A_1381 : i32
      %parallel_loop3A_1383 = arith.andi %parallel_loop3A_1379, %parallel_loop3A_1382 : i1
      %parallel_loop3A_1384 = arith.constant 1 : i32
      %parallel_loop3A_1385 = arith.subi %parallel_loop3A_1364, %parallel_loop3A_1384 : i32
      %parallel_loop3A_1386 = arith.select %parallel_loop3A_1383, %parallel_loop3A_1385, %parallel_loop3A_1364 : i32
      %parallel_loop3A_1387 = arith.constant 64 : i32
      %parallel_loop3A_1388 = arith.muli %parallel_loop3A_1386, %parallel_loop3A_1387 : i32
      %parallel_loop3A_1389 = arith.subi %parallel_loop3A_1362, %parallel_loop3A_1388 : i32
      %parallel_loop3A_1390 = arith.constant 16 : i32
      %parallel_loop3A_1391 = arith.muli %parallel_loop3A_1389, %parallel_loop3A_1390 : i32
      %parallel_loop3A_1392 = arith.index_cast %parallel_loop3A_1386 : i32 to index
      %parallel_loop3A_1393 = arith.index_cast %parallel_loop3A_1391 : i32 to index
      %parallel_loop3A_1394 = tpu.vector_load %arg13[%parallel_loop3A_1392, %parallel_loop3A_1393] {strides = array<i32>} : memref<16x1024xf32, #tpu.memory_space<vmem>>, vector<1x16xf32>,
      %parallel_loop3A_1395 = vector.shape_cast %parallel_loop3A_1394 : vector<1x16xf32> to vector<16xf32>
      %parallel_loop3A_1396 = arith.index_cast %parallel_loop3A_1386 : i32 to index
      %parallel_loop3A_1397 = arith.index_cast %parallel_loop3A_1391 : i32 to index
      %parallel_loop3A_1398 = tpu.vector_load %arg9[%parallel_loop3A_1396, %parallel_loop3A_1397] {strides = array<i32>} : memref<16x1024xf32, #tpu.memory_space<vmem>>, vector<1x16xf32>,
      %parallel_loop3A_1399 = vector.shape_cast %parallel_loop3A_1398 : vector<1x16xf32> to vector<16xf32>
      %parallel_loop3A_1400 = vector.shape_cast %parallel_loop3A_1395 : vector<16xf32> to vector<1x16xf32>
      tpu.vector_store %arg9[%parallel_loop3A_1396, %parallel_loop3A_1397], %parallel_loop3A_1400 {add = true, strides = array<i32>} : memref<16x1024xf32, #tpu.memory_space<vmem>>, vector<1x16xf32>,
    } {sc.loop_unroll_factor = 4 : i64, sc.parallel_access}
    %add3A_331 = arith.constant 16 : i32
    %add3A_332 = arith.addi %mul3A_2, %add3A_331 : i32
    %dma_start3A_333 = arith.constant 3 : i32
    %dma_start3A_334 = arith.constant 0 : i32
    %dma_start3A_335 = tpu.memref_slice %arg5[%dma_start3A_333, %add3A_332, %dma_start3A_334] : memref<4x4096x1024xf32, #tpu.memory_space<hbm>> -> memref<1x16x1024xf32, #tpu.memory_space<hbm>>
    %dma_start3A_336 = tpu.memref_squeeze %dma_start3A_335 : memref<1x16x1024xf32, #tpu.memory_space<hbm>> -> memref<16x1024xf32, #tpu.memory_space<hbm>>
    %dma_start3A_337 = arith.constant 0 : i32
    %dma_start3A_338 = tpu.memref_slice %arg5[%dma_start3A_333, %add3A_332, %dma_start3A_337] : memref<4x4096x1024xf32, #tpu.memory_space<hbm>> -> memref<1x16x1024xf32, #tpu.memory_space<hbm>>
    %dma_start3A_339 = tpu.memref_squeeze %dma_start3A_338 : memref<1x16x1024xf32, #tpu.memory_space<hbm>> -> memref<16x1024xf32, #tpu.memory_space<hbm>>
    tpu.enqueue_dma source(%arg9 : memref<16x1024xf32, #tpu.memory_space<vmem>>) target(%dma_start3A_339 : memref<16x1024xf32, #tpu.memory_space<hbm>>) target_semaphore(%arg21 : memref<!tpu.dma_semaphore, #tpu.memory_space<semaphore_mem>>)
    %dma_start3A_340 = arith.constant 3 : i32
    %dma_start3A_341 = arith.constant 0 : i32
    %dma_start3A_342 = tpu.memref_slice %arg6[%dma_start3A_340, %dma_start3A_341] : memref<8x16xi32, #tpu.memory_space<vmem>> -> memref<1x16xi32, #tpu.memory_space<vmem>>
    %dma_start3A_343 = tpu.memref_squeeze %dma_start3A_342 : memref<1x16xi32, #tpu.memory_space<vmem>> -> memref<16xi32, #tpu.memory_space<vmem>>
    %dma_start3A_344 = arith.constant 0 : i32
    %dma_start3A_345 = arith.constant 0 : i32
    %dma_start3A_346 = tpu.memref_slice %arg3[%dma_start3A_344, %dma_start3A_345] : memref<8192x1024xf32, #tpu.memory_space<hbm>> -> memref<8192x1024xf32, #tpu.memory_space<hbm>>
    tpu.enqueue_indirect_dma source(%dma_start3A_346 : memref<8192x1024xf32, #tpu.memory_space<hbm>>) target(%arg13 : memref<16x1024xf32, #tpu.memory_space<vmem>>) offsets(%dma_start3A_343 : memref<16xi32, #tpu.memory_space<vmem>>) semaphore(%arg25 : memref<!tpu.dma_semaphore, #tpu.memory_space<semaphore_mem>>)
    %add3A_347 = arith.constant 16 : i32
    %add3A_348 = arith.addi %mul3A_2, %add3A_347 : i32
    %dma_wait3A_349 = arith.constant 1 : i32
    %dma_wait3A_350 = arith.constant 0 : i32
    %dma_wait3A_351 = tpu.memref_slice %arg5[%dma_wait3A_349, %add3A_348, %dma_wait3A_350] : memref<4x4096x1024xf32, #tpu.memory_space<hbm>> -> memref<1x16x1024xf32, #tpu.memory_space<hbm>>
    %dma_wait3A_352 = tpu.memref_squeeze %dma_wait3A_351 : memref<1x16x1024xf32, #tpu.memory_space<hbm>> -> memref<16x1024xf32, #tpu.memory_space<hbm>>
    %dma_wait3A_353 = arith.constant 0 : i32
    %dma_wait3A_354 = tpu.memref_slice %arg5[%dma_wait3A_349, %add3A_348, %dma_wait3A_353] : memref<4x4096x1024xf32, #tpu.memory_space<hbm>> -> memref<1x16x1024xf32, #tpu.memory_space<hbm>>
    %dma_wait3A_355 = tpu.memref_squeeze %dma_wait3A_354 : memref<1x16x1024xf32, #tpu.memory_space<hbm>> -> memref<16x1024xf32, #tpu.memory_space<hbm>>
    tpu.wait_dma2 semaphore(%arg19 : memref<!tpu.dma_semaphore, #tpu.memory_space<semaphore_mem>>) src(%arg7 : memref<16x1024xf32, #tpu.memory_space<vmem>>) dst(%dma_wait3A_355 : memref<16x1024xf32, #tpu.memory_space<hbm>>)
    %add3A_356 = arith.constant 32 : i32
    %add3A_357 = arith.addi %mul3A_2, %add3A_356 : i32
    %dma_start3A_358 = arith.constant 2 : i32
    %dma_start3A_359 = arith.constant 0 : i32
    %dma_start3A_360 = tpu.memref_slice %arg2[%dma_start3A_358, %add3A_357, %dma_start3A_359] : memref<4x4096x1024xf32, #tpu.memory_space<hbm>> -> memref<1x16x1024xf32, #tpu.memory_space<hbm>>
    %dma_start3A_361 = tpu.memref_squeeze %dma_start3A_360 : memref<1x16x1024xf32, #tpu.memory_space<hbm>> -> memref<16x1024xf32, #tpu.memory_space<hbm>>
    %dma_start3A_362 = arith.constant 0 : i32
    %dma_start3A_363 = tpu.memref_slice %arg2[%dma_start3A_358, %add3A_357, %dma_start3A_362] : memref<4x4096x1024xf32, #tpu.memory_space<hbm>> -> memref<1x16x1024xf32, #tpu.memory_space<hbm>>
    %dma_start3A_364 = tpu.memref_squeeze %dma_start3A_363 : memref<1x16x1024xf32, #tpu.memory_space<hbm>> -> memref<16x1024xf32, #tpu.memory_space<hbm>>
    tpu.enqueue_dma source(%dma_start3A_364 : memref<16x1024xf32, #tpu.memory_space<hbm>>) target(%arg7 : memref<16x1024xf32, #tpu.memory_space<vmem>>) target_semaphore(%arg14 : memref<!tpu.dma_semaphore, #tpu.memory_space<semaphore_mem>>)
    %dma_wait3A_365 = arith.constant 2 : i32
    %dma_wait3A_366 = arith.constant 0 : i32
    %dma_wait3A_367 = tpu.memref_slice %arg6[%dma_wait3A_365, %dma_wait3A_366] : memref<8x16xi32, #tpu.memory_space<vmem>> -> memref<1x16xi32, #tpu.memory_space<vmem>>
    %dma_wait3A_368 = tpu.memref_squeeze %dma_wait3A_367 : memref<1x16xi32, #tpu.memory_space<vmem>> -> memref<16xi32, #tpu.memory_space<vmem>>
    %dma_wait3A_369 = arith.constant 0 : i32
    %dma_wait3A_370 = arith.constant 0 : i32
    %dma_wait3A_371 = tpu.memref_slice %arg3[%dma_wait3A_369, %dma_wait3A_370] : memref<8192x1024xf32, #tpu.memory_space<hbm>> -> memref<8192x1024xf32, #tpu.memory_space<hbm>>
    tpu.wait_indirect_dma semaphore(%arg24 : memref<!tpu.dma_semaphore, #tpu.memory_space<semaphore_mem>>) src(%dma_wait3A_371 : memref<8192x1024xf32, #tpu.memory_space<hbm>>) dst(%arg12 : memref<16x1024xf32, #tpu.memory_space<vmem>>)
    %add3A_372 = arith.constant 32 : i32
    %add3A_373 = arith.addi %mul3A_2, %add3A_372 : i32
    %dma_wait3A_374 = arith.constant 0 : i32
    %dma_wait3A_375 = arith.constant 0 : i32
    %dma_wait3A_376 = tpu.memref_slice %arg2[%dma_wait3A_374, %add3A_373, %dma_wait3A_375] : memref<4x4096x1024xf32, #tpu.memory_space<hbm>> -> memref<1x16x1024xf32, #tpu.memory_space<hbm>>
    %dma_wait3A_377 = tpu.memref_squeeze %dma_wait3A_376 : memref<1x16x1024xf32, #tpu.memory_space<hbm>> -> memref<16x1024xf32, #tpu.memory_space<hbm>>
    %dma_wait3A_378 = arith.constant 0 : i32
    %dma_wait3A_379 = tpu.memref_slice %arg2[%dma_wait3A_374, %add3A_373, %dma_wait3A_378] : memref<4x4096x1024xf32, #tpu.memory_space<hbm>> -> memref<1x16x1024xf32, #tpu.memory_space<hbm>>
    %dma_wait3A_380 = tpu.memref_squeeze %dma_wait3A_379 : memref<1x16x1024xf32, #tpu.memory_space<hbm>> -> memref<16x1024xf32, #tpu.memory_space<hbm>>
    tpu.wait_dma2 semaphore(%arg17 : memref<!tpu.dma_semaphore, #tpu.memory_space<semaphore_mem>>) src(%dma_wait3A_380 : memref<16x1024xf32, #tpu.memory_space<hbm>>) dst(%arg10 : memref<16x1024xf32, #tpu.memory_space<vmem>>)
    %parallel_loop3A_381 = arith.constant 0 : i32
    %parallel_loop3A_382 = arith.constant 1024 : i32
    %parallel_loop3A_383 = arith.constant 1 : i32
    scf.for %parallel_loop3A_1362 = %parallel_loop3A_381 to %parallel_loop3A_382 step %parallel_loop3A_383  : i32 {
      %parallel_loop3A_1363 = arith.constant 64 : i32
      %parallel_loop3A_1364 = arith.divsi %parallel_loop3A_1362, %parallel_loop3A_1363 : i32
      %parallel_loop3A_1365 = arith.constant 0 : i32
      %parallel_loop3A_1366 = arith.cmpi sgt, %parallel_loop3A_1362, %parallel_loop3A_1365 : i32
      %parallel_loop3A_1367 = arith.extui %parallel_loop3A_1366 : i1 to i32
      %parallel_loop3A_1368 = arith.constant 0 : i32
      %parallel_loop3A_1369 = arith.cmpi slt, %parallel_loop3A_1362, %parallel_loop3A_1368 : i32
      %parallel_loop3A_1370 = arith.extui %parallel_loop3A_1369 : i1 to i32
      %parallel_loop3A_1371 = arith.subi %parallel_loop3A_1367, %parallel_loop3A_1370 : i32
      %parallel_loop3A_1372 = arith.constant 0 : i32
      %parallel_loop3A_1373 = arith.cmpi sgt, %parallel_loop3A_1363, %parallel_loop3A_1372 : i32
      %parallel_loop3A_1374 = arith.extui %parallel_loop3A_1373 : i1 to i32
      %parallel_loop3A_1375 = arith.constant 0 : i32
      %parallel_loop3A_1376 = arith.cmpi slt, %parallel_loop3A_1363, %parallel_loop3A_1375 : i32
      %parallel_loop3A_1377 = arith.extui %parallel_loop3A_1376 : i1 to i32
      %parallel_loop3A_1378 = arith.subi %parallel_loop3A_1374, %parallel_loop3A_1377 : i32
      %parallel_loop3A_1379 = arith.cmpi ne, %parallel_loop3A_1371, %parallel_loop3A_1378 : i32
      %parallel_loop3A_1380 = arith.remsi %parallel_loop3A_1362, %parallel_loop3A_1363 : i32
      %parallel_loop3A_1381 = arith.constant 0 : i32
      %parallel_loop3A_1382 = arith.cmpi ne, %parallel_loop3A_1380, %parallel_loop3A_1381 : i32
      %parallel_loop3A_1383 = arith.andi %parallel_loop3A_1379, %parallel_loop3A_1382 : i1
      %parallel_loop3A_1384 = arith.constant 1 : i32
      %parallel_loop3A_1385 = arith.subi %parallel_loop3A_1364, %parallel_loop3A_1384 : i32
      %parallel_loop3A_1386 = arith.select %parallel_loop3A_1383, %parallel_loop3A_1385, %parallel_loop3A_1364 : i32
      %parallel_loop3A_1387 = arith.constant 64 : i32
      %parallel_loop3A_1388 = arith.muli %parallel_loop3A_1386, %parallel_loop3A_1387 : i32
      %parallel_loop3A_1389 = arith.subi %parallel_loop3A_1362, %parallel_loop3A_1388 : i32
      %parallel_loop3A_1390 = arith.constant 16 : i32
      %parallel_loop3A_1391 = arith.muli %parallel_loop3A_1389, %parallel_loop3A_1390 : i32
      %parallel_loop3A_1392 = arith.index_cast %parallel_loop3A_1386 : i32 to index
      %parallel_loop3A_1393 = arith.index_cast %parallel_loop3A_1391 : i32 to index
      %parallel_loop3A_1394 = tpu.vector_load %arg12[%parallel_loop3A_1392, %parallel_loop3A_1393] {strides = array<i32>} : memref<16x1024xf32, #tpu.memory_space<vmem>>, vector<1x16xf32>,
      %parallel_loop3A_1395 = vector.shape_cast %parallel_loop3A_1394 : vector<1x16xf32> to vector<16xf32>
      %parallel_loop3A_1396 = arith.index_cast %parallel_loop3A_1386 : i32 to index
      %parallel_loop3A_1397 = arith.index_cast %parallel_loop3A_1391 : i32 to index
      %parallel_loop3A_1398 = tpu.vector_load %arg10[%parallel_loop3A_1396, %parallel_loop3A_1397] {strides = array<i32>} : memref<16x1024xf32, #tpu.memory_space<vmem>>, vector<1x16xf32>,
      %parallel_loop3A_1399 = vector.shape_cast %parallel_loop3A_1398 : vector<1x16xf32> to vector<16xf32>
      %parallel_loop3A_1400 = vector.shape_cast %parallel_loop3A_1395 : vector<16xf32> to vector<1x16xf32>
      tpu.vector_store %arg10[%parallel_loop3A_1396, %parallel_loop3A_1397], %parallel_loop3A_1400 {add = true, strides = array<i32>} : memref<16x1024xf32, #tpu.memory_space<vmem>>, vector<1x16xf32>,
    } {sc.loop_unroll_factor = 4 : i64, sc.parallel_access}
    %add3A_384 = arith.constant 32 : i32
    %add3A_385 = arith.addi %mul3A_2, %add3A_384 : i32
    %dma_start3A_386 = arith.constant 0 : i32
    %dma_start3A_387 = arith.constant 0 : i32
    %dma_start3A_388 = tpu.memref_slice %arg5[%dma_start3A_386, %add3A_385, %dma_start3A_387] : memref<4x4096x1024xf32, #tpu.memory_space<hbm>> -> memref<1x16x1024xf32, #tpu.memory_space<hbm>>
    %dma_start3A_389 = tpu.memref_squeeze %dma_start3A_388 : memref<1x16x1024xf32, #tpu.memory_space<hbm>> -> memref<16x1024xf32, #tpu.memory_space<hbm>>
    %dma_start3A_390 = arith.constant 0 : i32
    %dma_start3A_391 = tpu.memref_slice %arg5[%dma_start3A_386, %add3A_385, %dma_start3A_390] : memref<4x4096x1024xf32, #tpu.memory_space<hbm>> -> memref<1x16x1024xf32, #tpu.memory_space<hbm>>
    %dma_start3A_392 = tpu.memref_squeeze %dma_start3A_391 : memref<1x16x1024xf32, #tpu.memory_space<hbm>> -> memref<16x1024xf32, #tpu.memory_space<hbm>>
    tpu.enqueue_dma source(%arg10 : memref<16x1024xf32, #tpu.memory_space<vmem>>) target(%dma_start3A_392 : memref<16x1024xf32, #tpu.memory_space<hbm>>) target_semaphore(%arg22 : memref<!tpu.dma_semaphore, #tpu.memory_space<semaphore_mem>>)
    %add3A_393 = arith.constant 16 : i32
    %add3A_394 = arith.addi %mul3A_2, %add3A_393 : i32
    %dma_wait3A_395 = arith.constant 2 : i32
    %dma_wait3A_396 = arith.constant 0 : i32
    %dma_wait3A_397 = tpu.memref_slice %arg5[%dma_wait3A_395, %add3A_394, %dma_wait3A_396] : memref<4x4096x1024xf32, #tpu.memory_space<hbm>> -> memref<1x16x1024xf32, #tpu.memory_space<hbm>>
    %dma_wait3A_398 = tpu.memref_squeeze %dma_wait3A_397 : memref<1x16x1024xf32, #tpu.memory_space<hbm>> -> memref<16x1024xf32, #tpu.memory_space<hbm>>
    %dma_wait3A_399 = arith.constant 0 : i32
    %dma_wait3A_400 = tpu.memref_slice %arg5[%dma_wait3A_395, %add3A_394, %dma_wait3A_399] : memref<4x4096x1024xf32, #tpu.memory_space<hbm>> -> memref<1x16x1024xf32, #tpu.memory_space<hbm>>
    %dma_wait3A_401 = tpu.memref_squeeze %dma_wait3A_400 : memref<1x16x1024xf32, #tpu.memory_space<hbm>> -> memref<16x1024xf32, #tpu.memory_space<hbm>>
    tpu.wait_dma2 semaphore(%arg20 : memref<!tpu.dma_semaphore, #tpu.memory_space<semaphore_mem>>) src(%arg8 : memref<16x1024xf32, #tpu.memory_space<vmem>>) dst(%dma_wait3A_401 : memref<16x1024xf32, #tpu.memory_space<hbm>>)
    %add3A_402 = arith.constant 32 : i32
    %add3A_403 = arith.addi %mul3A_2, %add3A_402 : i32
    %dma_start3A_404 = arith.constant 3 : i32
    %dma_start3A_405 = arith.constant 0 : i32
    %dma_start3A_406 = tpu.memref_slice %arg2[%dma_start3A_404, %add3A_403, %dma_start3A_405] : memref<4x4096x1024xf32, #tpu.memory_space<hbm>> -> memref<1x16x1024xf32, #tpu.memory_space<hbm>>
    %dma_start3A_407 = tpu.memref_squeeze %dma_start3A_406 : memref<1x16x1024xf32, #tpu.memory_space<hbm>> -> memref<16x1024xf32, #tpu.memory_space<hbm>>
    %dma_start3A_408 = arith.constant 0 : i32
    %dma_start3A_409 = tpu.memref_slice %arg2[%dma_start3A_404, %add3A_403, %dma_start3A_408] : memref<4x4096x1024xf32, #tpu.memory_space<hbm>> -> memref<1x16x1024xf32, #tpu.memory_space<hbm>>
    %dma_start3A_410 = tpu.memref_squeeze %dma_start3A_409 : memref<1x16x1024xf32, #tpu.memory_space<hbm>> -> memref<16x1024xf32, #tpu.memory_space<hbm>>
    tpu.enqueue_dma source(%dma_start3A_410 : memref<16x1024xf32, #tpu.memory_space<hbm>>) target(%arg8 : memref<16x1024xf32, #tpu.memory_space<vmem>>) target_semaphore(%arg15 : memref<!tpu.dma_semaphore, #tpu.memory_space<semaphore_mem>>)
    %add3A_411 = arith.constant 32 : i32
    %add3A_412 = arith.addi %mul3A_2, %add3A_411 : i32
    %dma_wait3A_413 = arith.constant 1 : i32
    %dma_wait3A_414 = arith.constant 0 : i32
    %dma_wait3A_415 = tpu.memref_slice %arg2[%dma_wait3A_413, %add3A_412, %dma_wait3A_414] : memref<4x4096x1024xf32, #tpu.memory_space<hbm>> -> memref<1x16x1024xf32, #tpu.memory_space<hbm>>
    %dma_wait3A_416 = tpu.memref_squeeze %dma_wait3A_415 : memref<1x16x1024xf32, #tpu.memory_space<hbm>> -> memref<16x1024xf32, #tpu.memory_space<hbm>>
    %dma_wait3A_417 = arith.constant 0 : i32
    %dma_wait3A_418 = tpu.memref_slice %arg2[%dma_wait3A_413, %add3A_412, %dma_wait3A_417] : memref<4x4096x1024xf32, #tpu.memory_space<hbm>> -> memref<1x16x1024xf32, #tpu.memory_space<hbm>>
    %dma_wait3A_419 = tpu.memref_squeeze %dma_wait3A_418 : memref<1x16x1024xf32, #tpu.memory_space<hbm>> -> memref<16x1024xf32, #tpu.memory_space<hbm>>
    tpu.wait_dma2 semaphore(%arg18 : memref<!tpu.dma_semaphore, #tpu.memory_space<semaphore_mem>>) src(%dma_wait3A_419 : memref<16x1024xf32, #tpu.memory_space<hbm>>) dst(%arg11 : memref<16x1024xf32, #tpu.memory_space<vmem>>)
    %parallel_loop3A_420 = arith.constant 0 : i32
    %parallel_loop3A_421 = arith.constant 1024 : i32
    %parallel_loop3A_422 = arith.constant 1 : i32
    scf.for %parallel_loop3A_1362 = %parallel_loop3A_420 to %parallel_loop3A_421 step %parallel_loop3A_422  : i32 {
      %parallel_loop3A_1363 = arith.constant 64 : i32
      %parallel_loop3A_1364 = arith.divsi %parallel_loop3A_1362, %parallel_loop3A_1363 : i32
      %parallel_loop3A_1365 = arith.constant 0 : i32
      %parallel_loop3A_1366 = arith.cmpi sgt, %parallel_loop3A_1362, %parallel_loop3A_1365 : i32
      %parallel_loop3A_1367 = arith.extui %parallel_loop3A_1366 : i1 to i32
      %parallel_loop3A_1368 = arith.constant 0 : i32
      %parallel_loop3A_1369 = arith.cmpi slt, %parallel_loop3A_1362, %parallel_loop3A_1368 : i32
      %parallel_loop3A_1370 = arith.extui %parallel_loop3A_1369 : i1 to i32
      %parallel_loop3A_1371 = arith.subi %parallel_loop3A_1367, %parallel_loop3A_1370 : i32
      %parallel_loop3A_1372 = arith.constant 0 : i32
      %parallel_loop3A_1373 = arith.cmpi sgt, %parallel_loop3A_1363, %parallel_loop3A_1372 : i32
      %parallel_loop3A_1374 = arith.extui %parallel_loop3A_1373 : i1 to i32
      %parallel_loop3A_1375 = arith.constant 0 : i32
      %parallel_loop3A_1376 = arith.cmpi slt, %parallel_loop3A_1363, %parallel_loop3A_1375 : i32
      %parallel_loop3A_1377 = arith.extui %parallel_loop3A_1376 : i1 to i32
      %parallel_loop3A_1378 = arith.subi %parallel_loop3A_1374, %parallel_loop3A_1377 : i32
      %parallel_loop3A_1379 = arith.cmpi ne, %parallel_loop3A_1371, %parallel_loop3A_1378 : i32
      %parallel_loop3A_1380 = arith.remsi %parallel_loop3A_1362, %parallel_loop3A_1363 : i32
      %parallel_loop3A_1381 = arith.constant 0 : i32
      %parallel_loop3A_1382 = arith.cmpi ne, %parallel_loop3A_1380, %parallel_loop3A_1381 : i32
      %parallel_loop3A_1383 = arith.andi %parallel_loop3A_1379, %parallel_loop3A_1382 : i1
      %parallel_loop3A_1384 = arith.constant 1 : i32
      %parallel_loop3A_1385 = arith.subi %parallel_loop3A_1364, %parallel_loop3A_1384 : i32
      %parallel_loop3A_1386 = arith.select %parallel_loop3A_1383, %parallel_loop3A_1385, %parallel_loop3A_1364 : i32
      %parallel_loop3A_1387 = arith.constant 64 : i32
      %parallel_loop3A_1388 = arith.muli %parallel_loop3A_1386, %parallel_loop3A_1387 : i32
      %parallel_loop3A_1389 = arith.subi %parallel_loop3A_1362, %parallel_loop3A_1388 : i32
      %parallel_loop3A_1390 = arith.constant 16 : i32
      %parallel_loop3A_1391 = arith.muli %parallel_loop3A_1389, %parallel_loop3A_1390 : i32
      %parallel_loop3A_1392 = arith.index_cast %parallel_loop3A_1386 : i32 to index
      %parallel_loop3A_1393 = arith.index_cast %parallel_loop3A_1391 : i32 to index
      %parallel_loop3A_1394 = tpu.vector_load %arg12[%parallel_loop3A_1392, %parallel_loop3A_1393] {strides = array<i32>} : memref<16x1024xf32, #tpu.memory_space<vmem>>, vector<1x16xf32>,
      %parallel_loop3A_1395 = vector.shape_cast %parallel_loop3A_1394 : vector<1x16xf32> to vector<16xf32>
      %parallel_loop3A_1396 = arith.index_cast %parallel_loop3A_1386 : i32 to index
      %parallel_loop3A_1397 = arith.index_cast %parallel_loop3A_1391 : i32 to index
      %parallel_loop3A_1398 = tpu.vector_load %arg11[%parallel_loop3A_1396, %parallel_loop3A_1397] {strides = array<i32>} : memref<16x1024xf32, #tpu.memory_space<vmem>>, vector<1x16xf32>,
      %parallel_loop3A_1399 = vector.shape_cast %parallel_loop3A_1398 : vector<1x16xf32> to vector<16xf32>
      %parallel_loop3A_1400 = vector.shape_cast %parallel_loop3A_1395 : vector<16xf32> to vector<1x16xf32>
      tpu.vector_store %arg11[%parallel_loop3A_1396, %parallel_loop3A_1397], %parallel_loop3A_1400 {add = true, strides = array<i32>} : memref<16x1024xf32, #tpu.memory_space<vmem>>, vector<1x16xf32>,
    } {sc.loop_unroll_factor = 4 : i64, sc.parallel_access}
    %add3A_423 = arith.constant 32 : i32
    %add3A_424 = arith.addi %mul3A_2, %add3A_423 : i32
    %dma_start3A_425 = arith.constant 1 : i32
    %dma_start3A_426 = arith.constant 0 : i32
    %dma_start3A_427 = tpu.memref_slice %arg5[%dma_start3A_425, %add3A_424, %dma_start3A_426] : memref<4x4096x1024xf32, #tpu.memory_space<hbm>> -> memref<1x16x1024xf32, #tpu.memory_space<hbm>>
    %dma_start3A_428 = tpu.memref_squeeze %dma_start3A_427 : memref<1x16x1024xf32, #tpu.memory_space<hbm>> -> memref<16x1024xf32, #tpu.memory_space<hbm>>
    %dma_start3A_429 = arith.constant 0 : i32
    %dma_start3A_430 = tpu.memref_slice %arg5[%dma_start3A_425, %add3A_424, %dma_start3A_429] : memref<4x4096x1024xf32, #tpu.memory_space<hbm>> -> memref<1x16x1024xf32, #tpu.memory_space<hbm>>
    %dma_start3A_431 = tpu.memref_squeeze %dma_start3A_430 : memref<1x16x1024xf32, #tpu.memory_space<hbm>> -> memref<16x1024xf32, #tpu.memory_space<hbm>>
    tpu.enqueue_dma source(%arg11 : memref<16x1024xf32, #tpu.memory_space<vmem>>) target(%dma_start3A_431 : memref<16x1024xf32, #tpu.memory_space<hbm>>) target_semaphore(%arg23 : memref<!tpu.dma_semaphore, #tpu.memory_space<semaphore_mem>>)
    %add3A_432 = arith.constant 16 : i32
    %add3A_433 = arith.addi %mul3A_2, %add3A_432 : i32
    %dma_wait3A_434 = arith.constant 3 : i32
    %dma_wait3A_435 = arith.constant 0 : i32
    %dma_wait3A_436 = tpu.memref_slice %arg5[%dma_wait3A_434, %add3A_433, %dma_wait3A_435] : memref<4x4096x1024xf32, #tpu.memory_space<hbm>> -> memref<1x16x1024xf32, #tpu.memory_space<hbm>>
    %dma_wait3A_437 = tpu.memref_squeeze %dma_wait3A_436 : memref<1x16x1024xf32, #tpu.memory_space<hbm>> -> memref<16x1024xf32, #tpu.memory_space<hbm>>
    %dma_wait3A_438 = arith.constant 0 : i32
    %dma_wait3A_439 = tpu.memref_slice %arg5[%dma_wait3A_434, %add3A_433, %dma_wait3A_438] : memref<4x4096x1024xf32, #tpu.memory_space<hbm>> -> memref<1x16x1024xf32, #tpu.memory_space<hbm>>
    %dma_wait3A_440 = tpu.memref_squeeze %dma_wait3A_439 : memref<1x16x1024xf32, #tpu.memory_space<hbm>> -> memref<16x1024xf32, #tpu.memory_space<hbm>>
    tpu.wait_dma2 semaphore(%arg21 : memref<!tpu.dma_semaphore, #tpu.memory_space<semaphore_mem>>) src(%arg9 : memref<16x1024xf32, #tpu.memory_space<vmem>>) dst(%dma_wait3A_440 : memref<16x1024xf32, #tpu.memory_space<hbm>>)
    %add3A_441 = arith.constant 48 : i32
    %add3A_442 = arith.addi %mul3A_2, %add3A_441 : i32
    %dma_start3A_443 = arith.constant 0 : i32
    %dma_start3A_444 = arith.constant 0 : i32
    %dma_start3A_445 = tpu.memref_slice %arg2[%dma_start3A_443, %add3A_442, %dma_start3A_444] : memref<4x4096x1024xf32, #tpu.memory_space<hbm>> -> memref<1x16x1024xf32, #tpu.memory_space<hbm>>
    %dma_start3A_446 = tpu.memref_squeeze %dma_start3A_445 : memref<1x16x1024xf32, #tpu.memory_space<hbm>> -> memref<16x1024xf32, #tpu.memory_space<hbm>>
    %dma_start3A_447 = arith.constant 0 : i32
    %dma_start3A_448 = tpu.memref_slice %arg2[%dma_start3A_443, %add3A_442, %dma_start3A_447] : memref<4x4096x1024xf32, #tpu.memory_space<hbm>> -> memref<1x16x1024xf32, #tpu.memory_space<hbm>>
    %dma_start3A_449 = tpu.memref_squeeze %dma_start3A_448 : memref<1x16x1024xf32, #tpu.memory_space<hbm>> -> memref<16x1024xf32, #tpu.memory_space<hbm>>
    tpu.enqueue_dma source(%dma_start3A_449 : memref<16x1024xf32, #tpu.memory_space<hbm>>) target(%arg9 : memref<16x1024xf32, #tpu.memory_space<vmem>>) target_semaphore(%arg16 : memref<!tpu.dma_semaphore, #tpu.memory_space<semaphore_mem>>)
    %add3A_450 = arith.constant 32 : i32
    %add3A_451 = arith.addi %mul3A_2, %add3A_450 : i32
    %dma_wait3A_452 = arith.constant 2 : i32
    %dma_wait3A_453 = arith.constant 0 : i32
    %dma_wait3A_454 = tpu.memref_slice %arg2[%dma_wait3A_452, %add3A_451, %dma_wait3A_453] : memref<4x4096x1024xf32, #tpu.memory_space<hbm>> -> memref<1x16x1024xf32, #tpu.memory_space<hbm>>
    %dma_wait3A_455 = tpu.memref_squeeze %dma_wait3A_454 : memref<1x16x1024xf32, #tpu.memory_space<hbm>> -> memref<16x1024xf32, #tpu.memory_space<hbm>>
    %dma_wait3A_456 = arith.constant 0 : i32
    %dma_wait3A_457 = tpu.memref_slice %arg2[%dma_wait3A_452, %add3A_451, %dma_wait3A_456] : memref<4x4096x1024xf32, #tpu.memory_space<hbm>> -> memref<1x16x1024xf32, #tpu.memory_space<hbm>>
    %dma_wait3A_458 = tpu.memref_squeeze %dma_wait3A_457 : memref<1x16x1024xf32, #tpu.memory_space<hbm>> -> memref<16x1024xf32, #tpu.memory_space<hbm>>
    tpu.wait_dma2 semaphore(%arg14 : memref<!tpu.dma_semaphore, #tpu.memory_space<semaphore_mem>>) src(%dma_wait3A_458 : memref<16x1024xf32, #tpu.memory_space<hbm>>) dst(%arg7 : memref<16x1024xf32, #tpu.memory_space<vmem>>)
    %parallel_loop3A_459 = arith.constant 0 : i32
    %parallel_loop3A_460 = arith.constant 1024 : i32
    %parallel_loop3A_461 = arith.constant 1 : i32
    scf.for %parallel_loop3A_1362 = %parallel_loop3A_459 to %parallel_loop3A_460 step %parallel_loop3A_461  : i32 {
      %parallel_loop3A_1363 = arith.constant 64 : i32
      %parallel_loop3A_1364 = arith.divsi %parallel_loop3A_1362, %parallel_loop3A_1363 : i32
      %parallel_loop3A_1365 = arith.constant 0 : i32
      %parallel_loop3A_1366 = arith.cmpi sgt, %parallel_loop3A_1362, %parallel_loop3A_1365 : i32
      %parallel_loop3A_1367 = arith.extui %parallel_loop3A_1366 : i1 to i32
      %parallel_loop3A_1368 = arith.constant 0 : i32
      %parallel_loop3A_1369 = arith.cmpi slt, %parallel_loop3A_1362, %parallel_loop3A_1368 : i32
      %parallel_loop3A_1370 = arith.extui %parallel_loop3A_1369 : i1 to i32
      %parallel_loop3A_1371 = arith.subi %parallel_loop3A_1367, %parallel_loop3A_1370 : i32
      %parallel_loop3A_1372 = arith.constant 0 : i32
      %parallel_loop3A_1373 = arith.cmpi sgt, %parallel_loop3A_1363, %parallel_loop3A_1372 : i32
      %parallel_loop3A_1374 = arith.extui %parallel_loop3A_1373 : i1 to i32
      %parallel_loop3A_1375 = arith.constant 0 : i32
      %parallel_loop3A_1376 = arith.cmpi slt, %parallel_loop3A_1363, %parallel_loop3A_1375 : i32
      %parallel_loop3A_1377 = arith.extui %parallel_loop3A_1376 : i1 to i32
      %parallel_loop3A_1378 = arith.subi %parallel_loop3A_1374, %parallel_loop3A_1377 : i32
      %parallel_loop3A_1379 = arith.cmpi ne, %parallel_loop3A_1371, %parallel_loop3A_1378 : i32
      %parallel_loop3A_1380 = arith.remsi %parallel_loop3A_1362, %parallel_loop3A_1363 : i32
      %parallel_loop3A_1381 = arith.constant 0 : i32
      %parallel_loop3A_1382 = arith.cmpi ne, %parallel_loop3A_1380, %parallel_loop3A_1381 : i32
      %parallel_loop3A_1383 = arith.andi %parallel_loop3A_1379, %parallel_loop3A_1382 : i1
      %parallel_loop3A_1384 = arith.constant 1 : i32
      %parallel_loop3A_1385 = arith.subi %parallel_loop3A_1364, %parallel_loop3A_1384 : i32
      %parallel_loop3A_1386 = arith.select %parallel_loop3A_1383, %parallel_loop3A_1385, %parallel_loop3A_1364 : i32
      %parallel_loop3A_1387 = arith.constant 64 : i32
      %parallel_loop3A_1388 = arith.muli %parallel_loop3A_1386, %parallel_loop3A_1387 : i32
      %parallel_loop3A_1389 = arith.subi %parallel_loop3A_1362, %parallel_loop3A_1388 : i32
      %parallel_loop3A_1390 = arith.constant 16 : i32
      %parallel_loop3A_1391 = arith.muli %parallel_loop3A_1389, %parallel_loop3A_1390 : i32
      %parallel_loop3A_1392 = arith.index_cast %parallel_loop3A_1386 : i32 to index
      %parallel_loop3A_1393 = arith.index_cast %parallel_loop3A_1391 : i32 to index
      %parallel_loop3A_1394 = tpu.vector_load %arg12[%parallel_loop3A_1392, %parallel_loop3A_1393] {strides = array<i32>} : memref<16x1024xf32, #tpu.memory_space<vmem>>, vector<1x16xf32>,
      %parallel_loop3A_1395 = vector.shape_cast %parallel_loop3A_1394 : vector<1x16xf32> to vector<16xf32>
      %parallel_loop3A_1396 = arith.index_cast %parallel_loop3A_1386 : i32 to index
      %parallel_loop3A_1397 = arith.index_cast %parallel_loop3A_1391 : i32 to index
      %parallel_loop3A_1398 = tpu.vector_load %arg7[%parallel_loop3A_1396, %parallel_loop3A_1397] {strides = array<i32>} : memref<16x1024xf32, #tpu.memory_space<vmem>>, vector<1x16xf32>,
      %parallel_loop3A_1399 = vector.shape_cast %parallel_loop3A_1398 : vector<1x16xf32> to vector<16xf32>
      %parallel_loop3A_1400 = vector.shape_cast %parallel_loop3A_1395 : vector<16xf32> to vector<1x16xf32>
      tpu.vector_store %arg7[%parallel_loop3A_1396, %parallel_loop3A_1397], %parallel_loop3A_1400 {add = true, strides = array<i32>} : memref<16x1024xf32, #tpu.memory_space<vmem>>, vector<1x16xf32>,
    } {sc.loop_unroll_factor = 4 : i64, sc.parallel_access}
    %add3A_462 = arith.constant 32 : i32
    %add3A_463 = arith.addi %mul3A_2, %add3A_462 : i32
    %dma_start3A_464 = arith.constant 2 : i32
    %dma_start3A_465 = arith.constant 0 : i32
    %dma_start3A_466 = tpu.memref_slice %arg5[%dma_start3A_464, %add3A_463, %dma_start3A_465] : memref<4x4096x1024xf32, #tpu.memory_space<hbm>> -> memref<1x16x1024xf32, #tpu.memory_space<hbm>>
    %dma_start3A_467 = tpu.memref_squeeze %dma_start3A_466 : memref<1x16x1024xf32, #tpu.memory_space<hbm>> -> memref<16x1024xf32, #tpu.memory_space<hbm>>
    %dma_start3A_468 = arith.constant 0 : i32
    %dma_start3A_469 = tpu.memref_slice %arg5[%dma_start3A_464, %add3A_463, %dma_start3A_468] : memref<4x4096x1024xf32, #tpu.memory_space<hbm>> -> memref<1x16x1024xf32, #tpu.memory_space<hbm>>
    %dma_start3A_470 = tpu.memref_squeeze %dma_start3A_469 : memref<1x16x1024xf32, #tpu.memory_space<hbm>> -> memref<16x1024xf32, #tpu.memory_space<hbm>>
    tpu.enqueue_dma source(%arg7 : memref<16x1024xf32, #tpu.memory_space<vmem>>) target(%dma_start3A_470 : memref<16x1024xf32, #tpu.memory_space<hbm>>) target_semaphore(%arg19 : memref<!tpu.dma_semaphore, #tpu.memory_space<semaphore_mem>>)
    %add3A_471 = arith.constant 32 : i32
    %add3A_472 = arith.addi %mul3A_2, %add3A_471 : i32
    %dma_wait3A_473 = arith.constant 0 : i32
    %dma_wait3A_474 = arith.constant 0 : i32
    %dma_wait3A_475 = tpu.memref_slice %arg5[%dma_wait3A_473, %add3A_472, %dma_wait3A_474] : memref<4x4096x1024xf32, #tpu.memory_space<hbm>> -> memref<1x16x1024xf32, #tpu.memory_space<hbm>>
    %dma_wait3A_476 = tpu.memref_squeeze %dma_wait3A_475 : memref<1x16x1024xf32, #tpu.memory_space<hbm>> -> memref<16x1024xf32, #tpu.memory_space<hbm>>
    %dma_wait3A_477 = arith.constant 0 : i32
    %dma_wait3A_478 = tpu.memref_slice %arg5[%dma_wait3A_473, %add3A_472, %dma_wait3A_477] : memref<4x4096x1024xf32, #tpu.memory_space<hbm>> -> memref<1x16x1024xf32, #tpu.memory_space<hbm>>
    %dma_wait3A_479 = tpu.memref_squeeze %dma_wait3A_478 : memref<1x16x1024xf32, #tpu.memory_space<hbm>> -> memref<16x1024xf32, #tpu.memory_space<hbm>>
    tpu.wait_dma2 semaphore(%arg22 : memref<!tpu.dma_semaphore, #tpu.memory_space<semaphore_mem>>) src(%arg10 : memref<16x1024xf32, #tpu.memory_space<vmem>>) dst(%dma_wait3A_479 : memref<16x1024xf32, #tpu.memory_space<hbm>>)
    %add3A_480 = arith.constant 48 : i32
    %add3A_481 = arith.addi %mul3A_2, %add3A_480 : i32
    %dma_start3A_482 = arith.constant 1 : i32
    %dma_start3A_483 = arith.constant 0 : i32
    %dma_start3A_484 = tpu.memref_slice %arg2[%dma_start3A_482, %add3A_481, %dma_start3A_483] : memref<4x4096x1024xf32, #tpu.memory_space<hbm>> -> memref<1x16x1024xf32, #tpu.memory_space<hbm>>
    %dma_start3A_485 = tpu.memref_squeeze %dma_start3A_484 : memref<1x16x1024xf32, #tpu.memory_space<hbm>> -> memref<16x1024xf32, #tpu.memory_space<hbm>>
    %dma_start3A_486 = arith.constant 0 : i32
    %dma_start3A_487 = tpu.memref_slice %arg2[%dma_start3A_482, %add3A_481, %dma_start3A_486] : memref<4x4096x1024xf32, #tpu.memory_space<hbm>> -> memref<1x16x1024xf32, #tpu.memory_space<hbm>>
    %dma_start3A_488 = tpu.memref_squeeze %dma_start3A_487 : memref<1x16x1024xf32, #tpu.memory_space<hbm>> -> memref<16x1024xf32, #tpu.memory_space<hbm>>
    tpu.enqueue_dma source(%dma_start3A_488 : memref<16x1024xf32, #tpu.memory_space<hbm>>) target(%arg10 : memref<16x1024xf32, #tpu.memory_space<vmem>>) target_semaphore(%arg17 : memref<!tpu.dma_semaphore, #tpu.memory_space<semaphore_mem>>)
    %add3A_489 = arith.constant 32 : i32
    %add3A_490 = arith.addi %mul3A_2, %add3A_489 : i32
    %dma_wait3A_491 = arith.constant 3 : i32
    %dma_wait3A_492 = arith.constant 0 : i32
    %dma_wait3A_493 = tpu.memref_slice %arg2[%dma_wait3A_491, %add3A_490, %dma_wait3A_492] : memref<4x4096x1024xf32, #tpu.memory_space<hbm>> -> memref<1x16x1024xf32, #tpu.memory_space<hbm>>
    %dma_wait3A_494 = tpu.memref_squeeze %dma_wait3A_493 : memref<1x16x1024xf32, #tpu.memory_space<hbm>> -> memref<16x1024xf32, #tpu.memory_space<hbm>>
    %dma_wait3A_495 = arith.constant 0 : i32
    %dma_wait3A_496 = tpu.memref_slice %arg2[%dma_wait3A_491, %add3A_490, %dma_wait3A_495] : memref<4x4096x1024xf32, #tpu.memory_space<hbm>> -> memref<1x16x1024xf32, #tpu.memory_space<hbm>>
    %dma_wait3A_497 = tpu.memref_squeeze %dma_wait3A_496 : memref<1x16x1024xf32, #tpu.memory_space<hbm>> -> memref<16x1024xf32, #tpu.memory_space<hbm>>
    tpu.wait_dma2 semaphore(%arg15 : memref<!tpu.dma_semaphore, #tpu.memory_space<semaphore_mem>>) src(%dma_wait3A_497 : memref<16x1024xf32, #tpu.memory_space<hbm>>) dst(%arg8 : memref<16x1024xf32, #tpu.memory_space<vmem>>)
    %parallel_loop3A_498 = arith.constant 0 : i32
    %parallel_loop3A_499 = arith.constant 1024 : i32
    %parallel_loop3A_500 = arith.constant 1 : i32
    scf.for %parallel_loop3A_1362 = %parallel_loop3A_498 to %parallel_loop3A_499 step %parallel_loop3A_500  : i32 {
      %parallel_loop3A_1363 = arith.constant 64 : i32
      %parallel_loop3A_1364 = arith.divsi %parallel_loop3A_1362, %parallel_loop3A_1363 : i32
      %parallel_loop3A_1365 = arith.constant 0 : i32
      %parallel_loop3A_1366 = arith.cmpi sgt, %parallel_loop3A_1362, %parallel_loop3A_1365 : i32
      %parallel_loop3A_1367 = arith.extui %parallel_loop3A_1366 : i1 to i32
      %parallel_loop3A_1368 = arith.constant 0 : i32
      %parallel_loop3A_1369 = arith.cmpi slt, %parallel_loop3A_1362, %parallel_loop3A_1368 : i32
      %parallel_loop3A_1370 = arith.extui %parallel_loop3A_1369 : i1 to i32
      %parallel_loop3A_1371 = arith.subi %parallel_loop3A_1367, %parallel_loop3A_1370 : i32
      %parallel_loop3A_1372 = arith.constant 0 : i32
      %parallel_loop3A_1373 = arith.cmpi sgt, %parallel_loop3A_1363, %parallel_loop3A_1372 : i32
      %parallel_loop3A_1374 = arith.extui %parallel_loop3A_1373 : i1 to i32
      %parallel_loop3A_1375 = arith.constant 0 : i32
      %parallel_loop3A_1376 = arith.cmpi slt, %parallel_loop3A_1363, %parallel_loop3A_1375 : i32
      %parallel_loop3A_1377 = arith.extui %parallel_loop3A_1376 : i1 to i32
      %parallel_loop3A_1378 = arith.subi %parallel_loop3A_1374, %parallel_loop3A_1377 : i32
      %parallel_loop3A_1379 = arith.cmpi ne, %parallel_loop3A_1371, %parallel_loop3A_1378 : i32
      %parallel_loop3A_1380 = arith.remsi %parallel_loop3A_1362, %parallel_loop3A_1363 : i32
      %parallel_loop3A_1381 = arith.constant 0 : i32
      %parallel_loop3A_1382 = arith.cmpi ne, %parallel_loop3A_1380, %parallel_loop3A_1381 : i32
      %parallel_loop3A_1383 = arith.andi %parallel_loop3A_1379, %parallel_loop3A_1382 : i1
      %parallel_loop3A_1384 = arith.constant 1 : i32
      %parallel_loop3A_1385 = arith.subi %parallel_loop3A_1364, %parallel_loop3A_1384 : i32
      %parallel_loop3A_1386 = arith.select %parallel_loop3A_1383, %parallel_loop3A_1385, %parallel_loop3A_1364 : i32
      %parallel_loop3A_1387 = arith.constant 64 : i32
      %parallel_loop3A_1388 = arith.muli %parallel_loop3A_1386, %parallel_loop3A_1387 : i32
      %parallel_loop3A_1389 = arith.subi %parallel_loop3A_1362, %parallel_loop3A_1388 : i32
      %parallel_loop3A_1390 = arith.constant 16 : i32
      %parallel_loop3A_1391 = arith.muli %parallel_loop3A_1389, %parallel_loop3A_1390 : i32
      %parallel_loop3A_1392 = arith.index_cast %parallel_loop3A_1386 : i32 to index
      %parallel_loop3A_1393 = arith.index_cast %parallel_loop3A_1391 : i32 to index
      %parallel_loop3A_1394 = tpu.vector_load %arg12[%parallel_loop3A_1392, %parallel_loop3A_1393] {strides = array<i32>} : memref<16x1024xf32, #tpu.memory_space<vmem>>, vector<1x16xf32>,
      %parallel_loop3A_1395 = vector.shape_cast %parallel_loop3A_1394 : vector<1x16xf32> to vector<16xf32>
      %parallel_loop3A_1396 = arith.index_cast %parallel_loop3A_1386 : i32 to index
      %parallel_loop3A_1397 = arith.index_cast %parallel_loop3A_1391 : i32 to index
      %parallel_loop3A_1398 = tpu.vector_load %arg8[%parallel_loop3A_1396, %parallel_loop3A_1397] {strides = array<i32>} : memref<16x1024xf32, #tpu.memory_space<vmem>>, vector<1x16xf32>,
      %parallel_loop3A_1399 = vector.shape_cast %parallel_loop3A_1398 : vector<1x16xf32> to vector<16xf32>
      %parallel_loop3A_1400 = vector.shape_cast %parallel_loop3A_1395 : vector<16xf32> to vector<1x16xf32>
      tpu.vector_store %arg8[%parallel_loop3A_1396, %parallel_loop3A_1397], %parallel_loop3A_1400 {add = true, strides = array<i32>} : memref<16x1024xf32, #tpu.memory_space<vmem>>, vector<1x16xf32>,
    } {sc.loop_unroll_factor = 4 : i64, sc.parallel_access}
    %add3A_501 = arith.constant 32 : i32
    %add3A_502 = arith.addi %mul3A_2, %add3A_501 : i32
    %dma_start3A_503 = arith.constant 3 : i32
    %dma_start3A_504 = arith.constant 0 : i32
    %dma_start3A_505 = tpu.memref_slice %arg5[%dma_start3A_503, %add3A_502, %dma_start3A_504] : memref<4x4096x1024xf32, #tpu.memory_space<hbm>> -> memref<1x16x1024xf32, #tpu.memory_space<hbm>>
    %dma_start3A_506 = tpu.memref_squeeze %dma_start3A_505 : memref<1x16x1024xf32, #tpu.memory_space<hbm>> -> memref<16x1024xf32, #tpu.memory_space<hbm>>
    %dma_start3A_507 = arith.constant 0 : i32
    %dma_start3A_508 = tpu.memref_slice %arg5[%dma_start3A_503, %add3A_502, %dma_start3A_507] : memref<4x4096x1024xf32, #tpu.memory_space<hbm>> -> memref<1x16x1024xf32, #tpu.memory_space<hbm>>
    %dma_start3A_509 = tpu.memref_squeeze %dma_start3A_508 : memref<1x16x1024xf32, #tpu.memory_space<hbm>> -> memref<16x1024xf32, #tpu.memory_space<hbm>>
    tpu.enqueue_dma source(%arg8 : memref<16x1024xf32, #tpu.memory_space<vmem>>) target(%dma_start3A_509 : memref<16x1024xf32, #tpu.memory_space<hbm>>) target_semaphore(%arg20 : memref<!tpu.dma_semaphore, #tpu.memory_space<semaphore_mem>>)
    %dma_start3A_510 = arith.constant 4 : i32
    %dma_start3A_511 = arith.constant 0 : i32
    %dma_start3A_512 = tpu.memref_slice %arg6[%dma_start3A_510, %dma_start3A_511] : memref<8x16xi32, #tpu.memory_space<vmem>> -> memref<1x16xi32, #tpu.memory_space<vmem>>
    %dma_start3A_513 = tpu.memref_squeeze %dma_start3A_512 : memref<1x16xi32, #tpu.memory_space<vmem>> -> memref<16xi32, #tpu.memory_space<vmem>>
    %dma_start3A_514 = arith.constant 0 : i32
    %dma_start3A_515 = arith.constant 0 : i32
    %dma_start3A_516 = tpu.memref_slice %arg3[%dma_start3A_514, %dma_start3A_515] : memref<8192x1024xf32, #tpu.memory_space<hbm>> -> memref<8192x1024xf32, #tpu.memory_space<hbm>>
    tpu.enqueue_indirect_dma source(%dma_start3A_516 : memref<8192x1024xf32, #tpu.memory_space<hbm>>) target(%arg12 : memref<16x1024xf32, #tpu.memory_space<vmem>>) offsets(%dma_start3A_513 : memref<16xi32, #tpu.memory_space<vmem>>) semaphore(%arg24 : memref<!tpu.dma_semaphore, #tpu.memory_space<semaphore_mem>>)
    %add3A_517 = arith.constant 32 : i32
    %add3A_518 = arith.addi %mul3A_2, %add3A_517 : i32
    %dma_wait3A_519 = arith.constant 1 : i32
    %dma_wait3A_520 = arith.constant 0 : i32
    %dma_wait3A_521 = tpu.memref_slice %arg5[%dma_wait3A_519, %add3A_518, %dma_wait3A_520] : memref<4x4096x1024xf32, #tpu.memory_space<hbm>> -> memref<1x16x1024xf32, #tpu.memory_space<hbm>>
    %dma_wait3A_522 = tpu.memref_squeeze %dma_wait3A_521 : memref<1x16x1024xf32, #tpu.memory_space<hbm>> -> memref<16x1024xf32, #tpu.memory_space<hbm>>
    %dma_wait3A_523 = arith.constant 0 : i32
    %dma_wait3A_524 = tpu.memref_slice %arg5[%dma_wait3A_519, %add3A_518, %dma_wait3A_523] : memref<4x4096x1024xf32, #tpu.memory_space<hbm>> -> memref<1x16x1024xf32, #tpu.memory_space<hbm>>
    %dma_wait3A_525 = tpu.memref_squeeze %dma_wait3A_524 : memref<1x16x1024xf32, #tpu.memory_space<hbm>> -> memref<16x1024xf32, #tpu.memory_space<hbm>>
    tpu.wait_dma2 semaphore(%arg23 : memref<!tpu.dma_semaphore, #tpu.memory_space<semaphore_mem>>) src(%arg11 : memref<16x1024xf32, #tpu.memory_space<vmem>>) dst(%dma_wait3A_525 : memref<16x1024xf32, #tpu.memory_space<hbm>>)
    %add3A_526 = arith.constant 48 : i32
    %add3A_527 = arith.addi %mul3A_2, %add3A_526 : i32
    %dma_start3A_528 = arith.constant 2 : i32
    %dma_start3A_529 = arith.constant 0 : i32
    %dma_start3A_530 = tpu.memref_slice %arg2[%dma_start3A_528, %add3A_527, %dma_start3A_529] : memref<4x4096x1024xf32, #tpu.memory_space<hbm>> -> memref<1x16x1024xf32, #tpu.memory_space<hbm>>
    %dma_start3A_531 = tpu.memref_squeeze %dma_start3A_530 : memref<1x16x1024xf32, #tpu.memory_space<hbm>> -> memref<16x1024xf32, #tpu.memory_space<hbm>>
    %dma_start3A_532 = arith.constant 0 : i32
    %dma_start3A_533 = tpu.memref_slice %arg2[%dma_start3A_528, %add3A_527, %dma_start3A_532] : memref<4x4096x1024xf32, #tpu.memory_space<hbm>> -> memref<1x16x1024xf32, #tpu.memory_space<hbm>>
    %dma_start3A_534 = tpu.memref_squeeze %dma_start3A_533 : memref<1x16x1024xf32, #tpu.memory_space<hbm>> -> memref<16x1024xf32, #tpu.memory_space<hbm>>
    tpu.enqueue_dma source(%dma_start3A_534 : memref<16x1024xf32, #tpu.memory_space<hbm>>) target(%arg11 : memref<16x1024xf32, #tpu.memory_space<vmem>>) target_semaphore(%arg18 : memref<!tpu.dma_semaphore, #tpu.memory_space<semaphore_mem>>)
    %dma_wait3A_535 = arith.constant 3 : i32
    %dma_wait3A_536 = arith.constant 0 : i32
    %dma_wait3A_537 = tpu.memref_slice %arg6[%dma_wait3A_535, %dma_wait3A_536] : memref<8x16xi32, #tpu.memory_space<vmem>> -> memref<1x16xi32, #tpu.memory_space<vmem>>
    %dma_wait3A_538 = tpu.memref_squeeze %dma_wait3A_537 : memref<1x16xi32, #tpu.memory_space<vmem>> -> memref<16xi32, #tpu.memory_space<vmem>>
    %dma_wait3A_539 = arith.constant 0 : i32
    %dma_wait3A_540 = arith.constant 0 : i32
    %dma_wait3A_541 = tpu.memref_slice %arg3[%dma_wait3A_539, %dma_wait3A_540] : memref<8192x1024xf32, #tpu.memory_space<hbm>> -> memref<8192x1024xf32, #tpu.memory_space<hbm>>
    tpu.wait_indirect_dma semaphore(%arg25 : memref<!tpu.dma_semaphore, #tpu.memory_space<semaphore_mem>>) src(%dma_wait3A_541 : memref<8192x1024xf32, #tpu.memory_space<hbm>>) dst(%arg13 : memref<16x1024xf32, #tpu.memory_space<vmem>>)
    %add3A_542 = arith.constant 48 : i32
    %add3A_543 = arith.addi %mul3A_2, %add3A_542 : i32
    %dma_wait3A_544 = arith.constant 0 : i32
    %dma_wait3A_545 = arith.constant 0 : i32
    %dma_wait3A_546 = tpu.memref_slice %arg2[%dma_wait3A_544, %add3A_543, %dma_wait3A_545] : memref<4x4096x1024xf32, #tpu.memory_space<hbm>> -> memref<1x16x1024xf32, #tpu.memory_space<hbm>>
    %dma_wait3A_547 = tpu.memref_squeeze %dma_wait3A_546 : memref<1x16x1024xf32, #tpu.memory_space<hbm>> -> memref<16x1024xf32, #tpu.memory_space<hbm>>
    %dma_wait3A_548 = arith.constant 0 : i32
    %dma_wait3A_549 = tpu.memref_slice %arg2[%dma_wait3A_544, %add3A_543, %dma_wait3A_548] : memref<4x4096x1024xf32, #tpu.memory_space<hbm>> -> memref<1x16x1024xf32, #tpu.memory_space<hbm>>
    %dma_wait3A_550 = tpu.memref_squeeze %dma_wait3A_549 : memref<1x16x1024xf32, #tpu.memory_space<hbm>> -> memref<16x1024xf32, #tpu.memory_space<hbm>>
    tpu.wait_dma2 semaphore(%arg16 : memref<!tpu.dma_semaphore, #tpu.memory_space<semaphore_mem>>) src(%dma_wait3A_550 : memref<16x1024xf32, #tpu.memory_space<hbm>>) dst(%arg9 : memref<16x1024xf32, #tpu.memory_space<vmem>>)
    %parallel_loop3A_551 = arith.constant 0 : i32
    %parallel_loop3A_552 = arith.constant 1024 : i32
    %parallel_loop3A_553 = arith.constant 1 : i32
    scf.for %parallel_loop3A_1362 = %parallel_loop3A_551 to %parallel_loop3A_552 step %parallel_loop3A_553  : i32 {
      %parallel_loop3A_1363 = arith.constant 64 : i32
      %parallel_loop3A_1364 = arith.divsi %parallel_loop3A_1362, %parallel_loop3A_1363 : i32
      %parallel_loop3A_1365 = arith.constant 0 : i32
      %parallel_loop3A_1366 = arith.cmpi sgt, %parallel_loop3A_1362, %parallel_loop3A_1365 : i32
      %parallel_loop3A_1367 = arith.extui %parallel_loop3A_1366 : i1 to i32
      %parallel_loop3A_1368 = arith.constant 0 : i32
      %parallel_loop3A_1369 = arith.cmpi slt, %parallel_loop3A_1362, %parallel_loop3A_1368 : i32
      %parallel_loop3A_1370 = arith.extui %parallel_loop3A_1369 : i1 to i32
      %parallel_loop3A_1371 = arith.subi %parallel_loop3A_1367, %parallel_loop3A_1370 : i32
      %parallel_loop3A_1372 = arith.constant 0 : i32
      %parallel_loop3A_1373 = arith.cmpi sgt, %parallel_loop3A_1363, %parallel_loop3A_1372 : i32
      %parallel_loop3A_1374 = arith.extui %parallel_loop3A_1373 : i1 to i32
      %parallel_loop3A_1375 = arith.constant 0 : i32
      %parallel_loop3A_1376 = arith.cmpi slt, %parallel_loop3A_1363, %parallel_loop3A_1375 : i32
      %parallel_loop3A_1377 = arith.extui %parallel_loop3A_1376 : i1 to i32
      %parallel_loop3A_1378 = arith.subi %parallel_loop3A_1374, %parallel_loop3A_1377 : i32
      %parallel_loop3A_1379 = arith.cmpi ne, %parallel_loop3A_1371, %parallel_loop3A_1378 : i32
      %parallel_loop3A_1380 = arith.remsi %parallel_loop3A_1362, %parallel_loop3A_1363 : i32
      %parallel_loop3A_1381 = arith.constant 0 : i32
      %parallel_loop3A_1382 = arith.cmpi ne, %parallel_loop3A_1380, %parallel_loop3A_1381 : i32
      %parallel_loop3A_1383 = arith.andi %parallel_loop3A_1379, %parallel_loop3A_1382 : i1
      %parallel_loop3A_1384 = arith.constant 1 : i32
      %parallel_loop3A_1385 = arith.subi %parallel_loop3A_1364, %parallel_loop3A_1384 : i32
      %parallel_loop3A_1386 = arith.select %parallel_loop3A_1383, %parallel_loop3A_1385, %parallel_loop3A_1364 : i32
      %parallel_loop3A_1387 = arith.constant 64 : i32
      %parallel_loop3A_1388 = arith.muli %parallel_loop3A_1386, %parallel_loop3A_1387 : i32
      %parallel_loop3A_1389 = arith.subi %parallel_loop3A_1362, %parallel_loop3A_1388 : i32
      %parallel_loop3A_1390 = arith.constant 16 : i32
      %parallel_loop3A_1391 = arith.muli %parallel_loop3A_1389, %parallel_loop3A_1390 : i32
      %parallel_loop3A_1392 = arith.index_cast %parallel_loop3A_1386 : i32 to index
      %parallel_loop3A_1393 = arith.index_cast %parallel_loop3A_1391 : i32 to index
      %parallel_loop3A_1394 = tpu.vector_load %arg13[%parallel_loop3A_1392, %parallel_loop3A_1393] {strides = array<i32>} : memref<16x1024xf32, #tpu.memory_space<vmem>>, vector<1x16xf32>,
      %parallel_loop3A_1395 = vector.shape_cast %parallel_loop3A_1394 : vector<1x16xf32> to vector<16xf32>
      %parallel_loop3A_1396 = arith.index_cast %parallel_loop3A_1386 : i32 to index
      %parallel_loop3A_1397 = arith.index_cast %parallel_loop3A_1391 : i32 to index
      %parallel_loop3A_1398 = tpu.vector_load %arg9[%parallel_loop3A_1396, %parallel_loop3A_1397] {strides = array<i32>} : memref<16x1024xf32, #tpu.memory_space<vmem>>, vector<1x16xf32>,
      %parallel_loop3A_1399 = vector.shape_cast %parallel_loop3A_1398 : vector<1x16xf32> to vector<16xf32>
      %parallel_loop3A_1400 = vector.shape_cast %parallel_loop3A_1395 : vector<16xf32> to vector<1x16xf32>
      tpu.vector_store %arg9[%parallel_loop3A_1396, %parallel_loop3A_1397], %parallel_loop3A_1400 {add = true, strides = array<i32>} : memref<16x1024xf32, #tpu.memory_space<vmem>>, vector<1x16xf32>,
    } {sc.loop_unroll_factor = 4 : i64, sc.parallel_access}
    %add3A_554 = arith.constant 48 : i32
    %add3A_555 = arith.addi %mul3A_2, %add3A_554 : i32
    %dma_start3A_556 = arith.constant 0 : i32
    %dma_start3A_557 = arith.constant 0 : i32
    %dma_start3A_558 = tpu.memref_slice %arg5[%dma_start3A_556, %add3A_555, %dma_start3A_557] : memref<4x4096x1024xf32, #tpu.memory_space<hbm>> -> memref<1x16x1024xf32, #tpu.memory_space<hbm>>
    %dma_start3A_559 = tpu.memref_squeeze %dma_start3A_558 : memref<1x16x1024xf32, #tpu.memory_space<hbm>> -> memref<16x1024xf32, #tpu.memory_space<hbm>>
    %dma_start3A_560 = arith.constant 0 : i32
    %dma_start3A_561 = tpu.memref_slice %arg5[%dma_start3A_556, %add3A_555, %dma_start3A_560] : memref<4x4096x1024xf32, #tpu.memory_space<hbm>> -> memref<1x16x1024xf32, #tpu.memory_space<hbm>>
    %dma_start3A_562 = tpu.memref_squeeze %dma_start3A_561 : memref<1x16x1024xf32, #tpu.memory_space<hbm>> -> memref<16x1024xf32, #tpu.memory_space<hbm>>
    tpu.enqueue_dma source(%arg9 : memref<16x1024xf32, #tpu.memory_space<vmem>>) target(%dma_start3A_562 : memref<16x1024xf32, #tpu.memory_space<hbm>>) target_semaphore(%arg21 : memref<!tpu.dma_semaphore, #tpu.memory_space<semaphore_mem>>)
    %add3A_563 = arith.constant 32 : i32
    %add3A_564 = arith.addi %mul3A_2, %add3A_563 : i32
    %dma_wait3A_565 = arith.constant 2 : i32
    %dma_wait3A_566 = arith.constant 0 : i32
    %dma_wait3A_567 = tpu.memref_slice %arg5[%dma_wait3A_565, %add3A_564, %dma_wait3A_566] : memref<4x4096x1024xf32, #tpu.memory_space<hbm>> -> memref<1x16x1024xf32, #tpu.memory_space<hbm>>
    %dma_wait3A_568 = tpu.memref_squeeze %dma_wait3A_567 : memref<1x16x1024xf32, #tpu.memory_space<hbm>> -> memref<16x1024xf32, #tpu.memory_space<hbm>>
    %dma_wait3A_569 = arith.constant 0 : i32
    %dma_wait3A_570 = tpu.memref_slice %arg5[%dma_wait3A_565, %add3A_564, %dma_wait3A_569] : memref<4x4096x1024xf32, #tpu.memory_space<hbm>> -> memref<1x16x1024xf32, #tpu.memory_space<hbm>>
    %dma_wait3A_571 = tpu.memref_squeeze %dma_wait3A_570 : memref<1x16x1024xf32, #tpu.memory_space<hbm>> -> memref<16x1024xf32, #tpu.memory_space<hbm>>
    tpu.wait_dma2 semaphore(%arg19 : memref<!tpu.dma_semaphore, #tpu.memory_space<semaphore_mem>>) src(%arg7 : memref<16x1024xf32, #tpu.memory_space<vmem>>) dst(%dma_wait3A_571 : memref<16x1024xf32, #tpu.memory_space<hbm>>)
    %add3A_572 = arith.constant 48 : i32
    %add3A_573 = arith.addi %mul3A_2, %add3A_572 : i32
    %dma_start3A_574 = arith.constant 3 : i32
    %dma_start3A_575 = arith.constant 0 : i32
    %dma_start3A_576 = tpu.memref_slice %arg2[%dma_start3A_574, %add3A_573, %dma_start3A_575] : memref<4x4096x1024xf32, #tpu.memory_space<hbm>> -> memref<1x16x1024xf32, #tpu.memory_space<hbm>>
    %dma_start3A_577 = tpu.memref_squeeze %dma_start3A_576 : memref<1x16x1024xf32, #tpu.memory_space<hbm>> -> memref<16x1024xf32, #tpu.memory_space<hbm>>
    %dma_start3A_578 = arith.constant 0 : i32
    %dma_start3A_579 = tpu.memref_slice %arg2[%dma_start3A_574, %add3A_573, %dma_start3A_578] : memref<4x4096x1024xf32, #tpu.memory_space<hbm>> -> memref<1x16x1024xf32, #tpu.memory_space<hbm>>
    %dma_start3A_580 = tpu.memref_squeeze %dma_start3A_579 : memref<1x16x1024xf32, #tpu.memory_space<hbm>> -> memref<16x1024xf32, #tpu.memory_space<hbm>>
    tpu.enqueue_dma source(%dma_start3A_580 : memref<16x1024xf32, #tpu.memory_space<hbm>>) target(%arg7 : memref<16x1024xf32, #tpu.memory_space<vmem>>) target_semaphore(%arg14 : memref<!tpu.dma_semaphore, #tpu.memory_space<semaphore_mem>>)
    %add3A_581 = arith.constant 48 : i32
    %add3A_582 = arith.addi %mul3A_2, %add3A_581 : i32
    %dma_wait3A_583 = arith.constant 1 : i32
    %dma_wait3A_584 = arith.constant 0 : i32
    %dma_wait3A_585 = tpu.memref_slice %arg2[%dma_wait3A_583, %add3A_582, %dma_wait3A_584] : memref<4x4096x1024xf32, #tpu.memory_space<hbm>> -> memref<1x16x1024xf32, #tpu.memory_space<hbm>>
    %dma_wait3A_586 = tpu.memref_squeeze %dma_wait3A_585 : memref<1x16x1024xf32, #tpu.memory_space<hbm>> -> memref<16x1024xf32, #tpu.memory_space<hbm>>
    %dma_wait3A_587 = arith.constant 0 : i32
    %dma_wait3A_588 = tpu.memref_slice %arg2[%dma_wait3A_583, %add3A_582, %dma_wait3A_587] : memref<4x4096x1024xf32, #tpu.memory_space<hbm>> -> memref<1x16x1024xf32, #tpu.memory_space<hbm>>
    %dma_wait3A_589 = tpu.memref_squeeze %dma_wait3A_588 : memref<1x16x1024xf32, #tpu.memory_space<hbm>> -> memref<16x1024xf32, #tpu.memory_space<hbm>>
    tpu.wait_dma2 semaphore(%arg17 : memref<!tpu.dma_semaphore, #tpu.memory_space<semaphore_mem>>) src(%dma_wait3A_589 : memref<16x1024xf32, #tpu.memory_space<hbm>>) dst(%arg10 : memref<16x1024xf32, #tpu.memory_space<vmem>>)
    %parallel_loop3A_590 = arith.constant 0 : i32
    %parallel_loop3A_591 = arith.constant 1024 : i32
    %parallel_loop3A_592 = arith.constant 1 : i32
    scf.for %parallel_loop3A_1362 = %parallel_loop3A_590 to %parallel_loop3A_591 step %parallel_loop3A_592  : i32 {
      %parallel_loop3A_1363 = arith.constant 64 : i32
      %parallel_loop3A_1364 = arith.divsi %parallel_loop3A_1362, %parallel_loop3A_1363 : i32
      %parallel_loop3A_1365 = arith.constant 0 : i32
      %parallel_loop3A_1366 = arith.cmpi sgt, %parallel_loop3A_1362, %parallel_loop3A_1365 : i32
      %parallel_loop3A_1367 = arith.extui %parallel_loop3A_1366 : i1 to i32
      %parallel_loop3A_1368 = arith.constant 0 : i32
      %parallel_loop3A_1369 = arith.cmpi slt, %parallel_loop3A_1362, %parallel_loop3A_1368 : i32
      %parallel_loop3A_1370 = arith.extui %parallel_loop3A_1369 : i1 to i32
      %parallel_loop3A_1371 = arith.subi %parallel_loop3A_1367, %parallel_loop3A_1370 : i32
      %parallel_loop3A_1372 = arith.constant 0 : i32
      %parallel_loop3A_1373 = arith.cmpi sgt, %parallel_loop3A_1363, %parallel_loop3A_1372 : i32
      %parallel_loop3A_1374 = arith.extui %parallel_loop3A_1373 : i1 to i32
      %parallel_loop3A_1375 = arith.constant 0 : i32
      %parallel_loop3A_1376 = arith.cmpi slt, %parallel_loop3A_1363, %parallel_loop3A_1375 : i32
      %parallel_loop3A_1377 = arith.extui %parallel_loop3A_1376 : i1 to i32
      %parallel_loop3A_1378 = arith.subi %parallel_loop3A_1374, %parallel_loop3A_1377 : i32
      %parallel_loop3A_1379 = arith.cmpi ne, %parallel_loop3A_1371, %parallel_loop3A_1378 : i32
      %parallel_loop3A_1380 = arith.remsi %parallel_loop3A_1362, %parallel_loop3A_1363 : i32
      %parallel_loop3A_1381 = arith.constant 0 : i32
      %parallel_loop3A_1382 = arith.cmpi ne, %parallel_loop3A_1380, %parallel_loop3A_1381 : i32
      %parallel_loop3A_1383 = arith.andi %parallel_loop3A_1379, %parallel_loop3A_1382 : i1
      %parallel_loop3A_1384 = arith.constant 1 : i32
      %parallel_loop3A_1385 = arith.subi %parallel_loop3A_1364, %parallel_loop3A_1384 : i32
      %parallel_loop3A_1386 = arith.select %parallel_loop3A_1383, %parallel_loop3A_1385, %parallel_loop3A_1364 : i32
      %parallel_loop3A_1387 = arith.constant 64 : i32
      %parallel_loop3A_1388 = arith.muli %parallel_loop3A_1386, %parallel_loop3A_1387 : i32
      %parallel_loop3A_1389 = arith.subi %parallel_loop3A_1362, %parallel_loop3A_1388 : i32
      %parallel_loop3A_1390 = arith.constant 16 : i32
      %parallel_loop3A_1391 = arith.muli %parallel_loop3A_1389, %parallel_loop3A_1390 : i32
      %parallel_loop3A_1392 = arith.index_cast %parallel_loop3A_1386 : i32 to index
      %parallel_loop3A_1393 = arith.index_cast %parallel_loop3A_1391 : i32 to index
      %parallel_loop3A_1394 = tpu.vector_load %arg13[%parallel_loop3A_1392, %parallel_loop3A_1393] {strides = array<i32>} : memref<16x1024xf32, #tpu.memory_space<vmem>>, vector<1x16xf32>,
      %parallel_loop3A_1395 = vector.shape_cast %parallel_loop3A_1394 : vector<1x16xf32> to vector<16xf32>
      %parallel_loop3A_1396 = arith.index_cast %parallel_loop3A_1386 : i32 to index
      %parallel_loop3A_1397 = arith.index_cast %parallel_loop3A_1391 : i32 to index
      %parallel_loop3A_1398 = tpu.vector_load %arg10[%parallel_loop3A_1396, %parallel_loop3A_1397] {strides = array<i32>} : memref<16x1024xf32, #tpu.memory_space<vmem>>, vector<1x16xf32>,
      %parallel_loop3A_1399 = vector.shape_cast %parallel_loop3A_1398 : vector<1x16xf32> to vector<16xf32>
      %parallel_loop3A_1400 = vector.shape_cast %parallel_loop3A_1395 : vector<16xf32> to vector<1x16xf32>
      tpu.vector_store %arg10[%parallel_loop3A_1396, %parallel_loop3A_1397], %parallel_loop3A_1400 {add = true, strides = array<i32>} : memref<16x1024xf32, #tpu.memory_space<vmem>>, vector<1x16xf32>,
    } {sc.loop_unroll_factor = 4 : i64, sc.parallel_access}
    %add3A_593 = arith.constant 48 : i32
    %add3A_594 = arith.addi %mul3A_2, %add3A_593 : i32
    %dma_start3A_595 = arith.constant 1 : i32
    %dma_start3A_596 = arith.constant 0 : i32
    %dma_start3A_597 = tpu.memref_slice %arg5[%dma_start3A_595, %add3A_594, %dma_start3A_596] : memref<4x4096x1024xf32, #tpu.memory_space<hbm>> -> memref<1x16x1024xf32, #tpu.memory_space<hbm>>
    %dma_start3A_598 = tpu.memref_squeeze %dma_start3A_597 : memref<1x16x1024xf32, #tpu.memory_space<hbm>> -> memref<16x1024xf32, #tpu.memory_space<hbm>>
    %dma_start3A_599 = arith.constant 0 : i32
    %dma_start3A_600 = tpu.memref_slice %arg5[%dma_start3A_595, %add3A_594, %dma_start3A_599] : memref<4x4096x1024xf32, #tpu.memory_space<hbm>> -> memref<1x16x1024xf32, #tpu.memory_space<hbm>>
    %dma_start3A_601 = tpu.memref_squeeze %dma_start3A_600 : memref<1x16x1024xf32, #tpu.memory_space<hbm>> -> memref<16x1024xf32, #tpu.memory_space<hbm>>
    tpu.enqueue_dma source(%arg10 : memref<16x1024xf32, #tpu.memory_space<vmem>>) target(%dma_start3A_601 : memref<16x1024xf32, #tpu.memory_space<hbm>>) target_semaphore(%arg22 : memref<!tpu.dma_semaphore, #tpu.memory_space<semaphore_mem>>)
    %add3A_602 = arith.constant 32 : i32
    %add3A_603 = arith.addi %mul3A_2, %add3A_602 : i32
    %dma_wait3A_604 = arith.constant 3 : i32
    %dma_wait3A_605 = arith.constant 0 : i32
    %dma_wait3A_606 = tpu.memref_slice %arg5[%dma_wait3A_604, %add3A_603, %dma_wait3A_605] : memref<4x4096x1024xf32, #tpu.memory_space<hbm>> -> memref<1x16x1024xf32, #tpu.memory_space<hbm>>
    %dma_wait3A_607 = tpu.memref_squeeze %dma_wait3A_606 : memref<1x16x1024xf32, #tpu.memory_space<hbm>> -> memref<16x1024xf32, #tpu.memory_space<hbm>>
    %dma_wait3A_608 = arith.constant 0 : i32
    %dma_wait3A_609 = tpu.memref_slice %arg5[%dma_wait3A_604, %add3A_603, %dma_wait3A_608] : memref<4x4096x1024xf32, #tpu.memory_space<hbm>> -> memref<1x16x1024xf32, #tpu.memory_space<hbm>>
    %dma_wait3A_610 = tpu.memref_squeeze %dma_wait3A_609 : memref<1x16x1024xf32, #tpu.memory_space<hbm>> -> memref<16x1024xf32, #tpu.memory_space<hbm>>
    tpu.wait_dma2 semaphore(%arg20 : memref<!tpu.dma_semaphore, #tpu.memory_space<semaphore_mem>>) src(%arg8 : memref<16x1024xf32, #tpu.memory_space<vmem>>) dst(%dma_wait3A_610 : memref<16x1024xf32, #tpu.memory_space<hbm>>)
    %add3A_611 = arith.constant 64 : i32
    %add3A_612 = arith.addi %mul3A_2, %add3A_611 : i32
    %dma_start3A_613 = arith.constant 0 : i32
    %dma_start3A_614 = arith.constant 0 : i32
    %dma_start3A_615 = tpu.memref_slice %arg2[%dma_start3A_613, %add3A_612, %dma_start3A_614] : memref<4x4096x1024xf32, #tpu.memory_space<hbm>> -> memref<1x16x1024xf32, #tpu.memory_space<hbm>>
    %dma_start3A_616 = tpu.memref_squeeze %dma_start3A_615 : memref<1x16x1024xf32, #tpu.memory_space<hbm>> -> memref<16x1024xf32, #tpu.memory_space<hbm>>
    %dma_start3A_617 = arith.constant 0 : i32
    %dma_start3A_618 = tpu.memref_slice %arg2[%dma_start3A_613, %add3A_612, %dma_start3A_617] : memref<4x4096x1024xf32, #tpu.memory_space<hbm>> -> memref<1x16x1024xf32, #tpu.memory_space<hbm>>
    %dma_start3A_619 = tpu.memref_squeeze %dma_start3A_618 : memref<1x16x1024xf32, #tpu.memory_space<hbm>> -> memref<16x1024xf32, #tpu.memory_space<hbm>>
    tpu.enqueue_dma source(%dma_start3A_619 : memref<16x1024xf32, #tpu.memory_space<hbm>>) target(%arg8 : memref<16x1024xf32, #tpu.memory_space<vmem>>) target_semaphore(%arg15 : memref<!tpu.dma_semaphore, #tpu.memory_space<semaphore_mem>>)
    %add3A_620 = arith.constant 48 : i32
    %add3A_621 = arith.addi %mul3A_2, %add3A_620 : i32
    %dma_wait3A_622 = arith.constant 2 : i32
    %dma_wait3A_623 = arith.constant 0 : i32
    %dma_wait3A_624 = tpu.memref_slice %arg2[%dma_wait3A_622, %add3A_621, %dma_wait3A_623] : memref<4x4096x1024xf32, #tpu.memory_space<hbm>> -> memref<1x16x1024xf32, #tpu.memory_space<hbm>>
    %dma_wait3A_625 = tpu.memref_squeeze %dma_wait3A_624 : memref<1x16x1024xf32, #tpu.memory_space<hbm>> -> memref<16x1024xf32, #tpu.memory_space<hbm>>
    %dma_wait3A_626 = arith.constant 0 : i32
    %dma_wait3A_627 = tpu.memref_slice %arg2[%dma_wait3A_622, %add3A_621, %dma_wait3A_626] : memref<4x4096x1024xf32, #tpu.memory_space<hbm>> -> memref<1x16x1024xf32, #tpu.memory_space<hbm>>
    %dma_wait3A_628 = tpu.memref_squeeze %dma_wait3A_627 : memref<1x16x1024xf32, #tpu.memory_space<hbm>> -> memref<16x1024xf32, #tpu.memory_space<hbm>>
    tpu.wait_dma2 semaphore(%arg18 : memref<!tpu.dma_semaphore, #tpu.memory_space<semaphore_mem>>) src(%dma_wait3A_628 : memref<16x1024xf32, #tpu.memory_space<hbm>>) dst(%arg11 : memref<16x1024xf32, #tpu.memory_space<vmem>>)
    %parallel_loop3A_629 = arith.constant 0 : i32
    %parallel_loop3A_630 = arith.constant 1024 : i32
    %parallel_loop3A_631 = arith.constant 1 : i32
    scf.for %parallel_loop3A_1362 = %parallel_loop3A_629 to %parallel_loop3A_630 step %parallel_loop3A_631  : i32 {
      %parallel_loop3A_1363 = arith.constant 64 : i32
      %parallel_loop3A_1364 = arith.divsi %parallel_loop3A_1362, %parallel_loop3A_1363 : i32
      %parallel_loop3A_1365 = arith.constant 0 : i32
      %parallel_loop3A_1366 = arith.cmpi sgt, %parallel_loop3A_1362, %parallel_loop3A_1365 : i32
      %parallel_loop3A_1367 = arith.extui %parallel_loop3A_1366 : i1 to i32
      %parallel_loop3A_1368 = arith.constant 0 : i32
      %parallel_loop3A_1369 = arith.cmpi slt, %parallel_loop3A_1362, %parallel_loop3A_1368 : i32
      %parallel_loop3A_1370 = arith.extui %parallel_loop3A_1369 : i1 to i32
      %parallel_loop3A_1371 = arith.subi %parallel_loop3A_1367, %parallel_loop3A_1370 : i32
      %parallel_loop3A_1372 = arith.constant 0 : i32
      %parallel_loop3A_1373 = arith.cmpi sgt, %parallel_loop3A_1363, %parallel_loop3A_1372 : i32
      %parallel_loop3A_1374 = arith.extui %parallel_loop3A_1373 : i1 to i32
      %parallel_loop3A_1375 = arith.constant 0 : i32
      %parallel_loop3A_1376 = arith.cmpi slt, %parallel_loop3A_1363, %parallel_loop3A_1375 : i32
      %parallel_loop3A_1377 = arith.extui %parallel_loop3A_1376 : i1 to i32
      %parallel_loop3A_1378 = arith.subi %parallel_loop3A_1374, %parallel_loop3A_1377 : i32
      %parallel_loop3A_1379 = arith.cmpi ne, %parallel_loop3A_1371, %parallel_loop3A_1378 : i32
      %parallel_loop3A_1380 = arith.remsi %parallel_loop3A_1362, %parallel_loop3A_1363 : i32
      %parallel_loop3A_1381 = arith.constant 0 : i32
      %parallel_loop3A_1382 = arith.cmpi ne, %parallel_loop3A_1380, %parallel_loop3A_1381 : i32
      %parallel_loop3A_1383 = arith.andi %parallel_loop3A_1379, %parallel_loop3A_1382 : i1
      %parallel_loop3A_1384 = arith.constant 1 : i32
      %parallel_loop3A_1385 = arith.subi %parallel_loop3A_1364, %parallel_loop3A_1384 : i32
      %parallel_loop3A_1386 = arith.select %parallel_loop3A_1383, %parallel_loop3A_1385, %parallel_loop3A_1364 : i32
      %parallel_loop3A_1387 = arith.constant 64 : i32
      %parallel_loop3A_1388 = arith.muli %parallel_loop3A_1386, %parallel_loop3A_1387 : i32
      %parallel_loop3A_1389 = arith.subi %parallel_loop3A_1362, %parallel_loop3A_1388 : i32
      %parallel_loop3A_1390 = arith.constant 16 : i32
      %parallel_loop3A_1391 = arith.muli %parallel_loop3A_1389, %parallel_loop3A_1390 : i32
      %parallel_loop3A_1392 = arith.index_cast %parallel_loop3A_1386 : i32 to index
      %parallel_loop3A_1393 = arith.index_cast %parallel_loop3A_1391 : i32 to index
      %parallel_loop3A_1394 = tpu.vector_load %arg13[%parallel_loop3A_1392, %parallel_loop3A_1393] {strides = array<i32>} : memref<16x1024xf32, #tpu.memory_space<vmem>>, vector<1x16xf32>,
      %parallel_loop3A_1395 = vector.shape_cast %parallel_loop3A_1394 : vector<1x16xf32> to vector<16xf32>
      %parallel_loop3A_1396 = arith.index_cast %parallel_loop3A_1386 : i32 to index
      %parallel_loop3A_1397 = arith.index_cast %parallel_loop3A_1391 : i32 to index
      %parallel_loop3A_1398 = tpu.vector_load %arg11[%parallel_loop3A_1396, %parallel_loop3A_1397] {strides = array<i32>} : memref<16x1024xf32, #tpu.memory_space<vmem>>, vector<1x16xf32>,
      %parallel_loop3A_1399 = vector.shape_cast %parallel_loop3A_1398 : vector<1x16xf32> to vector<16xf32>
      %parallel_loop3A_1400 = vector.shape_cast %parallel_loop3A_1395 : vector<16xf32> to vector<1x16xf32>
      tpu.vector_store %arg11[%parallel_loop3A_1396, %parallel_loop3A_1397], %parallel_loop3A_1400 {add = true, strides = array<i32>} : memref<16x1024xf32, #tpu.memory_space<vmem>>, vector<1x16xf32>,
    } {sc.loop_unroll_factor = 4 : i64, sc.parallel_access}
    %add3A_632 = arith.constant 48 : i32
    %add3A_633 = arith.addi %mul3A_2, %add3A_632 : i32
    %dma_start3A_634 = arith.constant 2 : i32
    %dma_start3A_635 = arith.constant 0 : i32
    %dma_start3A_636 = tpu.memref_slice %arg5[%dma_start3A_634, %add3A_633, %dma_start3A_635] : memref<4x4096x1024xf32, #tpu.memory_space<hbm>> -> memref<1x16x1024xf32, #tpu.memory_space<hbm>>
    %dma_start3A_637 = tpu.memref_squeeze %dma_start3A_636 : memref<1x16x1024xf32, #tpu.memory_space<hbm>> -> memref<16x1024xf32, #tpu.memory_space<hbm>>
    %dma_start3A_638 = arith.constant 0 : i32
    %dma_start3A_639 = tpu.memref_slice %arg5[%dma_start3A_634, %add3A_633, %dma_start3A_638] : memref<4x4096x1024xf32, #tpu.memory_space<hbm>> -> memref<1x16x1024xf32, #tpu.memory_space<hbm>>
    %dma_start3A_640 = tpu.memref_squeeze %dma_start3A_639 : memref<1x16x1024xf32, #tpu.memory_space<hbm>> -> memref<16x1024xf32, #tpu.memory_space<hbm>>
    tpu.enqueue_dma source(%arg11 : memref<16x1024xf32, #tpu.memory_space<vmem>>) target(%dma_start3A_640 : memref<16x1024xf32, #tpu.memory_space<hbm>>) target_semaphore(%arg23 : memref<!tpu.dma_semaphore, #tpu.memory_space<semaphore_mem>>)
    %add3A_641 = arith.constant 48 : i32
    %add3A_642 = arith.addi %mul3A_2, %add3A_641 : i32
    %dma_wait3A_643 = arith.constant 0 : i32
    %dma_wait3A_644 = arith.constant 0 : i32
    %dma_wait3A_645 = tpu.memref_slice %arg5[%dma_wait3A_643, %add3A_642, %dma_wait3A_644] : memref<4x4096x1024xf32, #tpu.memory_space<hbm>> -> memref<1x16x1024xf32, #tpu.memory_space<hbm>>
    %dma_wait3A_646 = tpu.memref_squeeze %dma_wait3A_645 : memref<1x16x1024xf32, #tpu.memory_space<hbm>> -> memref<16x1024xf32, #tpu.memory_space<hbm>>
    %dma_wait3A_647 = arith.constant 0 : i32
    %dma_wait3A_648 = tpu.memref_slice %arg5[%dma_wait3A_643, %add3A_642, %dma_wait3A_647] : memref<4x4096x1024xf32, #tpu.memory_space<hbm>> -> memref<1x16x1024xf32, #tpu.memory_space<hbm>>
    %dma_wait3A_649 = tpu.memref_squeeze %dma_wait3A_648 : memref<1x16x1024xf32, #tpu.memory_space<hbm>> -> memref<16x1024xf32, #tpu.memory_space<hbm>>
    tpu.wait_dma2 semaphore(%arg21 : memref<!tpu.dma_semaphore, #tpu.memory_space<semaphore_mem>>) src(%arg9 : memref<16x1024xf32, #tpu.memory_space<vmem>>) dst(%dma_wait3A_649 : memref<16x1024xf32, #tpu.memory_space<hbm>>)
    %add3A_650 = arith.constant 64 : i32
    %add3A_651 = arith.addi %mul3A_2, %add3A_650 : i32
    %dma_start3A_652 = arith.constant 1 : i32
    %dma_start3A_653 = arith.constant 0 : i32
    %dma_start3A_654 = tpu.memref_slice %arg2[%dma_start3A_652, %add3A_651, %dma_start3A_653] : memref<4x4096x1024xf32, #tpu.memory_space<hbm>> -> memref<1x16x1024xf32, #tpu.memory_space<hbm>>
    %dma_start3A_655 = tpu.memref_squeeze %dma_start3A_654 : memref<1x16x1024xf32, #tpu.memory_space<hbm>> -> memref<16x1024xf32, #tpu.memory_space<hbm>>
    %dma_start3A_656 = arith.constant 0 : i32
    %dma_start3A_657 = tpu.memref_slice %arg2[%dma_start3A_652, %add3A_651, %dma_start3A_656] : memref<4x4096x1024xf32, #tpu.memory_space<hbm>> -> memref<1x16x1024xf32, #tpu.memory_space<hbm>>
    %dma_start3A_658 = tpu.memref_squeeze %dma_start3A_657 : memref<1x16x1024xf32, #tpu.memory_space<hbm>> -> memref<16x1024xf32, #tpu.memory_space<hbm>>
    tpu.enqueue_dma source(%dma_start3A_658 : memref<16x1024xf32, #tpu.memory_space<hbm>>) target(%arg9 : memref<16x1024xf32, #tpu.memory_space<vmem>>) target_semaphore(%arg16 : memref<!tpu.dma_semaphore, #tpu.memory_space<semaphore_mem>>)
    %add3A_659 = arith.constant 48 : i32
    %add3A_660 = arith.addi %mul3A_2, %add3A_659 : i32
    %dma_wait3A_661 = arith.constant 3 : i32
    %dma_wait3A_662 = arith.constant 0 : i32
    %dma_wait3A_663 = tpu.memref_slice %arg2[%dma_wait3A_661, %add3A_660, %dma_wait3A_662] : memref<4x4096x1024xf32, #tpu.memory_space<hbm>> -> memref<1x16x1024xf32, #tpu.memory_space<hbm>>
    %dma_wait3A_664 = tpu.memref_squeeze %dma_wait3A_663 : memref<1x16x1024xf32, #tpu.memory_space<hbm>> -> memref<16x1024xf32, #tpu.memory_space<hbm>>
    %dma_wait3A_665 = arith.constant 0 : i32
    %dma_wait3A_666 = tpu.memref_slice %arg2[%dma_wait3A_661, %add3A_660, %dma_wait3A_665] : memref<4x4096x1024xf32, #tpu.memory_space<hbm>> -> memref<1x16x1024xf32, #tpu.memory_space<hbm>>
    %dma_wait3A_667 = tpu.memref_squeeze %dma_wait3A_666 : memref<1x16x1024xf32, #tpu.memory_space<hbm>> -> memref<16x1024xf32, #tpu.memory_space<hbm>>
    tpu.wait_dma2 semaphore(%arg14 : memref<!tpu.dma_semaphore, #tpu.memory_space<semaphore_mem>>) src(%dma_wait3A_667 : memref<16x1024xf32, #tpu.memory_space<hbm>>) dst(%arg7 : memref<16x1024xf32, #tpu.memory_space<vmem>>)
    %parallel_loop3A_668 = arith.constant 0 : i32
    %parallel_loop3A_669 = arith.constant 1024 : i32
    %parallel_loop3A_670 = arith.constant 1 : i32
    scf.for %parallel_loop3A_1362 = %parallel_loop3A_668 to %parallel_loop3A_669 step %parallel_loop3A_670  : i32 {
      %parallel_loop3A_1363 = arith.constant 64 : i32
      %parallel_loop3A_1364 = arith.divsi %parallel_loop3A_1362, %parallel_loop3A_1363 : i32
      %parallel_loop3A_1365 = arith.constant 0 : i32
      %parallel_loop3A_1366 = arith.cmpi sgt, %parallel_loop3A_1362, %parallel_loop3A_1365 : i32
      %parallel_loop3A_1367 = arith.extui %parallel_loop3A_1366 : i1 to i32
      %parallel_loop3A_1368 = arith.constant 0 : i32
      %parallel_loop3A_1369 = arith.cmpi slt, %parallel_loop3A_1362, %parallel_loop3A_1368 : i32
      %parallel_loop3A_1370 = arith.extui %parallel_loop3A_1369 : i1 to i32
      %parallel_loop3A_1371 = arith.subi %parallel_loop3A_1367, %parallel_loop3A_1370 : i32
      %parallel_loop3A_1372 = arith.constant 0 : i32
      %parallel_loop3A_1373 = arith.cmpi sgt, %parallel_loop3A_1363, %parallel_loop3A_1372 : i32
      %parallel_loop3A_1374 = arith.extui %parallel_loop3A_1373 : i1 to i32
      %parallel_loop3A_1375 = arith.constant 0 : i32
      %parallel_loop3A_1376 = arith.cmpi slt, %parallel_loop3A_1363, %parallel_loop3A_1375 : i32
      %parallel_loop3A_1377 = arith.extui %parallel_loop3A_1376 : i1 to i32
      %parallel_loop3A_1378 = arith.subi %parallel_loop3A_1374, %parallel_loop3A_1377 : i32
      %parallel_loop3A_1379 = arith.cmpi ne, %parallel_loop3A_1371, %parallel_loop3A_1378 : i32
      %parallel_loop3A_1380 = arith.remsi %parallel_loop3A_1362, %parallel_loop3A_1363 : i32
      %parallel_loop3A_1381 = arith.constant 0 : i32
      %parallel_loop3A_1382 = arith.cmpi ne, %parallel_loop3A_1380, %parallel_loop3A_1381 : i32
      %parallel_loop3A_1383 = arith.andi %parallel_loop3A_1379, %parallel_loop3A_1382 : i1
      %parallel_loop3A_1384 = arith.constant 1 : i32
      %parallel_loop3A_1385 = arith.subi %parallel_loop3A_1364, %parallel_loop3A_1384 : i32
      %parallel_loop3A_1386 = arith.select %parallel_loop3A_1383, %parallel_loop3A_1385, %parallel_loop3A_1364 : i32
      %parallel_loop3A_1387 = arith.constant 64 : i32
      %parallel_loop3A_1388 = arith.muli %parallel_loop3A_1386, %parallel_loop3A_1387 : i32
      %parallel_loop3A_1389 = arith.subi %parallel_loop3A_1362, %parallel_loop3A_1388 : i32
      %parallel_loop3A_1390 = arith.constant 16 : i32
      %parallel_loop3A_1391 = arith.muli %parallel_loop3A_1389, %parallel_loop3A_1390 : i32
      %parallel_loop3A_1392 = arith.index_cast %parallel_loop3A_1386 : i32 to index
      %parallel_loop3A_1393 = arith.index_cast %parallel_loop3A_1391 : i32 to index
      %parallel_loop3A_1394 = tpu.vector_load %arg13[%parallel_loop3A_1392, %parallel_loop3A_1393] {strides = array<i32>} : memref<16x1024xf32, #tpu.memory_space<vmem>>, vector<1x16xf32>,
      %parallel_loop3A_1395 = vector.shape_cast %parallel_loop3A_1394 : vector<1x16xf32> to vector<16xf32>
      %parallel_loop3A_1396 = arith.index_cast %parallel_loop3A_1386 : i32 to index
      %parallel_loop3A_1397 = arith.index_cast %parallel_loop3A_1391 : i32 to index
      %parallel_loop3A_1398 = tpu.vector_load %arg7[%parallel_loop3A_1396, %parallel_loop3A_1397] {strides = array<i32>} : memref<16x1024xf32, #tpu.memory_space<vmem>>, vector<1x16xf32>,
      %parallel_loop3A_1399 = vector.shape_cast %parallel_loop3A_1398 : vector<1x16xf32> to vector<16xf32>
      %parallel_loop3A_1400 = vector.shape_cast %parallel_loop3A_1395 : vector<16xf32> to vector<1x16xf32>
      tpu.vector_store %arg7[%parallel_loop3A_1396, %parallel_loop3A_1397], %parallel_loop3A_1400 {add = true, strides = array<i32>} : memref<16x1024xf32, #tpu.memory_space<vmem>>, vector<1x16xf32>,
    } {sc.loop_unroll_factor = 4 : i64, sc.parallel_access}
    %add3A_671 = arith.constant 48 : i32
    %add3A_672 = arith.addi %mul3A_2, %add3A_671 : i32
    %dma_start3A_673 = arith.constant 3 : i32
    %dma_start3A_674 = arith.constant 0 : i32
    %dma_start3A_675 = tpu.memref_slice %arg5[%dma_start3A_673, %add3A_672, %dma_start3A_674] : memref<4x4096x1024xf32, #tpu.memory_space<hbm>> -> memref<1x16x1024xf32, #tpu.memory_space<hbm>>
    %dma_start3A_676 = tpu.memref_squeeze %dma_start3A_675 : memref<1x16x1024xf32, #tpu.memory_space<hbm>> -> memref<16x1024xf32, #tpu.memory_space<hbm>>
    %dma_start3A_677 = arith.constant 0 : i32
    %dma_start3A_678 = tpu.memref_slice %arg5[%dma_start3A_673, %add3A_672, %dma_start3A_677] : memref<4x4096x1024xf32, #tpu.memory_space<hbm>> -> memref<1x16x1024xf32, #tpu.memory_space<hbm>>
    %dma_start3A_679 = tpu.memref_squeeze %dma_start3A_678 : memref<1x16x1024xf32, #tpu.memory_space<hbm>> -> memref<16x1024xf32, #tpu.memory_space<hbm>>
    tpu.enqueue_dma source(%arg7 : memref<16x1024xf32, #tpu.memory_space<vmem>>) target(%dma_start3A_679 : memref<16x1024xf32, #tpu.memory_space<hbm>>) target_semaphore(%arg19 : memref<!tpu.dma_semaphore, #tpu.memory_space<semaphore_mem>>)
    %dma_start3A_680 = arith.constant 5 : i32
    %dma_start3A_681 = arith.constant 0 : i32
    %dma_start3A_682 = tpu.memref_slice %arg6[%dma_start3A_680, %dma_start3A_681] : memref<8x16xi32, #tpu.memory_space<vmem>> -> memref<1x16xi32, #tpu.memory_space<vmem>>
    %dma_start3A_683 = tpu.memref_squeeze %dma_start3A_682 : memref<1x16xi32, #tpu.memory_space<vmem>> -> memref<16xi32, #tpu.memory_space<vmem>>
    %dma_start3A_684 = arith.constant 0 : i32
    %dma_start3A_685 = arith.constant 0 : i32
    %dma_start3A_686 = tpu.memref_slice %arg3[%dma_start3A_684, %dma_start3A_685] : memref<8192x1024xf32, #tpu.memory_space<hbm>> -> memref<8192x1024xf32, #tpu.memory_space<hbm>>
    tpu.enqueue_indirect_dma source(%dma_start3A_686 : memref<8192x1024xf32, #tpu.memory_space<hbm>>) target(%arg13 : memref<16x1024xf32, #tpu.memory_space<vmem>>) offsets(%dma_start3A_683 : memref<16xi32, #tpu.memory_space<vmem>>) semaphore(%arg25 : memref<!tpu.dma_semaphore, #tpu.memory_space<semaphore_mem>>)
    %add3A_687 = arith.constant 48 : i32
    %add3A_688 = arith.addi %mul3A_2, %add3A_687 : i32
    %dma_wait3A_689 = arith.constant 1 : i32
    %dma_wait3A_690 = arith.constant 0 : i32
    %dma_wait3A_691 = tpu.memref_slice %arg5[%dma_wait3A_689, %add3A_688, %dma_wait3A_690] : memref<4x4096x1024xf32, #tpu.memory_space<hbm>> -> memref<1x16x1024xf32, #tpu.memory_space<hbm>>
    %dma_wait3A_692 = tpu.memref_squeeze %dma_wait3A_691 : memref<1x16x1024xf32, #tpu.memory_space<hbm>> -> memref<16x1024xf32, #tpu.memory_space<hbm>>
    %dma_wait3A_693 = arith.constant 0 : i32
    %dma_wait3A_694 = tpu.memref_slice %arg5[%dma_wait3A_689, %add3A_688, %dma_wait3A_693] : memref<4x4096x1024xf32, #tpu.memory_space<hbm>> -> memref<1x16x1024xf32, #tpu.memory_space<hbm>>
    %dma_wait3A_695 = tpu.memref_squeeze %dma_wait3A_694 : memref<1x16x1024xf32, #tpu.memory_space<hbm>> -> memref<16x1024xf32, #tpu.memory_space<hbm>>
    tpu.wait_dma2 semaphore(%arg22 : memref<!tpu.dma_semaphore, #tpu.memory_space<semaphore_mem>>) src(%arg10 : memref<16x1024xf32, #tpu.memory_space<vmem>>) dst(%dma_wait3A_695 : memref<16x1024xf32, #tpu.memory_space<hbm>>)
    %add3A_696 = arith.constant 64 : i32
    %add3A_697 = arith.addi %mul3A_2, %add3A_696 : i32
    %dma_start3A_698 = arith.constant 2 : i32
    %dma_start3A_699 = arith.constant 0 : i32
    %dma_start3A_700 = tpu.memref_slice %arg2[%dma_start3A_698, %add3A_697, %dma_start3A_699] : memref<4x4096x1024xf32, #tpu.memory_space<hbm>> -> memref<1x16x1024xf32, #tpu.memory_space<hbm>>
    %dma_start3A_701 = tpu.memref_squeeze %dma_start3A_700 : memref<1x16x1024xf32, #tpu.memory_space<hbm>> -> memref<16x1024xf32, #tpu.memory_space<hbm>>
    %dma_start3A_702 = arith.constant 0 : i32
    %dma_start3A_703 = tpu.memref_slice %arg2[%dma_start3A_698, %add3A_697, %dma_start3A_702] : memref<4x4096x1024xf32, #tpu.memory_space<hbm>> -> memref<1x16x1024xf32, #tpu.memory_space<hbm>>
    %dma_start3A_704 = tpu.memref_squeeze %dma_start3A_703 : memref<1x16x1024xf32, #tpu.memory_space<hbm>> -> memref<16x1024xf32, #tpu.memory_space<hbm>>
    tpu.enqueue_dma source(%dma_start3A_704 : memref<16x1024xf32, #tpu.memory_space<hbm>>) target(%arg10 : memref<16x1024xf32, #tpu.memory_space<vmem>>) target_semaphore(%arg17 : memref<!tpu.dma_semaphore, #tpu.memory_space<semaphore_mem>>)
    %dma_wait3A_705 = arith.constant 4 : i32
    %dma_wait3A_706 = arith.constant 0 : i32
    %dma_wait3A_707 = tpu.memref_slice %arg6[%dma_wait3A_705, %dma_wait3A_706] : memref<8x16xi32, #tpu.memory_space<vmem>> -> memref<1x16xi32, #tpu.memory_space<vmem>>
    %dma_wait3A_708 = tpu.memref_squeeze %dma_wait3A_707 : memref<1x16xi32, #tpu.memory_space<vmem>> -> memref<16xi32, #tpu.memory_space<vmem>>
    %dma_wait3A_709 = arith.constant 0 : i32
    %dma_wait3A_710 = arith.constant 0 : i32
    %dma_wait3A_711 = tpu.memref_slice %arg3[%dma_wait3A_709, %dma_wait3A_710] : memref<8192x1024xf32, #tpu.memory_space<hbm>> -> memref<8192x1024xf32, #tpu.memory_space<hbm>>
    tpu.wait_indirect_dma semaphore(%arg24 : memref<!tpu.dma_semaphore, #tpu.memory_space<semaphore_mem>>) src(%dma_wait3A_711 : memref<8192x1024xf32, #tpu.memory_space<hbm>>) dst(%arg12 : memref<16x1024xf32, #tpu.memory_space<vmem>>)
    %add3A_712 = arith.constant 64 : i32
    %add3A_713 = arith.addi %mul3A_2, %add3A_712 : i32
    %dma_wait3A_714 = arith.constant 0 : i32
    %dma_wait3A_715 = arith.constant 0 : i32
    %dma_wait3A_716 = tpu.memref_slice %arg2[%dma_wait3A_714, %add3A_713, %dma_wait3A_715] : memref<4x4096x1024xf32, #tpu.memory_space<hbm>> -> memref<1x16x1024xf32, #tpu.memory_space<hbm>>
    %dma_wait3A_717 = tpu.memref_squeeze %dma_wait3A_716 : memref<1x16x1024xf32, #tpu.memory_space<hbm>> -> memref<16x1024xf32, #tpu.memory_space<hbm>>
    %dma_wait3A_718 = arith.constant 0 : i32
    %dma_wait3A_719 = tpu.memref_slice %arg2[%dma_wait3A_714, %add3A_713, %dma_wait3A_718] : memref<4x4096x1024xf32, #tpu.memory_space<hbm>> -> memref<1x16x1024xf32, #tpu.memory_space<hbm>>
    %dma_wait3A_720 = tpu.memref_squeeze %dma_wait3A_719 : memref<1x16x1024xf32, #tpu.memory_space<hbm>> -> memref<16x1024xf32, #tpu.memory_space<hbm>>
    tpu.wait_dma2 semaphore(%arg15 : memref<!tpu.dma_semaphore, #tpu.memory_space<semaphore_mem>>) src(%dma_wait3A_720 : memref<16x1024xf32, #tpu.memory_space<hbm>>) dst(%arg8 : memref<16x1024xf32, #tpu.memory_space<vmem>>)
    %parallel_loop3A_721 = arith.constant 0 : i32
    %parallel_loop3A_722 = arith.constant 1024 : i32
    %parallel_loop3A_723 = arith.constant 1 : i32
    scf.for %parallel_loop3A_1362 = %parallel_loop3A_721 to %parallel_loop3A_722 step %parallel_loop3A_723  : i32 {
      %parallel_loop3A_1363 = arith.constant 64 : i32
      %parallel_loop3A_1364 = arith.divsi %parallel_loop3A_1362, %parallel_loop3A_1363 : i32
      %parallel_loop3A_1365 = arith.constant 0 : i32
      %parallel_loop3A_1366 = arith.cmpi sgt, %parallel_loop3A_1362, %parallel_loop3A_1365 : i32
      %parallel_loop3A_1367 = arith.extui %parallel_loop3A_1366 : i1 to i32
      %parallel_loop3A_1368 = arith.constant 0 : i32
      %parallel_loop3A_1369 = arith.cmpi slt, %parallel_loop3A_1362, %parallel_loop3A_1368 : i32
      %parallel_loop3A_1370 = arith.extui %parallel_loop3A_1369 : i1 to i32
      %parallel_loop3A_1371 = arith.subi %parallel_loop3A_1367, %parallel_loop3A_1370 : i32
      %parallel_loop3A_1372 = arith.constant 0 : i32
      %parallel_loop3A_1373 = arith.cmpi sgt, %parallel_loop3A_1363, %parallel_loop3A_1372 : i32
      %parallel_loop3A_1374 = arith.extui %parallel_loop3A_1373 : i1 to i32
      %parallel_loop3A_1375 = arith.constant 0 : i32
      %parallel_loop3A_1376 = arith.cmpi slt, %parallel_loop3A_1363, %parallel_loop3A_1375 : i32
      %parallel_loop3A_1377 = arith.extui %parallel_loop3A_1376 : i1 to i32
      %parallel_loop3A_1378 = arith.subi %parallel_loop3A_1374, %parallel_loop3A_1377 : i32
      %parallel_loop3A_1379 = arith.cmpi ne, %parallel_loop3A_1371, %parallel_loop3A_1378 : i32
      %parallel_loop3A_1380 = arith.remsi %parallel_loop3A_1362, %parallel_loop3A_1363 : i32
      %parallel_loop3A_1381 = arith.constant 0 : i32
      %parallel_loop3A_1382 = arith.cmpi ne, %parallel_loop3A_1380, %parallel_loop3A_1381 : i32
      %parallel_loop3A_1383 = arith.andi %parallel_loop3A_1379, %parallel_loop3A_1382 : i1
      %parallel_loop3A_1384 = arith.constant 1 : i32
      %parallel_loop3A_1385 = arith.subi %parallel_loop3A_1364, %parallel_loop3A_1384 : i32
      %parallel_loop3A_1386 = arith.select %parallel_loop3A_1383, %parallel_loop3A_1385, %parallel_loop3A_1364 : i32
      %parallel_loop3A_1387 = arith.constant 64 : i32
      %parallel_loop3A_1388 = arith.muli %parallel_loop3A_1386, %parallel_loop3A_1387 : i32
      %parallel_loop3A_1389 = arith.subi %parallel_loop3A_1362, %parallel_loop3A_1388 : i32
      %parallel_loop3A_1390 = arith.constant 16 : i32
      %parallel_loop3A_1391 = arith.muli %parallel_loop3A_1389, %parallel_loop3A_1390 : i32
      %parallel_loop3A_1392 = arith.index_cast %parallel_loop3A_1386 : i32 to index
      %parallel_loop3A_1393 = arith.index_cast %parallel_loop3A_1391 : i32 to index
      %parallel_loop3A_1394 = tpu.vector_load %arg12[%parallel_loop3A_1392, %parallel_loop3A_1393] {strides = array<i32>} : memref<16x1024xf32, #tpu.memory_space<vmem>>, vector<1x16xf32>,
      %parallel_loop3A_1395 = vector.shape_cast %parallel_loop3A_1394 : vector<1x16xf32> to vector<16xf32>
      %parallel_loop3A_1396 = arith.index_cast %parallel_loop3A_1386 : i32 to index
      %parallel_loop3A_1397 = arith.index_cast %parallel_loop3A_1391 : i32 to index
      %parallel_loop3A_1398 = tpu.vector_load %arg8[%parallel_loop3A_1396, %parallel_loop3A_1397] {strides = array<i32>} : memref<16x1024xf32, #tpu.memory_space<vmem>>, vector<1x16xf32>,
      %parallel_loop3A_1399 = vector.shape_cast %parallel_loop3A_1398 : vector<1x16xf32> to vector<16xf32>
      %parallel_loop3A_1400 = vector.shape_cast %parallel_loop3A_1395 : vector<16xf32> to vector<1x16xf32>
      tpu.vector_store %arg8[%parallel_loop3A_1396, %parallel_loop3A_1397], %parallel_loop3A_1400 {add = true, strides = array<i32>} : memref<16x1024xf32, #tpu.memory_space<vmem>>, vector<1x16xf32>,
    } {sc.loop_unroll_factor = 4 : i64, sc.parallel_access}
    %add3A_724 = arith.constant 64 : i32
    %add3A_725 = arith.addi %mul3A_2, %add3A_724 : i32
    %dma_start3A_726 = arith.constant 0 : i32
    %dma_start3A_727 = arith.constant 0 : i32
    %dma_start3A_728 = tpu.memref_slice %arg5[%dma_start3A_726, %add3A_725, %dma_start3A_727] : memref<4x4096x1024xf32, #tpu.memory_space<hbm>> -> memref<1x16x1024xf32, #tpu.memory_space<hbm>>
    %dma_start3A_729 = tpu.memref_squeeze %dma_start3A_728 : memref<1x16x1024xf32, #tpu.memory_space<hbm>> -> memref<16x1024xf32, #tpu.memory_space<hbm>>
    %dma_start3A_730 = arith.constant 0 : i32
    %dma_start3A_731 = tpu.memref_slice %arg5[%dma_start3A_726, %add3A_725, %dma_start3A_730] : memref<4x4096x1024xf32, #tpu.memory_space<hbm>> -> memref<1x16x1024xf32, #tpu.memory_space<hbm>>
    %dma_start3A_732 = tpu.memref_squeeze %dma_start3A_731 : memref<1x16x1024xf32, #tpu.memory_space<hbm>> -> memref<16x1024xf32, #tpu.memory_space<hbm>>
    tpu.enqueue_dma source(%arg8 : memref<16x1024xf32, #tpu.memory_space<vmem>>) target(%dma_start3A_732 : memref<16x1024xf32, #tpu.memory_space<hbm>>) target_semaphore(%arg20 : memref<!tpu.dma_semaphore, #tpu.memory_space<semaphore_mem>>)
    %add3A_733 = arith.constant 48 : i32
    %add3A_734 = arith.addi %mul3A_2, %add3A_733 : i32
    %dma_wait3A_735 = arith.constant 2 : i32
    %dma_wait3A_736 = arith.constant 0 : i32
    %dma_wait3A_737 = tpu.memref_slice %arg5[%dma_wait3A_735, %add3A_734, %dma_wait3A_736] : memref<4x4096x1024xf32, #tpu.memory_space<hbm>> -> memref<1x16x1024xf32, #tpu.memory_space<hbm>>
    %dma_wait3A_738 = tpu.memref_squeeze %dma_wait3A_737 : memref<1x16x1024xf32, #tpu.memory_space<hbm>> -> memref<16x1024xf32, #tpu.memory_space<hbm>>
    %dma_wait3A_739 = arith.constant 0 : i32
    %dma_wait3A_740 = tpu.memref_slice %arg5[%dma_wait3A_735, %add3A_734, %dma_wait3A_739] : memref<4x4096x1024xf32, #tpu.memory_space<hbm>> -> memref<1x16x1024xf32, #tpu.memory_space<hbm>>
    %dma_wait3A_741 = tpu.memref_squeeze %dma_wait3A_740 : memref<1x16x1024xf32, #tpu.memory_space<hbm>> -> memref<16x1024xf32, #tpu.memory_space<hbm>>
    tpu.wait_dma2 semaphore(%arg23 : memref<!tpu.dma_semaphore, #tpu.memory_space<semaphore_mem>>) src(%arg11 : memref<16x1024xf32, #tpu.memory_space<vmem>>) dst(%dma_wait3A_741 : memref<16x1024xf32, #tpu.memory_space<hbm>>)
    %add3A_742 = arith.constant 64 : i32
    %add3A_743 = arith.addi %mul3A_2, %add3A_742 : i32
    %dma_start3A_744 = arith.constant 3 : i32
    %dma_start3A_745 = arith.constant 0 : i32
    %dma_start3A_746 = tpu.memref_slice %arg2[%dma_start3A_744, %add3A_743, %dma_start3A_745] : memref<4x4096x1024xf32, #tpu.memory_space<hbm>> -> memref<1x16x1024xf32, #tpu.memory_space<hbm>>
    %dma_start3A_747 = tpu.memref_squeeze %dma_start3A_746 : memref<1x16x1024xf32, #tpu.memory_space<hbm>> -> memref<16x1024xf32, #tpu.memory_space<hbm>>
    %dma_start3A_748 = arith.constant 0 : i32
    %dma_start3A_749 = tpu.memref_slice %arg2[%dma_start3A_744, %add3A_743, %dma_start3A_748] : memref<4x4096x1024xf32, #tpu.memory_space<hbm>> -> memref<1x16x1024xf32, #tpu.memory_space<hbm>>
    %dma_start3A_750 = tpu.memref_squeeze %dma_start3A_749 : memref<1x16x1024xf32, #tpu.memory_space<hbm>> -> memref<16x1024xf32, #tpu.memory_space<hbm>>
    tpu.enqueue_dma source(%dma_start3A_750 : memref<16x1024xf32, #tpu.memory_space<hbm>>) target(%arg11 : memref<16x1024xf32, #tpu.memory_space<vmem>>) target_semaphore(%arg18 : memref<!tpu.dma_semaphore, #tpu.memory_space<semaphore_mem>>)
    %add3A_751 = arith.constant 64 : i32
    %add3A_752 = arith.addi %mul3A_2, %add3A_751 : i32
    %dma_wait3A_753 = arith.constant 1 : i32
    %dma_wait3A_754 = arith.constant 0 : i32
    %dma_wait3A_755 = tpu.memref_slice %arg2[%dma_wait3A_753, %add3A_752, %dma_wait3A_754] : memref<4x4096x1024xf32, #tpu.memory_space<hbm>> -> memref<1x16x1024xf32, #tpu.memory_space<hbm>>
    %dma_wait3A_756 = tpu.memref_squeeze %dma_wait3A_755 : memref<1x16x1024xf32, #tpu.memory_space<hbm>> -> memref<16x1024xf32, #tpu.memory_space<hbm>>
    %dma_wait3A_757 = arith.constant 0 : i32
    %dma_wait3A_758 = tpu.memref_slice %arg2[%dma_wait3A_753, %add3A_752, %dma_wait3A_757] : memref<4x4096x1024xf32, #tpu.memory_space<hbm>> -> memref<1x16x1024xf32, #tpu.memory_space<hbm>>
    %dma_wait3A_759 = tpu.memref_squeeze %dma_wait3A_758 : memref<1x16x1024xf32, #tpu.memory_space<hbm>> -> memref<16x1024xf32, #tpu.memory_space<hbm>>
    tpu.wait_dma2 semaphore(%arg16 : memref<!tpu.dma_semaphore, #tpu.memory_space<semaphore_mem>>) src(%dma_wait3A_759 : memref<16x1024xf32, #tpu.memory_space<hbm>>) dst(%arg9 : memref<16x1024xf32, #tpu.memory_space<vmem>>)
    %parallel_loop3A_760 = arith.constant 0 : i32
    %parallel_loop3A_761 = arith.constant 1024 : i32
    %parallel_loop3A_762 = arith.constant 1 : i32
    scf.for %parallel_loop3A_1362 = %parallel_loop3A_760 to %parallel_loop3A_761 step %parallel_loop3A_762  : i32 {
      %parallel_loop3A_1363 = arith.constant 64 : i32
      %parallel_loop3A_1364 = arith.divsi %parallel_loop3A_1362, %parallel_loop3A_1363 : i32
      %parallel_loop3A_1365 = arith.constant 0 : i32
      %parallel_loop3A_1366 = arith.cmpi sgt, %parallel_loop3A_1362, %parallel_loop3A_1365 : i32
      %parallel_loop3A_1367 = arith.extui %parallel_loop3A_1366 : i1 to i32
      %parallel_loop3A_1368 = arith.constant 0 : i32
      %parallel_loop3A_1369 = arith.cmpi slt, %parallel_loop3A_1362, %parallel_loop3A_1368 : i32
      %parallel_loop3A_1370 = arith.extui %parallel_loop3A_1369 : i1 to i32
      %parallel_loop3A_1371 = arith.subi %parallel_loop3A_1367, %parallel_loop3A_1370 : i32
      %parallel_loop3A_1372 = arith.constant 0 : i32
      %parallel_loop3A_1373 = arith.cmpi sgt, %parallel_loop3A_1363, %parallel_loop3A_1372 : i32
      %parallel_loop3A_1374 = arith.extui %parallel_loop3A_1373 : i1 to i32
      %parallel_loop3A_1375 = arith.constant 0 : i32
      %parallel_loop3A_1376 = arith.cmpi slt, %parallel_loop3A_1363, %parallel_loop3A_1375 : i32
      %parallel_loop3A_1377 = arith.extui %parallel_loop3A_1376 : i1 to i32
      %parallel_loop3A_1378 = arith.subi %parallel_loop3A_1374, %parallel_loop3A_1377 : i32
      %parallel_loop3A_1379 = arith.cmpi ne, %parallel_loop3A_1371, %parallel_loop3A_1378 : i32
      %parallel_loop3A_1380 = arith.remsi %parallel_loop3A_1362, %parallel_loop3A_1363 : i32
      %parallel_loop3A_1381 = arith.constant 0 : i32
      %parallel_loop3A_1382 = arith.cmpi ne, %parallel_loop3A_1380, %parallel_loop3A_1381 : i32
      %parallel_loop3A_1383 = arith.andi %parallel_loop3A_1379, %parallel_loop3A_1382 : i1
      %parallel_loop3A_1384 = arith.constant 1 : i32
      %parallel_loop3A_1385 = arith.subi %parallel_loop3A_1364, %parallel_loop3A_1384 : i32
      %parallel_loop3A_1386 = arith.select %parallel_loop3A_1383, %parallel_loop3A_1385, %parallel_loop3A_1364 : i32
      %parallel_loop3A_1387 = arith.constant 64 : i32
      %parallel_loop3A_1388 = arith.muli %parallel_loop3A_1386, %parallel_loop3A_1387 : i32
      %parallel_loop3A_1389 = arith.subi %parallel_loop3A_1362, %parallel_loop3A_1388 : i32
      %parallel_loop3A_1390 = arith.constant 16 : i32
      %parallel_loop3A_1391 = arith.muli %parallel_loop3A_1389, %parallel_loop3A_1390 : i32
      %parallel_loop3A_1392 = arith.index_cast %parallel_loop3A_1386 : i32 to index
      %parallel_loop3A_1393 = arith.index_cast %parallel_loop3A_1391 : i32 to index
      %parallel_loop3A_1394 = tpu.vector_load %arg12[%parallel_loop3A_1392, %parallel_loop3A_1393] {strides = array<i32>} : memref<16x1024xf32, #tpu.memory_space<vmem>>, vector<1x16xf32>,
      %parallel_loop3A_1395 = vector.shape_cast %parallel_loop3A_1394 : vector<1x16xf32> to vector<16xf32>
      %parallel_loop3A_1396 = arith.index_cast %parallel_loop3A_1386 : i32 to index
      %parallel_loop3A_1397 = arith.index_cast %parallel_loop3A_1391 : i32 to index
      %parallel_loop3A_1398 = tpu.vector_load %arg9[%parallel_loop3A_1396, %parallel_loop3A_1397] {strides = array<i32>} : memref<16x1024xf32, #tpu.memory_space<vmem>>, vector<1x16xf32>,
      %parallel_loop3A_1399 = vector.shape_cast %parallel_loop3A_1398 : vector<1x16xf32> to vector<16xf32>
      %parallel_loop3A_1400 = vector.shape_cast %parallel_loop3A_1395 : vector<16xf32> to vector<1x16xf32>
      tpu.vector_store %arg9[%parallel_loop3A_1396, %parallel_loop3A_1397], %parallel_loop3A_1400 {add = true, strides = array<i32>} : memref<16x1024xf32, #tpu.memory_space<vmem>>, vector<1x16xf32>,
    } {sc.loop_unroll_factor = 4 : i64, sc.parallel_access}
    %add3A_763 = arith.constant 64 : i32
    %add3A_764 = arith.addi %mul3A_2, %add3A_763 : i32
    %dma_start3A_765 = arith.constant 1 : i32
    %dma_start3A_766 = arith.constant 0 : i32
    %dma_start3A_767 = tpu.memref_slice %arg5[%dma_start3A_765, %add3A_764, %dma_start3A_766] : memref<4x4096x1024xf32, #tpu.memory_space<hbm>> -> memref<1x16x1024xf32, #tpu.memory_space<hbm>>
    %dma_start3A_768 = tpu.memref_squeeze %dma_start3A_767 : memref<1x16x1024xf32, #tpu.memory_space<hbm>> -> memref<16x1024xf32, #tpu.memory_space<hbm>>
    %dma_start3A_769 = arith.constant 0 : i32
    %dma_start3A_770 = tpu.memref_slice %arg5[%dma_start3A_765, %add3A_764, %dma_start3A_769] : memref<4x4096x1024xf32, #tpu.memory_space<hbm>> -> memref<1x16x1024xf32, #tpu.memory_space<hbm>>
    %dma_start3A_771 = tpu.memref_squeeze %dma_start3A_770 : memref<1x16x1024xf32, #tpu.memory_space<hbm>> -> memref<16x1024xf32, #tpu.memory_space<hbm>>
    tpu.enqueue_dma source(%arg9 : memref<16x1024xf32, #tpu.memory_space<vmem>>) target(%dma_start3A_771 : memref<16x1024xf32, #tpu.memory_space<hbm>>) target_semaphore(%arg21 : memref<!tpu.dma_semaphore, #tpu.memory_space<semaphore_mem>>)
    %add3A_772 = arith.constant 48 : i32
    %add3A_773 = arith.addi %mul3A_2, %add3A_772 : i32
    %dma_wait3A_774 = arith.constant 3 : i32
    %dma_wait3A_775 = arith.constant 0 : i32
    %dma_wait3A_776 = tpu.memref_slice %arg5[%dma_wait3A_774, %add3A_773, %dma_wait3A_775] : memref<4x4096x1024xf32, #tpu.memory_space<hbm>> -> memref<1x16x1024xf32, #tpu.memory_space<hbm>>
    %dma_wait3A_777 = tpu.memref_squeeze %dma_wait3A_776 : memref<1x16x1024xf32, #tpu.memory_space<hbm>> -> memref<16x1024xf32, #tpu.memory_space<hbm>>
    %dma_wait3A_778 = arith.constant 0 : i32
    %dma_wait3A_779 = tpu.memref_slice %arg5[%dma_wait3A_774, %add3A_773, %dma_wait3A_778] : memref<4x4096x1024xf32, #tpu.memory_space<hbm>> -> memref<1x16x1024xf32, #tpu.memory_space<hbm>>
    %dma_wait3A_780 = tpu.memref_squeeze %dma_wait3A_779 : memref<1x16x1024xf32, #tpu.memory_space<hbm>> -> memref<16x1024xf32, #tpu.memory_space<hbm>>
    tpu.wait_dma2 semaphore(%arg19 : memref<!tpu.dma_semaphore, #tpu.memory_space<semaphore_mem>>) src(%arg7 : memref<16x1024xf32, #tpu.memory_space<vmem>>) dst(%dma_wait3A_780 : memref<16x1024xf32, #tpu.memory_space<hbm>>)
    %add3A_781 = arith.constant 80 : i32
    %add3A_782 = arith.addi %mul3A_2, %add3A_781 : i32
    %dma_start3A_783 = arith.constant 0 : i32
    %dma_start3A_784 = arith.constant 0 : i32
    %dma_start3A_785 = tpu.memref_slice %arg2[%dma_start3A_783, %add3A_782, %dma_start3A_784] : memref<4x4096x1024xf32, #tpu.memory_space<hbm>> -> memref<1x16x1024xf32, #tpu.memory_space<hbm>>
    %dma_start3A_786 = tpu.memref_squeeze %dma_start3A_785 : memref<1x16x1024xf32, #tpu.memory_space<hbm>> -> memref<16x1024xf32, #tpu.memory_space<hbm>>
    %dma_start3A_787 = arith.constant 0 : i32
    %dma_start3A_788 = tpu.memref_slice %arg2[%dma_start3A_783, %add3A_782, %dma_start3A_787] : memref<4x4096x1024xf32, #tpu.memory_space<hbm>> -> memref<1x16x1024xf32, #tpu.memory_space<hbm>>
    %dma_start3A_789 = tpu.memref_squeeze %dma_start3A_788 : memref<1x16x1024xf32, #tpu.memory_space<hbm>> -> memref<16x1024xf32, #tpu.memory_space<hbm>>
    tpu.enqueue_dma source(%dma_start3A_789 : memref<16x1024xf32, #tpu.memory_space<hbm>>) target(%arg7 : memref<16x1024xf32, #tpu.memory_space<vmem>>) target_semaphore(%arg14 : memref<!tpu.dma_semaphore, #tpu.memory_space<semaphore_mem>>)
    %add3A_790 = arith.constant 64 : i32
    %add3A_791 = arith.addi %mul3A_2, %add3A_790 : i32
    %dma_wait3A_792 = arith.constant 2 : i32
    %dma_wait3A_793 = arith.constant 0 : i32
    %dma_wait3A_794 = tpu.memref_slice %arg2[%dma_wait3A_792, %add3A_791, %dma_wait3A_793] : memref<4x4096x1024xf32, #tpu.memory_space<hbm>> -> memref<1x16x1024xf32, #tpu.memory_space<hbm>>
    %dma_wait3A_795 = tpu.memref_squeeze %dma_wait3A_794 : memref<1x16x1024xf32, #tpu.memory_space<hbm>> -> memref<16x1024xf32, #tpu.memory_space<hbm>>
    %dma_wait3A_796 = arith.constant 0 : i32
    %dma_wait3A_797 = tpu.memref_slice %arg2[%dma_wait3A_792, %add3A_791, %dma_wait3A_796] : memref<4x4096x1024xf32, #tpu.memory_space<hbm>> -> memref<1x16x1024xf32, #tpu.memory_space<hbm>>
    %dma_wait3A_798 = tpu.memref_squeeze %dma_wait3A_797 : memref<1x16x1024xf32, #tpu.memory_space<hbm>> -> memref<16x1024xf32, #tpu.memory_space<hbm>>
    tpu.wait_dma2 semaphore(%arg17 : memref<!tpu.dma_semaphore, #tpu.memory_space<semaphore_mem>>) src(%dma_wait3A_798 : memref<16x1024xf32, #tpu.memory_space<hbm>>) dst(%arg10 : memref<16x1024xf32, #tpu.memory_space<vmem>>)
    %parallel_loop3A_799 = arith.constant 0 : i32
    %parallel_loop3A_800 = arith.constant 1024 : i32
    %parallel_loop3A_801 = arith.constant 1 : i32
    scf.for %parallel_loop3A_1362 = %parallel_loop3A_799 to %parallel_loop3A_800 step %parallel_loop3A_801  : i32 {
      %parallel_loop3A_1363 = arith.constant 64 : i32
      %parallel_loop3A_1364 = arith.divsi %parallel_loop3A_1362, %parallel_loop3A_1363 : i32
      %parallel_loop3A_1365 = arith.constant 0 : i32
      %parallel_loop3A_1366 = arith.cmpi sgt, %parallel_loop3A_1362, %parallel_loop3A_1365 : i32
      %parallel_loop3A_1367 = arith.extui %parallel_loop3A_1366 : i1 to i32
      %parallel_loop3A_1368 = arith.constant 0 : i32
      %parallel_loop3A_1369 = arith.cmpi slt, %parallel_loop3A_1362, %parallel_loop3A_1368 : i32
      %parallel_loop3A_1370 = arith.extui %parallel_loop3A_1369 : i1 to i32
      %parallel_loop3A_1371 = arith.subi %parallel_loop3A_1367, %parallel_loop3A_1370 : i32
      %parallel_loop3A_1372 = arith.constant 0 : i32
      %parallel_loop3A_1373 = arith.cmpi sgt, %parallel_loop3A_1363, %parallel_loop3A_1372 : i32
      %parallel_loop3A_1374 = arith.extui %parallel_loop3A_1373 : i1 to i32
      %parallel_loop3A_1375 = arith.constant 0 : i32
      %parallel_loop3A_1376 = arith.cmpi slt, %parallel_loop3A_1363, %parallel_loop3A_1375 : i32
      %parallel_loop3A_1377 = arith.extui %parallel_loop3A_1376 : i1 to i32
      %parallel_loop3A_1378 = arith.subi %parallel_loop3A_1374, %parallel_loop3A_1377 : i32
      %parallel_loop3A_1379 = arith.cmpi ne, %parallel_loop3A_1371, %parallel_loop3A_1378 : i32
      %parallel_loop3A_1380 = arith.remsi %parallel_loop3A_1362, %parallel_loop3A_1363 : i32
      %parallel_loop3A_1381 = arith.constant 0 : i32
      %parallel_loop3A_1382 = arith.cmpi ne, %parallel_loop3A_1380, %parallel_loop3A_1381 : i32
      %parallel_loop3A_1383 = arith.andi %parallel_loop3A_1379, %parallel_loop3A_1382 : i1
      %parallel_loop3A_1384 = arith.constant 1 : i32
      %parallel_loop3A_1385 = arith.subi %parallel_loop3A_1364, %parallel_loop3A_1384 : i32
      %parallel_loop3A_1386 = arith.select %parallel_loop3A_1383, %parallel_loop3A_1385, %parallel_loop3A_1364 : i32
      %parallel_loop3A_1387 = arith.constant 64 : i32
      %parallel_loop3A_1388 = arith.muli %parallel_loop3A_1386, %parallel_loop3A_1387 : i32
      %parallel_loop3A_1389 = arith.subi %parallel_loop3A_1362, %parallel_loop3A_1388 : i32
      %parallel_loop3A_1390 = arith.constant 16 : i32
      %parallel_loop3A_1391 = arith.muli %parallel_loop3A_1389, %parallel_loop3A_1390 : i32
      %parallel_loop3A_1392 = arith.index_cast %parallel_loop3A_1386 : i32 to index
      %parallel_loop3A_1393 = arith.index_cast %parallel_loop3A_1391 : i32 to index
      %parallel_loop3A_1394 = tpu.vector_load %arg12[%parallel_loop3A_1392, %parallel_loop3A_1393] {strides = array<i32>} : memref<16x1024xf32, #tpu.memory_space<vmem>>, vector<1x16xf32>,
      %parallel_loop3A_1395 = vector.shape_cast %parallel_loop3A_1394 : vector<1x16xf32> to vector<16xf32>
      %parallel_loop3A_1396 = arith.index_cast %parallel_loop3A_1386 : i32 to index
      %parallel_loop3A_1397 = arith.index_cast %parallel_loop3A_1391 : i32 to index
      %parallel_loop3A_1398 = tpu.vector_load %arg10[%parallel_loop3A_1396, %parallel_loop3A_1397] {strides = array<i32>} : memref<16x1024xf32, #tpu.memory_space<vmem>>, vector<1x16xf32>,
      %parallel_loop3A_1399 = vector.shape_cast %parallel_loop3A_1398 : vector<1x16xf32> to vector<16xf32>
      %parallel_loop3A_1400 = vector.shape_cast %parallel_loop3A_1395 : vector<16xf32> to vector<1x16xf32>
      tpu.vector_store %arg10[%parallel_loop3A_1396, %parallel_loop3A_1397], %parallel_loop3A_1400 {add = true, strides = array<i32>} : memref<16x1024xf32, #tpu.memory_space<vmem>>, vector<1x16xf32>,
    } {sc.loop_unroll_factor = 4 : i64, sc.parallel_access}
    %add3A_802 = arith.constant 64 : i32
    %add3A_803 = arith.addi %mul3A_2, %add3A_802 : i32
    %dma_start3A_804 = arith.constant 2 : i32
    %dma_start3A_805 = arith.constant 0 : i32
    %dma_start3A_806 = tpu.memref_slice %arg5[%dma_start3A_804, %add3A_803, %dma_start3A_805] : memref<4x4096x1024xf32, #tpu.memory_space<hbm>> -> memref<1x16x1024xf32, #tpu.memory_space<hbm>>
    %dma_start3A_807 = tpu.memref_squeeze %dma_start3A_806 : memref<1x16x1024xf32, #tpu.memory_space<hbm>> -> memref<16x1024xf32, #tpu.memory_space<hbm>>
    %dma_start3A_808 = arith.constant 0 : i32
    %dma_start3A_809 = tpu.memref_slice %arg5[%dma_start3A_804, %add3A_803, %dma_start3A_808] : memref<4x4096x1024xf32, #tpu.memory_space<hbm>> -> memref<1x16x1024xf32, #tpu.memory_space<hbm>>
    %dma_start3A_810 = tpu.memref_squeeze %dma_start3A_809 : memref<1x16x1024xf32, #tpu.memory_space<hbm>> -> memref<16x1024xf32, #tpu.memory_space<hbm>>
    tpu.enqueue_dma source(%arg10 : memref<16x1024xf32, #tpu.memory_space<vmem>>) target(%dma_start3A_810 : memref<16x1024xf32, #tpu.memory_space<hbm>>) target_semaphore(%arg22 : memref<!tpu.dma_semaphore, #tpu.memory_space<semaphore_mem>>)
    %add3A_811 = arith.constant 64 : i32
    %add3A_812 = arith.addi %mul3A_2, %add3A_811 : i32
    %dma_wait3A_813 = arith.constant 0 : i32
    %dma_wait3A_814 = arith.constant 0 : i32
    %dma_wait3A_815 = tpu.memref_slice %arg5[%dma_wait3A_813, %add3A_812, %dma_wait3A_814] : memref<4x4096x1024xf32, #tpu.memory_space<hbm>> -> memref<1x16x1024xf32, #tpu.memory_space<hbm>>
    %dma_wait3A_816 = tpu.memref_squeeze %dma_wait3A_815 : memref<1x16x1024xf32, #tpu.memory_space<hbm>> -> memref<16x1024xf32, #tpu.memory_space<hbm>>
    %dma_wait3A_817 = arith.constant 0 : i32
    %dma_wait3A_818 = tpu.memref_slice %arg5[%dma_wait3A_813, %add3A_812, %dma_wait3A_817] : memref<4x4096x1024xf32, #tpu.memory_space<hbm>> -> memref<1x16x1024xf32, #tpu.memory_space<hbm>>
    %dma_wait3A_819 = tpu.memref_squeeze %dma_wait3A_818 : memref<1x16x1024xf32, #tpu.memory_space<hbm>> -> memref<16x1024xf32, #tpu.memory_space<hbm>>
    tpu.wait_dma2 semaphore(%arg20 : memref<!tpu.dma_semaphore, #tpu.memory_space<semaphore_mem>>) src(%arg8 : memref<16x1024xf32, #tpu.memory_space<vmem>>) dst(%dma_wait3A_819 : memref<16x1024xf32, #tpu.memory_space<hbm>>)
    %add3A_820 = arith.constant 80 : i32
    %add3A_821 = arith.addi %mul3A_2, %add3A_820 : i32
    %dma_start3A_822 = arith.constant 1 : i32
    %dma_start3A_823 = arith.constant 0 : i32
    %dma_start3A_824 = tpu.memref_slice %arg2[%dma_start3A_822, %add3A_821, %dma_start3A_823] : memref<4x4096x1024xf32, #tpu.memory_space<hbm>> -> memref<1x16x1024xf32, #tpu.memory_space<hbm>>
    %dma_start3A_825 = tpu.memref_squeeze %dma_start3A_824 : memref<1x16x1024xf32, #tpu.memory_space<hbm>> -> memref<16x1024xf32, #tpu.memory_space<hbm>>
    %dma_start3A_826 = arith.constant 0 : i32
    %dma_start3A_827 = tpu.memref_slice %arg2[%dma_start3A_822, %add3A_821, %dma_start3A_826] : memref<4x4096x1024xf32, #tpu.memory_space<hbm>> -> memref<1x16x1024xf32, #tpu.memory_space<hbm>>
    %dma_start3A_828 = tpu.memref_squeeze %dma_start3A_827 : memref<1x16x1024xf32, #tpu.memory_space<hbm>> -> memref<16x1024xf32, #tpu.memory_space<hbm>>
    tpu.enqueue_dma source(%dma_start3A_828 : memref<16x1024xf32, #tpu.memory_space<hbm>>) target(%arg8 : memref<16x1024xf32, #tpu.memory_space<vmem>>) target_semaphore(%arg15 : memref<!tpu.dma_semaphore, #tpu.memory_space<semaphore_mem>>)
    %add3A_829 = arith.constant 64 : i32
    %add3A_830 = arith.addi %mul3A_2, %add3A_829 : i32
    %dma_wait3A_831 = arith.constant 3 : i32
    %dma_wait3A_832 = arith.constant 0 : i32
    %dma_wait3A_833 = tpu.memref_slice %arg2[%dma_wait3A_831, %add3A_830, %dma_wait3A_832] : memref<4x4096x1024xf32, #tpu.memory_space<hbm>> -> memref<1x16x1024xf32, #tpu.memory_space<hbm>>
    %dma_wait3A_834 = tpu.memref_squeeze %dma_wait3A_833 : memref<1x16x1024xf32, #tpu.memory_space<hbm>> -> memref<16x1024xf32, #tpu.memory_space<hbm>>
    %dma_wait3A_835 = arith.constant 0 : i32
    %dma_wait3A_836 = tpu.memref_slice %arg2[%dma_wait3A_831, %add3A_830, %dma_wait3A_835] : memref<4x4096x1024xf32, #tpu.memory_space<hbm>> -> memref<1x16x1024xf32, #tpu.memory_space<hbm>>
    %dma_wait3A_837 = tpu.memref_squeeze %dma_wait3A_836 : memref<1x16x1024xf32, #tpu.memory_space<hbm>> -> memref<16x1024xf32, #tpu.memory_space<hbm>>
    tpu.wait_dma2 semaphore(%arg18 : memref<!tpu.dma_semaphore, #tpu.memory_space<semaphore_mem>>) src(%dma_wait3A_837 : memref<16x1024xf32, #tpu.memory_space<hbm>>) dst(%arg11 : memref<16x1024xf32, #tpu.memory_space<vmem>>)
    %parallel_loop3A_838 = arith.constant 0 : i32
    %parallel_loop3A_839 = arith.constant 1024 : i32
    %parallel_loop3A_840 = arith.constant 1 : i32
    scf.for %parallel_loop3A_1362 = %parallel_loop3A_838 to %parallel_loop3A_839 step %parallel_loop3A_840  : i32 {
      %parallel_loop3A_1363 = arith.constant 64 : i32
      %parallel_loop3A_1364 = arith.divsi %parallel_loop3A_1362, %parallel_loop3A_1363 : i32
      %parallel_loop3A_1365 = arith.constant 0 : i32
      %parallel_loop3A_1366 = arith.cmpi sgt, %parallel_loop3A_1362, %parallel_loop3A_1365 : i32
      %parallel_loop3A_1367 = arith.extui %parallel_loop3A_1366 : i1 to i32
      %parallel_loop3A_1368 = arith.constant 0 : i32
      %parallel_loop3A_1369 = arith.cmpi slt, %parallel_loop3A_1362, %parallel_loop3A_1368 : i32
      %parallel_loop3A_1370 = arith.extui %parallel_loop3A_1369 : i1 to i32
      %parallel_loop3A_1371 = arith.subi %parallel_loop3A_1367, %parallel_loop3A_1370 : i32
      %parallel_loop3A_1372 = arith.constant 0 : i32
      %parallel_loop3A_1373 = arith.cmpi sgt, %parallel_loop3A_1363, %parallel_loop3A_1372 : i32
      %parallel_loop3A_1374 = arith.extui %parallel_loop3A_1373 : i1 to i32
      %parallel_loop3A_1375 = arith.constant 0 : i32
      %parallel_loop3A_1376 = arith.cmpi slt, %parallel_loop3A_1363, %parallel_loop3A_1375 : i32
      %parallel_loop3A_1377 = arith.extui %parallel_loop3A_1376 : i1 to i32
      %parallel_loop3A_1378 = arith.subi %parallel_loop3A_1374, %parallel_loop3A_1377 : i32
      %parallel_loop3A_1379 = arith.cmpi ne, %parallel_loop3A_1371, %parallel_loop3A_1378 : i32
      %parallel_loop3A_1380 = arith.remsi %parallel_loop3A_1362, %parallel_loop3A_1363 : i32
      %parallel_loop3A_1381 = arith.constant 0 : i32
      %parallel_loop3A_1382 = arith.cmpi ne, %parallel_loop3A_1380, %parallel_loop3A_1381 : i32
      %parallel_loop3A_1383 = arith.andi %parallel_loop3A_1379, %parallel_loop3A_1382 : i1
      %parallel_loop3A_1384 = arith.constant 1 : i32
      %parallel_loop3A_1385 = arith.subi %parallel_loop3A_1364, %parallel_loop3A_1384 : i32
      %parallel_loop3A_1386 = arith.select %parallel_loop3A_1383, %parallel_loop3A_1385, %parallel_loop3A_1364 : i32
      %parallel_loop3A_1387 = arith.constant 64 : i32
      %parallel_loop3A_1388 = arith.muli %parallel_loop3A_1386, %parallel_loop3A_1387 : i32
      %parallel_loop3A_1389 = arith.subi %parallel_loop3A_1362, %parallel_loop3A_1388 : i32
      %parallel_loop3A_1390 = arith.constant 16 : i32
      %parallel_loop3A_1391 = arith.muli %parallel_loop3A_1389, %parallel_loop3A_1390 : i32
      %parallel_loop3A_1392 = arith.index_cast %parallel_loop3A_1386 : i32 to index
      %parallel_loop3A_1393 = arith.index_cast %parallel_loop3A_1391 : i32 to index
      %parallel_loop3A_1394 = tpu.vector_load %arg12[%parallel_loop3A_1392, %parallel_loop3A_1393] {strides = array<i32>} : memref<16x1024xf32, #tpu.memory_space<vmem>>, vector<1x16xf32>,
      %parallel_loop3A_1395 = vector.shape_cast %parallel_loop3A_1394 : vector<1x16xf32> to vector<16xf32>
      %parallel_loop3A_1396 = arith.index_cast %parallel_loop3A_1386 : i32 to index
      %parallel_loop3A_1397 = arith.index_cast %parallel_loop3A_1391 : i32 to index
      %parallel_loop3A_1398 = tpu.vector_load %arg11[%parallel_loop3A_1396, %parallel_loop3A_1397] {strides = array<i32>} : memref<16x1024xf32, #tpu.memory_space<vmem>>, vector<1x16xf32>,
      %parallel_loop3A_1399 = vector.shape_cast %parallel_loop3A_1398 : vector<1x16xf32> to vector<16xf32>
      %parallel_loop3A_1400 = vector.shape_cast %parallel_loop3A_1395 : vector<16xf32> to vector<1x16xf32>
      tpu.vector_store %arg11[%parallel_loop3A_1396, %parallel_loop3A_1397], %parallel_loop3A_1400 {add = true, strides = array<i32>} : memref<16x1024xf32, #tpu.memory_space<vmem>>, vector<1x16xf32>,
    } {sc.loop_unroll_factor = 4 : i64, sc.parallel_access}
    %add3A_841 = arith.constant 64 : i32
    %add3A_842 = arith.addi %mul3A_2, %add3A_841 : i32
    %dma_start3A_843 = arith.constant 3 : i32
    %dma_start3A_844 = arith.constant 0 : i32
    %dma_start3A_845 = tpu.memref_slice %arg5[%dma_start3A_843, %add3A_842, %dma_start3A_844] : memref<4x4096x1024xf32, #tpu.memory_space<hbm>> -> memref<1x16x1024xf32, #tpu.memory_space<hbm>>
    %dma_start3A_846 = tpu.memref_squeeze %dma_start3A_845 : memref<1x16x1024xf32, #tpu.memory_space<hbm>> -> memref<16x1024xf32, #tpu.memory_space<hbm>>
    %dma_start3A_847 = arith.constant 0 : i32
    %dma_start3A_848 = tpu.memref_slice %arg5[%dma_start3A_843, %add3A_842, %dma_start3A_847] : memref<4x4096x1024xf32, #tpu.memory_space<hbm>> -> memref<1x16x1024xf32, #tpu.memory_space<hbm>>
    %dma_start3A_849 = tpu.memref_squeeze %dma_start3A_848 : memref<1x16x1024xf32, #tpu.memory_space<hbm>> -> memref<16x1024xf32, #tpu.memory_space<hbm>>
    tpu.enqueue_dma source(%arg11 : memref<16x1024xf32, #tpu.memory_space<vmem>>) target(%dma_start3A_849 : memref<16x1024xf32, #tpu.memory_space<hbm>>) target_semaphore(%arg23 : memref<!tpu.dma_semaphore, #tpu.memory_space<semaphore_mem>>)
    %dma_start3A_850 = arith.constant 6 : i32
    %dma_start3A_851 = arith.constant 0 : i32
    %dma_start3A_852 = tpu.memref_slice %arg6[%dma_start3A_850, %dma_start3A_851] : memref<8x16xi32, #tpu.memory_space<vmem>> -> memref<1x16xi32, #tpu.memory_space<vmem>>
    %dma_start3A_853 = tpu.memref_squeeze %dma_start3A_852 : memref<1x16xi32, #tpu.memory_space<vmem>> -> memref<16xi32, #tpu.memory_space<vmem>>
    %dma_start3A_854 = arith.constant 0 : i32
    %dma_start3A_855 = arith.constant 0 : i32
    %dma_start3A_856 = tpu.memref_slice %arg3[%dma_start3A_854, %dma_start3A_855] : memref<8192x1024xf32, #tpu.memory_space<hbm>> -> memref<8192x1024xf32, #tpu.memory_space<hbm>>
    tpu.enqueue_indirect_dma source(%dma_start3A_856 : memref<8192x1024xf32, #tpu.memory_space<hbm>>) target(%arg12 : memref<16x1024xf32, #tpu.memory_space<vmem>>) offsets(%dma_start3A_853 : memref<16xi32, #tpu.memory_space<vmem>>) semaphore(%arg24 : memref<!tpu.dma_semaphore, #tpu.memory_space<semaphore_mem>>)
    %add3A_857 = arith.constant 64 : i32
    %add3A_858 = arith.addi %mul3A_2, %add3A_857 : i32
    %dma_wait3A_859 = arith.constant 1 : i32
    %dma_wait3A_860 = arith.constant 0 : i32
    %dma_wait3A_861 = tpu.memref_slice %arg5[%dma_wait3A_859, %add3A_858, %dma_wait3A_860] : memref<4x4096x1024xf32, #tpu.memory_space<hbm>> -> memref<1x16x1024xf32, #tpu.memory_space<hbm>>
    %dma_wait3A_862 = tpu.memref_squeeze %dma_wait3A_861 : memref<1x16x1024xf32, #tpu.memory_space<hbm>> -> memref<16x1024xf32, #tpu.memory_space<hbm>>
    %dma_wait3A_863 = arith.constant 0 : i32
    %dma_wait3A_864 = tpu.memref_slice %arg5[%dma_wait3A_859, %add3A_858, %dma_wait3A_863] : memref<4x4096x1024xf32, #tpu.memory_space<hbm>> -> memref<1x16x1024xf32, #tpu.memory_space<hbm>>
    %dma_wait3A_865 = tpu.memref_squeeze %dma_wait3A_864 : memref<1x16x1024xf32, #tpu.memory_space<hbm>> -> memref<16x1024xf32, #tpu.memory_space<hbm>>
    tpu.wait_dma2 semaphore(%arg21 : memref<!tpu.dma_semaphore, #tpu.memory_space<semaphore_mem>>) src(%arg9 : memref<16x1024xf32, #tpu.memory_space<vmem>>) dst(%dma_wait3A_865 : memref<16x1024xf32, #tpu.memory_space<hbm>>)
    %add3A_866 = arith.constant 80 : i32
    %add3A_867 = arith.addi %mul3A_2, %add3A_866 : i32
    %dma_start3A_868 = arith.constant 2 : i32
    %dma_start3A_869 = arith.constant 0 : i32
    %dma_start3A_870 = tpu.memref_slice %arg2[%dma_start3A_868, %add3A_867, %dma_start3A_869] : memref<4x4096x1024xf32, #tpu.memory_space<hbm>> -> memref<1x16x1024xf32, #tpu.memory_space<hbm>>
    %dma_start3A_871 = tpu.memref_squeeze %dma_start3A_870 : memref<1x16x1024xf32, #tpu.memory_space<hbm>> -> memref<16x1024xf32, #tpu.memory_space<hbm>>
    %dma_start3A_872 = arith.constant 0 : i32
    %dma_start3A_873 = tpu.memref_slice %arg2[%dma_start3A_868, %add3A_867, %dma_start3A_872] : memref<4x4096x1024xf32, #tpu.memory_space<hbm>> -> memref<1x16x1024xf32, #tpu.memory_space<hbm>>
    %dma_start3A_874 = tpu.memref_squeeze %dma_start3A_873 : memref<1x16x1024xf32, #tpu.memory_space<hbm>> -> memref<16x1024xf32, #tpu.memory_space<hbm>>
    tpu.enqueue_dma source(%dma_start3A_874 : memref<16x1024xf32, #tpu.memory_space<hbm>>) target(%arg9 : memref<16x1024xf32, #tpu.memory_space<vmem>>) target_semaphore(%arg16 : memref<!tpu.dma_semaphore, #tpu.memory_space<semaphore_mem>>)
    %dma_wait3A_875 = arith.constant 5 : i32
    %dma_wait3A_876 = arith.constant 0 : i32
    %dma_wait3A_877 = tpu.memref_slice %arg6[%dma_wait3A_875, %dma_wait3A_876] : memref<8x16xi32, #tpu.memory_space<vmem>> -> memref<1x16xi32, #tpu.memory_space<vmem>>
    %dma_wait3A_878 = tpu.memref_squeeze %dma_wait3A_877 : memref<1x16xi32, #tpu.memory_space<vmem>> -> memref<16xi32, #tpu.memory_space<vmem>>
    %dma_wait3A_879 = arith.constant 0 : i32
    %dma_wait3A_880 = arith.constant 0 : i32
    %dma_wait3A_881 = tpu.memref_slice %arg3[%dma_wait3A_879, %dma_wait3A_880] : memref<8192x1024xf32, #tpu.memory_space<hbm>> -> memref<8192x1024xf32, #tpu.memory_space<hbm>>
    tpu.wait_indirect_dma semaphore(%arg25 : memref<!tpu.dma_semaphore, #tpu.memory_space<semaphore_mem>>) src(%dma_wait3A_881 : memref<8192x1024xf32, #tpu.memory_space<hbm>>) dst(%arg13 : memref<16x1024xf32, #tpu.memory_space<vmem>>)
    %add3A_882 = arith.constant 80 : i32
    %add3A_883 = arith.addi %mul3A_2, %add3A_882 : i32
    %dma_wait3A_884 = arith.constant 0 : i32
    %dma_wait3A_885 = arith.constant 0 : i32
    %dma_wait3A_886 = tpu.memref_slice %arg2[%dma_wait3A_884, %add3A_883, %dma_wait3A_885] : memref<4x4096x1024xf32, #tpu.memory_space<hbm>> -> memref<1x16x1024xf32, #tpu.memory_space<hbm>>
    %dma_wait3A_887 = tpu.memref_squeeze %dma_wait3A_886 : memref<1x16x1024xf32, #tpu.memory_space<hbm>> -> memref<16x1024xf32, #tpu.memory_space<hbm>>
    %dma_wait3A_888 = arith.constant 0 : i32
    %dma_wait3A_889 = tpu.memref_slice %arg2[%dma_wait3A_884, %add3A_883, %dma_wait3A_888] : memref<4x4096x1024xf32, #tpu.memory_space<hbm>> -> memref<1x16x1024xf32, #tpu.memory_space<hbm>>
    %dma_wait3A_890 = tpu.memref_squeeze %dma_wait3A_889 : memref<1x16x1024xf32, #tpu.memory_space<hbm>> -> memref<16x1024xf32, #tpu.memory_space<hbm>>
    tpu.wait_dma2 semaphore(%arg14 : memref<!tpu.dma_semaphore, #tpu.memory_space<semaphore_mem>>) src(%dma_wait3A_890 : memref<16x1024xf32, #tpu.memory_space<hbm>>) dst(%arg7 : memref<16x1024xf32, #tpu.memory_space<vmem>>)
    %parallel_loop3A_891 = arith.constant 0 : i32
    %parallel_loop3A_892 = arith.constant 1024 : i32
    %parallel_loop3A_893 = arith.constant 1 : i32
    scf.for %parallel_loop3A_1362 = %parallel_loop3A_891 to %parallel_loop3A_892 step %parallel_loop3A_893  : i32 {
      %parallel_loop3A_1363 = arith.constant 64 : i32
      %parallel_loop3A_1364 = arith.divsi %parallel_loop3A_1362, %parallel_loop3A_1363 : i32
      %parallel_loop3A_1365 = arith.constant 0 : i32
      %parallel_loop3A_1366 = arith.cmpi sgt, %parallel_loop3A_1362, %parallel_loop3A_1365 : i32
      %parallel_loop3A_1367 = arith.extui %parallel_loop3A_1366 : i1 to i32
      %parallel_loop3A_1368 = arith.constant 0 : i32
      %parallel_loop3A_1369 = arith.cmpi slt, %parallel_loop3A_1362, %parallel_loop3A_1368 : i32
      %parallel_loop3A_1370 = arith.extui %parallel_loop3A_1369 : i1 to i32
      %parallel_loop3A_1371 = arith.subi %parallel_loop3A_1367, %parallel_loop3A_1370 : i32
      %parallel_loop3A_1372 = arith.constant 0 : i32
      %parallel_loop3A_1373 = arith.cmpi sgt, %parallel_loop3A_1363, %parallel_loop3A_1372 : i32
      %parallel_loop3A_1374 = arith.extui %parallel_loop3A_1373 : i1 to i32
      %parallel_loop3A_1375 = arith.constant 0 : i32
      %parallel_loop3A_1376 = arith.cmpi slt, %parallel_loop3A_1363, %parallel_loop3A_1375 : i32
      %parallel_loop3A_1377 = arith.extui %parallel_loop3A_1376 : i1 to i32
      %parallel_loop3A_1378 = arith.subi %parallel_loop3A_1374, %parallel_loop3A_1377 : i32
      %parallel_loop3A_1379 = arith.cmpi ne, %parallel_loop3A_1371, %parallel_loop3A_1378 : i32
      %parallel_loop3A_1380 = arith.remsi %parallel_loop3A_1362, %parallel_loop3A_1363 : i32
      %parallel_loop3A_1381 = arith.constant 0 : i32
      %parallel_loop3A_1382 = arith.cmpi ne, %parallel_loop3A_1380, %parallel_loop3A_1381 : i32
      %parallel_loop3A_1383 = arith.andi %parallel_loop3A_1379, %parallel_loop3A_1382 : i1
      %parallel_loop3A_1384 = arith.constant 1 : i32
      %parallel_loop3A_1385 = arith.subi %parallel_loop3A_1364, %parallel_loop3A_1384 : i32
      %parallel_loop3A_1386 = arith.select %parallel_loop3A_1383, %parallel_loop3A_1385, %parallel_loop3A_1364 : i32
      %parallel_loop3A_1387 = arith.constant 64 : i32
      %parallel_loop3A_1388 = arith.muli %parallel_loop3A_1386, %parallel_loop3A_1387 : i32
      %parallel_loop3A_1389 = arith.subi %parallel_loop3A_1362, %parallel_loop3A_1388 : i32
      %parallel_loop3A_1390 = arith.constant 16 : i32
      %parallel_loop3A_1391 = arith.muli %parallel_loop3A_1389, %parallel_loop3A_1390 : i32
      %parallel_loop3A_1392 = arith.index_cast %parallel_loop3A_1386 : i32 to index
      %parallel_loop3A_1393 = arith.index_cast %parallel_loop3A_1391 : i32 to index
      %parallel_loop3A_1394 = tpu.vector_load %arg13[%parallel_loop3A_1392, %parallel_loop3A_1393] {strides = array<i32>} : memref<16x1024xf32, #tpu.memory_space<vmem>>, vector<1x16xf32>,
      %parallel_loop3A_1395 = vector.shape_cast %parallel_loop3A_1394 : vector<1x16xf32> to vector<16xf32>
      %parallel_loop3A_1396 = arith.index_cast %parallel_loop3A_1386 : i32 to index
      %parallel_loop3A_1397 = arith.index_cast %parallel_loop3A_1391 : i32 to index
      %parallel_loop3A_1398 = tpu.vector_load %arg7[%parallel_loop3A_1396, %parallel_loop3A_1397] {strides = array<i32>} : memref<16x1024xf32, #tpu.memory_space<vmem>>, vector<1x16xf32>,
      %parallel_loop3A_1399 = vector.shape_cast %parallel_loop3A_1398 : vector<1x16xf32> to vector<16xf32>
      %parallel_loop3A_1400 = vector.shape_cast %parallel_loop3A_1395 : vector<16xf32> to vector<1x16xf32>
      tpu.vector_store %arg7[%parallel_loop3A_1396, %parallel_loop3A_1397], %parallel_loop3A_1400 {add = true, strides = array<i32>} : memref<16x1024xf32, #tpu.memory_space<vmem>>, vector<1x16xf32>,
    } {sc.loop_unroll_factor = 4 : i64, sc.parallel_access}
    %add3A_894 = arith.constant 80 : i32
    %add3A_895 = arith.addi %mul3A_2, %add3A_894 : i32
    %dma_start3A_896 = arith.constant 0 : i32
    %dma_start3A_897 = arith.constant 0 : i32
    %dma_start3A_898 = tpu.memref_slice %arg5[%dma_start3A_896, %add3A_895, %dma_start3A_897] : memref<4x4096x1024xf32, #tpu.memory_space<hbm>> -> memref<1x16x1024xf32, #tpu.memory_space<hbm>>
    %dma_start3A_899 = tpu.memref_squeeze %dma_start3A_898 : memref<1x16x1024xf32, #tpu.memory_space<hbm>> -> memref<16x1024xf32, #tpu.memory_space<hbm>>
    %dma_start3A_900 = arith.constant 0 : i32
    %dma_start3A_901 = tpu.memref_slice %arg5[%dma_start3A_896, %add3A_895, %dma_start3A_900] : memref<4x4096x1024xf32, #tpu.memory_space<hbm>> -> memref<1x16x1024xf32, #tpu.memory_space<hbm>>
    %dma_start3A_902 = tpu.memref_squeeze %dma_start3A_901 : memref<1x16x1024xf32, #tpu.memory_space<hbm>> -> memref<16x1024xf32, #tpu.memory_space<hbm>>
    tpu.enqueue_dma source(%arg7 : memref<16x1024xf32, #tpu.memory_space<vmem>>) target(%dma_start3A_902 : memref<16x1024xf32, #tpu.memory_space<hbm>>) target_semaphore(%arg19 : memref<!tpu.dma_semaphore, #tpu.memory_space<semaphore_mem>>)
    %add3A_903 = arith.constant 64 : i32
    %add3A_904 = arith.addi %mul3A_2, %add3A_903 : i32
    %dma_wait3A_905 = arith.constant 2 : i32
    %dma_wait3A_906 = arith.constant 0 : i32
    %dma_wait3A_907 = tpu.memref_slice %arg5[%dma_wait3A_905, %add3A_904, %dma_wait3A_906] : memref<4x4096x1024xf32, #tpu.memory_space<hbm>> -> memref<1x16x1024xf32, #tpu.memory_space<hbm>>
    %dma_wait3A_908 = tpu.memref_squeeze %dma_wait3A_907 : memref<1x16x1024xf32, #tpu.memory_space<hbm>> -> memref<16x1024xf32, #tpu.memory_space<hbm>>
    %dma_wait3A_909 = arith.constant 0 : i32
    %dma_wait3A_910 = tpu.memref_slice %arg5[%dma_wait3A_905, %add3A_904, %dma_wait3A_909] : memref<4x4096x1024xf32, #tpu.memory_space<hbm>> -> memref<1x16x1024xf32, #tpu.memory_space<hbm>>
    %dma_wait3A_911 = tpu.memref_squeeze %dma_wait3A_910 : memref<1x16x1024xf32, #tpu.memory_space<hbm>> -> memref<16x1024xf32, #tpu.memory_space<hbm>>
    tpu.wait_dma2 semaphore(%arg22 : memref<!tpu.dma_semaphore, #tpu.memory_space<semaphore_mem>>) src(%arg10 : memref<16x1024xf32, #tpu.memory_space<vmem>>) dst(%dma_wait3A_911 : memref<16x1024xf32, #tpu.memory_space<hbm>>)
    %add3A_912 = arith.constant 80 : i32
    %add3A_913 = arith.addi %mul3A_2, %add3A_912 : i32
    %dma_start3A_914 = arith.constant 3 : i32
    %dma_start3A_915 = arith.constant 0 : i32
    %dma_start3A_916 = tpu.memref_slice %arg2[%dma_start3A_914, %add3A_913, %dma_start3A_915] : memref<4x4096x1024xf32, #tpu.memory_space<hbm>> -> memref<1x16x1024xf32, #tpu.memory_space<hbm>>
    %dma_start3A_917 = tpu.memref_squeeze %dma_start3A_916 : memref<1x16x1024xf32, #tpu.memory_space<hbm>> -> memref<16x1024xf32, #tpu.memory_space<hbm>>
    %dma_start3A_918 = arith.constant 0 : i32
    %dma_start3A_919 = tpu.memref_slice %arg2[%dma_start3A_914, %add3A_913, %dma_start3A_918] : memref<4x4096x1024xf32, #tpu.memory_space<hbm>> -> memref<1x16x1024xf32, #tpu.memory_space<hbm>>
    %dma_start3A_920 = tpu.memref_squeeze %dma_start3A_919 : memref<1x16x1024xf32, #tpu.memory_space<hbm>> -> memref<16x1024xf32, #tpu.memory_space<hbm>>
    tpu.enqueue_dma source(%dma_start3A_920 : memref<16x1024xf32, #tpu.memory_space<hbm>>) target(%arg10 : memref<16x1024xf32, #tpu.memory_space<vmem>>) target_semaphore(%arg17 : memref<!tpu.dma_semaphore, #tpu.memory_space<semaphore_mem>>)
    %add3A_921 = arith.constant 80 : i32
    %add3A_922 = arith.addi %mul3A_2, %add3A_921 : i32
    %dma_wait3A_923 = arith.constant 1 : i32
    %dma_wait3A_924 = arith.constant 0 : i32
    %dma_wait3A_925 = tpu.memref_slice %arg2[%dma_wait3A_923, %add3A_922, %dma_wait3A_924] : memref<4x4096x1024xf32, #tpu.memory_space<hbm>> -> memref<1x16x1024xf32, #tpu.memory_space<hbm>>
    %dma_wait3A_926 = tpu.memref_squeeze %dma_wait3A_925 : memref<1x16x1024xf32, #tpu.memory_space<hbm>> -> memref<16x1024xf32, #tpu.memory_space<hbm>>
    %dma_wait3A_927 = arith.constant 0 : i32
    %dma_wait3A_928 = tpu.memref_slice %arg2[%dma_wait3A_923, %add3A_922, %dma_wait3A_927] : memref<4x4096x1024xf32, #tpu.memory_space<hbm>> -> memref<1x16x1024xf32, #tpu.memory_space<hbm>>
    %dma_wait3A_929 = tpu.memref_squeeze %dma_wait3A_928 : memref<1x16x1024xf32, #tpu.memory_space<hbm>> -> memref<16x1024xf32, #tpu.memory_space<hbm>>
    tpu.wait_dma2 semaphore(%arg15 : memref<!tpu.dma_semaphore, #tpu.memory_space<semaphore_mem>>) src(%dma_wait3A_929 : memref<16x1024xf32, #tpu.memory_space<hbm>>) dst(%arg8 : memref<16x1024xf32, #tpu.memory_space<vmem>>)
    %parallel_loop3A_930 = arith.constant 0 : i32
    %parallel_loop3A_931 = arith.constant 1024 : i32
    %parallel_loop3A_932 = arith.constant 1 : i32
    scf.for %parallel_loop3A_1362 = %parallel_loop3A_930 to %parallel_loop3A_931 step %parallel_loop3A_932  : i32 {
      %parallel_loop3A_1363 = arith.constant 64 : i32
      %parallel_loop3A_1364 = arith.divsi %parallel_loop3A_1362, %parallel_loop3A_1363 : i32
      %parallel_loop3A_1365 = arith.constant 0 : i32
      %parallel_loop3A_1366 = arith.cmpi sgt, %parallel_loop3A_1362, %parallel_loop3A_1365 : i32
      %parallel_loop3A_1367 = arith.extui %parallel_loop3A_1366 : i1 to i32
      %parallel_loop3A_1368 = arith.constant 0 : i32
      %parallel_loop3A_1369 = arith.cmpi slt, %parallel_loop3A_1362, %parallel_loop3A_1368 : i32
      %parallel_loop3A_1370 = arith.extui %parallel_loop3A_1369 : i1 to i32
      %parallel_loop3A_1371 = arith.subi %parallel_loop3A_1367, %parallel_loop3A_1370 : i32
      %parallel_loop3A_1372 = arith.constant 0 : i32
      %parallel_loop3A_1373 = arith.cmpi sgt, %parallel_loop3A_1363, %parallel_loop3A_1372 : i32
      %parallel_loop3A_1374 = arith.extui %parallel_loop3A_1373 : i1 to i32
      %parallel_loop3A_1375 = arith.constant 0 : i32
      %parallel_loop3A_1376 = arith.cmpi slt, %parallel_loop3A_1363, %parallel_loop3A_1375 : i32
      %parallel_loop3A_1377 = arith.extui %parallel_loop3A_1376 : i1 to i32
      %parallel_loop3A_1378 = arith.subi %parallel_loop3A_1374, %parallel_loop3A_1377 : i32
      %parallel_loop3A_1379 = arith.cmpi ne, %parallel_loop3A_1371, %parallel_loop3A_1378 : i32
      %parallel_loop3A_1380 = arith.remsi %parallel_loop3A_1362, %parallel_loop3A_1363 : i32
      %parallel_loop3A_1381 = arith.constant 0 : i32
      %parallel_loop3A_1382 = arith.cmpi ne, %parallel_loop3A_1380, %parallel_loop3A_1381 : i32
      %parallel_loop3A_1383 = arith.andi %parallel_loop3A_1379, %parallel_loop3A_1382 : i1
      %parallel_loop3A_1384 = arith.constant 1 : i32
      %parallel_loop3A_1385 = arith.subi %parallel_loop3A_1364, %parallel_loop3A_1384 : i32
      %parallel_loop3A_1386 = arith.select %parallel_loop3A_1383, %parallel_loop3A_1385, %parallel_loop3A_1364 : i32
      %parallel_loop3A_1387 = arith.constant 64 : i32
      %parallel_loop3A_1388 = arith.muli %parallel_loop3A_1386, %parallel_loop3A_1387 : i32
      %parallel_loop3A_1389 = arith.subi %parallel_loop3A_1362, %parallel_loop3A_1388 : i32
      %parallel_loop3A_1390 = arith.constant 16 : i32
      %parallel_loop3A_1391 = arith.muli %parallel_loop3A_1389, %parallel_loop3A_1390 : i32
      %parallel_loop3A_1392 = arith.index_cast %parallel_loop3A_1386 : i32 to index
      %parallel_loop3A_1393 = arith.index_cast %parallel_loop3A_1391 : i32 to index
      %parallel_loop3A_1394 = tpu.vector_load %arg13[%parallel_loop3A_1392, %parallel_loop3A_1393] {strides = array<i32>} : memref<16x1024xf32, #tpu.memory_space<vmem>>, vector<1x16xf32>,
      %parallel_loop3A_1395 = vector.shape_cast %parallel_loop3A_1394 : vector<1x16xf32> to vector<16xf32>
      %parallel_loop3A_1396 = arith.index_cast %parallel_loop3A_1386 : i32 to index
      %parallel_loop3A_1397 = arith.index_cast %parallel_loop3A_1391 : i32 to index
      %parallel_loop3A_1398 = tpu.vector_load %arg8[%parallel_loop3A_1396, %parallel_loop3A_1397] {strides = array<i32>} : memref<16x1024xf32, #tpu.memory_space<vmem>>, vector<1x16xf32>,
      %parallel_loop3A_1399 = vector.shape_cast %parallel_loop3A_1398 : vector<1x16xf32> to vector<16xf32>
      %parallel_loop3A_1400 = vector.shape_cast %parallel_loop3A_1395 : vector<16xf32> to vector<1x16xf32>
      tpu.vector_store %arg8[%parallel_loop3A_1396, %parallel_loop3A_1397], %parallel_loop3A_1400 {add = true, strides = array<i32>} : memref<16x1024xf32, #tpu.memory_space<vmem>>, vector<1x16xf32>,
    } {sc.loop_unroll_factor = 4 : i64, sc.parallel_access}
    %add3A_933 = arith.constant 80 : i32
    %add3A_934 = arith.addi %mul3A_2, %add3A_933 : i32
    %dma_start3A_935 = arith.constant 1 : i32
    %dma_start3A_936 = arith.constant 0 : i32
    %dma_start3A_937 = tpu.memref_slice %arg5[%dma_start3A_935, %add3A_934, %dma_start3A_936] : memref<4x4096x1024xf32, #tpu.memory_space<hbm>> -> memref<1x16x1024xf32, #tpu.memory_space<hbm>>
    %dma_start3A_938 = tpu.memref_squeeze %dma_start3A_937 : memref<1x16x1024xf32, #tpu.memory_space<hbm>> -> memref<16x1024xf32, #tpu.memory_space<hbm>>
    %dma_start3A_939 = arith.constant 0 : i32
    %dma_start3A_940 = tpu.memref_slice %arg5[%dma_start3A_935, %add3A_934, %dma_start3A_939] : memref<4x4096x1024xf32, #tpu.memory_space<hbm>> -> memref<1x16x1024xf32, #tpu.memory_space<hbm>>
    %dma_start3A_941 = tpu.memref_squeeze %dma_start3A_940 : memref<1x16x1024xf32, #tpu.memory_space<hbm>> -> memref<16x1024xf32, #tpu.memory_space<hbm>>
    tpu.enqueue_dma source(%arg8 : memref<16x1024xf32, #tpu.memory_space<vmem>>) target(%dma_start3A_941 : memref<16x1024xf32, #tpu.memory_space<hbm>>) target_semaphore(%arg20 : memref<!tpu.dma_semaphore, #tpu.memory_space<semaphore_mem>>)
    %add3A_942 = arith.constant 64 : i32
    %add3A_943 = arith.addi %mul3A_2, %add3A_942 : i32
    %dma_wait3A_944 = arith.constant 3 : i32
    %dma_wait3A_945 = arith.constant 0 : i32
    %dma_wait3A_946 = tpu.memref_slice %arg5[%dma_wait3A_944, %add3A_943, %dma_wait3A_945] : memref<4x4096x1024xf32, #tpu.memory_space<hbm>> -> memref<1x16x1024xf32, #tpu.memory_space<hbm>>
    %dma_wait3A_947 = tpu.memref_squeeze %dma_wait3A_946 : memref<1x16x1024xf32, #tpu.memory_space<hbm>> -> memref<16x1024xf32, #tpu.memory_space<hbm>>
    %dma_wait3A_948 = arith.constant 0 : i32
    %dma_wait3A_949 = tpu.memref_slice %arg5[%dma_wait3A_944, %add3A_943, %dma_wait3A_948] : memref<4x4096x1024xf32, #tpu.memory_space<hbm>> -> memref<1x16x1024xf32, #tpu.memory_space<hbm>>
    %dma_wait3A_950 = tpu.memref_squeeze %dma_wait3A_949 : memref<1x16x1024xf32, #tpu.memory_space<hbm>> -> memref<16x1024xf32, #tpu.memory_space<hbm>>
    tpu.wait_dma2 semaphore(%arg23 : memref<!tpu.dma_semaphore, #tpu.memory_space<semaphore_mem>>) src(%arg11 : memref<16x1024xf32, #tpu.memory_space<vmem>>) dst(%dma_wait3A_950 : memref<16x1024xf32, #tpu.memory_space<hbm>>)
    %add3A_951 = arith.constant 96 : i32
    %add3A_952 = arith.addi %mul3A_2, %add3A_951 : i32
    %dma_start3A_953 = arith.constant 0 : i32
    %dma_start3A_954 = arith.constant 0 : i32
    %dma_start3A_955 = tpu.memref_slice %arg2[%dma_start3A_953, %add3A_952, %dma_start3A_954] : memref<4x4096x1024xf32, #tpu.memory_space<hbm>> -> memref<1x16x1024xf32, #tpu.memory_space<hbm>>
    %dma_start3A_956 = tpu.memref_squeeze %dma_start3A_955 : memref<1x16x1024xf32, #tpu.memory_space<hbm>> -> memref<16x1024xf32, #tpu.memory_space<hbm>>
    %dma_start3A_957 = arith.constant 0 : i32
    %dma_start3A_958 = tpu.memref_slice %arg2[%dma_start3A_953, %add3A_952, %dma_start3A_957] : memref<4x4096x1024xf32, #tpu.memory_space<hbm>> -> memref<1x16x1024xf32, #tpu.memory_space<hbm>>
    %dma_start3A_959 = tpu.memref_squeeze %dma_start3A_958 : memref<1x16x1024xf32, #tpu.memory_space<hbm>> -> memref<16x1024xf32, #tpu.memory_space<hbm>>
    tpu.enqueue_dma source(%dma_start3A_959 : memref<16x1024xf32, #tpu.memory_space<hbm>>) target(%arg11 : memref<16x1024xf32, #tpu.memory_space<vmem>>) target_semaphore(%arg18 : memref<!tpu.dma_semaphore, #tpu.memory_space<semaphore_mem>>)
    %add3A_960 = arith.constant 80 : i32
    %add3A_961 = arith.addi %mul3A_2, %add3A_960 : i32
    %dma_wait3A_962 = arith.constant 2 : i32
    %dma_wait3A_963 = arith.constant 0 : i32
    %dma_wait3A_964 = tpu.memref_slice %arg2[%dma_wait3A_962, %add3A_961, %dma_wait3A_963] : memref<4x4096x1024xf32, #tpu.memory_space<hbm>> -> memref<1x16x1024xf32, #tpu.memory_space<hbm>>
    %dma_wait3A_965 = tpu.memref_squeeze %dma_wait3A_964 : memref<1x16x1024xf32, #tpu.memory_space<hbm>> -> memref<16x1024xf32, #tpu.memory_space<hbm>>
    %dma_wait3A_966 = arith.constant 0 : i32
    %dma_wait3A_967 = tpu.memref_slice %arg2[%dma_wait3A_962, %add3A_961, %dma_wait3A_966] : memref<4x4096x1024xf32, #tpu.memory_space<hbm>> -> memref<1x16x1024xf32, #tpu.memory_space<hbm>>
    %dma_wait3A_968 = tpu.memref_squeeze %dma_wait3A_967 : memref<1x16x1024xf32, #tpu.memory_space<hbm>> -> memref<16x1024xf32, #tpu.memory_space<hbm>>
    tpu.wait_dma2 semaphore(%arg16 : memref<!tpu.dma_semaphore, #tpu.memory_space<semaphore_mem>>) src(%dma_wait3A_968 : memref<16x1024xf32, #tpu.memory_space<hbm>>) dst(%arg9 : memref<16x1024xf32, #tpu.memory_space<vmem>>)
    %parallel_loop3A_969 = arith.constant 0 : i32
    %parallel_loop3A_970 = arith.constant 1024 : i32
    %parallel_loop3A_971 = arith.constant 1 : i32
    scf.for %parallel_loop3A_1362 = %parallel_loop3A_969 to %parallel_loop3A_970 step %parallel_loop3A_971  : i32 {
      %parallel_loop3A_1363 = arith.constant 64 : i32
      %parallel_loop3A_1364 = arith.divsi %parallel_loop3A_1362, %parallel_loop3A_1363 : i32
      %parallel_loop3A_1365 = arith.constant 0 : i32
      %parallel_loop3A_1366 = arith.cmpi sgt, %parallel_loop3A_1362, %parallel_loop3A_1365 : i32
      %parallel_loop3A_1367 = arith.extui %parallel_loop3A_1366 : i1 to i32
      %parallel_loop3A_1368 = arith.constant 0 : i32
      %parallel_loop3A_1369 = arith.cmpi slt, %parallel_loop3A_1362, %parallel_loop3A_1368 : i32
      %parallel_loop3A_1370 = arith.extui %parallel_loop3A_1369 : i1 to i32
      %parallel_loop3A_1371 = arith.subi %parallel_loop3A_1367, %parallel_loop3A_1370 : i32
      %parallel_loop3A_1372 = arith.constant 0 : i32
      %parallel_loop3A_1373 = arith.cmpi sgt, %parallel_loop3A_1363, %parallel_loop3A_1372 : i32
      %parallel_loop3A_1374 = arith.extui %parallel_loop3A_1373 : i1 to i32
      %parallel_loop3A_1375 = arith.constant 0 : i32
      %parallel_loop3A_1376 = arith.cmpi slt, %parallel_loop3A_1363, %parallel_loop3A_1375 : i32
      %parallel_loop3A_1377 = arith.extui %parallel_loop3A_1376 : i1 to i32
      %parallel_loop3A_1378 = arith.subi %parallel_loop3A_1374, %parallel_loop3A_1377 : i32
      %parallel_loop3A_1379 = arith.cmpi ne, %parallel_loop3A_1371, %parallel_loop3A_1378 : i32
      %parallel_loop3A_1380 = arith.remsi %parallel_loop3A_1362, %parallel_loop3A_1363 : i32
      %parallel_loop3A_1381 = arith.constant 0 : i32
      %parallel_loop3A_1382 = arith.cmpi ne, %parallel_loop3A_1380, %parallel_loop3A_1381 : i32
      %parallel_loop3A_1383 = arith.andi %parallel_loop3A_1379, %parallel_loop3A_1382 : i1
      %parallel_loop3A_1384 = arith.constant 1 : i32
      %parallel_loop3A_1385 = arith.subi %parallel_loop3A_1364, %parallel_loop3A_1384 : i32
      %parallel_loop3A_1386 = arith.select %parallel_loop3A_1383, %parallel_loop3A_1385, %parallel_loop3A_1364 : i32
      %parallel_loop3A_1387 = arith.constant 64 : i32
      %parallel_loop3A_1388 = arith.muli %parallel_loop3A_1386, %parallel_loop3A_1387 : i32
      %parallel_loop3A_1389 = arith.subi %parallel_loop3A_1362, %parallel_loop3A_1388 : i32
      %parallel_loop3A_1390 = arith.constant 16 : i32
      %parallel_loop3A_1391 = arith.muli %parallel_loop3A_1389, %parallel_loop3A_1390 : i32
      %parallel_loop3A_1392 = arith.index_cast %parallel_loop3A_1386 : i32 to index
      %parallel_loop3A_1393 = arith.index_cast %parallel_loop3A_1391 : i32 to index
      %parallel_loop3A_1394 = tpu.vector_load %arg13[%parallel_loop3A_1392, %parallel_loop3A_1393] {strides = array<i32>} : memref<16x1024xf32, #tpu.memory_space<vmem>>, vector<1x16xf32>,
      %parallel_loop3A_1395 = vector.shape_cast %parallel_loop3A_1394 : vector<1x16xf32> to vector<16xf32>
      %parallel_loop3A_1396 = arith.index_cast %parallel_loop3A_1386 : i32 to index
      %parallel_loop3A_1397 = arith.index_cast %parallel_loop3A_1391 : i32 to index
      %parallel_loop3A_1398 = tpu.vector_load %arg9[%parallel_loop3A_1396, %parallel_loop3A_1397] {strides = array<i32>} : memref<16x1024xf32, #tpu.memory_space<vmem>>, vector<1x16xf32>,
      %parallel_loop3A_1399 = vector.shape_cast %parallel_loop3A_1398 : vector<1x16xf32> to vector<16xf32>
      %parallel_loop3A_1400 = vector.shape_cast %parallel_loop3A_1395 : vector<16xf32> to vector<1x16xf32>
      tpu.vector_store %arg9[%parallel_loop3A_1396, %parallel_loop3A_1397], %parallel_loop3A_1400 {add = true, strides = array<i32>} : memref<16x1024xf32, #tpu.memory_space<vmem>>, vector<1x16xf32>,
    } {sc.loop_unroll_factor = 4 : i64, sc.parallel_access}
    %add3A_972 = arith.constant 80 : i32
    %add3A_973 = arith.addi %mul3A_2, %add3A_972 : i32
    %dma_start3A_974 = arith.constant 2 : i32
    %dma_start3A_975 = arith.constant 0 : i32
    %dma_start3A_976 = tpu.memref_slice %arg5[%dma_start3A_974, %add3A_973, %dma_start3A_975] : memref<4x4096x1024xf32, #tpu.memory_space<hbm>> -> memref<1x16x1024xf32, #tpu.memory_space<hbm>>
    %dma_start3A_977 = tpu.memref_squeeze %dma_start3A_976 : memref<1x16x1024xf32, #tpu.memory_space<hbm>> -> memref<16x1024xf32, #tpu.memory_space<hbm>>
    %dma_start3A_978 = arith.constant 0 : i32
    %dma_start3A_979 = tpu.memref_slice %arg5[%dma_start3A_974, %add3A_973, %dma_start3A_978] : memref<4x4096x1024xf32, #tpu.memory_space<hbm>> -> memref<1x16x1024xf32, #tpu.memory_space<hbm>>
    %dma_start3A_980 = tpu.memref_squeeze %dma_start3A_979 : memref<1x16x1024xf32, #tpu.memory_space<hbm>> -> memref<16x1024xf32, #tpu.memory_space<hbm>>
    tpu.enqueue_dma source(%arg9 : memref<16x1024xf32, #tpu.memory_space<vmem>>) target(%dma_start3A_980 : memref<16x1024xf32, #tpu.memory_space<hbm>>) target_semaphore(%arg21 : memref<!tpu.dma_semaphore, #tpu.memory_space<semaphore_mem>>)
    %add3A_981 = arith.constant 80 : i32
    %add3A_982 = arith.addi %mul3A_2, %add3A_981 : i32
    %dma_wait3A_983 = arith.constant 0 : i32
    %dma_wait3A_984 = arith.constant 0 : i32
    %dma_wait3A_985 = tpu.memref_slice %arg5[%dma_wait3A_983, %add3A_982, %dma_wait3A_984] : memref<4x4096x1024xf32, #tpu.memory_space<hbm>> -> memref<1x16x1024xf32, #tpu.memory_space<hbm>>
    %dma_wait3A_986 = tpu.memref_squeeze %dma_wait3A_985 : memref<1x16x1024xf32, #tpu.memory_space<hbm>> -> memref<16x1024xf32, #tpu.memory_space<hbm>>
    %dma_wait3A_987 = arith.constant 0 : i32
    %dma_wait3A_988 = tpu.memref_slice %arg5[%dma_wait3A_983, %add3A_982, %dma_wait3A_987] : memref<4x4096x1024xf32, #tpu.memory_space<hbm>> -> memref<1x16x1024xf32, #tpu.memory_space<hbm>>
    %dma_wait3A_989 = tpu.memref_squeeze %dma_wait3A_988 : memref<1x16x1024xf32, #tpu.memory_space<hbm>> -> memref<16x1024xf32, #tpu.memory_space<hbm>>
    tpu.wait_dma2 semaphore(%arg19 : memref<!tpu.dma_semaphore, #tpu.memory_space<semaphore_mem>>) src(%arg7 : memref<16x1024xf32, #tpu.memory_space<vmem>>) dst(%dma_wait3A_989 : memref<16x1024xf32, #tpu.memory_space<hbm>>)
    %add3A_990 = arith.constant 96 : i32
    %add3A_991 = arith.addi %mul3A_2, %add3A_990 : i32
    %dma_start3A_992 = arith.constant 1 : i32
    %dma_start3A_993 = arith.constant 0 : i32
    %dma_start3A_994 = tpu.memref_slice %arg2[%dma_start3A_992, %add3A_991, %dma_start3A_993] : memref<4x4096x1024xf32, #tpu.memory_space<hbm>> -> memref<1x16x1024xf32, #tpu.memory_space<hbm>>
    %dma_start3A_995 = tpu.memref_squeeze %dma_start3A_994 : memref<1x16x1024xf32, #tpu.memory_space<hbm>> -> memref<16x1024xf32, #tpu.memory_space<hbm>>
    %dma_start3A_996 = arith.constant 0 : i32
    %dma_start3A_997 = tpu.memref_slice %arg2[%dma_start3A_992, %add3A_991, %dma_start3A_996] : memref<4x4096x1024xf32, #tpu.memory_space<hbm>> -> memref<1x16x1024xf32, #tpu.memory_space<hbm>>
    %dma_start3A_998 = tpu.memref_squeeze %dma_start3A_997 : memref<1x16x1024xf32, #tpu.memory_space<hbm>> -> memref<16x1024xf32, #tpu.memory_space<hbm>>
    tpu.enqueue_dma source(%dma_start3A_998 : memref<16x1024xf32, #tpu.memory_space<hbm>>) target(%arg7 : memref<16x1024xf32, #tpu.memory_space<vmem>>) target_semaphore(%arg14 : memref<!tpu.dma_semaphore, #tpu.memory_space<semaphore_mem>>)
    %add3A_999 = arith.constant 80 : i32
    %add3A_1000 = arith.addi %mul3A_2, %add3A_999 : i32
    %dma_wait3A_1001 = arith.constant 3 : i32
    %dma_wait3A_1002 = arith.constant 0 : i32
    %dma_wait3A_1003 = tpu.memref_slice %arg2[%dma_wait3A_1001, %add3A_1000, %dma_wait3A_1002] : memref<4x4096x1024xf32, #tpu.memory_space<hbm>> -> memref<1x16x1024xf32, #tpu.memory_space<hbm>>
    %dma_wait3A_1004 = tpu.memref_squeeze %dma_wait3A_1003 : memref<1x16x1024xf32, #tpu.memory_space<hbm>> -> memref<16x1024xf32, #tpu.memory_space<hbm>>
    %dma_wait3A_1005 = arith.constant 0 : i32
    %dma_wait3A_1006 = tpu.memref_slice %arg2[%dma_wait3A_1001, %add3A_1000, %dma_wait3A_1005] : memref<4x4096x1024xf32, #tpu.memory_space<hbm>> -> memref<1x16x1024xf32, #tpu.memory_space<hbm>>
    %dma_wait3A_1007 = tpu.memref_squeeze %dma_wait3A_1006 : memref<1x16x1024xf32, #tpu.memory_space<hbm>> -> memref<16x1024xf32, #tpu.memory_space<hbm>>
    tpu.wait_dma2 semaphore(%arg17 : memref<!tpu.dma_semaphore, #tpu.memory_space<semaphore_mem>>) src(%dma_wait3A_1007 : memref<16x1024xf32, #tpu.memory_space<hbm>>) dst(%arg10 : memref<16x1024xf32, #tpu.memory_space<vmem>>)
    %parallel_loop3A_1008 = arith.constant 0 : i32
    %parallel_loop3A_1009 = arith.constant 1024 : i32
    %parallel_loop3A_1010 = arith.constant 1 : i32
    scf.for %parallel_loop3A_1362 = %parallel_loop3A_1008 to %parallel_loop3A_1009 step %parallel_loop3A_1010  : i32 {
      %parallel_loop3A_1363 = arith.constant 64 : i32
      %parallel_loop3A_1364 = arith.divsi %parallel_loop3A_1362, %parallel_loop3A_1363 : i32
      %parallel_loop3A_1365 = arith.constant 0 : i32
      %parallel_loop3A_1366 = arith.cmpi sgt, %parallel_loop3A_1362, %parallel_loop3A_1365 : i32
      %parallel_loop3A_1367 = arith.extui %parallel_loop3A_1366 : i1 to i32
      %parallel_loop3A_1368 = arith.constant 0 : i32
      %parallel_loop3A_1369 = arith.cmpi slt, %parallel_loop3A_1362, %parallel_loop3A_1368 : i32
      %parallel_loop3A_1370 = arith.extui %parallel_loop3A_1369 : i1 to i32
      %parallel_loop3A_1371 = arith.subi %parallel_loop3A_1367, %parallel_loop3A_1370 : i32
      %parallel_loop3A_1372 = arith.constant 0 : i32
      %parallel_loop3A_1373 = arith.cmpi sgt, %parallel_loop3A_1363, %parallel_loop3A_1372 : i32
      %parallel_loop3A_1374 = arith.extui %parallel_loop3A_1373 : i1 to i32
      %parallel_loop3A_1375 = arith.constant 0 : i32
      %parallel_loop3A_1376 = arith.cmpi slt, %parallel_loop3A_1363, %parallel_loop3A_1375 : i32
      %parallel_loop3A_1377 = arith.extui %parallel_loop3A_1376 : i1 to i32
      %parallel_loop3A_1378 = arith.subi %parallel_loop3A_1374, %parallel_loop3A_1377 : i32
      %parallel_loop3A_1379 = arith.cmpi ne, %parallel_loop3A_1371, %parallel_loop3A_1378 : i32
      %parallel_loop3A_1380 = arith.remsi %parallel_loop3A_1362, %parallel_loop3A_1363 : i32
      %parallel_loop3A_1381 = arith.constant 0 : i32
      %parallel_loop3A_1382 = arith.cmpi ne, %parallel_loop3A_1380, %parallel_loop3A_1381 : i32
      %parallel_loop3A_1383 = arith.andi %parallel_loop3A_1379, %parallel_loop3A_1382 : i1
      %parallel_loop3A_1384 = arith.constant 1 : i32
      %parallel_loop3A_1385 = arith.subi %parallel_loop3A_1364, %parallel_loop3A_1384 : i32
      %parallel_loop3A_1386 = arith.select %parallel_loop3A_1383, %parallel_loop3A_1385, %parallel_loop3A_1364 : i32
      %parallel_loop3A_1387 = arith.constant 64 : i32
      %parallel_loop3A_1388 = arith.muli %parallel_loop3A_1386, %parallel_loop3A_1387 : i32
      %parallel_loop3A_1389 = arith.subi %parallel_loop3A_1362, %parallel_loop3A_1388 : i32
      %parallel_loop3A_1390 = arith.constant 16 : i32
      %parallel_loop3A_1391 = arith.muli %parallel_loop3A_1389, %parallel_loop3A_1390 : i32
      %parallel_loop3A_1392 = arith.index_cast %parallel_loop3A_1386 : i32 to index
      %parallel_loop3A_1393 = arith.index_cast %parallel_loop3A_1391 : i32 to index
      %parallel_loop3A_1394 = tpu.vector_load %arg13[%parallel_loop3A_1392, %parallel_loop3A_1393] {strides = array<i32>} : memref<16x1024xf32, #tpu.memory_space<vmem>>, vector<1x16xf32>,
      %parallel_loop3A_1395 = vector.shape_cast %parallel_loop3A_1394 : vector<1x16xf32> to vector<16xf32>
      %parallel_loop3A_1396 = arith.index_cast %parallel_loop3A_1386 : i32 to index
      %parallel_loop3A_1397 = arith.index_cast %parallel_loop3A_1391 : i32 to index
      %parallel_loop3A_1398 = tpu.vector_load %arg10[%parallel_loop3A_1396, %parallel_loop3A_1397] {strides = array<i32>} : memref<16x1024xf32, #tpu.memory_space<vmem>>, vector<1x16xf32>,
      %parallel_loop3A_1399 = vector.shape_cast %parallel_loop3A_1398 : vector<1x16xf32> to vector<16xf32>
      %parallel_loop3A_1400 = vector.shape_cast %parallel_loop3A_1395 : vector<16xf32> to vector<1x16xf32>
      tpu.vector_store %arg10[%parallel_loop3A_1396, %parallel_loop3A_1397], %parallel_loop3A_1400 {add = true, strides = array<i32>} : memref<16x1024xf32, #tpu.memory_space<vmem>>, vector<1x16xf32>,
    } {sc.loop_unroll_factor = 4 : i64, sc.parallel_access}
    %add3A_1011 = arith.constant 80 : i32
    %add3A_1012 = arith.addi %mul3A_2, %add3A_1011 : i32
    %dma_start3A_1013 = arith.constant 3 : i32
    %dma_start3A_1014 = arith.constant 0 : i32
    %dma_start3A_1015 = tpu.memref_slice %arg5[%dma_start3A_1013, %add3A_1012, %dma_start3A_1014] : memref<4x4096x1024xf32, #tpu.memory_space<hbm>> -> memref<1x16x1024xf32, #tpu.memory_space<hbm>>
    %dma_start3A_1016 = tpu.memref_squeeze %dma_start3A_1015 : memref<1x16x1024xf32, #tpu.memory_space<hbm>> -> memref<16x1024xf32, #tpu.memory_space<hbm>>
    %dma_start3A_1017 = arith.constant 0 : i32
    %dma_start3A_1018 = tpu.memref_slice %arg5[%dma_start3A_1013, %add3A_1012, %dma_start3A_1017] : memref<4x4096x1024xf32, #tpu.memory_space<hbm>> -> memref<1x16x1024xf32, #tpu.memory_space<hbm>>
    %dma_start3A_1019 = tpu.memref_squeeze %dma_start3A_1018 : memref<1x16x1024xf32, #tpu.memory_space<hbm>> -> memref<16x1024xf32, #tpu.memory_space<hbm>>
    tpu.enqueue_dma source(%arg10 : memref<16x1024xf32, #tpu.memory_space<vmem>>) target(%dma_start3A_1019 : memref<16x1024xf32, #tpu.memory_space<hbm>>) target_semaphore(%arg22 : memref<!tpu.dma_semaphore, #tpu.memory_space<semaphore_mem>>)
    %dma_start3A_1020 = arith.constant 7 : i32
    %dma_start3A_1021 = arith.constant 0 : i32
    %dma_start3A_1022 = tpu.memref_slice %arg6[%dma_start3A_1020, %dma_start3A_1021] : memref<8x16xi32, #tpu.memory_space<vmem>> -> memref<1x16xi32, #tpu.memory_space<vmem>>
    %dma_start3A_1023 = tpu.memref_squeeze %dma_start3A_1022 : memref<1x16xi32, #tpu.memory_space<vmem>> -> memref<16xi32, #tpu.memory_space<vmem>>
    %dma_start3A_1024 = arith.constant 0 : i32
    %dma_start3A_1025 = arith.constant 0 : i32
    %dma_start3A_1026 = tpu.memref_slice %arg3[%dma_start3A_1024, %dma_start3A_1025] : memref<8192x1024xf32, #tpu.memory_space<hbm>> -> memref<8192x1024xf32, #tpu.memory_space<hbm>>
    tpu.enqueue_indirect_dma source(%dma_start3A_1026 : memref<8192x1024xf32, #tpu.memory_space<hbm>>) target(%arg13 : memref<16x1024xf32, #tpu.memory_space<vmem>>) offsets(%dma_start3A_1023 : memref<16xi32, #tpu.memory_space<vmem>>) semaphore(%arg25 : memref<!tpu.dma_semaphore, #tpu.memory_space<semaphore_mem>>)
    %add3A_1027 = arith.constant 80 : i32
    %add3A_1028 = arith.addi %mul3A_2, %add3A_1027 : i32
    %dma_wait3A_1029 = arith.constant 1 : i32
    %dma_wait3A_1030 = arith.constant 0 : i32
    %dma_wait3A_1031 = tpu.memref_slice %arg5[%dma_wait3A_1029, %add3A_1028, %dma_wait3A_1030] : memref<4x4096x1024xf32, #tpu.memory_space<hbm>> -> memref<1x16x1024xf32, #tpu.memory_space<hbm>>
    %dma_wait3A_1032 = tpu.memref_squeeze %dma_wait3A_1031 : memref<1x16x1024xf32, #tpu.memory_space<hbm>> -> memref<16x1024xf32, #tpu.memory_space<hbm>>
    %dma_wait3A_1033 = arith.constant 0 : i32
    %dma_wait3A_1034 = tpu.memref_slice %arg5[%dma_wait3A_1029, %add3A_1028, %dma_wait3A_1033] : memref<4x4096x1024xf32, #tpu.memory_space<hbm>> -> memref<1x16x1024xf32, #tpu.memory_space<hbm>>
    %dma_wait3A_1035 = tpu.memref_squeeze %dma_wait3A_1034 : memref<1x16x1024xf32, #tpu.memory_space<hbm>> -> memref<16x1024xf32, #tpu.memory_space<hbm>>
    tpu.wait_dma2 semaphore(%arg20 : memref<!tpu.dma_semaphore, #tpu.memory_space<semaphore_mem>>) src(%arg8 : memref<16x1024xf32, #tpu.memory_space<vmem>>) dst(%dma_wait3A_1035 : memref<16x1024xf32, #tpu.memory_space<hbm>>)
    %add3A_1036 = arith.constant 96 : i32
    %add3A_1037 = arith.addi %mul3A_2, %add3A_1036 : i32
    %dma_start3A_1038 = arith.constant 2 : i32
    %dma_start3A_1039 = arith.constant 0 : i32
    %dma_start3A_1040 = tpu.memref_slice %arg2[%dma_start3A_1038, %add3A_1037, %dma_start3A_1039] : memref<4x4096x1024xf32, #tpu.memory_space<hbm>> -> memref<1x16x1024xf32, #tpu.memory_space<hbm>>
    %dma_start3A_1041 = tpu.memref_squeeze %dma_start3A_1040 : memref<1x16x1024xf32, #tpu.memory_space<hbm>> -> memref<16x1024xf32, #tpu.memory_space<hbm>>
    %dma_start3A_1042 = arith.constant 0 : i32
    %dma_start3A_1043 = tpu.memref_slice %arg2[%dma_start3A_1038, %add3A_1037, %dma_start3A_1042] : memref<4x4096x1024xf32, #tpu.memory_space<hbm>> -> memref<1x16x1024xf32, #tpu.memory_space<hbm>>
    %dma_start3A_1044 = tpu.memref_squeeze %dma_start3A_1043 : memref<1x16x1024xf32, #tpu.memory_space<hbm>> -> memref<16x1024xf32, #tpu.memory_space<hbm>>
    tpu.enqueue_dma source(%dma_start3A_1044 : memref<16x1024xf32, #tpu.memory_space<hbm>>) target(%arg8 : memref<16x1024xf32, #tpu.memory_space<vmem>>) target_semaphore(%arg15 : memref<!tpu.dma_semaphore, #tpu.memory_space<semaphore_mem>>)
    %dma_wait3A_1045 = arith.constant 6 : i32
    %dma_wait3A_1046 = arith.constant 0 : i32
    %dma_wait3A_1047 = tpu.memref_slice %arg6[%dma_wait3A_1045, %dma_wait3A_1046] : memref<8x16xi32, #tpu.memory_space<vmem>> -> memref<1x16xi32, #tpu.memory_space<vmem>>
    %dma_wait3A_1048 = tpu.memref_squeeze %dma_wait3A_1047 : memref<1x16xi32, #tpu.memory_space<vmem>> -> memref<16xi32, #tpu.memory_space<vmem>>
    %dma_wait3A_1049 = arith.constant 0 : i32
    %dma_wait3A_1050 = arith.constant 0 : i32
    %dma_wait3A_1051 = tpu.memref_slice %arg3[%dma_wait3A_1049, %dma_wait3A_1050] : memref<8192x1024xf32, #tpu.memory_space<hbm>> -> memref<8192x1024xf32, #tpu.memory_space<hbm>>
    tpu.wait_indirect_dma semaphore(%arg24 : memref<!tpu.dma_semaphore, #tpu.memory_space<semaphore_mem>>) src(%dma_wait3A_1051 : memref<8192x1024xf32, #tpu.memory_space<hbm>>) dst(%arg12 : memref<16x1024xf32, #tpu.memory_space<vmem>>)
    %add3A_1052 = arith.constant 96 : i32
    %add3A_1053 = arith.addi %mul3A_2, %add3A_1052 : i32
    %dma_wait3A_1054 = arith.constant 0 : i32
    %dma_wait3A_1055 = arith.constant 0 : i32
    %dma_wait3A_1056 = tpu.memref_slice %arg2[%dma_wait3A_1054, %add3A_1053, %dma_wait3A_1055] : memref<4x4096x1024xf32, #tpu.memory_space<hbm>> -> memref<1x16x1024xf32, #tpu.memory_space<hbm>>
    %dma_wait3A_1057 = tpu.memref_squeeze %dma_wait3A_1056 : memref<1x16x1024xf32, #tpu.memory_space<hbm>> -> memref<16x1024xf32, #tpu.memory_space<hbm>>
    %dma_wait3A_1058 = arith.constant 0 : i32
    %dma_wait3A_1059 = tpu.memref_slice %arg2[%dma_wait3A_1054, %add3A_1053, %dma_wait3A_1058] : memref<4x4096x1024xf32, #tpu.memory_space<hbm>> -> memref<1x16x1024xf32, #tpu.memory_space<hbm>>
    %dma_wait3A_1060 = tpu.memref_squeeze %dma_wait3A_1059 : memref<1x16x1024xf32, #tpu.memory_space<hbm>> -> memref<16x1024xf32, #tpu.memory_space<hbm>>
    tpu.wait_dma2 semaphore(%arg18 : memref<!tpu.dma_semaphore, #tpu.memory_space<semaphore_mem>>) src(%dma_wait3A_1060 : memref<16x1024xf32, #tpu.memory_space<hbm>>) dst(%arg11 : memref<16x1024xf32, #tpu.memory_space<vmem>>)
    %parallel_loop3A_1061 = arith.constant 0 : i32
    %parallel_loop3A_1062 = arith.constant 1024 : i32
    %parallel_loop3A_1063 = arith.constant 1 : i32
    scf.for %parallel_loop3A_1362 = %parallel_loop3A_1061 to %parallel_loop3A_1062 step %parallel_loop3A_1063  : i32 {
      %parallel_loop3A_1363 = arith.constant 64 : i32
      %parallel_loop3A_1364 = arith.divsi %parallel_loop3A_1362, %parallel_loop3A_1363 : i32
      %parallel_loop3A_1365 = arith.constant 0 : i32
      %parallel_loop3A_1366 = arith.cmpi sgt, %parallel_loop3A_1362, %parallel_loop3A_1365 : i32
      %parallel_loop3A_1367 = arith.extui %parallel_loop3A_1366 : i1 to i32
      %parallel_loop3A_1368 = arith.constant 0 : i32
      %parallel_loop3A_1369 = arith.cmpi slt, %parallel_loop3A_1362, %parallel_loop3A_1368 : i32
      %parallel_loop3A_1370 = arith.extui %parallel_loop3A_1369 : i1 to i32
      %parallel_loop3A_1371 = arith.subi %parallel_loop3A_1367, %parallel_loop3A_1370 : i32
      %parallel_loop3A_1372 = arith.constant 0 : i32
      %parallel_loop3A_1373 = arith.cmpi sgt, %parallel_loop3A_1363, %parallel_loop3A_1372 : i32
      %parallel_loop3A_1374 = arith.extui %parallel_loop3A_1373 : i1 to i32
      %parallel_loop3A_1375 = arith.constant 0 : i32
      %parallel_loop3A_1376 = arith.cmpi slt, %parallel_loop3A_1363, %parallel_loop3A_1375 : i32
      %parallel_loop3A_1377 = arith.extui %parallel_loop3A_1376 : i1 to i32
      %parallel_loop3A_1378 = arith.subi %parallel_loop3A_1374, %parallel_loop3A_1377 : i32
      %parallel_loop3A_1379 = arith.cmpi ne, %parallel_loop3A_1371, %parallel_loop3A_1378 : i32
      %parallel_loop3A_1380 = arith.remsi %parallel_loop3A_1362, %parallel_loop3A_1363 : i32
      %parallel_loop3A_1381 = arith.constant 0 : i32
      %parallel_loop3A_1382 = arith.cmpi ne, %parallel_loop3A_1380, %parallel_loop3A_1381 : i32
      %parallel_loop3A_1383 = arith.andi %parallel_loop3A_1379, %parallel_loop3A_1382 : i1
      %parallel_loop3A_1384 = arith.constant 1 : i32
      %parallel_loop3A_1385 = arith.subi %parallel_loop3A_1364, %parallel_loop3A_1384 : i32
      %parallel_loop3A_1386 = arith.select %parallel_loop3A_1383, %parallel_loop3A_1385, %parallel_loop3A_1364 : i32
      %parallel_loop3A_1387 = arith.constant 64 : i32
      %parallel_loop3A_1388 = arith.muli %parallel_loop3A_1386, %parallel_loop3A_1387 : i32
      %parallel_loop3A_1389 = arith.subi %parallel_loop3A_1362, %parallel_loop3A_1388 : i32
      %parallel_loop3A_1390 = arith.constant 16 : i32
      %parallel_loop3A_1391 = arith.muli %parallel_loop3A_1389, %parallel_loop3A_1390 : i32
      %parallel_loop3A_1392 = arith.index_cast %parallel_loop3A_1386 : i32 to index
      %parallel_loop3A_1393 = arith.index_cast %parallel_loop3A_1391 : i32 to index
      %parallel_loop3A_1394 = tpu.vector_load %arg12[%parallel_loop3A_1392, %parallel_loop3A_1393] {strides = array<i32>} : memref<16x1024xf32, #tpu.memory_space<vmem>>, vector<1x16xf32>,
      %parallel_loop3A_1395 = vector.shape_cast %parallel_loop3A_1394 : vector<1x16xf32> to vector<16xf32>
      %parallel_loop3A_1396 = arith.index_cast %parallel_loop3A_1386 : i32 to index
      %parallel_loop3A_1397 = arith.index_cast %parallel_loop3A_1391 : i32 to index
      %parallel_loop3A_1398 = tpu.vector_load %arg11[%parallel_loop3A_1396, %parallel_loop3A_1397] {strides = array<i32>} : memref<16x1024xf32, #tpu.memory_space<vmem>>, vector<1x16xf32>,
      %parallel_loop3A_1399 = vector.shape_cast %parallel_loop3A_1398 : vector<1x16xf32> to vector<16xf32>
      %parallel_loop3A_1400 = vector.shape_cast %parallel_loop3A_1395 : vector<16xf32> to vector<1x16xf32>
      tpu.vector_store %arg11[%parallel_loop3A_1396, %parallel_loop3A_1397], %parallel_loop3A_1400 {add = true, strides = array<i32>} : memref<16x1024xf32, #tpu.memory_space<vmem>>, vector<1x16xf32>,
    } {sc.loop_unroll_factor = 4 : i64, sc.parallel_access}
    %add3A_1064 = arith.constant 96 : i32
    %add3A_1065 = arith.addi %mul3A_2, %add3A_1064 : i32
    %dma_start3A_1066 = arith.constant 0 : i32
    %dma_start3A_1067 = arith.constant 0 : i32
    %dma_start3A_1068 = tpu.memref_slice %arg5[%dma_start3A_1066, %add3A_1065, %dma_start3A_1067] : memref<4x4096x1024xf32, #tpu.memory_space<hbm>> -> memref<1x16x1024xf32, #tpu.memory_space<hbm>>
    %dma_start3A_1069 = tpu.memref_squeeze %dma_start3A_1068 : memref<1x16x1024xf32, #tpu.memory_space<hbm>> -> memref<16x1024xf32, #tpu.memory_space<hbm>>
    %dma_start3A_1070 = arith.constant 0 : i32
    %dma_start3A_1071 = tpu.memref_slice %arg5[%dma_start3A_1066, %add3A_1065, %dma_start3A_1070] : memref<4x4096x1024xf32, #tpu.memory_space<hbm>> -> memref<1x16x1024xf32, #tpu.memory_space<hbm>>
    %dma_start3A_1072 = tpu.memref_squeeze %dma_start3A_1071 : memref<1x16x1024xf32, #tpu.memory_space<hbm>> -> memref<16x1024xf32, #tpu.memory_space<hbm>>
    tpu.enqueue_dma source(%arg11 : memref<16x1024xf32, #tpu.memory_space<vmem>>) target(%dma_start3A_1072 : memref<16x1024xf32, #tpu.memory_space<hbm>>) target_semaphore(%arg23 : memref<!tpu.dma_semaphore, #tpu.memory_space<semaphore_mem>>)
    %add3A_1073 = arith.constant 80 : i32
    %add3A_1074 = arith.addi %mul3A_2, %add3A_1073 : i32
    %dma_wait3A_1075 = arith.constant 2 : i32
    %dma_wait3A_1076 = arith.constant 0 : i32
    %dma_wait3A_1077 = tpu.memref_slice %arg5[%dma_wait3A_1075, %add3A_1074, %dma_wait3A_1076] : memref<4x4096x1024xf32, #tpu.memory_space<hbm>> -> memref<1x16x1024xf32, #tpu.memory_space<hbm>>
    %dma_wait3A_1078 = tpu.memref_squeeze %dma_wait3A_1077 : memref<1x16x1024xf32, #tpu.memory_space<hbm>> -> memref<16x1024xf32, #tpu.memory_space<hbm>>
    %dma_wait3A_1079 = arith.constant 0 : i32
    %dma_wait3A_1080 = tpu.memref_slice %arg5[%dma_wait3A_1075, %add3A_1074, %dma_wait3A_1079] : memref<4x4096x1024xf32, #tpu.memory_space<hbm>> -> memref<1x16x1024xf32, #tpu.memory_space<hbm>>
    %dma_wait3A_1081 = tpu.memref_squeeze %dma_wait3A_1080 : memref<1x16x1024xf32, #tpu.memory_space<hbm>> -> memref<16x1024xf32, #tpu.memory_space<hbm>>
    tpu.wait_dma2 semaphore(%arg21 : memref<!tpu.dma_semaphore, #tpu.memory_space<semaphore_mem>>) src(%arg9 : memref<16x1024xf32, #tpu.memory_space<vmem>>) dst(%dma_wait3A_1081 : memref<16x1024xf32, #tpu.memory_space<hbm>>)
    %add3A_1082 = arith.constant 96 : i32
    %add3A_1083 = arith.addi %mul3A_2, %add3A_1082 : i32
    %dma_start3A_1084 = arith.constant 3 : i32
    %dma_start3A_1085 = arith.constant 0 : i32
    %dma_start3A_1086 = tpu.memref_slice %arg2[%dma_start3A_1084, %add3A_1083, %dma_start3A_1085] : memref<4x4096x1024xf32, #tpu.memory_space<hbm>> -> memref<1x16x1024xf32, #tpu.memory_space<hbm>>
    %dma_start3A_1087 = tpu.memref_squeeze %dma_start3A_1086 : memref<1x16x1024xf32, #tpu.memory_space<hbm>> -> memref<16x1024xf32, #tpu.memory_space<hbm>>
    %dma_start3A_1088 = arith.constant 0 : i32
    %dma_start3A_1089 = tpu.memref_slice %arg2[%dma_start3A_1084, %add3A_1083, %dma_start3A_1088] : memref<4x4096x1024xf32, #tpu.memory_space<hbm>> -> memref<1x16x1024xf32, #tpu.memory_space<hbm>>
    %dma_start3A_1090 = tpu.memref_squeeze %dma_start3A_1089 : memref<1x16x1024xf32, #tpu.memory_space<hbm>> -> memref<16x1024xf32, #tpu.memory_space<hbm>>
    tpu.enqueue_dma source(%dma_start3A_1090 : memref<16x1024xf32, #tpu.memory_space<hbm>>) target(%arg9 : memref<16x1024xf32, #tpu.memory_space<vmem>>) target_semaphore(%arg16 : memref<!tpu.dma_semaphore, #tpu.memory_space<semaphore_mem>>)
    %add3A_1091 = arith.constant 96 : i32
    %add3A_1092 = arith.addi %mul3A_2, %add3A_1091 : i32
    %dma_wait3A_1093 = arith.constant 1 : i32
    %dma_wait3A_1094 = arith.constant 0 : i32
    %dma_wait3A_1095 = tpu.memref_slice %arg2[%dma_wait3A_1093, %add3A_1092, %dma_wait3A_1094] : memref<4x4096x1024xf32, #tpu.memory_space<hbm>> -> memref<1x16x1024xf32, #tpu.memory_space<hbm>>
    %dma_wait3A_1096 = tpu.memref_squeeze %dma_wait3A_1095 : memref<1x16x1024xf32, #tpu.memory_space<hbm>> -> memref<16x1024xf32, #tpu.memory_space<hbm>>
    %dma_wait3A_1097 = arith.constant 0 : i32
    %dma_wait3A_1098 = tpu.memref_slice %arg2[%dma_wait3A_1093, %add3A_1092, %dma_wait3A_1097] : memref<4x4096x1024xf32, #tpu.memory_space<hbm>> -> memref<1x16x1024xf32, #tpu.memory_space<hbm>>
    %dma_wait3A_1099 = tpu.memref_squeeze %dma_wait3A_1098 : memref<1x16x1024xf32, #tpu.memory_space<hbm>> -> memref<16x1024xf32, #tpu.memory_space<hbm>>
    tpu.wait_dma2 semaphore(%arg14 : memref<!tpu.dma_semaphore, #tpu.memory_space<semaphore_mem>>) src(%dma_wait3A_1099 : memref<16x1024xf32, #tpu.memory_space<hbm>>) dst(%arg7 : memref<16x1024xf32, #tpu.memory_space<vmem>>)
    %parallel_loop3A_1100 = arith.constant 0 : i32
    %parallel_loop3A_1101 = arith.constant 1024 : i32
    %parallel_loop3A_1102 = arith.constant 1 : i32
    scf.for %parallel_loop3A_1362 = %parallel_loop3A_1100 to %parallel_loop3A_1101 step %parallel_loop3A_1102  : i32 {
      %parallel_loop3A_1363 = arith.constant 64 : i32
      %parallel_loop3A_1364 = arith.divsi %parallel_loop3A_1362, %parallel_loop3A_1363 : i32
      %parallel_loop3A_1365 = arith.constant 0 : i32
      %parallel_loop3A_1366 = arith.cmpi sgt, %parallel_loop3A_1362, %parallel_loop3A_1365 : i32
      %parallel_loop3A_1367 = arith.extui %parallel_loop3A_1366 : i1 to i32
      %parallel_loop3A_1368 = arith.constant 0 : i32
      %parallel_loop3A_1369 = arith.cmpi slt, %parallel_loop3A_1362, %parallel_loop3A_1368 : i32
      %parallel_loop3A_1370 = arith.extui %parallel_loop3A_1369 : i1 to i32
      %parallel_loop3A_1371 = arith.subi %parallel_loop3A_1367, %parallel_loop3A_1370 : i32
      %parallel_loop3A_1372 = arith.constant 0 : i32
      %parallel_loop3A_1373 = arith.cmpi sgt, %parallel_loop3A_1363, %parallel_loop3A_1372 : i32
      %parallel_loop3A_1374 = arith.extui %parallel_loop3A_1373 : i1 to i32
      %parallel_loop3A_1375 = arith.constant 0 : i32
      %parallel_loop3A_1376 = arith.cmpi slt, %parallel_loop3A_1363, %parallel_loop3A_1375 : i32
      %parallel_loop3A_1377 = arith.extui %parallel_loop3A_1376 : i1 to i32
      %parallel_loop3A_1378 = arith.subi %parallel_loop3A_1374, %parallel_loop3A_1377 : i32
      %parallel_loop3A_1379 = arith.cmpi ne, %parallel_loop3A_1371, %parallel_loop3A_1378 : i32
      %parallel_loop3A_1380 = arith.remsi %parallel_loop3A_1362, %parallel_loop3A_1363 : i32
      %parallel_loop3A_1381 = arith.constant 0 : i32
      %parallel_loop3A_1382 = arith.cmpi ne, %parallel_loop3A_1380, %parallel_loop3A_1381 : i32
      %parallel_loop3A_1383 = arith.andi %parallel_loop3A_1379, %parallel_loop3A_1382 : i1
      %parallel_loop3A_1384 = arith.constant 1 : i32
      %parallel_loop3A_1385 = arith.subi %parallel_loop3A_1364, %parallel_loop3A_1384 : i32
      %parallel_loop3A_1386 = arith.select %parallel_loop3A_1383, %parallel_loop3A_1385, %parallel_loop3A_1364 : i32
      %parallel_loop3A_1387 = arith.constant 64 : i32
      %parallel_loop3A_1388 = arith.muli %parallel_loop3A_1386, %parallel_loop3A_1387 : i32
      %parallel_loop3A_1389 = arith.subi %parallel_loop3A_1362, %parallel_loop3A_1388 : i32
      %parallel_loop3A_1390 = arith.constant 16 : i32
      %parallel_loop3A_1391 = arith.muli %parallel_loop3A_1389, %parallel_loop3A_1390 : i32
      %parallel_loop3A_1392 = arith.index_cast %parallel_loop3A_1386 : i32 to index
      %parallel_loop3A_1393 = arith.index_cast %parallel_loop3A_1391 : i32 to index
      %parallel_loop3A_1394 = tpu.vector_load %arg12[%parallel_loop3A_1392, %parallel_loop3A_1393] {strides = array<i32>} : memref<16x1024xf32, #tpu.memory_space<vmem>>, vector<1x16xf32>,
      %parallel_loop3A_1395 = vector.shape_cast %parallel_loop3A_1394 : vector<1x16xf32> to vector<16xf32>
      %parallel_loop3A_1396 = arith.index_cast %parallel_loop3A_1386 : i32 to index
      %parallel_loop3A_1397 = arith.index_cast %parallel_loop3A_1391 : i32 to index
      %parallel_loop3A_1398 = tpu.vector_load %arg7[%parallel_loop3A_1396, %parallel_loop3A_1397] {strides = array<i32>} : memref<16x1024xf32, #tpu.memory_space<vmem>>, vector<1x16xf32>,
      %parallel_loop3A_1399 = vector.shape_cast %parallel_loop3A_1398 : vector<1x16xf32> to vector<16xf32>
      %parallel_loop3A_1400 = vector.shape_cast %parallel_loop3A_1395 : vector<16xf32> to vector<1x16xf32>
      tpu.vector_store %arg7[%parallel_loop3A_1396, %parallel_loop3A_1397], %parallel_loop3A_1400 {add = true, strides = array<i32>} : memref<16x1024xf32, #tpu.memory_space<vmem>>, vector<1x16xf32>,
    } {sc.loop_unroll_factor = 4 : i64, sc.parallel_access}
    %add3A_1103 = arith.constant 96 : i32
    %add3A_1104 = arith.addi %mul3A_2, %add3A_1103 : i32
    %dma_start3A_1105 = arith.constant 1 : i32
    %dma_start3A_1106 = arith.constant 0 : i32
    %dma_start3A_1107 = tpu.memref_slice %arg5[%dma_start3A_1105, %add3A_1104, %dma_start3A_1106] : memref<4x4096x1024xf32, #tpu.memory_space<hbm>> -> memref<1x16x1024xf32, #tpu.memory_space<hbm>>
    %dma_start3A_1108 = tpu.memref_squeeze %dma_start3A_1107 : memref<1x16x1024xf32, #tpu.memory_space<hbm>> -> memref<16x1024xf32, #tpu.memory_space<hbm>>
    %dma_start3A_1109 = arith.constant 0 : i32
    %dma_start3A_1110 = tpu.memref_slice %arg5[%dma_start3A_1105, %add3A_1104, %dma_start3A_1109] : memref<4x4096x1024xf32, #tpu.memory_space<hbm>> -> memref<1x16x1024xf32, #tpu.memory_space<hbm>>
    %dma_start3A_1111 = tpu.memref_squeeze %dma_start3A_1110 : memref<1x16x1024xf32, #tpu.memory_space<hbm>> -> memref<16x1024xf32, #tpu.memory_space<hbm>>
    tpu.enqueue_dma source(%arg7 : memref<16x1024xf32, #tpu.memory_space<vmem>>) target(%dma_start3A_1111 : memref<16x1024xf32, #tpu.memory_space<hbm>>) target_semaphore(%arg19 : memref<!tpu.dma_semaphore, #tpu.memory_space<semaphore_mem>>)
    %add3A_1112 = arith.constant 80 : i32
    %add3A_1113 = arith.addi %mul3A_2, %add3A_1112 : i32
    %dma_wait3A_1114 = arith.constant 3 : i32
    %dma_wait3A_1115 = arith.constant 0 : i32
    %dma_wait3A_1116 = tpu.memref_slice %arg5[%dma_wait3A_1114, %add3A_1113, %dma_wait3A_1115] : memref<4x4096x1024xf32, #tpu.memory_space<hbm>> -> memref<1x16x1024xf32, #tpu.memory_space<hbm>>
    %dma_wait3A_1117 = tpu.memref_squeeze %dma_wait3A_1116 : memref<1x16x1024xf32, #tpu.memory_space<hbm>> -> memref<16x1024xf32, #tpu.memory_space<hbm>>
    %dma_wait3A_1118 = arith.constant 0 : i32
    %dma_wait3A_1119 = tpu.memref_slice %arg5[%dma_wait3A_1114, %add3A_1113, %dma_wait3A_1118] : memref<4x4096x1024xf32, #tpu.memory_space<hbm>> -> memref<1x16x1024xf32, #tpu.memory_space<hbm>>
    %dma_wait3A_1120 = tpu.memref_squeeze %dma_wait3A_1119 : memref<1x16x1024xf32, #tpu.memory_space<hbm>> -> memref<16x1024xf32, #tpu.memory_space<hbm>>
    tpu.wait_dma2 semaphore(%arg22 : memref<!tpu.dma_semaphore, #tpu.memory_space<semaphore_mem>>) src(%arg10 : memref<16x1024xf32, #tpu.memory_space<vmem>>) dst(%dma_wait3A_1120 : memref<16x1024xf32, #tpu.memory_space<hbm>>)
    %add3A_1121 = arith.constant 112 : i32
    %add3A_1122 = arith.addi %mul3A_2, %add3A_1121 : i32
    %dma_start3A_1123 = arith.constant 0 : i32
    %dma_start3A_1124 = arith.constant 0 : i32
    %dma_start3A_1125 = tpu.memref_slice %arg2[%dma_start3A_1123, %add3A_1122, %dma_start3A_1124] : memref<4x4096x1024xf32, #tpu.memory_space<hbm>> -> memref<1x16x1024xf32, #tpu.memory_space<hbm>>
    %dma_start3A_1126 = tpu.memref_squeeze %dma_start3A_1125 : memref<1x16x1024xf32, #tpu.memory_space<hbm>> -> memref<16x1024xf32, #tpu.memory_space<hbm>>
    %dma_start3A_1127 = arith.constant 0 : i32
    %dma_start3A_1128 = tpu.memref_slice %arg2[%dma_start3A_1123, %add3A_1122, %dma_start3A_1127] : memref<4x4096x1024xf32, #tpu.memory_space<hbm>> -> memref<1x16x1024xf32, #tpu.memory_space<hbm>>
    %dma_start3A_1129 = tpu.memref_squeeze %dma_start3A_1128 : memref<1x16x1024xf32, #tpu.memory_space<hbm>> -> memref<16x1024xf32, #tpu.memory_space<hbm>>
    tpu.enqueue_dma source(%dma_start3A_1129 : memref<16x1024xf32, #tpu.memory_space<hbm>>) target(%arg10 : memref<16x1024xf32, #tpu.memory_space<vmem>>) target_semaphore(%arg17 : memref<!tpu.dma_semaphore, #tpu.memory_space<semaphore_mem>>)
    %add3A_1130 = arith.constant 96 : i32
    %add3A_1131 = arith.addi %mul3A_2, %add3A_1130 : i32
    %dma_wait3A_1132 = arith.constant 2 : i32
    %dma_wait3A_1133 = arith.constant 0 : i32
    %dma_wait3A_1134 = tpu.memref_slice %arg2[%dma_wait3A_1132, %add3A_1131, %dma_wait3A_1133] : memref<4x4096x1024xf32, #tpu.memory_space<hbm>> -> memref<1x16x1024xf32, #tpu.memory_space<hbm>>
    %dma_wait3A_1135 = tpu.memref_squeeze %dma_wait3A_1134 : memref<1x16x1024xf32, #tpu.memory_space<hbm>> -> memref<16x1024xf32, #tpu.memory_space<hbm>>
    %dma_wait3A_1136 = arith.constant 0 : i32
    %dma_wait3A_1137 = tpu.memref_slice %arg2[%dma_wait3A_1132, %add3A_1131, %dma_wait3A_1136] : memref<4x4096x1024xf32, #tpu.memory_space<hbm>> -> memref<1x16x1024xf32, #tpu.memory_space<hbm>>
    %dma_wait3A_1138 = tpu.memref_squeeze %dma_wait3A_1137 : memref<1x16x1024xf32, #tpu.memory_space<hbm>> -> memref<16x1024xf32, #tpu.memory_space<hbm>>
    tpu.wait_dma2 semaphore(%arg15 : memref<!tpu.dma_semaphore, #tpu.memory_space<semaphore_mem>>) src(%dma_wait3A_1138 : memref<16x1024xf32, #tpu.memory_space<hbm>>) dst(%arg8 : memref<16x1024xf32, #tpu.memory_space<vmem>>)
    %parallel_loop3A_1139 = arith.constant 0 : i32
    %parallel_loop3A_1140 = arith.constant 1024 : i32
    %parallel_loop3A_1141 = arith.constant 1 : i32
    scf.for %parallel_loop3A_1362 = %parallel_loop3A_1139 to %parallel_loop3A_1140 step %parallel_loop3A_1141  : i32 {
      %parallel_loop3A_1363 = arith.constant 64 : i32
      %parallel_loop3A_1364 = arith.divsi %parallel_loop3A_1362, %parallel_loop3A_1363 : i32
      %parallel_loop3A_1365 = arith.constant 0 : i32
      %parallel_loop3A_1366 = arith.cmpi sgt, %parallel_loop3A_1362, %parallel_loop3A_1365 : i32
      %parallel_loop3A_1367 = arith.extui %parallel_loop3A_1366 : i1 to i32
      %parallel_loop3A_1368 = arith.constant 0 : i32
      %parallel_loop3A_1369 = arith.cmpi slt, %parallel_loop3A_1362, %parallel_loop3A_1368 : i32
      %parallel_loop3A_1370 = arith.extui %parallel_loop3A_1369 : i1 to i32
      %parallel_loop3A_1371 = arith.subi %parallel_loop3A_1367, %parallel_loop3A_1370 : i32
      %parallel_loop3A_1372 = arith.constant 0 : i32
      %parallel_loop3A_1373 = arith.cmpi sgt, %parallel_loop3A_1363, %parallel_loop3A_1372 : i32
      %parallel_loop3A_1374 = arith.extui %parallel_loop3A_1373 : i1 to i32
      %parallel_loop3A_1375 = arith.constant 0 : i32
      %parallel_loop3A_1376 = arith.cmpi slt, %parallel_loop3A_1363, %parallel_loop3A_1375 : i32
      %parallel_loop3A_1377 = arith.extui %parallel_loop3A_1376 : i1 to i32
      %parallel_loop3A_1378 = arith.subi %parallel_loop3A_1374, %parallel_loop3A_1377 : i32
      %parallel_loop3A_1379 = arith.cmpi ne, %parallel_loop3A_1371, %parallel_loop3A_1378 : i32
      %parallel_loop3A_1380 = arith.remsi %parallel_loop3A_1362, %parallel_loop3A_1363 : i32
      %parallel_loop3A_1381 = arith.constant 0 : i32
      %parallel_loop3A_1382 = arith.cmpi ne, %parallel_loop3A_1380, %parallel_loop3A_1381 : i32
      %parallel_loop3A_1383 = arith.andi %parallel_loop3A_1379, %parallel_loop3A_1382 : i1
      %parallel_loop3A_1384 = arith.constant 1 : i32
      %parallel_loop3A_1385 = arith.subi %parallel_loop3A_1364, %parallel_loop3A_1384 : i32
      %parallel_loop3A_1386 = arith.select %parallel_loop3A_1383, %parallel_loop3A_1385, %parallel_loop3A_1364 : i32
      %parallel_loop3A_1387 = arith.constant 64 : i32
      %parallel_loop3A_1388 = arith.muli %parallel_loop3A_1386, %parallel_loop3A_1387 : i32
      %parallel_loop3A_1389 = arith.subi %parallel_loop3A_1362, %parallel_loop3A_1388 : i32
      %parallel_loop3A_1390 = arith.constant 16 : i32
      %parallel_loop3A_1391 = arith.muli %parallel_loop3A_1389, %parallel_loop3A_1390 : i32
      %parallel_loop3A_1392 = arith.index_cast %parallel_loop3A_1386 : i32 to index
      %parallel_loop3A_1393 = arith.index_cast %parallel_loop3A_1391 : i32 to index
      %parallel_loop3A_1394 = tpu.vector_load %arg12[%parallel_loop3A_1392, %parallel_loop3A_1393] {strides = array<i32>} : memref<16x1024xf32, #tpu.memory_space<vmem>>, vector<1x16xf32>,
      %parallel_loop3A_1395 = vector.shape_cast %parallel_loop3A_1394 : vector<1x16xf32> to vector<16xf32>
      %parallel_loop3A_1396 = arith.index_cast %parallel_loop3A_1386 : i32 to index
      %parallel_loop3A_1397 = arith.index_cast %parallel_loop3A_1391 : i32 to index
      %parallel_loop3A_1398 = tpu.vector_load %arg8[%parallel_loop3A_1396, %parallel_loop3A_1397] {strides = array<i32>} : memref<16x1024xf32, #tpu.memory_space<vmem>>, vector<1x16xf32>,
      %parallel_loop3A_1399 = vector.shape_cast %parallel_loop3A_1398 : vector<1x16xf32> to vector<16xf32>
      %parallel_loop3A_1400 = vector.shape_cast %parallel_loop3A_1395 : vector<16xf32> to vector<1x16xf32>
      tpu.vector_store %arg8[%parallel_loop3A_1396, %parallel_loop3A_1397], %parallel_loop3A_1400 {add = true, strides = array<i32>} : memref<16x1024xf32, #tpu.memory_space<vmem>>, vector<1x16xf32>,
    } {sc.loop_unroll_factor = 4 : i64, sc.parallel_access}
    %add3A_1142 = arith.constant 96 : i32
    %add3A_1143 = arith.addi %mul3A_2, %add3A_1142 : i32
    %dma_start3A_1144 = arith.constant 2 : i32
    %dma_start3A_1145 = arith.constant 0 : i32
    %dma_start3A_1146 = tpu.memref_slice %arg5[%dma_start3A_1144, %add3A_1143, %dma_start3A_1145] : memref<4x4096x1024xf32, #tpu.memory_space<hbm>> -> memref<1x16x1024xf32, #tpu.memory_space<hbm>>
    %dma_start3A_1147 = tpu.memref_squeeze %dma_start3A_1146 : memref<1x16x1024xf32, #tpu.memory_space<hbm>> -> memref<16x1024xf32, #tpu.memory_space<hbm>>
    %dma_start3A_1148 = arith.constant 0 : i32
    %dma_start3A_1149 = tpu.memref_slice %arg5[%dma_start3A_1144, %add3A_1143, %dma_start3A_1148] : memref<4x4096x1024xf32, #tpu.memory_space<hbm>> -> memref<1x16x1024xf32, #tpu.memory_space<hbm>>
    %dma_start3A_1150 = tpu.memref_squeeze %dma_start3A_1149 : memref<1x16x1024xf32, #tpu.memory_space<hbm>> -> memref<16x1024xf32, #tpu.memory_space<hbm>>
    tpu.enqueue_dma source(%arg8 : memref<16x1024xf32, #tpu.memory_space<vmem>>) target(%dma_start3A_1150 : memref<16x1024xf32, #tpu.memory_space<hbm>>) target_semaphore(%arg20 : memref<!tpu.dma_semaphore, #tpu.memory_space<semaphore_mem>>)
    %add3A_1151 = arith.constant 96 : i32
    %add3A_1152 = arith.addi %mul3A_2, %add3A_1151 : i32
    %dma_wait3A_1153 = arith.constant 0 : i32
    %dma_wait3A_1154 = arith.constant 0 : i32
    %dma_wait3A_1155 = tpu.memref_slice %arg5[%dma_wait3A_1153, %add3A_1152, %dma_wait3A_1154] : memref<4x4096x1024xf32, #tpu.memory_space<hbm>> -> memref<1x16x1024xf32, #tpu.memory_space<hbm>>
    %dma_wait3A_1156 = tpu.memref_squeeze %dma_wait3A_1155 : memref<1x16x1024xf32, #tpu.memory_space<hbm>> -> memref<16x1024xf32, #tpu.memory_space<hbm>>
    %dma_wait3A_1157 = arith.constant 0 : i32
    %dma_wait3A_1158 = tpu.memref_slice %arg5[%dma_wait3A_1153, %add3A_1152, %dma_wait3A_1157] : memref<4x4096x1024xf32, #tpu.memory_space<hbm>> -> memref<1x16x1024xf32, #tpu.memory_space<hbm>>
    %dma_wait3A_1159 = tpu.memref_squeeze %dma_wait3A_1158 : memref<1x16x1024xf32, #tpu.memory_space<hbm>> -> memref<16x1024xf32, #tpu.memory_space<hbm>>
    tpu.wait_dma2 semaphore(%arg23 : memref<!tpu.dma_semaphore, #tpu.memory_space<semaphore_mem>>) src(%arg11 : memref<16x1024xf32, #tpu.memory_space<vmem>>) dst(%dma_wait3A_1159 : memref<16x1024xf32, #tpu.memory_space<hbm>>)
    %add3A_1160 = arith.constant 112 : i32
    %add3A_1161 = arith.addi %mul3A_2, %add3A_1160 : i32
    %dma_start3A_1162 = arith.constant 1 : i32
    %dma_start3A_1163 = arith.constant 0 : i32
    %dma_start3A_1164 = tpu.memref_slice %arg2[%dma_start3A_1162, %add3A_1161, %dma_start3A_1163] : memref<4x4096x1024xf32, #tpu.memory_space<hbm>> -> memref<1x16x1024xf32, #tpu.memory_space<hbm>>
    %dma_start3A_1165 = tpu.memref_squeeze %dma_start3A_1164 : memref<1x16x1024xf32, #tpu.memory_space<hbm>> -> memref<16x1024xf32, #tpu.memory_space<hbm>>
    %dma_start3A_1166 = arith.constant 0 : i32
    %dma_start3A_1167 = tpu.memref_slice %arg2[%dma_start3A_1162, %add3A_1161, %dma_start3A_1166] : memref<4x4096x1024xf32, #tpu.memory_space<hbm>> -> memref<1x16x1024xf32, #tpu.memory_space<hbm>>
    %dma_start3A_1168 = tpu.memref_squeeze %dma_start3A_1167 : memref<1x16x1024xf32, #tpu.memory_space<hbm>> -> memref<16x1024xf32, #tpu.memory_space<hbm>>
    tpu.enqueue_dma source(%dma_start3A_1168 : memref<16x1024xf32, #tpu.memory_space<hbm>>) target(%arg11 : memref<16x1024xf32, #tpu.memory_space<vmem>>) target_semaphore(%arg18 : memref<!tpu.dma_semaphore, #tpu.memory_space<semaphore_mem>>)
    %add3A_1169 = arith.constant 96 : i32
    %add3A_1170 = arith.addi %mul3A_2, %add3A_1169 : i32
    %dma_wait3A_1171 = arith.constant 3 : i32
    %dma_wait3A_1172 = arith.constant 0 : i32
    %dma_wait3A_1173 = tpu.memref_slice %arg2[%dma_wait3A_1171, %add3A_1170, %dma_wait3A_1172] : memref<4x4096x1024xf32, #tpu.memory_space<hbm>> -> memref<1x16x1024xf32, #tpu.memory_space<hbm>>
    %dma_wait3A_1174 = tpu.memref_squeeze %dma_wait3A_1173 : memref<1x16x1024xf32, #tpu.memory_space<hbm>> -> memref<16x1024xf32, #tpu.memory_space<hbm>>
    %dma_wait3A_1175 = arith.constant 0 : i32
    %dma_wait3A_1176 = tpu.memref_slice %arg2[%dma_wait3A_1171, %add3A_1170, %dma_wait3A_1175] : memref<4x4096x1024xf32, #tpu.memory_space<hbm>> -> memref<1x16x1024xf32, #tpu.memory_space<hbm>>
    %dma_wait3A_1177 = tpu.memref_squeeze %dma_wait3A_1176 : memref<1x16x1024xf32, #tpu.memory_space<hbm>> -> memref<16x1024xf32, #tpu.memory_space<hbm>>
    tpu.wait_dma2 semaphore(%arg16 : memref<!tpu.dma_semaphore, #tpu.memory_space<semaphore_mem>>) src(%dma_wait3A_1177 : memref<16x1024xf32, #tpu.memory_space<hbm>>) dst(%arg9 : memref<16x1024xf32, #tpu.memory_space<vmem>>)
    %parallel_loop3A_1178 = arith.constant 0 : i32
    %parallel_loop3A_1179 = arith.constant 1024 : i32
    %parallel_loop3A_1180 = arith.constant 1 : i32
    scf.for %parallel_loop3A_1362 = %parallel_loop3A_1178 to %parallel_loop3A_1179 step %parallel_loop3A_1180  : i32 {
      %parallel_loop3A_1363 = arith.constant 64 : i32
      %parallel_loop3A_1364 = arith.divsi %parallel_loop3A_1362, %parallel_loop3A_1363 : i32
      %parallel_loop3A_1365 = arith.constant 0 : i32
      %parallel_loop3A_1366 = arith.cmpi sgt, %parallel_loop3A_1362, %parallel_loop3A_1365 : i32
      %parallel_loop3A_1367 = arith.extui %parallel_loop3A_1366 : i1 to i32
      %parallel_loop3A_1368 = arith.constant 0 : i32
      %parallel_loop3A_1369 = arith.cmpi slt, %parallel_loop3A_1362, %parallel_loop3A_1368 : i32
      %parallel_loop3A_1370 = arith.extui %parallel_loop3A_1369 : i1 to i32
      %parallel_loop3A_1371 = arith.subi %parallel_loop3A_1367, %parallel_loop3A_1370 : i32
      %parallel_loop3A_1372 = arith.constant 0 : i32
      %parallel_loop3A_1373 = arith.cmpi sgt, %parallel_loop3A_1363, %parallel_loop3A_1372 : i32
      %parallel_loop3A_1374 = arith.extui %parallel_loop3A_1373 : i1 to i32
      %parallel_loop3A_1375 = arith.constant 0 : i32
      %parallel_loop3A_1376 = arith.cmpi slt, %parallel_loop3A_1363, %parallel_loop3A_1375 : i32
      %parallel_loop3A_1377 = arith.extui %parallel_loop3A_1376 : i1 to i32
      %parallel_loop3A_1378 = arith.subi %parallel_loop3A_1374, %parallel_loop3A_1377 : i32
      %parallel_loop3A_1379 = arith.cmpi ne, %parallel_loop3A_1371, %parallel_loop3A_1378 : i32
      %parallel_loop3A_1380 = arith.remsi %parallel_loop3A_1362, %parallel_loop3A_1363 : i32
      %parallel_loop3A_1381 = arith.constant 0 : i32
      %parallel_loop3A_1382 = arith.cmpi ne, %parallel_loop3A_1380, %parallel_loop3A_1381 : i32
      %parallel_loop3A_1383 = arith.andi %parallel_loop3A_1379, %parallel_loop3A_1382 : i1
      %parallel_loop3A_1384 = arith.constant 1 : i32
      %parallel_loop3A_1385 = arith.subi %parallel_loop3A_1364, %parallel_loop3A_1384 : i32
      %parallel_loop3A_1386 = arith.select %parallel_loop3A_1383, %parallel_loop3A_1385, %parallel_loop3A_1364 : i32
      %parallel_loop3A_1387 = arith.constant 64 : i32
      %parallel_loop3A_1388 = arith.muli %parallel_loop3A_1386, %parallel_loop3A_1387 : i32
      %parallel_loop3A_1389 = arith.subi %parallel_loop3A_1362, %parallel_loop3A_1388 : i32
      %parallel_loop3A_1390 = arith.constant 16 : i32
      %parallel_loop3A_1391 = arith.muli %parallel_loop3A_1389, %parallel_loop3A_1390 : i32
      %parallel_loop3A_1392 = arith.index_cast %parallel_loop3A_1386 : i32 to index
      %parallel_loop3A_1393 = arith.index_cast %parallel_loop3A_1391 : i32 to index
      %parallel_loop3A_1394 = tpu.vector_load %arg12[%parallel_loop3A_1392, %parallel_loop3A_1393] {strides = array<i32>} : memref<16x1024xf32, #tpu.memory_space<vmem>>, vector<1x16xf32>,
      %parallel_loop3A_1395 = vector.shape_cast %parallel_loop3A_1394 : vector<1x16xf32> to vector<16xf32>
      %parallel_loop3A_1396 = arith.index_cast %parallel_loop3A_1386 : i32 to index
      %parallel_loop3A_1397 = arith.index_cast %parallel_loop3A_1391 : i32 to index
      %parallel_loop3A_1398 = tpu.vector_load %arg9[%parallel_loop3A_1396, %parallel_loop3A_1397] {strides = array<i32>} : memref<16x1024xf32, #tpu.memory_space<vmem>>, vector<1x16xf32>,
      %parallel_loop3A_1399 = vector.shape_cast %parallel_loop3A_1398 : vector<1x16xf32> to vector<16xf32>
      %parallel_loop3A_1400 = vector.shape_cast %parallel_loop3A_1395 : vector<16xf32> to vector<1x16xf32>
      tpu.vector_store %arg9[%parallel_loop3A_1396, %parallel_loop3A_1397], %parallel_loop3A_1400 {add = true, strides = array<i32>} : memref<16x1024xf32, #tpu.memory_space<vmem>>, vector<1x16xf32>,
    } {sc.loop_unroll_factor = 4 : i64, sc.parallel_access}
    %add3A_1181 = arith.constant 96 : i32
    %add3A_1182 = arith.addi %mul3A_2, %add3A_1181 : i32
    %dma_start3A_1183 = arith.constant 3 : i32
    %dma_start3A_1184 = arith.constant 0 : i32
    %dma_start3A_1185 = tpu.memref_slice %arg5[%dma_start3A_1183, %add3A_1182, %dma_start3A_1184] : memref<4x4096x1024xf32, #tpu.memory_space<hbm>> -> memref<1x16x1024xf32, #tpu.memory_space<hbm>>
    %dma_start3A_1186 = tpu.memref_squeeze %dma_start3A_1185 : memref<1x16x1024xf32, #tpu.memory_space<hbm>> -> memref<16x1024xf32, #tpu.memory_space<hbm>>
    %dma_start3A_1187 = arith.constant 0 : i32
    %dma_start3A_1188 = tpu.memref_slice %arg5[%dma_start3A_1183, %add3A_1182, %dma_start3A_1187] : memref<4x4096x1024xf32, #tpu.memory_space<hbm>> -> memref<1x16x1024xf32, #tpu.memory_space<hbm>>
    %dma_start3A_1189 = tpu.memref_squeeze %dma_start3A_1188 : memref<1x16x1024xf32, #tpu.memory_space<hbm>> -> memref<16x1024xf32, #tpu.memory_space<hbm>>
    tpu.enqueue_dma source(%arg9 : memref<16x1024xf32, #tpu.memory_space<vmem>>) target(%dma_start3A_1189 : memref<16x1024xf32, #tpu.memory_space<hbm>>) target_semaphore(%arg21 : memref<!tpu.dma_semaphore, #tpu.memory_space<semaphore_mem>>)
    %add3A_1190 = arith.constant 96 : i32
    %add3A_1191 = arith.addi %mul3A_2, %add3A_1190 : i32
    %dma_wait3A_1192 = arith.constant 1 : i32
    %dma_wait3A_1193 = arith.constant 0 : i32
    %dma_wait3A_1194 = tpu.memref_slice %arg5[%dma_wait3A_1192, %add3A_1191, %dma_wait3A_1193] : memref<4x4096x1024xf32, #tpu.memory_space<hbm>> -> memref<1x16x1024xf32, #tpu.memory_space<hbm>>
    %dma_wait3A_1195 = tpu.memref_squeeze %dma_wait3A_1194 : memref<1x16x1024xf32, #tpu.memory_space<hbm>> -> memref<16x1024xf32, #tpu.memory_space<hbm>>
    %dma_wait3A_1196 = arith.constant 0 : i32
    %dma_wait3A_1197 = tpu.memref_slice %arg5[%dma_wait3A_1192, %add3A_1191, %dma_wait3A_1196] : memref<4x4096x1024xf32, #tpu.memory_space<hbm>> -> memref<1x16x1024xf32, #tpu.memory_space<hbm>>
    %dma_wait3A_1198 = tpu.memref_squeeze %dma_wait3A_1197 : memref<1x16x1024xf32, #tpu.memory_space<hbm>> -> memref<16x1024xf32, #tpu.memory_space<hbm>>
    tpu.wait_dma2 semaphore(%arg19 : memref<!tpu.dma_semaphore, #tpu.memory_space<semaphore_mem>>) src(%arg7 : memref<16x1024xf32, #tpu.memory_space<vmem>>) dst(%dma_wait3A_1198 : memref<16x1024xf32, #tpu.memory_space<hbm>>)
    %add3A_1199 = arith.constant 112 : i32
    %add3A_1200 = arith.addi %mul3A_2, %add3A_1199 : i32
    %dma_start3A_1201 = arith.constant 2 : i32
    %dma_start3A_1202 = arith.constant 0 : i32
    %dma_start3A_1203 = tpu.memref_slice %arg2[%dma_start3A_1201, %add3A_1200, %dma_start3A_1202] : memref<4x4096x1024xf32, #tpu.memory_space<hbm>> -> memref<1x16x1024xf32, #tpu.memory_space<hbm>>
    %dma_start3A_1204 = tpu.memref_squeeze %dma_start3A_1203 : memref<1x16x1024xf32, #tpu.memory_space<hbm>> -> memref<16x1024xf32, #tpu.memory_space<hbm>>
    %dma_start3A_1205 = arith.constant 0 : i32
    %dma_start3A_1206 = tpu.memref_slice %arg2[%dma_start3A_1201, %add3A_1200, %dma_start3A_1205] : memref<4x4096x1024xf32, #tpu.memory_space<hbm>> -> memref<1x16x1024xf32, #tpu.memory_space<hbm>>
    %dma_start3A_1207 = tpu.memref_squeeze %dma_start3A_1206 : memref<1x16x1024xf32, #tpu.memory_space<hbm>> -> memref<16x1024xf32, #tpu.memory_space<hbm>>
    tpu.enqueue_dma source(%dma_start3A_1207 : memref<16x1024xf32, #tpu.memory_space<hbm>>) target(%arg7 : memref<16x1024xf32, #tpu.memory_space<vmem>>) target_semaphore(%arg14 : memref<!tpu.dma_semaphore, #tpu.memory_space<semaphore_mem>>)
    %dma_wait3A_1208 = arith.constant 7 : i32
    %dma_wait3A_1209 = arith.constant 0 : i32
    %dma_wait3A_1210 = tpu.memref_slice %arg6[%dma_wait3A_1208, %dma_wait3A_1209] : memref<8x16xi32, #tpu.memory_space<vmem>> -> memref<1x16xi32, #tpu.memory_space<vmem>>
    %dma_wait3A_1211 = tpu.memref_squeeze %dma_wait3A_1210 : memref<1x16xi32, #tpu.memory_space<vmem>> -> memref<16xi32, #tpu.memory_space<vmem>>
    %dma_wait3A_1212 = arith.constant 0 : i32
    %dma_wait3A_1213 = arith.constant 0 : i32
    %dma_wait3A_1214 = tpu.memref_slice %arg3[%dma_wait3A_1212, %dma_wait3A_1213] : memref<8192x1024xf32, #tpu.memory_space<hbm>> -> memref<8192x1024xf32, #tpu.memory_space<hbm>>
    tpu.wait_indirect_dma semaphore(%arg25 : memref<!tpu.dma_semaphore, #tpu.memory_space<semaphore_mem>>) src(%dma_wait3A_1214 : memref<8192x1024xf32, #tpu.memory_space<hbm>>) dst(%arg13 : memref<16x1024xf32, #tpu.memory_space<vmem>>)
    %add3A_1215 = arith.constant 112 : i32
    %add3A_1216 = arith.addi %mul3A_2, %add3A_1215 : i32
    %dma_wait3A_1217 = arith.constant 0 : i32
    %dma_wait3A_1218 = arith.constant 0 : i32
    %dma_wait3A_1219 = tpu.memref_slice %arg2[%dma_wait3A_1217, %add3A_1216, %dma_wait3A_1218] : memref<4x4096x1024xf32, #tpu.memory_space<hbm>> -> memref<1x16x1024xf32, #tpu.memory_space<hbm>>
    %dma_wait3A_1220 = tpu.memref_squeeze %dma_wait3A_1219 : memref<1x16x1024xf32, #tpu.memory_space<hbm>> -> memref<16x1024xf32, #tpu.memory_space<hbm>>
    %dma_wait3A_1221 = arith.constant 0 : i32
    %dma_wait3A_1222 = tpu.memref_slice %arg2[%dma_wait3A_1217, %add3A_1216, %dma_wait3A_1221] : memref<4x4096x1024xf32, #tpu.memory_space<hbm>> -> memref<1x16x1024xf32, #tpu.memory_space<hbm>>
    %dma_wait3A_1223 = tpu.memref_squeeze %dma_wait3A_1222 : memref<1x16x1024xf32, #tpu.memory_space<hbm>> -> memref<16x1024xf32, #tpu.memory_space<hbm>>
    tpu.wait_dma2 semaphore(%arg17 : memref<!tpu.dma_semaphore, #tpu.memory_space<semaphore_mem>>) src(%dma_wait3A_1223 : memref<16x1024xf32, #tpu.memory_space<hbm>>) dst(%arg10 : memref<16x1024xf32, #tpu.memory_space<vmem>>)
    %parallel_loop3A_1224 = arith.constant 0 : i32
    %parallel_loop3A_1225 = arith.constant 1024 : i32
    %parallel_loop3A_1226 = arith.constant 1 : i32
    scf.for %parallel_loop3A_1362 = %parallel_loop3A_1224 to %parallel_loop3A_1225 step %parallel_loop3A_1226  : i32 {
      %parallel_loop3A_1363 = arith.constant 64 : i32
      %parallel_loop3A_1364 = arith.divsi %parallel_loop3A_1362, %parallel_loop3A_1363 : i32
      %parallel_loop3A_1365 = arith.constant 0 : i32
      %parallel_loop3A_1366 = arith.cmpi sgt, %parallel_loop3A_1362, %parallel_loop3A_1365 : i32
      %parallel_loop3A_1367 = arith.extui %parallel_loop3A_1366 : i1 to i32
      %parallel_loop3A_1368 = arith.constant 0 : i32
      %parallel_loop3A_1369 = arith.cmpi slt, %parallel_loop3A_1362, %parallel_loop3A_1368 : i32
      %parallel_loop3A_1370 = arith.extui %parallel_loop3A_1369 : i1 to i32
      %parallel_loop3A_1371 = arith.subi %parallel_loop3A_1367, %parallel_loop3A_1370 : i32
      %parallel_loop3A_1372 = arith.constant 0 : i32
      %parallel_loop3A_1373 = arith.cmpi sgt, %parallel_loop3A_1363, %parallel_loop3A_1372 : i32
      %parallel_loop3A_1374 = arith.extui %parallel_loop3A_1373 : i1 to i32
      %parallel_loop3A_1375 = arith.constant 0 : i32
      %parallel_loop3A_1376 = arith.cmpi slt, %parallel_loop3A_1363, %parallel_loop3A_1375 : i32
      %parallel_loop3A_1377 = arith.extui %parallel_loop3A_1376 : i1 to i32
      %parallel_loop3A_1378 = arith.subi %parallel_loop3A_1374, %parallel_loop3A_1377 : i32
      %parallel_loop3A_1379 = arith.cmpi ne, %parallel_loop3A_1371, %parallel_loop3A_1378 : i32
      %parallel_loop3A_1380 = arith.remsi %parallel_loop3A_1362, %parallel_loop3A_1363 : i32
      %parallel_loop3A_1381 = arith.constant 0 : i32
      %parallel_loop3A_1382 = arith.cmpi ne, %parallel_loop3A_1380, %parallel_loop3A_1381 : i32
      %parallel_loop3A_1383 = arith.andi %parallel_loop3A_1379, %parallel_loop3A_1382 : i1
      %parallel_loop3A_1384 = arith.constant 1 : i32
      %parallel_loop3A_1385 = arith.subi %parallel_loop3A_1364, %parallel_loop3A_1384 : i32
      %parallel_loop3A_1386 = arith.select %parallel_loop3A_1383, %parallel_loop3A_1385, %parallel_loop3A_1364 : i32
      %parallel_loop3A_1387 = arith.constant 64 : i32
      %parallel_loop3A_1388 = arith.muli %parallel_loop3A_1386, %parallel_loop3A_1387 : i32
      %parallel_loop3A_1389 = arith.subi %parallel_loop3A_1362, %parallel_loop3A_1388 : i32
      %parallel_loop3A_1390 = arith.constant 16 : i32
      %parallel_loop3A_1391 = arith.muli %parallel_loop3A_1389, %parallel_loop3A_1390 : i32
      %parallel_loop3A_1392 = arith.index_cast %parallel_loop3A_1386 : i32 to index
      %parallel_loop3A_1393 = arith.index_cast %parallel_loop3A_1391 : i32 to index
      %parallel_loop3A_1394 = tpu.vector_load %arg13[%parallel_loop3A_1392, %parallel_loop3A_1393] {strides = array<i32>} : memref<16x1024xf32, #tpu.memory_space<vmem>>, vector<1x16xf32>,
      %parallel_loop3A_1395 = vector.shape_cast %parallel_loop3A_1394 : vector<1x16xf32> to vector<16xf32>
      %parallel_loop3A_1396 = arith.index_cast %parallel_loop3A_1386 : i32 to index
      %parallel_loop3A_1397 = arith.index_cast %parallel_loop3A_1391 : i32 to index
      %parallel_loop3A_1398 = tpu.vector_load %arg10[%parallel_loop3A_1396, %parallel_loop3A_1397] {strides = array<i32>} : memref<16x1024xf32, #tpu.memory_space<vmem>>, vector<1x16xf32>,
      %parallel_loop3A_1399 = vector.shape_cast %parallel_loop3A_1398 : vector<1x16xf32> to vector<16xf32>
      %parallel_loop3A_1400 = vector.shape_cast %parallel_loop3A_1395 : vector<16xf32> to vector<1x16xf32>
      tpu.vector_store %arg10[%parallel_loop3A_1396, %parallel_loop3A_1397], %parallel_loop3A_1400 {add = true, strides = array<i32>} : memref<16x1024xf32, #tpu.memory_space<vmem>>, vector<1x16xf32>,
    } {sc.loop_unroll_factor = 4 : i64, sc.parallel_access}
    %add3A_1227 = arith.constant 112 : i32
    %add3A_1228 = arith.addi %mul3A_2, %add3A_1227 : i32
    %dma_start3A_1229 = arith.constant 0 : i32
    %dma_start3A_1230 = arith.constant 0 : i32
    %dma_start3A_1231 = tpu.memref_slice %arg5[%dma_start3A_1229, %add3A_1228, %dma_start3A_1230] : memref<4x4096x1024xf32, #tpu.memory_space<hbm>> -> memref<1x16x1024xf32, #tpu.memory_space<hbm>>
    %dma_start3A_1232 = tpu.memref_squeeze %dma_start3A_1231 : memref<1x16x1024xf32, #tpu.memory_space<hbm>> -> memref<16x1024xf32, #tpu.memory_space<hbm>>
    %dma_start3A_1233 = arith.constant 0 : i32
    %dma_start3A_1234 = tpu.memref_slice %arg5[%dma_start3A_1229, %add3A_1228, %dma_start3A_1233] : memref<4x4096x1024xf32, #tpu.memory_space<hbm>> -> memref<1x16x1024xf32, #tpu.memory_space<hbm>>
    %dma_start3A_1235 = tpu.memref_squeeze %dma_start3A_1234 : memref<1x16x1024xf32, #tpu.memory_space<hbm>> -> memref<16x1024xf32, #tpu.memory_space<hbm>>
    tpu.enqueue_dma source(%arg10 : memref<16x1024xf32, #tpu.memory_space<vmem>>) target(%dma_start3A_1235 : memref<16x1024xf32, #tpu.memory_space<hbm>>) target_semaphore(%arg22 : memref<!tpu.dma_semaphore, #tpu.memory_space<semaphore_mem>>)
    %add3A_1236 = arith.constant 96 : i32
    %add3A_1237 = arith.addi %mul3A_2, %add3A_1236 : i32
    %dma_wait3A_1238 = arith.constant 2 : i32
    %dma_wait3A_1239 = arith.constant 0 : i32
    %dma_wait3A_1240 = tpu.memref_slice %arg5[%dma_wait3A_1238, %add3A_1237, %dma_wait3A_1239] : memref<4x4096x1024xf32, #tpu.memory_space<hbm>> -> memref<1x16x1024xf32, #tpu.memory_space<hbm>>
    %dma_wait3A_1241 = tpu.memref_squeeze %dma_wait3A_1240 : memref<1x16x1024xf32, #tpu.memory_space<hbm>> -> memref<16x1024xf32, #tpu.memory_space<hbm>>
    %dma_wait3A_1242 = arith.constant 0 : i32
    %dma_wait3A_1243 = tpu.memref_slice %arg5[%dma_wait3A_1238, %add3A_1237, %dma_wait3A_1242] : memref<4x4096x1024xf32, #tpu.memory_space<hbm>> -> memref<1x16x1024xf32, #tpu.memory_space<hbm>>
    %dma_wait3A_1244 = tpu.memref_squeeze %dma_wait3A_1243 : memref<1x16x1024xf32, #tpu.memory_space<hbm>> -> memref<16x1024xf32, #tpu.memory_space<hbm>>
    tpu.wait_dma2 semaphore(%arg20 : memref<!tpu.dma_semaphore, #tpu.memory_space<semaphore_mem>>) src(%arg8 : memref<16x1024xf32, #tpu.memory_space<vmem>>) dst(%dma_wait3A_1244 : memref<16x1024xf32, #tpu.memory_space<hbm>>)
    %add3A_1245 = arith.constant 112 : i32
    %add3A_1246 = arith.addi %mul3A_2, %add3A_1245 : i32
    %dma_start3A_1247 = arith.constant 3 : i32
    %dma_start3A_1248 = arith.constant 0 : i32
    %dma_start3A_1249 = tpu.memref_slice %arg2[%dma_start3A_1247, %add3A_1246, %dma_start3A_1248] : memref<4x4096x1024xf32, #tpu.memory_space<hbm>> -> memref<1x16x1024xf32, #tpu.memory_space<hbm>>
    %dma_start3A_1250 = tpu.memref_squeeze %dma_start3A_1249 : memref<1x16x1024xf32, #tpu.memory_space<hbm>> -> memref<16x1024xf32, #tpu.memory_space<hbm>>
    %dma_start3A_1251 = arith.constant 0 : i32
    %dma_start3A_1252 = tpu.memref_slice %arg2[%dma_start3A_1247, %add3A_1246, %dma_start3A_1251] : memref<4x4096x1024xf32, #tpu.memory_space<hbm>> -> memref<1x16x1024xf32, #tpu.memory_space<hbm>>
    %dma_start3A_1253 = tpu.memref_squeeze %dma_start3A_1252 : memref<1x16x1024xf32, #tpu.memory_space<hbm>> -> memref<16x1024xf32, #tpu.memory_space<hbm>>
    tpu.enqueue_dma source(%dma_start3A_1253 : memref<16x1024xf32, #tpu.memory_space<hbm>>) target(%arg8 : memref<16x1024xf32, #tpu.memory_space<vmem>>) target_semaphore(%arg15 : memref<!tpu.dma_semaphore, #tpu.memory_space<semaphore_mem>>)
    %add3A_1254 = arith.constant 112 : i32
    %add3A_1255 = arith.addi %mul3A_2, %add3A_1254 : i32
    %dma_wait3A_1256 = arith.constant 1 : i32
    %dma_wait3A_1257 = arith.constant 0 : i32
    %dma_wait3A_1258 = tpu.memref_slice %arg2[%dma_wait3A_1256, %add3A_1255, %dma_wait3A_1257] : memref<4x4096x1024xf32, #tpu.memory_space<hbm>> -> memref<1x16x1024xf32, #tpu.memory_space<hbm>>
    %dma_wait3A_1259 = tpu.memref_squeeze %dma_wait3A_1258 : memref<1x16x1024xf32, #tpu.memory_space<hbm>> -> memref<16x1024xf32, #tpu.memory_space<hbm>>
    %dma_wait3A_1260 = arith.constant 0 : i32
    %dma_wait3A_1261 = tpu.memref_slice %arg2[%dma_wait3A_1256, %add3A_1255, %dma_wait3A_1260] : memref<4x4096x1024xf32, #tpu.memory_space<hbm>> -> memref<1x16x1024xf32, #tpu.memory_space<hbm>>
    %dma_wait3A_1262 = tpu.memref_squeeze %dma_wait3A_1261 : memref<1x16x1024xf32, #tpu.memory_space<hbm>> -> memref<16x1024xf32, #tpu.memory_space<hbm>>
    tpu.wait_dma2 semaphore(%arg18 : memref<!tpu.dma_semaphore, #tpu.memory_space<semaphore_mem>>) src(%dma_wait3A_1262 : memref<16x1024xf32, #tpu.memory_space<hbm>>) dst(%arg11 : memref<16x1024xf32, #tpu.memory_space<vmem>>)
    %parallel_loop3A_1263 = arith.constant 0 : i32
    %parallel_loop3A_1264 = arith.constant 1024 : i32
    %parallel_loop3A_1265 = arith.constant 1 : i32
    scf.for %parallel_loop3A_1362 = %parallel_loop3A_1263 to %parallel_loop3A_1264 step %parallel_loop3A_1265  : i32 {
      %parallel_loop3A_1363 = arith.constant 64 : i32
      %parallel_loop3A_1364 = arith.divsi %parallel_loop3A_1362, %parallel_loop3A_1363 : i32
      %parallel_loop3A_1365 = arith.constant 0 : i32
      %parallel_loop3A_1366 = arith.cmpi sgt, %parallel_loop3A_1362, %parallel_loop3A_1365 : i32
      %parallel_loop3A_1367 = arith.extui %parallel_loop3A_1366 : i1 to i32
      %parallel_loop3A_1368 = arith.constant 0 : i32
      %parallel_loop3A_1369 = arith.cmpi slt, %parallel_loop3A_1362, %parallel_loop3A_1368 : i32
      %parallel_loop3A_1370 = arith.extui %parallel_loop3A_1369 : i1 to i32
      %parallel_loop3A_1371 = arith.subi %parallel_loop3A_1367, %parallel_loop3A_1370 : i32
      %parallel_loop3A_1372 = arith.constant 0 : i32
      %parallel_loop3A_1373 = arith.cmpi sgt, %parallel_loop3A_1363, %parallel_loop3A_1372 : i32
      %parallel_loop3A_1374 = arith.extui %parallel_loop3A_1373 : i1 to i32
      %parallel_loop3A_1375 = arith.constant 0 : i32
      %parallel_loop3A_1376 = arith.cmpi slt, %parallel_loop3A_1363, %parallel_loop3A_1375 : i32
      %parallel_loop3A_1377 = arith.extui %parallel_loop3A_1376 : i1 to i32
      %parallel_loop3A_1378 = arith.subi %parallel_loop3A_1374, %parallel_loop3A_1377 : i32
      %parallel_loop3A_1379 = arith.cmpi ne, %parallel_loop3A_1371, %parallel_loop3A_1378 : i32
      %parallel_loop3A_1380 = arith.remsi %parallel_loop3A_1362, %parallel_loop3A_1363 : i32
      %parallel_loop3A_1381 = arith.constant 0 : i32
      %parallel_loop3A_1382 = arith.cmpi ne, %parallel_loop3A_1380, %parallel_loop3A_1381 : i32
      %parallel_loop3A_1383 = arith.andi %parallel_loop3A_1379, %parallel_loop3A_1382 : i1
      %parallel_loop3A_1384 = arith.constant 1 : i32
      %parallel_loop3A_1385 = arith.subi %parallel_loop3A_1364, %parallel_loop3A_1384 : i32
      %parallel_loop3A_1386 = arith.select %parallel_loop3A_1383, %parallel_loop3A_1385, %parallel_loop3A_1364 : i32
      %parallel_loop3A_1387 = arith.constant 64 : i32
      %parallel_loop3A_1388 = arith.muli %parallel_loop3A_1386, %parallel_loop3A_1387 : i32
      %parallel_loop3A_1389 = arith.subi %parallel_loop3A_1362, %parallel_loop3A_1388 : i32
      %parallel_loop3A_1390 = arith.constant 16 : i32
      %parallel_loop3A_1391 = arith.muli %parallel_loop3A_1389, %parallel_loop3A_1390 : i32
      %parallel_loop3A_1392 = arith.index_cast %parallel_loop3A_1386 : i32 to index
      %parallel_loop3A_1393 = arith.index_cast %parallel_loop3A_1391 : i32 to index
      %parallel_loop3A_1394 = tpu.vector_load %arg13[%parallel_loop3A_1392, %parallel_loop3A_1393] {strides = array<i32>} : memref<16x1024xf32, #tpu.memory_space<vmem>>, vector<1x16xf32>,
      %parallel_loop3A_1395 = vector.shape_cast %parallel_loop3A_1394 : vector<1x16xf32> to vector<16xf32>
      %parallel_loop3A_1396 = arith.index_cast %parallel_loop3A_1386 : i32 to index
      %parallel_loop3A_1397 = arith.index_cast %parallel_loop3A_1391 : i32 to index
      %parallel_loop3A_1398 = tpu.vector_load %arg11[%parallel_loop3A_1396, %parallel_loop3A_1397] {strides = array<i32>} : memref<16x1024xf32, #tpu.memory_space<vmem>>, vector<1x16xf32>,
      %parallel_loop3A_1399 = vector.shape_cast %parallel_loop3A_1398 : vector<1x16xf32> to vector<16xf32>
      %parallel_loop3A_1400 = vector.shape_cast %parallel_loop3A_1395 : vector<16xf32> to vector<1x16xf32>
      tpu.vector_store %arg11[%parallel_loop3A_1396, %parallel_loop3A_1397], %parallel_loop3A_1400 {add = true, strides = array<i32>} : memref<16x1024xf32, #tpu.memory_space<vmem>>, vector<1x16xf32>,
    } {sc.loop_unroll_factor = 4 : i64, sc.parallel_access}
    %add3A_1266 = arith.constant 112 : i32
    %add3A_1267 = arith.addi %mul3A_2, %add3A_1266 : i32
    %dma_start3A_1268 = arith.constant 1 : i32
    %dma_start3A_1269 = arith.constant 0 : i32
    %dma_start3A_1270 = tpu.memref_slice %arg5[%dma_start3A_1268, %add3A_1267, %dma_start3A_1269] : memref<4x4096x1024xf32, #tpu.memory_space<hbm>> -> memref<1x16x1024xf32, #tpu.memory_space<hbm>>
    %dma_start3A_1271 = tpu.memref_squeeze %dma_start3A_1270 : memref<1x16x1024xf32, #tpu.memory_space<hbm>> -> memref<16x1024xf32, #tpu.memory_space<hbm>>
    %dma_start3A_1272 = arith.constant 0 : i32
    %dma_start3A_1273 = tpu.memref_slice %arg5[%dma_start3A_1268, %add3A_1267, %dma_start3A_1272] : memref<4x4096x1024xf32, #tpu.memory_space<hbm>> -> memref<1x16x1024xf32, #tpu.memory_space<hbm>>
    %dma_start3A_1274 = tpu.memref_squeeze %dma_start3A_1273 : memref<1x16x1024xf32, #tpu.memory_space<hbm>> -> memref<16x1024xf32, #tpu.memory_space<hbm>>
    tpu.enqueue_dma source(%arg11 : memref<16x1024xf32, #tpu.memory_space<vmem>>) target(%dma_start3A_1274 : memref<16x1024xf32, #tpu.memory_space<hbm>>) target_semaphore(%arg23 : memref<!tpu.dma_semaphore, #tpu.memory_space<semaphore_mem>>)
    %add3A_1275 = arith.constant 112 : i32
    %add3A_1276 = arith.addi %mul3A_2, %add3A_1275 : i32
    %dma_wait3A_1277 = arith.constant 2 : i32
    %dma_wait3A_1278 = arith.constant 0 : i32
    %dma_wait3A_1279 = tpu.memref_slice %arg2[%dma_wait3A_1277, %add3A_1276, %dma_wait3A_1278] : memref<4x4096x1024xf32, #tpu.memory_space<hbm>> -> memref<1x16x1024xf32, #tpu.memory_space<hbm>>
    %dma_wait3A_1280 = tpu.memref_squeeze %dma_wait3A_1279 : memref<1x16x1024xf32, #tpu.memory_space<hbm>> -> memref<16x1024xf32, #tpu.memory_space<hbm>>
    %dma_wait3A_1281 = arith.constant 0 : i32
    %dma_wait3A_1282 = tpu.memref_slice %arg2[%dma_wait3A_1277, %add3A_1276, %dma_wait3A_1281] : memref<4x4096x1024xf32, #tpu.memory_space<hbm>> -> memref<1x16x1024xf32, #tpu.memory_space<hbm>>
    %dma_wait3A_1283 = tpu.memref_squeeze %dma_wait3A_1282 : memref<1x16x1024xf32, #tpu.memory_space<hbm>> -> memref<16x1024xf32, #tpu.memory_space<hbm>>
    tpu.wait_dma2 semaphore(%arg14 : memref<!tpu.dma_semaphore, #tpu.memory_space<semaphore_mem>>) src(%dma_wait3A_1283 : memref<16x1024xf32, #tpu.memory_space<hbm>>) dst(%arg7 : memref<16x1024xf32, #tpu.memory_space<vmem>>)
    %parallel_loop3A_1284 = arith.constant 0 : i32
    %parallel_loop3A_1285 = arith.constant 1024 : i32
    %parallel_loop3A_1286 = arith.constant 1 : i32
    scf.for %parallel_loop3A_1362 = %parallel_loop3A_1284 to %parallel_loop3A_1285 step %parallel_loop3A_1286  : i32 {
      %parallel_loop3A_1363 = arith.constant 64 : i32
      %parallel_loop3A_1364 = arith.divsi %parallel_loop3A_1362, %parallel_loop3A_1363 : i32
      %parallel_loop3A_1365 = arith.constant 0 : i32
      %parallel_loop3A_1366 = arith.cmpi sgt, %parallel_loop3A_1362, %parallel_loop3A_1365 : i32
      %parallel_loop3A_1367 = arith.extui %parallel_loop3A_1366 : i1 to i32
      %parallel_loop3A_1368 = arith.constant 0 : i32
      %parallel_loop3A_1369 = arith.cmpi slt, %parallel_loop3A_1362, %parallel_loop3A_1368 : i32
      %parallel_loop3A_1370 = arith.extui %parallel_loop3A_1369 : i1 to i32
      %parallel_loop3A_1371 = arith.subi %parallel_loop3A_1367, %parallel_loop3A_1370 : i32
      %parallel_loop3A_1372 = arith.constant 0 : i32
      %parallel_loop3A_1373 = arith.cmpi sgt, %parallel_loop3A_1363, %parallel_loop3A_1372 : i32
      %parallel_loop3A_1374 = arith.extui %parallel_loop3A_1373 : i1 to i32
      %parallel_loop3A_1375 = arith.constant 0 : i32
      %parallel_loop3A_1376 = arith.cmpi slt, %parallel_loop3A_1363, %parallel_loop3A_1375 : i32
      %parallel_loop3A_1377 = arith.extui %parallel_loop3A_1376 : i1 to i32
      %parallel_loop3A_1378 = arith.subi %parallel_loop3A_1374, %parallel_loop3A_1377 : i32
      %parallel_loop3A_1379 = arith.cmpi ne, %parallel_loop3A_1371, %parallel_loop3A_1378 : i32
      %parallel_loop3A_1380 = arith.remsi %parallel_loop3A_1362, %parallel_loop3A_1363 : i32
      %parallel_loop3A_1381 = arith.constant 0 : i32
      %parallel_loop3A_1382 = arith.cmpi ne, %parallel_loop3A_1380, %parallel_loop3A_1381 : i32
      %parallel_loop3A_1383 = arith.andi %parallel_loop3A_1379, %parallel_loop3A_1382 : i1
      %parallel_loop3A_1384 = arith.constant 1 : i32
      %parallel_loop3A_1385 = arith.subi %parallel_loop3A_1364, %parallel_loop3A_1384 : i32
      %parallel_loop3A_1386 = arith.select %parallel_loop3A_1383, %parallel_loop3A_1385, %parallel_loop3A_1364 : i32
      %parallel_loop3A_1387 = arith.constant 64 : i32
      %parallel_loop3A_1388 = arith.muli %parallel_loop3A_1386, %parallel_loop3A_1387 : i32
      %parallel_loop3A_1389 = arith.subi %parallel_loop3A_1362, %parallel_loop3A_1388 : i32
      %parallel_loop3A_1390 = arith.constant 16 : i32
      %parallel_loop3A_1391 = arith.muli %parallel_loop3A_1389, %parallel_loop3A_1390 : i32
      %parallel_loop3A_1392 = arith.index_cast %parallel_loop3A_1386 : i32 to index
      %parallel_loop3A_1393 = arith.index_cast %parallel_loop3A_1391 : i32 to index
      %parallel_loop3A_1394 = tpu.vector_load %arg13[%parallel_loop3A_1392, %parallel_loop3A_1393] {strides = array<i32>} : memref<16x1024xf32, #tpu.memory_space<vmem>>, vector<1x16xf32>,
      %parallel_loop3A_1395 = vector.shape_cast %parallel_loop3A_1394 : vector<1x16xf32> to vector<16xf32>
      %parallel_loop3A_1396 = arith.index_cast %parallel_loop3A_1386 : i32 to index
      %parallel_loop3A_1397 = arith.index_cast %parallel_loop3A_1391 : i32 to index
      %parallel_loop3A_1398 = tpu.vector_load %arg7[%parallel_loop3A_1396, %parallel_loop3A_1397] {strides = array<i32>} : memref<16x1024xf32, #tpu.memory_space<vmem>>, vector<1x16xf32>,
      %parallel_loop3A_1399 = vector.shape_cast %parallel_loop3A_1398 : vector<1x16xf32> to vector<16xf32>
      %parallel_loop3A_1400 = vector.shape_cast %parallel_loop3A_1395 : vector<16xf32> to vector<1x16xf32>
      tpu.vector_store %arg7[%parallel_loop3A_1396, %parallel_loop3A_1397], %parallel_loop3A_1400 {add = true, strides = array<i32>} : memref<16x1024xf32, #tpu.memory_space<vmem>>, vector<1x16xf32>,
    } {sc.loop_unroll_factor = 4 : i64, sc.parallel_access}
    %add3A_1287 = arith.constant 112 : i32
    %add3A_1288 = arith.addi %mul3A_2, %add3A_1287 : i32
    %dma_start3A_1289 = arith.constant 2 : i32
    %dma_start3A_1290 = arith.constant 0 : i32
    %dma_start3A_1291 = tpu.memref_slice %arg5[%dma_start3A_1289, %add3A_1288, %dma_start3A_1290] : memref<4x4096x1024xf32, #tpu.memory_space<hbm>> -> memref<1x16x1024xf32, #tpu.memory_space<hbm>>
    %dma_start3A_1292 = tpu.memref_squeeze %dma_start3A_1291 : memref<1x16x1024xf32, #tpu.memory_space<hbm>> -> memref<16x1024xf32, #tpu.memory_space<hbm>>
    %dma_start3A_1293 = arith.constant 0 : i32
    %dma_start3A_1294 = tpu.memref_slice %arg5[%dma_start3A_1289, %add3A_1288, %dma_start3A_1293] : memref<4x4096x1024xf32, #tpu.memory_space<hbm>> -> memref<1x16x1024xf32, #tpu.memory_space<hbm>>
    %dma_start3A_1295 = tpu.memref_squeeze %dma_start3A_1294 : memref<1x16x1024xf32, #tpu.memory_space<hbm>> -> memref<16x1024xf32, #tpu.memory_space<hbm>>
    tpu.enqueue_dma source(%arg7 : memref<16x1024xf32, #tpu.memory_space<vmem>>) target(%dma_start3A_1295 : memref<16x1024xf32, #tpu.memory_space<hbm>>) target_semaphore(%arg19 : memref<!tpu.dma_semaphore, #tpu.memory_space<semaphore_mem>>)
    %add3A_1296 = arith.constant 112 : i32
    %add3A_1297 = arith.addi %mul3A_2, %add3A_1296 : i32
    %dma_wait3A_1298 = arith.constant 3 : i32
    %dma_wait3A_1299 = arith.constant 0 : i32
    %dma_wait3A_1300 = tpu.memref_slice %arg2[%dma_wait3A_1298, %add3A_1297, %dma_wait3A_1299] : memref<4x4096x1024xf32, #tpu.memory_space<hbm>> -> memref<1x16x1024xf32, #tpu.memory_space<hbm>>
    %dma_wait3A_1301 = tpu.memref_squeeze %dma_wait3A_1300 : memref<1x16x1024xf32, #tpu.memory_space<hbm>> -> memref<16x1024xf32, #tpu.memory_space<hbm>>
    %dma_wait3A_1302 = arith.constant 0 : i32
    %dma_wait3A_1303 = tpu.memref_slice %arg2[%dma_wait3A_1298, %add3A_1297, %dma_wait3A_1302] : memref<4x4096x1024xf32, #tpu.memory_space<hbm>> -> memref<1x16x1024xf32, #tpu.memory_space<hbm>>
    %dma_wait3A_1304 = tpu.memref_squeeze %dma_wait3A_1303 : memref<1x16x1024xf32, #tpu.memory_space<hbm>> -> memref<16x1024xf32, #tpu.memory_space<hbm>>
    tpu.wait_dma2 semaphore(%arg15 : memref<!tpu.dma_semaphore, #tpu.memory_space<semaphore_mem>>) src(%dma_wait3A_1304 : memref<16x1024xf32, #tpu.memory_space<hbm>>) dst(%arg8 : memref<16x1024xf32, #tpu.memory_space<vmem>>)
    %parallel_loop3A_1305 = arith.constant 0 : i32
    %parallel_loop3A_1306 = arith.constant 1024 : i32
    %parallel_loop3A_1307 = arith.constant 1 : i32
    scf.for %parallel_loop3A_1362 = %parallel_loop3A_1305 to %parallel_loop3A_1306 step %parallel_loop3A_1307  : i32 {
      %parallel_loop3A_1363 = arith.constant 64 : i32
      %parallel_loop3A_1364 = arith.divsi %parallel_loop3A_1362, %parallel_loop3A_1363 : i32
      %parallel_loop3A_1365 = arith.constant 0 : i32
      %parallel_loop3A_1366 = arith.cmpi sgt, %parallel_loop3A_1362, %parallel_loop3A_1365 : i32
      %parallel_loop3A_1367 = arith.extui %parallel_loop3A_1366 : i1 to i32
      %parallel_loop3A_1368 = arith.constant 0 : i32
      %parallel_loop3A_1369 = arith.cmpi slt, %parallel_loop3A_1362, %parallel_loop3A_1368 : i32
      %parallel_loop3A_1370 = arith.extui %parallel_loop3A_1369 : i1 to i32
      %parallel_loop3A_1371 = arith.subi %parallel_loop3A_1367, %parallel_loop3A_1370 : i32
      %parallel_loop3A_1372 = arith.constant 0 : i32
      %parallel_loop3A_1373 = arith.cmpi sgt, %parallel_loop3A_1363, %parallel_loop3A_1372 : i32
      %parallel_loop3A_1374 = arith.extui %parallel_loop3A_1373 : i1 to i32
      %parallel_loop3A_1375 = arith.constant 0 : i32
      %parallel_loop3A_1376 = arith.cmpi slt, %parallel_loop3A_1363, %parallel_loop3A_1375 : i32
      %parallel_loop3A_1377 = arith.extui %parallel_loop3A_1376 : i1 to i32
      %parallel_loop3A_1378 = arith.subi %parallel_loop3A_1374, %parallel_loop3A_1377 : i32
      %parallel_loop3A_1379 = arith.cmpi ne, %parallel_loop3A_1371, %parallel_loop3A_1378 : i32
      %parallel_loop3A_1380 = arith.remsi %parallel_loop3A_1362, %parallel_loop3A_1363 : i32
      %parallel_loop3A_1381 = arith.constant 0 : i32
      %parallel_loop3A_1382 = arith.cmpi ne, %parallel_loop3A_1380, %parallel_loop3A_1381 : i32
      %parallel_loop3A_1383 = arith.andi %parallel_loop3A_1379, %parallel_loop3A_1382 : i1
      %parallel_loop3A_1384 = arith.constant 1 : i32
      %parallel_loop3A_1385 = arith.subi %parallel_loop3A_1364, %parallel_loop3A_1384 : i32
      %parallel_loop3A_1386 = arith.select %parallel_loop3A_1383, %parallel_loop3A_1385, %parallel_loop3A_1364 : i32
      %parallel_loop3A_1387 = arith.constant 64 : i32
      %parallel_loop3A_1388 = arith.muli %parallel_loop3A_1386, %parallel_loop3A_1387 : i32
      %parallel_loop3A_1389 = arith.subi %parallel_loop3A_1362, %parallel_loop3A_1388 : i32
      %parallel_loop3A_1390 = arith.constant 16 : i32
      %parallel_loop3A_1391 = arith.muli %parallel_loop3A_1389, %parallel_loop3A_1390 : i32
      %parallel_loop3A_1392 = arith.index_cast %parallel_loop3A_1386 : i32 to index
      %parallel_loop3A_1393 = arith.index_cast %parallel_loop3A_1391 : i32 to index
      %parallel_loop3A_1394 = tpu.vector_load %arg13[%parallel_loop3A_1392, %parallel_loop3A_1393] {strides = array<i32>} : memref<16x1024xf32, #tpu.memory_space<vmem>>, vector<1x16xf32>,
      %parallel_loop3A_1395 = vector.shape_cast %parallel_loop3A_1394 : vector<1x16xf32> to vector<16xf32>
      %parallel_loop3A_1396 = arith.index_cast %parallel_loop3A_1386 : i32 to index
      %parallel_loop3A_1397 = arith.index_cast %parallel_loop3A_1391 : i32 to index
      %parallel_loop3A_1398 = tpu.vector_load %arg8[%parallel_loop3A_1396, %parallel_loop3A_1397] {strides = array<i32>} : memref<16x1024xf32, #tpu.memory_space<vmem>>, vector<1x16xf32>,
      %parallel_loop3A_1399 = vector.shape_cast %parallel_loop3A_1398 : vector<1x16xf32> to vector<16xf32>
      %parallel_loop3A_1400 = vector.shape_cast %parallel_loop3A_1395 : vector<16xf32> to vector<1x16xf32>
      tpu.vector_store %arg8[%parallel_loop3A_1396, %parallel_loop3A_1397], %parallel_loop3A_1400 {add = true, strides = array<i32>} : memref<16x1024xf32, #tpu.memory_space<vmem>>, vector<1x16xf32>,
    } {sc.loop_unroll_factor = 4 : i64, sc.parallel_access}
    %add3A_1308 = arith.constant 112 : i32
    %add3A_1309 = arith.addi %mul3A_2, %add3A_1308 : i32
    %dma_start3A_1310 = arith.constant 3 : i32
    %dma_start3A_1311 = arith.constant 0 : i32
    %dma_start3A_1312 = tpu.memref_slice %arg5[%dma_start3A_1310, %add3A_1309, %dma_start3A_1311] : memref<4x4096x1024xf32, #tpu.memory_space<hbm>> -> memref<1x16x1024xf32, #tpu.memory_space<hbm>>
    %dma_start3A_1313 = tpu.memref_squeeze %dma_start3A_1312 : memref<1x16x1024xf32, #tpu.memory_space<hbm>> -> memref<16x1024xf32, #tpu.memory_space<hbm>>
    %dma_start3A_1314 = arith.constant 0 : i32
    %dma_start3A_1315 = tpu.memref_slice %arg5[%dma_start3A_1310, %add3A_1309, %dma_start3A_1314] : memref<4x4096x1024xf32, #tpu.memory_space<hbm>> -> memref<1x16x1024xf32, #tpu.memory_space<hbm>>
    %dma_start3A_1316 = tpu.memref_squeeze %dma_start3A_1315 : memref<1x16x1024xf32, #tpu.memory_space<hbm>> -> memref<16x1024xf32, #tpu.memory_space<hbm>>
    tpu.enqueue_dma source(%arg8 : memref<16x1024xf32, #tpu.memory_space<vmem>>) target(%dma_start3A_1316 : memref<16x1024xf32, #tpu.memory_space<hbm>>) target_semaphore(%arg20 : memref<!tpu.dma_semaphore, #tpu.memory_space<semaphore_mem>>)
    %add3A_1317 = arith.constant 96 : i32
    %add3A_1318 = arith.addi %mul3A_2, %add3A_1317 : i32
    %dma_wait3A_1319 = arith.constant 3 : i32
    %dma_wait3A_1320 = arith.constant 0 : i32
    %dma_wait3A_1321 = tpu.memref_slice %arg5[%dma_wait3A_1319, %add3A_1318, %dma_wait3A_1320] : memref<4x4096x1024xf32, #tpu.memory_space<hbm>> -> memref<1x16x1024xf32, #tpu.memory_space<hbm>>
    %dma_wait3A_1322 = tpu.memref_squeeze %dma_wait3A_1321 : memref<1x16x1024xf32, #tpu.memory_space<hbm>> -> memref<16x1024xf32, #tpu.memory_space<hbm>>
    %dma_wait3A_1323 = arith.constant 0 : i32
    %dma_wait3A_1324 = tpu.memref_slice %arg5[%dma_wait3A_1319, %add3A_1318, %dma_wait3A_1323] : memref<4x4096x1024xf32, #tpu.memory_space<hbm>> -> memref<1x16x1024xf32, #tpu.memory_space<hbm>>
    %dma_wait3A_1325 = tpu.memref_squeeze %dma_wait3A_1324 : memref<1x16x1024xf32, #tpu.memory_space<hbm>> -> memref<16x1024xf32, #tpu.memory_space<hbm>>
    tpu.wait_dma2 semaphore(%arg21 : memref<!tpu.dma_semaphore, #tpu.memory_space<semaphore_mem>>) src(%arg9 : memref<16x1024xf32, #tpu.memory_space<vmem>>) dst(%dma_wait3A_1325 : memref<16x1024xf32, #tpu.memory_space<hbm>>)
    %add3A_1326 = arith.constant 112 : i32
    %add3A_1327 = arith.addi %mul3A_2, %add3A_1326 : i32
    %dma_wait3A_1328 = arith.constant 0 : i32
    %dma_wait3A_1329 = arith.constant 0 : i32
    %dma_wait3A_1330 = tpu.memref_slice %arg5[%dma_wait3A_1328, %add3A_1327, %dma_wait3A_1329] : memref<4x4096x1024xf32, #tpu.memory_space<hbm>> -> memref<1x16x1024xf32, #tpu.memory_space<hbm>>
    %dma_wait3A_1331 = tpu.memref_squeeze %dma_wait3A_1330 : memref<1x16x1024xf32, #tpu.memory_space<hbm>> -> memref<16x1024xf32, #tpu.memory_space<hbm>>
    %dma_wait3A_1332 = arith.constant 0 : i32
    %dma_wait3A_1333 = tpu.memref_slice %arg5[%dma_wait3A_1328, %add3A_1327, %dma_wait3A_1332] : memref<4x4096x1024xf32, #tpu.memory_space<hbm>> -> memref<1x16x1024xf32, #tpu.memory_space<hbm>>
    %dma_wait3A_1334 = tpu.memref_squeeze %dma_wait3A_1333 : memref<1x16x1024xf32, #tpu.memory_space<hbm>> -> memref<16x1024xf32, #tpu.memory_space<hbm>>
    tpu.wait_dma2 semaphore(%arg22 : memref<!tpu.dma_semaphore, #tpu.memory_space<semaphore_mem>>) src(%arg10 : memref<16x1024xf32, #tpu.memory_space<vmem>>) dst(%dma_wait3A_1334 : memref<16x1024xf32, #tpu.memory_space<hbm>>)
    %add3A_1335 = arith.constant 112 : i32
    %add3A_1336 = arith.addi %mul3A_2, %add3A_1335 : i32
    %dma_wait3A_1337 = arith.constant 1 : i32
    %dma_wait3A_1338 = arith.constant 0 : i32
    %dma_wait3A_1339 = tpu.memref_slice %arg5[%dma_wait3A_1337, %add3A_1336, %dma_wait3A_1338] : memref<4x4096x1024xf32, #tpu.memory_space<hbm>> -> memref<1x16x1024xf32, #tpu.memory_space<hbm>>
    %dma_wait3A_1340 = tpu.memref_squeeze %dma_wait3A_1339 : memref<1x16x1024xf32, #tpu.memory_space<hbm>> -> memref<16x1024xf32, #tpu.memory_space<hbm>>
    %dma_wait3A_1341 = arith.constant 0 : i32
    %dma_wait3A_1342 = tpu.memref_slice %arg5[%dma_wait3A_1337, %add3A_1336, %dma_wait3A_1341] : memref<4x4096x1024xf32, #tpu.memory_space<hbm>> -> memref<1x16x1024xf32, #tpu.memory_space<hbm>>
    %dma_wait3A_1343 = tpu.memref_squeeze %dma_wait3A_1342 : memref<1x16x1024xf32, #tpu.memory_space<hbm>> -> memref<16x1024xf32, #tpu.memory_space<hbm>>
    tpu.wait_dma2 semaphore(%arg23 : memref<!tpu.dma_semaphore, #tpu.memory_space<semaphore_mem>>) src(%arg11 : memref<16x1024xf32, #tpu.memory_space<vmem>>) dst(%dma_wait3A_1343 : memref<16x1024xf32, #tpu.memory_space<hbm>>)
    %add3A_1344 = arith.constant 112 : i32
    %add3A_1345 = arith.addi %mul3A_2, %add3A_1344 : i32
    %dma_wait3A_1346 = arith.constant 2 : i32
    %dma_wait3A_1347 = arith.constant 0 : i32
    %dma_wait3A_1348 = tpu.memref_slice %arg5[%dma_wait3A_1346, %add3A_1345, %dma_wait3A_1347] : memref<4x4096x1024xf32, #tpu.memory_space<hbm>> -> memref<1x16x1024xf32, #tpu.memory_space<hbm>>
    %dma_wait3A_1349 = tpu.memref_squeeze %dma_wait3A_1348 : memref<1x16x1024xf32, #tpu.memory_space<hbm>> -> memref<16x1024xf32, #tpu.memory_space<hbm>>
    %dma_wait3A_1350 = arith.constant 0 : i32
    %dma_wait3A_1351 = tpu.memref_slice %arg5[%dma_wait3A_1346, %add3A_1345, %dma_wait3A_1350] : memref<4x4096x1024xf32, #tpu.memory_space<hbm>> -> memref<1x16x1024xf32, #tpu.memory_space<hbm>>
    %dma_wait3A_1352 = tpu.memref_squeeze %dma_wait3A_1351 : memref<1x16x1024xf32, #tpu.memory_space<hbm>> -> memref<16x1024xf32, #tpu.memory_space<hbm>>
    tpu.wait_dma2 semaphore(%arg19 : memref<!tpu.dma_semaphore, #tpu.memory_space<semaphore_mem>>) src(%arg7 : memref<16x1024xf32, #tpu.memory_space<vmem>>) dst(%dma_wait3A_1352 : memref<16x1024xf32, #tpu.memory_space<hbm>>)
    %add3A_1353 = arith.constant 112 : i32
    %add3A_1354 = arith.addi %mul3A_2, %add3A_1353 : i32
    %dma_wait3A_1355 = arith.constant 3 : i32
    %dma_wait3A_1356 = arith.constant 0 : i32
    %dma_wait3A_1357 = tpu.memref_slice %arg5[%dma_wait3A_1355, %add3A_1354, %dma_wait3A_1356] : memref<4x4096x1024xf32, #tpu.memory_space<hbm>> -> memref<1x16x1024xf32, #tpu.memory_space<hbm>>
    %dma_wait3A_1358 = tpu.memref_squeeze %dma_wait3A_1357 : memref<1x16x1024xf32, #tpu.memory_space<hbm>> -> memref<16x1024xf32, #tpu.memory_space<hbm>>
    %dma_wait3A_1359 = arith.constant 0 : i32
    %dma_wait3A_1360 = tpu.memref_slice %arg5[%dma_wait3A_1355, %add3A_1354, %dma_wait3A_1359] : memref<4x4096x1024xf32, #tpu.memory_space<hbm>> -> memref<1x16x1024xf32, #tpu.memory_space<hbm>>
    %dma_wait3A_1361 = tpu.memref_squeeze %dma_wait3A_1360 : memref<1x16x1024xf32, #tpu.memory_space<hbm>> -> memref<16x1024xf32, #tpu.memory_space<hbm>>
    tpu.wait_dma2 semaphore(%arg20 : memref<!tpu.dma_semaphore, #tpu.memory_space<semaphore_mem>>) src(%arg8 : memref<16x1024xf32, #tpu.memory_space<vmem>>) dst(%dma_wait3A_1361 : memref<16x1024xf32, #tpu.memory_space<hbm>>)
    return
  }
}

</mosaic_0001>

<sc_bundles>
// kernel: kernel.3.cloned.1.call-start
scs
__scs_entry_jumppad:
0x0: {  	(pc) =	sbr.rel $0x88, $3  }
0x1: {  	(tag) =	ssettag $0x0;
	lr =	simm.s32 $0x1  }
0x2: {  	[smem:$0x3F9E] =	sst lr;
	_ =	strace $0xD0000000  }
0x3: {  	_ = 	snop  }
0x4: {  	_ = 	snop  }
0x5: {  	_ = 	snop  }
0x6: {  	_ = 	snop  }
0x7: {  	_ = 	snop  }
__scs_overlays_trampoline_lowered:
0x8: {  	[smem:$0x3FAD] =	sst s0  }
0x9: {  	[smem:$0x3FAE] =	sst s1  }
0xa: {  	[smem:$0x3FAF] =	sst s2  }
0xb: {  	[smem:$0x3FB0] =	sst s3  }
0xc: {  	[smem:$0x3FB1] =	sst s4  }
0xd: {  	[smem:$0x3FB2] =	sst s5  }
0xe: {  	[smem:$0x3FB3] =	sst s6  }
0xf: {  	[smem:$0x3FB4] =	sst s7  }
0x10: {  	[smem:$0x3FB5] =	sst s8  }
0x11: {  	[smem:$0x3FB6] =	sst s9;
	s0 =	simm.s32 @!p0 $0x0  }
0x12: {  	s1 =	sld [smem:$0x3F9C];
	s0 =	simm.s32 @p0 $0x1  }
0x13: {  	[smem:$0x3FB7] =	sst s0;
	s0 =	simm.s32 @!p1 $0x0  }
0x14: {  	s2 =	sld [smem:$0x3F9B];
	s0 =	simm.s32 @p1 $0x1  }
0x15: {  	[smem:$0x3FB8] =	sst s0;
	s0 =	simm.s32 @!p2 $0x0  }
0x16: {  	s3 =	sld [smem:$0x3FDB];
	s0 =	simm.s32 @p2 $0x1  }
0x17: {  	s4 =	simm.s32 $0x1BF5;
	[smem:$0x3FBA] =	sst s0  }
0x18: {  	s0 =	sld [smem:$0x3F9D];
	_ =	swait.ge [sflag:s4], $0x0  }
0x19: {  	s7 =	sld [smem:$0x3F9E]  }
0x1a: {  	s8 =	sadd.s32 $0xFFFFE003, lr  }
0x1b: {  	s9 =	sadd.s32 $0xFFFFFEF7, lr;
	s5 =	simm.s32 $0xFFFFFFFF;
	p2 =	slt.u32 s8, $0xFFFFF086  }
0x1c: {  	p1 =	slt.u32 s9, $0xF7A;
	s5 =	simm.s32 @!p2 $0x0  }
0x1d: {  	s5 =	simm.s32 @p1 $0x1;
	p0 =	seq.s32 s7, s2  }
0x1e: {  	s7 =	smul.u32 @!p0 $0xF7A, s2;
	p2 =	seq.s32 @!p0 s5, $0x0  }
0x1f: {  	s9 =	smul.u32 $0xF7A, s1;
	s8 =	simm.s32 @!p0 $0x1BF5;
	p2 =	por !p2, p0  }
0x20: {  	[sflag:s8] =	ssyncset.s32 @!p0 $0xFFFFF086;
	s6 =	sadd.s32 @!p0 s3, s7;
	s7 =	simm.s32 @!p0 $0x108  }
0x21: {  	s3 =	sadd.s32 s3, s9;
	s6 =	sadd.s32 @!p0 $0x88, s6;
	s7 =	simm.s32 @p2 $0x1082  }
0x22: {  	[simem:s7], [sflag:s8] =	dma.local @!p0 [hbm:s6], $0xF7A  }
0x23: {  	s9 =	sor.u32 $0xD0000000, s2;
	s6 =	simm.s32 $0x108;
	_ =	swait.ge @!p0 [sflag:s8], $0x0  }
0x24: {  	s3 =	sadd.s32 $0x88, s3;
	s6 =	simm.s32 @!p1 $0x1082;
	[sflag:s4] =	ssyncset.s32 $0xFFFFF086  }
0x25: {  	[simem:s6], [sflag:s4] =	dma.local [hbm:s3], $0xF7A  }
0x26: {  	[smem:$0x3F9E] =	sst s1;
	(tag) =	ssettag s2;
	_ =	strace s9  }
0x27: {  	s1 =	sld [smem:$0x3FAE]  }
0x28: {  	s2 =	sld [smem:$0x3FAF]  }
0x29: {  	s4 =	sld [smem:$0x3FB1]  }
0x2a: {  	p0 =	seq.s32 s5, $0x0;
	s5 =	sld [smem:$0x3FB2]  }
0x2b: {  	s6 =	sld [smem:$0x3FB3]  }
0x2c: {  	s7 =	sld [smem:$0x3FB4]  }
0x2d: {  	s3 =	simm.s32 $0x108;
	s8 =	sld [smem:$0x3FB5]  }
0x2e: {  	s3 =	simm.s32 @!p0 $0x1082;
	s9 =	sld [smem:$0x3FB6]  }
0x2f: {  	lr =	sadd.s32 s0, s3;
	s0 =	sld [smem:$0x3FAD]  }
0x30: {  	s3 =	sld [smem:$0x3FB0]  }
0x31: {  	[smem:$0x3FB9] =	sst s10  }
0x32: {  	s10 =	sld [smem:$0x3FB7];
	_ =	sdelay $0x3  }
0x33: {  	p0 =	seq.s32 s10, $0x1;
	s10 =	sld [smem:$0x3FB9];
	_ =	sdelay $0x3  }
0x34: {  	[smem:$0x3FB9] =	sst s10  }
0x35: {  	s10 =	sld [smem:$0x3FB8];
	_ =	sdelay $0x3  }
0x36: {  	p1 =	seq.s32 s10, $0x1;
	s10 =	sld [smem:$0x3FB9];
	_ =	sdelay $0x3  }
0x37: {  	[smem:$0x3FB9] =	sst s10  }
0x38: {  	s10 =	sld [smem:$0x3FBA]  }
0x39: {  	_ = 	snop;
	(pc) =	sbr.ind lr, $3  }
0x3a: {  	_ = 	snop  }
0x3b: {  	_ = 	snop  }
0x3c: {  	p2 =	seq.s32 s10, $0x1;
	s10 =	sld [smem:$0x3FB9]  }
0x3d: {  	_ =	shalt  }
0x3e: {  	_ =	shalt  }
0x3f: {  	_ =	shalt  }
0x40: {  	_ =	shalt  }
0x41: {  	_ =	shalt  }
0x42: {  	_ =	shalt  }
0x43: {  	_ =	shalt  }
0x44: {  	_ =	shalt  }
0x45: {  	_ =	shalt  }
0x46: {  	_ =	shalt  }
0x47: {  	_ =	shalt  }
0x48: {  	_ =	shalt  }
0x49: {  	_ =	shalt  }
0x4a: {  	_ =	shalt  }
0x4b: {  	_ =	shalt  }
0x4c: {  	_ =	shalt  }
0x4d: {  	_ =	shalt  }
0x4e: {  	_ =	shalt  }
0x4f: {  	_ =	shalt  }
0x50: {  	_ =	shalt  }
0x51: {  	_ =	shalt  }
0x52: {  	_ =	shalt  }
0x53: {  	_ =	shalt  }
0x54: {  	_ =	shalt  }
0x55: {  	_ =	shalt  }
0x56: {  	_ =	shalt  }
0x57: {  	_ =	shalt  }
0x58: {  	_ =	shalt  }
0x59: {  	_ =	shalt  }
0x5a: {  	_ =	shalt  }
0x5b: {  	_ =	shalt  }
0x5c: {  	_ =	shalt  }
0x5d: {  	_ =	shalt  }
0x5e: {  	_ =	shalt  }
0x5f: {  	_ =	shalt  }
0x60: {  	_ =	shalt  }
0x61: {  	_ =	shalt  }
0x62: {  	_ =	shalt  }
0x63: {  	_ =	shalt  }
0x64: {  	_ =	shalt  }
0x65: {  	_ =	shalt  }
0x66: {  	_ =	shalt  }
0x67: {  	_ =	shalt  }
0x68: {  	_ =	shalt  }
0x69: {  	_ =	shalt  }
0x6a: {  	_ =	shalt  }
0x6b: {  	_ =	shalt  }
0x6c: {  	_ =	shalt  }
0x6d: {  	_ =	shalt  }
0x6e: {  	_ =	shalt  }
0x6f: {  	_ =	shalt  }
0x70: {  	_ =	shalt  }
0x71: {  	_ =	shalt  }
0x72: {  	_ =	shalt  }
0x73: {  	_ =	shalt  }
0x74: {  	_ =	shalt  }
0x75: {  	_ =	shalt  }
0x76: {  	_ =	shalt  }
0x77: {  	_ =	shalt  }
0x78: {  	_ =	shalt  }
0x79: {  	_ =	shalt  }
0x7a: {  	_ =	shalt  }
0x7b: {  	_ =	shalt  }
0x7c: {  	_ =	shalt  }
0x7d: {  	_ =	shalt  }
0x7e: {  	_ =	shalt  }
0x7f: {  	_ =	shalt  }
0x80: {  	_ =	shalt  }
0x81: {  	_ =	shalt  }
0x82: {  	_ =	shalt  }
0x83: {  	_ =	shalt  }
0x84: {  	_ =	shalt  }
0x85: {  	_ =	shalt  }
0x86: {  	_ =	shalt  }
0x87: {  	_ =	shalt  }
.Lfunc_end0:
.L_simem_size_0:
called_computation_lowered:
.L_overlay_start_0:
0x88: {  	s2 =	sld [smem:$0x3FD9]  }
0x89: {  	s3 =	sld [smem:$0x3FFE];
	_ =	sdelay $0x1  }
0x8a: {  	s1 =	srdreg.scid  }
0x8b: {  	s0 =	sand.u32 $0x1, s1  }
0x8c: {  	s17 =	sshll.u32 s0, $0xA;
	s2 =	sadd.s32 s3, s2  }
0x8d: {  	s2 =	sadd.s32 s2, s17  }
0x8e: {  	[smem:$0x3FC5] =	sst s2  }
0x8f: {  	_ = 	snop  }
0x90: {  	s2 =	sld [smem:$0x3FC9]  }
0x91: {  	s18 =	sld [smem:$0x3FC8]  }
0x92: {  	s4 =	sld [smem:$0x3FD0];
	(tm) =	ssettm $0x1  }
0x93: {  	s5 =	sld [smem:$0x3FFB];
	_ =	sdelay $0x3  }
0x94: {  	_ =	strace s5  }
0x95: {  	s5 =	sld [smem:$0x3FFC];
	_ =	sdelay $0x3  }
0x96: {  	_ =	strace s5  }
0x97: {  	s5 =	sld [smem:$0x3FFD];
	_ =	sdelay $0x3  }
0x98: {  	_ =	strace s5  }
0x99: {  	_ =	strace $0x8FFFFFFF  }
0x9a: {  	s19 =	sld [smem:$0x3FDB];
	_ =	sdelay $0x1  }
0x9b: {  	s6 =	simm.s32 $_scs_section_size  }
0x9c: {  	s7 =	simm.s32 $_size__tile_overlayer_lowered;
	s8 =	simm.s32 $_tile_overlayer_lowered  }
0x9d: {  	s22 =	simm.s32 $0x1BFF;
	s21 =	sshll.u32 s8, $0x1;
	s5 =	sadd.s32 s6, s19  }
0x9e: {  	s9 =	simm.s32 $0x0;
	s20 =	sshll.u32 s7, $0x1;
	s7 =	sadd.s32 s21, s5  }
0x9f: {  	[timem:s9], [sflag:s22] =	dma.local [hbm:s7], s20  }
0xa0: {  	_ =	swait.ge [sflag:s22], s20  }
0xa1: {  	s6 =	ssub.s32 $0x0, s20;
	[sflag:s22] =	ssyncset.done $0x0  }
0xa2: {  	[sflag:s22] =	ssyncadd.s32 s6;
	_ =	sdelay $0x1  }
0xa3: {  	s23 =	simm.s32 $0x1B8B  }
0xa4: {  	_ =	swait.ge [sflag:s23], $0x1  }
0xa5: {  	[sflag:s23] =	ssyncset.done $0x0  }
0xa6: {  	s25 =	simm.s32 $0x1B8E;
	s24 =	sld [smem:$0x3FFE];
	[sflag:s23] =	ssyncadd.s32 $0xFFFFFFFF  }
0xa7: {  	s26 =	simm.s32 $execute0_lowered;
	[smem:$0x3FD2] =	sst s25  }
0xa8: {  	s7 =	sshll.u32 s26, $0x1;
	_ =	strace $0x80000046;
	[dreg:$0x1] =	wrdreg $0xFFFFFFFF  }
0xa9: {  	s28 =	simm.s32 $_size_execute0_lowered;
	s5 =	sadd.s32 s5, s7;
	[dreg:$0x0] =	wrdreg $0x0  }
0xaa: {  	s7 =	sshll.u32 s28, $0x1;
	[dreg:$0x2] =	wrdreg s5  }
0xab: {  	[dreg:$0x3] =	wrdreg s7  }
0xac: {  	[dreg:$0x4] =	wrdreg $0xC0  }
0xad: {  	_ =	task [dreg:s9], $0x5FFFF  }
0xae: {  	[dreg:$0x1] =	wrdreg $0xFFFFFFFF  }
0xaf: {  	[dreg:$0x0] =	wrdreg $0x60  }
0xb0: {  	[dreg:$0x2] =	wrdreg s2  }
0xb1: {  	[dreg:$0x3] =	wrdreg s18  }
0xb2: {  	[dreg:$0x4] =	wrdreg s24  }
0xb3: {  	[dreg:$0x5] =	wrdreg s4  }
0xb4: {  	[dreg:$0x6] =	wrdreg $0x9  }
0xb5: {  	_ =	task.clear_ibuf [dreg:s9], $0x7FFFF;
	_ =	strace $0x90000046  }
0xb6: {  	s29 =	simm.s32 $0x9;
	_ =	strace $0x80000048  }
0xb7: {  	_ =	swait.ge [sflag:s29], $0x1  }
0xb8: {  	[sflag:s29] =	ssyncadd.s32 $0xFFFFFFFF  }
0xb9: {  	_ =	strace $0x90000048  }
0xba: {  	_ =	sfence  }
0xbb: {  	s30 =	sld [smem:$0x0];
	_ =	sdelay $0x2  }
0xbc: {  	s31 =	sshll.u32 s1, $0xD;
	s1 =	sshrl.u32 s1, $0x2  }
0xbd: {  	s3 =	sand.u32 $0x4000, s31;
	s1 =	sadd.s32 s1, s30  }
0xbe: {  	s0 =	sor.u32 s3, s0;
	s1 =	sshll.u32 s1, $0x11  }
0xbf: {  	s0 =	sor.u32 s1, s0  }
0xc0: {  	s0 =	sadd.s32 $0x8F2B, s0  }
0xc1: {  	[sflag:s0] =	ssyncadd.remote.s32 $0x1  }
0xc2: {  	_ =	sfence.sel $0xFFFF  }
0xc3: {  	[dreg:$0x0] =	wrdreg $0xFFFFFFFF;
	(pc) =	sbr.abs _section_cstart, $3  }
0xc4: {  	[dreg:$0x1] =	wrdreg $0xFFFFFFFF  }
0xc5: {  	_ =	task.clear_ibuf [dreg:s9], $0x2FFFF;
	_ =	strace $0x9FFFFFFF  }
0xc6: {  	(tm) =	ssettm $0x7FFFFFFF  }
0xc7: {  	_ =	shalt  }
tec
execute0_lowered:
.L_overlay_start_1:
0x0: {  	(tag) =	ssettag $0x1  }
0x1: {  	s1 =	srdreg.scid;
	s5 =	stileid.u32  }
0x2: {  	s4 =	sand.u32 $0x1, s1;
	s5 =	sshll.u32 s5, $0x1  }
0x3: {  	s2 =	rddreg [dreg:$0x0];
	s6 =	sor.u32 s4, s5  }
0x4: {  	s3 =	rddreg [dreg:$0x2];
	s21 =	sshll.u32 s6, $0x7  }
0x5: {  	s20 =	ssub.s32 $0x2, s4;
	s4 =	sadd.s32 s21, s3;
	s3 =	sshll.u32 s6, $0xE  }
0x6: {  	s0 =	rddreg [dreg:$0x3];
	s1 =	simm.s32 $0x0;
	s6 =	sor.u32 $0x80000, s3  }
0x7: {  	[smem:$0x7FF] =	sst s1;
	s22 =	sor.u32 $0x100000, s3;
	s9 =	sadd.s32 s2, s6  }
0x8: {  	s8 =	sor.u32 $0x180000, s3;
	s23 =	sadd.s32 s2, s22;
	[dreg:$0x5] =	wrdreg s9  }
0x9: {  	s7 =	sshrl.u32 s20, $0x1;
	s24 =	sadd.s32 s2, s8;
	[dreg:$0x6] =	wrdreg s23  }
0xa: {  	s25 =	sor.u32 $0x800, s3;
	s6 =	sadd.s32 s0, s6;
	[dreg:$0x7] =	wrdreg s24  }
0xb: {  	s5 =	ssub.s32 s20, s7;
	s10 =	sadd.s32 s2, s25;
	[dreg:$0x8] =	wrdreg s6  }
0xc: {  	s26 =	sor.u32 $0x80800, s3;
	s7 =	sadd.s32 s0, s22;
	[dreg:$0x9] =	wrdreg s10  }
0xd: {  	s28 =	sadd.s32 s2, s26;
	[dreg:$0xa] =	wrdreg s7  }
0xe: {  	s11 =	sor.u32 $0x180800, s3;
	s29 =	sadd.s32 s0, s8;
	[dreg:$0xb] =	wrdreg s28  }
0xf: {  	s13 =	sadd.s32 s2, s11;
	[dreg:$0xc] =	wrdreg s29  }
0x10: {  	s15 =	sor.u32 $0x1000, s3;
	s14 =	sadd.s32 s0, s26;
	[dreg:$0xf] =	wrdreg s13  }
0x11: {  	s16 =	sor.u32 $0x81000, s3;
	s17 =	sadd.s32 s2, s15;
	[dreg:$0x10] =	wrdreg s14  }
0x12: {  	s18 =	sadd.s32 s2, s16;
	[dreg:$0x11] =	wrdreg s17  }
0x13: {  	s19 =	sadd.s32 s0, s11;
	[dreg:$0x13] =	wrdreg s18  }
0x14: {  	s20 =	sor.u32 $0x101000, s3;
	s21 =	sadd.s32 s0, s16;
	[dreg:$0x14] =	wrdreg s19  }
0x15: {  	s8 =	sor.u32 $0x100800, s3;
	s22 =	sadd.s32 s2, s20;
	[dreg:$0x16] =	wrdreg s21  }
0x16: {  	s12 =	sadd.s32 s2, s8;
	[dreg:$0x17] =	wrdreg s22  }
0x17: {  	s6 =	sadd.s32 s0, s25;
	[dreg:$0xd] =	wrdreg s12  }
0x18: {  	s16 =	sor.u32 $0x102000, s3;
	s7 =	sadd.s32 s0, s8;
	[dreg:$0xe] =	wrdreg s6  }
0x19: {  	s17 =	sadd.s32 s2, s16;
	[dreg:$0x12] =	wrdreg s7  }
0x1a: {  	s6 =	sadd.s32 s0, s15;
	[smem:$0x7DE] =	sst s17  }
0x1b: {  	s23 =	sor.u32 $0x181000, s3;
	s7 =	sadd.s32 s0, s20;
	[dreg:$0x15] =	wrdreg s6  }
0x1c: {  	s25 =	sor.u32 $0x1800, s3;
	s24 =	sadd.s32 s2, s23;
	[dreg:$0x18] =	wrdreg s7  }
0x1d: {  	s28 =	sor.u32 $0x81800, s3;
	s26 =	sadd.s32 s2, s25;
	[dreg:$0x19] =	wrdreg s24  }
0x1e: {  	s8 =	sor.u32 $0x101800, s3;
	s29 =	sadd.s32 s2, s28;
	[dreg:$0x1b] =	wrdreg s26  }
0x1f: {  	s10 =	sor.u32 $0x181800, s3;
	s9 =	sadd.s32 s2, s8;
	[dreg:$0x1d] =	wrdreg s29  }
0x20: {  	s14 =	sor.u32 $0x82000, s3;
	s11 =	sadd.s32 s2, s10;
	[dreg:$0x1f] =	wrdreg s9  }
0x21: {  	s18 =	sor.u32 $0x182000, s3;
	s15 =	sadd.s32 s2, s14;
	[smem:$0x7D8] =	sst s11  }
0x22: {  	s19 =	sadd.s32 s2, s18;
	[smem:$0x7DC] =	sst s15  }
0x23: {  	s6 =	sadd.s32 s0, s23;
	[smem:$0x7E0] =	sst s19  }
0x24: {  	s12 =	sor.u32 $0x2000, s3;
	s7 =	sadd.s32 s0, s25;
	[dreg:$0x1a] =	wrdreg s6  }
0x25: {  	s20 =	sor.u32 $0x2800, s3;
	s13 =	sadd.s32 s2, s12;
	[dreg:$0x1c] =	wrdreg s7  }
0x26: {  	s22 =	sor.u32 $0x82800, s3;
	s21 =	sadd.s32 s2, s20;
	[smem:$0x7DA] =	sst s13  }
0x27: {  	s23 =	sadd.s32 s2, s22;
	[smem:$0x7E2] =	sst s21  }
0x28: {  	s19 =	sadd.s32 s0, s3;
	[smem:$0x7E4] =	sst s23  }
0x29: {  	s6 =	sadd.s32 s0, s28;
	[smem:$0x7F5] =	sst s19  }
0x2a: {  	s24 =	sor.u32 $0x102800, s3;
	s7 =	sadd.s32 s0, s8;
	[dreg:$0x1e] =	wrdreg s6  }
0x2b: {  	s26 =	sor.u32 $0x182800, s3;
	s25 =	sadd.s32 s2, s24;
	[smem:$0x7D7] =	sst s7  }
0x2c: {  	s29 =	sor.u32 $0x3000, s3;
	s28 =	sadd.s32 s2, s26;
	[smem:$0x7E6] =	sst s25  }
0x2d: {  	s15 =	sor.u32 $0x3800, s3;
	s8 =	sadd.s32 s2, s29;
	[smem:$0x7E8] =	sst s28  }
0x2e: {  	s17 =	sadd.s32 s0, s15;
	[smem:$0x7EA] =	sst s8  }
0x2f: {  	s6 =	sadd.s32 s0, s10;
	[smem:$0x7F3] =	sst s17  }
0x30: {  	s9 =	sor.u32 $0x83000, s3;
	s7 =	sadd.s32 s0, s12;
	[smem:$0x7D9] =	sst s6  }
0x31: {  	s11 =	sor.u32 $0x103000, s3;
	s10 =	sadd.s32 s2, s9;
	[smem:$0x7DB] =	sst s7  }
0x32: {  	s12 =	sadd.s32 s2, s11;
	[smem:$0x7EC] =	sst s10  }
0x33: {  	s6 =	sadd.s32 s0, s14;
	[smem:$0x7EE] =	sst s12  }
0x34: {  	s13 =	sor.u32 $0x183000, s3;
	s7 =	sadd.s32 s0, s16;
	[smem:$0x7DD] =	sst s6  }
0x35: {  	s30 =	simm.s32 $0x400;
	s14 =	sadd.s32 s2, s13;
	[smem:$0x7DF] =	sst s7  }
0x36: {  	s31 =	simm.s32 $0x4400;
	s16 =	sadd.s32 s2, s15;
	[smem:$0x7F0] =	sst s14  }
0x37: {  	s21 =	sor.u32 $0x103800, s3;
	s6 =	sadd.s32 s0, s18;
	[smem:$0x7F2] =	sst s16  }
0x38: {  	s19 =	simm.s32 $0xA;
	s7 =	sadd.s32 s0, s20;
	[smem:$0x7E1] =	sst s6  }
0x39: {  	s28 =	sadd.s32 $0x400, s4;
	s18 =	sadd.s32 s2, s3;
	[smem:$0x7E3] =	sst s7  }
0x3a: {  	s4 =	simm.s32 $0x1;
	s20 =	sor.u32 $0x83800, s3;
	[smem:$0x7F4] =	sst s18  }
0x3b: {  	s6 =	sadd.s32 s0, s22;
	s22 =	sor.u32 $0x183800, s3;
	s3 =	rddreg [dreg:$0x1]  }
0x3c: {  	s8 =	simm.s32 $0x3;
	s7 =	sadd.s32 s0, s24;
	[smem:$0x7E5] =	sst s6  }
0x3d: {  	s17 =	simm.s32 $0x8;
	s23 =	sadd.s32 s2, s20;
	[smem:$0x7E7] =	sst s7  }
0x3e: {  	s12 =	simm.s32 $0x6;
	s24 =	sadd.s32 s2, s21;
	[smem:$0x7F6] =	sst s23  }
0x3f: {  	s15 =	simm.s32 $0xC;
	s25 =	sadd.s32 s0, s20;
	[smem:$0x7F7] =	sst s24  }
0x40: {  	s14 =	simm.s32 $0x7;
	s6 =	sadd.s32 s0, s26;
	[smem:$0x7F9] =	sst s25  }
0x41: {  	s16 =	simm.s32 $0x5;
	s7 =	sadd.s32 s0, s29;
	[smem:$0x7E9] =	sst s6  }
0x42: {  	s18 =	simm.s32 $0x9;
	s2 =	sadd.s32 s2, s22;
	[smem:$0x7EB] =	sst s7  }
0x43: {  	s20 =	simm.s32 $0x0;
	s26 =	sadd.s32 s0, s21;
	[smem:$0x7F8] =	sst s2  }
0x44: {  	s29 =	smax.u32 s5, $0x1;
	s6 =	sadd.s32 s0, s9;
	[smem:$0x7FA] =	sst s26  }
0x45: {  	s10 =	sadd.s32 $0x200, s3;
	s7 =	sadd.s32 s0, s11;
	[smem:$0x7ED] =	sst s6  }
0x46: {  	s5 =	simm.s32 $0xC400;
	[smem:$0x7EF] =	sst s7;
	s6 =	sadd.s32 s0, s13  }
0x47: {  	s9 =	sadd.s32 $0x100, s3;
	s0 =	sadd.s32 s0, s22;
	[smem:$0x7F1] =	sst s6  }
0x48: {  	v2 =	vlaneseq.u32;
	s11 =	sadd.s32 $0x300, s3;
	s2 =	simm.s32 $0xB;
	[smem:$0x7FB] =	sst s0  }
0x49: {  	vm0 =	vmmov $0xffff;
	v1 =	vshrl.u32 v2, $0x3;
	s7 =	simm.s32 $0x10400;
	_ =	strace $0x80000047;
	[smem:$0x7FC] =	sst s28  }
0x4a: {  	v0 =	vand.u32 $0x7, v2;
	v2 =	vor.u32 $0x8, v2;
	v1 =	vmul.u32 $0x8, v1;
	s13 =	simm.s32 $0x4;
	s6 =	simm.s32 $0x2;
	[smem:$0x7FD] =	sst s29  }
.LBB2_1:
0x4b: {  	s0 =	sld [smem:$0x7FC];
	_ =	sdelay $0x1  }
0x4c: {  	s29 =	simm.s32 $0xD  }
0x4d: {  	[tilespmem:s1], [sflag:$0xD] =	stream.linear.gather [hbm4b:s0+s1], $0x400, $0x38;
	[tilespmem:$0x1C400] =	vst v63  }
0x4e: {  	_ =	swait.ge [sflag:s29], $0x400  }
0x4f: {  	[sflag:s29] =	ssyncset.done $0x0  }
0x50: {  	[sflag:s29] =	ssyncadd.s32 $0xFFFFFC00  }
0x51: {  	v3 =	vld [tilespmem:$0x0];
	_ =	sdelay $0x4  }
0x52: {  	v4 =	vshll.u32 v3, $0x3  }
0x53: {  	v3 =	vand.u32 $0x7, v3;
	v4 =	vand.u32 $0xFFFFFFC0, v4  }
0x54: {  	v3 =	vor.u32 v3, v4  }
0x55: {  	v4 =	vperm.xlane v3, v0;
	_ =	sdelay $0x1  }
0x56: {  	v4 =	vadd.s32 v1, v4;
	_ =	sdelay $0x3  }
0x57: {  	s21 =	simm.s32 $0x14400  }
0x58: {  	[tilespmem:s21], [sflag:$0xB] =	stream.indirect_vreg.gather [hbm4b:s3+s1], $0x80, v4, vm0, $0xb8;
	[tilespmem:$0x1C400] =	vst v63  }
0x59: {  	s22 =	simm.s32 $0x14C00;
	v3 =	vperm.xlane v3, v2  }
0x5a: {  	[tilespmem:s22], [sflag:$0xB] =	stream.indirect_vreg.gather [hbm4b:s9+s1], $0x80, v4, vm0, $0xb8;
	[tilespmem:$0x1C400] =	vst v63  }
0x5b: {  	s23 =	simm.s32 $0x15400;
	v3 =	vadd.s32 v1, v3  }
0x5c: {  	[tilespmem:s23], [sflag:$0xB] =	stream.indirect_vreg.gather [hbm4b:s10+s1], $0x80, v4, vm0, $0xb8;
	[tilespmem:$0x1C400] =	vst v63  }
0x5d: {  	s24 =	simm.s32 $0x15C00  }
0x5e: {  	[tilespmem:s24], [sflag:$0xB] =	stream.indirect_vreg.gather [hbm4b:s11+s1], $0x80, v4, vm0, $0xb8;
	[tilespmem:$0x1C400] =	vst v63  }
0x5f: {  	s25 =	simm.s32 $0x16400  }
0x60: {  	[tilespmem:s25], [sflag:$0xB] =	stream.indirect_vreg.gather [hbm4b:s3+s1], $0x80, v3, vm0, $0xb8;
	[tilespmem:$0x1C400] =	vst v63  }
0x61: {  	s26 =	simm.s32 $0x16C00  }
0x62: {  	[tilespmem:s26], [sflag:$0xB] =	stream.indirect_vreg.gather [hbm4b:s9+s1], $0x80, v3, vm0, $0xb8;
	[tilespmem:$0x1C400] =	vst v63  }
0x63: {  	s28 =	simm.s32 $0x17400  }
0x64: {  	[tilespmem:s28], [sflag:$0xB] =	stream.indirect_vreg.gather [hbm4b:s10+s1], $0x80, v3, vm0, $0xb8;
	[tilespmem:$0x1C400] =	vst v63  }
0x65: {  	s29 =	simm.s32 $0x17C00  }
0x66: {  	[tilespmem:s29], [sflag:$0xB] =	stream.indirect_vreg.gather [hbm4b:s11+s1], $0x80, v3, vm0, $0xb8;
	[tilespmem:$0x1C400] =	vst v63  }
0x67: {  	v3 =	vld [tilespmem:$0x80];
	_ =	sdelay $0x4  }
0x68: {  	v4 =	vshll.u32 v3, $0x3  }
0x69: {  	v3 =	vand.u32 $0x7, v3;
	v4 =	vand.u32 $0xFFFFFFC0, v4  }
0x6a: {  	v3 =	vor.u32 v3, v4  }
0x6b: {  	v4 =	vperm.xlane v3, v0;
	_ =	sdelay $0x1  }
0x6c: {  	v4 =	vadd.s32 v1, v4;
	_ =	sdelay $0x3  }
0x6d: {  	s21 =	simm.s32 $0x18400  }
0x6e: {  	[tilespmem:s21], [sflag:$0xC] =	stream.indirect_vreg.gather [hbm4b:s3+s1], $0x80, v4, vm0, $0xb8;
	[tilespmem:$0x1C400] =	vst v63  }
0x6f: {  	s22 =	simm.s32 $0x18C00;
	v3 =	vperm.xlane v3, v2  }
0x70: {  	[tilespmem:s22], [sflag:$0xC] =	stream.indirect_vreg.gather [hbm4b:s9+s1], $0x80, v4, vm0, $0xb8;
	[tilespmem:$0x1C400] =	vst v63  }
0x71: {  	s23 =	simm.s32 $0x19400;
	v3 =	vadd.s32 v1, v3  }
0x72: {  	[tilespmem:s23], [sflag:$0xC] =	stream.indirect_vreg.gather [hbm4b:s10+s1], $0x80, v4, vm0, $0xb8;
	[tilespmem:$0x1C400] =	vst v63  }
0x73: {  	s24 =	simm.s32 $0x19C00  }
0x74: {  	[tilespmem:s24], [sflag:$0xC] =	stream.indirect_vreg.gather [hbm4b:s11+s1], $0x80, v4, vm0, $0xb8;
	[tilespmem:$0x1C400] =	vst v63  }
0x75: {  	s25 =	simm.s32 $0x1A400  }
0x76: {  	[tilespmem:s25], [sflag:$0xC] =	stream.indirect_vreg.gather [hbm4b:s3+s1], $0x80, v3, vm0, $0xb8;
	[tilespmem:$0x1C400] =	vst v63  }
0x77: {  	s26 =	simm.s32 $0x1AC00  }
0x78: {  	[tilespmem:s26], [sflag:$0xC] =	stream.indirect_vreg.gather [hbm4b:s9+s1], $0x80, v3, vm0, $0xb8;
	[tilespmem:$0x1C400] =	vst v63  }
0x79: {  	s28 =	simm.s32 $0x1B400  }
0x7a: {  	[tilespmem:s28], [sflag:$0xC] =	stream.indirect_vreg.gather [hbm4b:s10+s1], $0x80, v3, vm0, $0xb8;
	[tilespmem:$0x1C400] =	vst v63  }
0x7b: {  	s29 =	simm.s32 $0x1BC00;
	s21 =	sld [smem:$0x7F4]  }
0x7c: {  	[tilespmem:s29], [sflag:$0xC] =	stream.indirect_vreg.gather [hbm4b:s11+s1], $0x80, v3, vm0, $0xb8;
	[tilespmem:$0x1C400] =	vst v63  }
0x7d: {  	_ = 	snop  }
0x7e: {  	[tilespmem:s30], [sflag:$0x1] =	stream.linear.gather [hbm4b:s21+s1], $0x4000, $0x38;
	[tilespmem:$0x1C400] =	vst v63  }
0x7f: {  	s22 =	rddreg [dreg:$0x5]  }
0x80: {  	[tilespmem:s31], [sflag:$0x2] =	stream.linear.gather [hbm4b:s22+s1], $0x4000, $0x38;
	[tilespmem:$0x1C400] =	vst v63  }
0x81: {  	s23 =	rddreg [dreg:$0x6];
	s24 =	simm.s32 $0x0;
	s21 =	simm.s32 $0x8400  }
0x82: {  	[tilespmem:s21], [sflag:$0x3] =	stream.linear.gather [hbm4b:s23+s1], $0x4000, $0x38;
	[tilespmem:$0x1C400] =	vst v63  }
0x83: {  	s22 =	simm.s32 $0x0;
	s21 =	sand.u32 $0xFFFFE000, s24;
	_ =	swait.ge [sflag:s2], $0x4000  }
0x84: {  	s22 =	sand.u32 $0x2000, s22;
	s21 =	ssub.s32 $0x0, s21;
	[sflag:s2] =	ssyncset.done $0x0  }
0x85: {  	s23 =	simm.s32 $0x0;
	s21 =	sand.u32 $0xFFFFFC00, s21;
	[sflag:s2] =	ssyncadd.s32 $0xFFFFC000  }
0x86: {  	s25 =	sand.u32 $0x380, s23;
	s21 =	sadd.s32 s22, s21;
	_ =	swait.ge [sflag:s4], $0x4000  }
0x87: {  	s26 =	sand.u32 $0x40, s1;
	s21 =	sor.u32 s25, s21;
	[sflag:s4] =	ssyncset.done $0x0  }
0x88: {  	s21 =	sor.u32 s26, s21;
	[sflag:s4] =	ssyncadd.s32 $0xFFFFC000  }
0x89: {  	v4 =	vld [tilespmem:s21+$0x14430]  }
0x8a: {  	s28 =	simm.s32 $0x200;
	v5 =	vld [tilespmem:s21+$0x14400]  }
0x8b: {  	s22 =	sand.u32 $0xFFFFE000, s28;
	v6 =	vld [tilespmem:s21+$0x14410]  }
0x8c: {  	s29 =	simm.s32 $0x40;
	s22 =	ssub.s32 $0x200, s22  }
0x8d: {  	s24 =	simm.s32 $0x8;
	s23 =	sand.u32 $0x2000, s29;
	s22 =	sand.u32 $0xFFFFFC00, s22;
	v3 =	vld [tilespmem:s21+$0x14420]  }
0x8e: {  	s24 =	sand.u32 $0x380, s24;
	s22 =	sadd.s32 s23, s22;
	s23 =	simm.s32 $0x40;
	[tilespmem:s21+$0x430] =	vst.add.f32.msk $0xffff, v4  }
0x8f: {  	s25 =	sand.u32 $0x40, s23;
	s22 =	sor.u32 s24, s22;
	[tilespmem:s21+$0x400] =	vst.add.f32.msk $0xffff, v5  }
0x90: {  	s22 =	sor.u32 s25, s22;
	[tilespmem:s21+$0x410] =	vst.add.f32.msk $0xffff, v6  }
0x91: {  	s26 =	simm.s32 $0x8;
	s24 =	simm.s32 $0x4;
	s25 =	simm.s32 $0x200;
	v4 =	vld [tilespmem:s22+$0x14430]  }
.LBB2_2:
0x92: {  	s28 =	sshll.u32 s26, $0x7;
	v5 =	vld [tilespmem:s22+$0x14400];
	s24 =	sadd.s32 $0x4, s24  }
0x93: {  	s25 =	sadd.s32 $0x200, s25;
	s28 =	sand.u32 $0xFFFFE000, s28;
	v6 =	vld [tilespmem:s22+$0x14410];
	s29 =	sshll.u32 s24, $0x4  }
0x94: {  	p0 =	slt.u32 s24, $0x3FC;
	s0 =	sshll.u32 s24, $0x1;
	s28 =	ssub.s32 s25, s28;
	v7 =	vld [tilespmem:s22+$0x14420]  }
.Ltmp0:
0x95: {  	s29 =	sand.u32 $0x2000, s29;
	s28 =	sand.u32 $0xFFFFFC00, s28;
	[tilespmem:s21+$0x420] =	vst.add.f32.msk $0xffff, v3;
	(pc) =	sbr.rel @p0 .LBB2_2-.Ltmp0, $4  }
0x96: {  	s23 =	sadd.s32 $0x40, s23;
	s0 =	sand.u32 $0x380, s0;
	s21 =	sadd.s32 s29, s28;
	[tilespmem:s22+$0x430] =	vst.add.f32.msk $0xffff, v4  }
0x97: {  	s28 =	sand.u32 $0x40, s23;
	s0 =	sor.u32 s0, s21;
	[tilespmem:s22+$0x400] =	vst.add.f32.msk $0xffff, v5;
	s21 =	smov.u32 s22  }
0x98: {  	s22 =	sor.u32 s28, s0;
	[tilespmem:s21+$0x410] =	vst.add.f32.msk $0xffff, v6  }
0x99: {  	s26 =	sadd.s32 $0x4, s26;
	v4 =	vld [tilespmem:s22+$0x14430];
	v3 =	vmov v7  }
0x9a: {  	v5 =	vld [tilespmem:s22+$0x14400]  }
0x9b: {  	v6 =	vld [tilespmem:s22+$0x14410]  }
0x9c: {  	v7 =	vld [tilespmem:s22+$0x14420]  }
0x9d: {  	[tilespmem:s21+$0x420] =	vst.add.f32.msk $0xffff, v3  }
0x9e: {  	[tilespmem:s22+$0x430] =	vst.add.f32.msk $0xffff, v4  }
0x9f: {  	[tilespmem:s22+$0x400] =	vst.add.f32.msk $0xffff, v5  }
0xa0: {  	[tilespmem:s22+$0x410] =	vst.add.f32.msk $0xffff, v6  }
0xa1: {  	[tilespmem:s22+$0x420] =	vst.add.f32.msk $0xffff, v7  }
0xa2: {  	s21 =	sld [smem:$0x7F5];
	_ =	sdelay $0x1  }
0xa3: {  	s0 =	simm.s32 $0x0;
	s22 =	simm.s32 $0x0  }
0xa4: {  	[hbm4b:s21+s0] =	stream.linear.scatter [tilespmem:s30], [sflag:$0x6], $0x4000, $0x38;
	[tilespmem:$0x1C400] =	vst v63  }
0xa5: {  	s21 =	sand.u32 $0xFFFFE000, s22  }
0xa6: {  	s23 =	simm.s32 $0x0;
	s29 =	rddreg [dreg:$0x7];
	s21 =	ssub.s32 $0x0, s21  }
0xa7: {  	[tilespmem:s5], [sflag:$0x4] =	stream.linear.gather [hbm4b:s29+s0], $0x4000, $0x38;
	[tilespmem:$0x1C400] =	vst v63  }
0xa8: {  	s22 =	sand.u32 $0x2000, s23;
	s23 =	simm.s32 $0x0;
	s21 =	sand.u32 $0xFFFFFC00, s21  }
0xa9: {  	s24 =	sand.u32 $0x380, s23;
	_ =	swait.ge [sflag:s6], $0x4000;
	s21 =	sadd.s32 s22, s21  }
0xaa: {  	s0 =	sand.u32 $0x40, s0;
	[sflag:s6] =	ssyncset.done $0x0;
	s21 =	sor.u32 s24, s21  }
0xab: {  	[sflag:s6] =	ssyncadd.s32 $0xFFFFC000;
	s21 =	sor.u32 s0, s21  }
0xac: {  	v4 =	vld [tilespmem:s21+$0x14430]  }
0xad: {  	s25 =	simm.s32 $0x200;
	v5 =	vld [tilespmem:s21+$0x14400]  }
0xae: {  	s0 =	sand.u32 $0xFFFFE000, s25;
	v6 =	vld [tilespmem:s21+$0x14410]  }
0xaf: {  	s26 =	simm.s32 $0x40;
	s0 =	ssub.s32 $0x200, s0  }
0xb0: {  	s28 =	simm.s32 $0x8;
	s22 =	sand.u32 $0x2000, s26;
	v3 =	vld [tilespmem:s21+$0x14420];
	s0 =	sand.u32 $0xFFFFFC00, s0  }
0xb1: {  	s23 =	simm.s32 $0x40;
	s29 =	sand.u32 $0x380, s28;
	s0 =	sadd.s32 s22, s0;
	[tilespmem:s21+$0x4430] =	vst.add.f32.msk $0xffff, v4  }
0xb2: {  	s24 =	sand.u32 $0x40, s23;
	s0 =	sor.u32 s29, s0;
	[tilespmem:s21+$0x4400] =	vst.add.f32.msk $0xffff, v5  }
0xb3: {  	s22 =	sor.u32 s24, s0;
	[tilespmem:s21+$0x4410] =	vst.add.f32.msk $0xffff, v6  }
0xb4: {  	s26 =	simm.s32 $0x8;
	s25 =	simm.s32 $0x200;
	s24 =	simm.s32 $0x4;
	v4 =	vld [tilespmem:s22+$0x14430]  }
.LBB2_4:
0xb5: {  	s0 =	sshll.u32 s26, $0x7;
	v5 =	vld [tilespmem:s22+$0x14400];
	s24 =	sadd.s32 $0x4, s24  }
0xb6: {  	s25 =	sadd.s32 $0x200, s25;
	s0 =	sand.u32 $0xFFFFE000, s0;
	v6 =	vld [tilespmem:s22+$0x14410];
	s28 =	sshll.u32 s24, $0x4  }
0xb7: {  	p0 =	slt.u32 s24, $0x3FC;
	s29 =	sshll.u32 s24, $0x1;
	s0 =	ssub.s32 s25, s0;
	v7 =	vld [tilespmem:s22+$0x14420]  }
.Ltmp1:
0xb8: {  	s28 =	sand.u32 $0x2000, s28;
	s0 =	sand.u32 $0xFFFFFC00, s0;
	[tilespmem:s21+$0x4420] =	vst.add.f32.msk $0xffff, v3;
	(pc) =	sbr.rel @p0 .LBB2_4-.Ltmp1, $4  }
0xb9: {  	s23 =	sadd.s32 $0x40, s23;
	s21 =	sand.u32 $0x380, s29;
	s0 =	sadd.s32 s28, s0;
	[tilespmem:s22+$0x4430] =	vst.add.f32.msk $0xffff, v4  }
0xba: {  	s28 =	sand.u32 $0x40, s23;
	s0 =	sor.u32 s21, s0;
	[tilespmem:s22+$0x4400] =	vst.add.f32.msk $0xffff, v5;
	s21 =	smov.u32 s22  }
0xbb: {  	s22 =	sor.u32 s28, s0;
	[tilespmem:s21+$0x4410] =	vst.add.f32.msk $0xffff, v6  }
0xbc: {  	s26 =	sadd.s32 $0x4, s26;
	v4 =	vld [tilespmem:s22+$0x14430];
	v3 =	vmov v7  }
0xbd: {  	v5 =	vld [tilespmem:s22+$0x14400]  }
0xbe: {  	v6 =	vld [tilespmem:s22+$0x14410]  }
0xbf: {  	v7 =	vld [tilespmem:s22+$0x14420]  }
0xc0: {  	[tilespmem:s21+$0x4420] =	vst.add.f32.msk $0xffff, v3  }
0xc1: {  	[tilespmem:s22+$0x4430] =	vst.add.f32.msk $0xffff, v4  }
0xc2: {  	[tilespmem:s22+$0x4400] =	vst.add.f32.msk $0xffff, v5  }
0xc3: {  	[tilespmem:s22+$0x4410] =	vst.add.f32.msk $0xffff, v6  }
0xc4: {  	[tilespmem:s22+$0x4420] =	vst.add.f32.msk $0xffff, v7  }
0xc5: {  	s0 =	simm.s32 $0x0;
	s22 =	simm.s32 $0x0;
	s21 =	rddreg [dreg:$0x8]  }
0xc6: {  	[hbm4b:s21+s0] =	stream.linear.scatter [tilespmem:s31], [sflag:$0x7], $0x4000, $0x38;
	[tilespmem:$0x1C400] =	vst v63  }
0xc7: {  	s21 =	sand.u32 $0xFFFFE000, s22  }
0xc8: {  	s23 =	simm.s32 $0x0;
	s29 =	rddreg [dreg:$0x9];
	s21 =	ssub.s32 $0x0, s21  }
0xc9: {  	[tilespmem:s7], [sflag:$0x5] =	stream.linear.gather [hbm4b:s29+s0], $0x4000, $0x38;
	[tilespmem:$0x1C400] =	vst v63  }
0xca: {  	s22 =	sand.u32 $0x2000, s23;
	s23 =	simm.s32 $0x0;
	s21 =	sand.u32 $0xFFFFFC00, s21  }
0xcb: {  	s24 =	sand.u32 $0x380, s23;
	_ =	swait.ge [sflag:s8], $0x4000;
	s21 =	sadd.s32 s22, s21  }
0xcc: {  	s0 =	sand.u32 $0x40, s0;
	[sflag:s8] =	ssyncset.done $0x0;
	s21 =	sor.u32 s24, s21  }
0xcd: {  	[sflag:s8] =	ssyncadd.s32 $0xFFFFC000;
	s21 =	sor.u32 s0, s21  }
0xce: {  	v4 =	vld [tilespmem:s21+$0x14430]  }
0xcf: {  	s25 =	simm.s32 $0x200;
	v5 =	vld [tilespmem:s21+$0x14400]  }
0xd0: {  	s0 =	sand.u32 $0xFFFFE000, s25;
	v6 =	vld [tilespmem:s21+$0x14410]  }
0xd1: {  	s26 =	simm.s32 $0x40;
	s0 =	ssub.s32 $0x200, s0  }
0xd2: {  	s28 =	simm.s32 $0x8;
	s22 =	sand.u32 $0x2000, s26;
	v3 =	vld [tilespmem:s21+$0x14420];
	s0 =	sand.u32 $0xFFFFFC00, s0  }
0xd3: {  	s23 =	simm.s32 $0x40;
	s29 =	sand.u32 $0x380, s28;
	s0 =	sadd.s32 s22, s0;
	[tilespmem:s21+$0x8430] =	vst.add.f32.msk $0xffff, v4  }
0xd4: {  	s24 =	sand.u32 $0x40, s23;
	s0 =	sor.u32 s29, s0;
	[tilespmem:s21+$0x8400] =	vst.add.f32.msk $0xffff, v5  }
0xd5: {  	s22 =	sor.u32 s24, s0;
	[tilespmem:s21+$0x8410] =	vst.add.f32.msk $0xffff, v6  }
0xd6: {  	s26 =	simm.s32 $0x8;
	s25 =	simm.s32 $0x200;
	s24 =	simm.s32 $0x4;
	v4 =	vld [tilespmem:s22+$0x14430]  }
.LBB2_6:
0xd7: {  	s0 =	sshll.u32 s26, $0x7;
	v5 =	vld [tilespmem:s22+$0x14400];
	s24 =	sadd.s32 $0x4, s24  }
0xd8: {  	s25 =	sadd.s32 $0x200, s25;
	s0 =	sand.u32 $0xFFFFE000, s0;
	v6 =	vld [tilespmem:s22+$0x14410];
	s28 =	sshll.u32 s24, $0x4  }
0xd9: {  	p0 =	slt.u32 s24, $0x3FC;
	s29 =	sshll.u32 s24, $0x1;
	s0 =	ssub.s32 s25, s0;
	v7 =	vld [tilespmem:s22+$0x14420]  }
.Ltmp2:
0xda: {  	s28 =	sand.u32 $0x2000, s28;
	s0 =	sand.u32 $0xFFFFFC00, s0;
	[tilespmem:s21+$0x8420] =	vst.add.f32.msk $0xffff, v3;
	(pc) =	sbr.rel @p0 .LBB2_6-.Ltmp2, $4  }
0xdb: {  	s23 =	sadd.s32 $0x40, s23;
	s21 =	sand.u32 $0x380, s29;
	s0 =	sadd.s32 s28, s0;
	[tilespmem:s22+$0x8430] =	vst.add.f32.msk $0xffff, v4  }
0xdc: {  	s28 =	sand.u32 $0x40, s23;
	s0 =	sor.u32 s21, s0;
	[tilespmem:s22+$0x8400] =	vst.add.f32.msk $0xffff, v5;
	s21 =	smov.u32 s22  }
0xdd: {  	s22 =	sor.u32 s28, s0;
	[tilespmem:s21+$0x8410] =	vst.add.f32.msk $0xffff, v6  }
0xde: {  	s26 =	sadd.s32 $0x4, s26;
	v4 =	vld [tilespmem:s22+$0x14430];
	v3 =	vmov v7  }
0xdf: {  	v5 =	vld [tilespmem:s22+$0x14400]  }
0xe0: {  	v6 =	vld [tilespmem:s22+$0x14410]  }
0xe1: {  	v7 =	vld [tilespmem:s22+$0x14420]  }
0xe2: {  	[tilespmem:s21+$0x8420] =	vst.add.f32.msk $0xffff, v3  }
0xe3: {  	[tilespmem:s22+$0x8430] =	vst.add.f32.msk $0xffff, v4  }
0xe4: {  	[tilespmem:s22+$0x8400] =	vst.add.f32.msk $0xffff, v5  }
0xe5: {  	[tilespmem:s22+$0x8410] =	vst.add.f32.msk $0xffff, v6  }
0xe6: {  	s0 =	simm.s32 $0x0;
	s28 =	simm.s32 $0x8400;
	[tilespmem:s22+$0x8420] =	vst.add.f32.msk $0xffff, v7  }
0xe7: {  	s23 =	simm.s32 $0x0;
	s22 =	simm.s32 $0x0;
	s21 =	rddreg [dreg:$0xa]  }
0xe8: {  	[hbm4b:s21+s0] =	stream.linear.scatter [tilespmem:s28], [sflag:$0x8], $0x4000, $0x38;
	[tilespmem:$0x1C400] =	vst v63  }
0xe9: {  	s21 =	sand.u32 $0xFFFFE000, s22;
	s22 =	sand.u32 $0x2000, s23;
	_ =	swait.ge [sflag:s12], $0x4000  }
0xea: {  	s23 =	simm.s32 $0x0;
	s21 =	ssub.s32 $0x0, s21;
	[sflag:s12] =	ssyncset.done $0x0  }
0xeb: {  	s29 =	rddreg [dreg:$0xb];
	s21 =	sand.u32 $0xFFFFFC00, s21;
	[sflag:s12] =	ssyncadd.s32 $0xFFFFC000  }
0xec: {  	[tilespmem:s30], [sflag:$0x1] =	stream.linear.gather [hbm4b:s29+s0], $0x4000, $0x38;
	[tilespmem:$0x1C400] =	vst v63  }
0xed: {  	s24 =	sand.u32 $0x380, s23;
	s21 =	sadd.s32 s22, s21;
	_ =	swait.ge [sflag:s13], $0x4000  }
0xee: {  	s0 =	sand.u32 $0x40, s0;
	s21 =	sor.u32 s24, s21;
	[sflag:s13] =	ssyncset.done $0x0  }
0xef: {  	s21 =	sor.u32 s0, s21;
	[sflag:s13] =	ssyncadd.s32 $0xFFFFC000  }
0xf0: {  	v4 =	vld [tilespmem:s21+$0x14430]  }
0xf1: {  	s25 =	simm.s32 $0x200;
	v5 =	vld [tilespmem:s21+$0x14400]  }
0xf2: {  	s0 =	sand.u32 $0xFFFFE000, s25;
	v6 =	vld [tilespmem:s21+$0x14410]  }
0xf3: {  	s26 =	simm.s32 $0x40;
	s0 =	ssub.s32 $0x200, s0  }
0xf4: {  	s28 =	simm.s32 $0x8;
	s22 =	sand.u32 $0x2000, s26;
	s0 =	sand.u32 $0xFFFFFC00, s0;
	v3 =	vld [tilespmem:s21+$0x14420]  }
0xf5: {  	s23 =	simm.s32 $0x40;
	s29 =	sand.u32 $0x380, s28;
	s0 =	sadd.s32 s22, s0;
	[tilespmem:s21+$0xC430] =	vst.add.f32.msk $0xffff, v4  }
0xf6: {  	s24 =	sand.u32 $0x40, s23;
	s0 =	sor.u32 s29, s0;
	[tilespmem:s21+$0xC400] =	vst.add.f32.msk $0xffff, v5  }
0xf7: {  	s22 =	sor.u32 s24, s0;
	[tilespmem:s21+$0xC410] =	vst.add.f32.msk $0xffff, v6  }
0xf8: {  	s26 =	simm.s32 $0x8;
	s25 =	simm.s32 $0x200;
	s24 =	simm.s32 $0x4;
	v4 =	vld [tilespmem:s22+$0x14430]  }
.LBB2_8:
0xf9: {  	s0 =	sshll.u32 s26, $0x7;
	v5 =	vld [tilespmem:s22+$0x14400];
	s24 =	sadd.s32 $0x4, s24  }
0xfa: {  	s25 =	sadd.s32 $0x200, s25;
	s0 =	sand.u32 $0xFFFFE000, s0;
	v6 =	vld [tilespmem:s22+$0x14410];
	s28 =	sshll.u32 s24, $0x4  }
0xfb: {  	p0 =	slt.u32 s24, $0x3FC;
	s29 =	sshll.u32 s24, $0x1;
	s0 =	ssub.s32 s25, s0;
	v7 =	vld [tilespmem:s22+$0x14420]  }
.Ltmp3:
0xfc: {  	s28 =	sand.u32 $0x2000, s28;
	s0 =	sand.u32 $0xFFFFFC00, s0;
	[tilespmem:s21+$0xC420] =	vst.add.f32.msk $0xffff, v3;
	(pc) =	sbr.rel @p0 .LBB2_8-.Ltmp3, $4  }
0xfd: {  	s23 =	sadd.s32 $0x40, s23;
	s21 =	sand.u32 $0x380, s29;
	s0 =	sadd.s32 s28, s0;
	[tilespmem:s22+$0xC430] =	vst.add.f32.msk $0xffff, v4  }
0xfe: {  	s28 =	sand.u32 $0x40, s23;
	s0 =	sor.u32 s21, s0;
	[tilespmem:s22+$0xC400] =	vst.add.f32.msk $0xffff, v5;
	s21 =	smov.u32 s22  }
0xff: {  	s22 =	sor.u32 s28, s0;
	[tilespmem:s21+$0xC410] =	vst.add.f32.msk $0xffff, v6  }
0x100: {  	s26 =	sadd.s32 $0x4, s26;
	v4 =	vld [tilespmem:s22+$0x14430];
	v3 =	vmov v7  }
0x101: {  	v5 =	vld [tilespmem:s22+$0x14400]  }
0x102: {  	v6 =	vld [tilespmem:s22+$0x14410]  }
0x103: {  	v7 =	vld [tilespmem:s22+$0x14420]  }
0x104: {  	[tilespmem:s21+$0xC420] =	vst.add.f32.msk $0xffff, v3  }
0x105: {  	[tilespmem:s22+$0xC430] =	vst.add.f32.msk $0xffff, v4  }
0x106: {  	[tilespmem:s22+$0xC400] =	vst.add.f32.msk $0xffff, v5  }
0x107: {  	[tilespmem:s22+$0xC410] =	vst.add.f32.msk $0xffff, v6  }
0x108: {  	[tilespmem:s22+$0xC420] =	vst.add.f32.msk $0xffff, v7  }
0x109: {  	s0 =	simm.s32 $0x0;
	s21 =	rddreg [dreg:$0xc]  }
0x10a: {  	[hbm4b:s21+s0] =	stream.linear.scatter [tilespmem:s5], [sflag:$0x9], $0x4000, $0x38;
	[tilespmem:$0x1C400] =	vst v63  }
0x10b: {  	v3 =	vld [tilespmem:$0x100];
	_ =	sdelay $0x4  }
0x10c: {  	v4 =	vshll.u32 v3, $0x3  }
0x10d: {  	v3 =	vand.u32 $0x7, v3;
	v4 =	vand.u32 $0xFFFFFFC0, v4  }
0x10e: {  	v3 =	vor.u32 v3, v4  }
0x10f: {  	v4 =	vperm.xlane v3, v0;
	_ =	sdelay $0x1  }
0x110: {  	v4 =	vadd.s32 v1, v4;
	_ =	sdelay $0x3  }
0x111: {  	s28 =	simm.s32 $0x14400  }
0x112: {  	[tilespmem:s28], [sflag:$0xB] =	stream.indirect_vreg.gather [hbm4b:s3+s0], $0x80, v4, vm0, $0xb8;
	[tilespmem:$0x1C400] =	vst v63  }
0x113: {  	s29 =	simm.s32 $0x14C00;
	v3 =	vperm.xlane v3, v2  }
0x114: {  	[tilespmem:s29], [sflag:$0xB] =	stream.indirect_vreg.gather [hbm4b:s9+s0], $0x80, v4, vm0, $0xb8;
	[tilespmem:$0x1C400] =	vst v63  }
0x115: {  	s22 =	simm.s32 $0x15400;
	v3 =	vadd.s32 v1, v3  }
0x116: {  	[tilespmem:s22], [sflag:$0xB] =	stream.indirect_vreg.gather [hbm4b:s10+s0], $0x80, v4, vm0, $0xb8;
	[tilespmem:$0x1C400] =	vst v63  }
0x117: {  	s23 =	simm.s32 $0x15C00  }
0x118: {  	[tilespmem:s23], [sflag:$0xB] =	stream.indirect_vreg.gather [hbm4b:s11+s0], $0x80, v4, vm0, $0xb8;
	[tilespmem:$0x1C400] =	vst v63  }
0x119: {  	s24 =	simm.s32 $0x16400  }
0x11a: {  	[tilespmem:s24], [sflag:$0xB] =	stream.indirect_vreg.gather [hbm4b:s3+s0], $0x80, v3, vm0, $0xb8;
	[tilespmem:$0x1C400] =	vst v63  }
0x11b: {  	s25 =	simm.s32 $0x16C00  }
0x11c: {  	[tilespmem:s25], [sflag:$0xB] =	stream.indirect_vreg.gather [hbm4b:s9+s0], $0x80, v3, vm0, $0xb8;
	[tilespmem:$0x1C400] =	vst v63  }
0x11d: {  	s26 =	simm.s32 $0x17400  }
0x11e: {  	[tilespmem:s26], [sflag:$0xB] =	stream.indirect_vreg.gather [hbm4b:s10+s0], $0x80, v3, vm0, $0xb8;
	[tilespmem:$0x1C400] =	vst v63  }
0x11f: {  	s28 =	simm.s32 $0x17C00  }
0x120: {  	[tilespmem:s28], [sflag:$0xB] =	stream.indirect_vreg.gather [hbm4b:s11+s0], $0x80, v3, vm0, $0xb8;
	[tilespmem:$0x1C400] =	vst v63  }
0x121: {  	_ =	swait.ge [sflag:s14], $0x4000  }
0x122: {  	[sflag:s14] =	ssyncset.done $0x0  }
0x123: {  	s22 =	simm.s32 $0x0;
	s29 =	rddreg [dreg:$0xd];
	[sflag:s14] =	ssyncadd.s32 $0xFFFFC000  }
0x124: {  	[tilespmem:s31], [sflag:$0x2] =	stream.linear.gather [hbm4b:s29+s0], $0x4000, $0x38;
	[tilespmem:$0x1C400] =	vst v63  }
0x125: {  	s21 =	sand.u32 $0xFFFFE000, s22;
	s23 =	simm.s32 $0x0;
	_ =	swait.ge [sflag:s15], $0x4000  }
0x126: {  	s21 =	ssub.s32 $0x0, s21;
	s22 =	sand.u32 $0x2000, s23;
	[sflag:s15] =	ssyncset.done $0x0  }
0x127: {  	s21 =	sand.u32 $0xFFFFFC00, s21;
	s23 =	simm.s32 $0x0;
	[sflag:s15] =	ssyncadd.s32 $0xFFFFC000  }
0x128: {  	s21 =	sadd.s32 s22, s21;
	s24 =	sand.u32 $0x380, s23;
	_ =	swait.ge [sflag:s16], $0x4000  }
0x129: {  	s21 =	sor.u32 s24, s21;
	s0 =	sand.u32 $0x40, s0;
	[sflag:s16] =	ssyncset.done $0x0  }
0x12a: {  	s21 =	sor.u32 s0, s21;
	[sflag:s16] =	ssyncadd.s32 $0xFFFFC000  }
0x12b: {  	v4 =	vld [tilespmem:s21+$0x18430]  }
0x12c: {  	s25 =	simm.s32 $0x200;
	v5 =	vld [tilespmem:s21+$0x18400]  }
0x12d: {  	s0 =	sand.u32 $0xFFFFE000, s25;
	v6 =	vld [tilespmem:s21+$0x18410]  }
0x12e: {  	s26 =	simm.s32 $0x40;
	s0 =	ssub.s32 $0x200, s0  }
0x12f: {  	s22 =	sand.u32 $0x2000, s26;
	s28 =	simm.s32 $0x8;
	s0 =	sand.u32 $0xFFFFFC00, s0;
	v3 =	vld [tilespmem:s21+$0x18420]  }
0x130: {  	s23 =	simm.s32 $0x40;
	s29 =	sand.u32 $0x380, s28;
	s0 =	sadd.s32 s22, s0;
	[tilespmem:s21+$0x10430] =	vst.add.f32.msk $0xffff, v4  }
0x131: {  	s24 =	sand.u32 $0x40, s23;
	s0 =	sor.u32 s29, s0;
	[tilespmem:s21+$0x10400] =	vst.add.f32.msk $0xffff, v5  }
0x132: {  	s22 =	sor.u32 s24, s0;
	[tilespmem:s21+$0x10410] =	vst.add.f32.msk $0xffff, v6  }
0x133: {  	s26 =	simm.s32 $0x8;
	s25 =	simm.s32 $0x200;
	s24 =	simm.s32 $0x4;
	v4 =	vld [tilespmem:s22+$0x18430]  }
.LBB2_10:
0x134: {  	s0 =	sshll.u32 s26, $0x7;
	v5 =	vld [tilespmem:s22+$0x18400];
	s24 =	sadd.s32 $0x4, s24  }
0x135: {  	s25 =	sadd.s32 $0x200, s25;
	s0 =	sand.u32 $0xFFFFE000, s0;
	v6 =	vld [tilespmem:s22+$0x18410];
	s28 =	sshll.u32 s24, $0x4  }
0x136: {  	p0 =	slt.u32 s24, $0x3FC;
	s29 =	sshll.u32 s24, $0x1;
	s0 =	ssub.s32 s25, s0;
	v7 =	vld [tilespmem:s22+$0x18420]  }
.Ltmp4:
0x137: {  	s28 =	sand.u32 $0x2000, s28;
	s0 =	sand.u32 $0xFFFFFC00, s0;
	[tilespmem:s21+$0x10420] =	vst.add.f32.msk $0xffff, v3;
	(pc) =	sbr.rel @p0 .LBB2_10-.Ltmp4, $4  }
0x138: {  	s23 =	sadd.s32 $0x40, s23;
	s21 =	sand.u32 $0x380, s29;
	s0 =	sadd.s32 s28, s0;
	[tilespmem:s22+$0x10430] =	vst.add.f32.msk $0xffff, v4  }
0x139: {  	s28 =	sand.u32 $0x40, s23;
	s0 =	sor.u32 s21, s0;
	[tilespmem:s22+$0x10400] =	vst.add.f32.msk $0xffff, v5;
	s21 =	smov.u32 s22  }
0x13a: {  	s22 =	sor.u32 s28, s0;
	[tilespmem:s21+$0x10410] =	vst.add.f32.msk $0xffff, v6  }
0x13b: {  	s26 =	sadd.s32 $0x4, s26;
	v4 =	vld [tilespmem:s22+$0x18430];
	v3 =	vmov v7  }
0x13c: {  	v5 =	vld [tilespmem:s22+$0x18400]  }
0x13d: {  	v6 =	vld [tilespmem:s22+$0x18410]  }
0x13e: {  	v7 =	vld [tilespmem:s22+$0x18420]  }
0x13f: {  	[tilespmem:s21+$0x10420] =	vst.add.f32.msk $0xffff, v3  }
0x140: {  	[tilespmem:s22+$0x10430] =	vst.add.f32.msk $0xffff, v4  }
0x141: {  	[tilespmem:s22+$0x10400] =	vst.add.f32.msk $0xffff, v5  }
0x142: {  	[tilespmem:s22+$0x10410] =	vst.add.f32.msk $0xffff, v6  }
0x143: {  	s0 =	simm.s32 $0x0;
	s29 =	simm.s32 $0x8400;
	[tilespmem:s22+$0x10420] =	vst.add.f32.msk $0xffff, v7  }
0x144: {  	s23 =	simm.s32 $0x0;
	s22 =	simm.s32 $0x0;
	s21 =	rddreg [dreg:$0xe]  }
0x145: {  	[hbm4b:s21+s0] =	stream.linear.scatter [tilespmem:s7], [sflag:$0xA], $0x4000, $0x38;
	[tilespmem:$0x1C400] =	vst v63  }
0x146: {  	s21 =	sand.u32 $0xFFFFE000, s22;
	s22 =	sand.u32 $0x2000, s23;
	_ =	swait.ge [sflag:s17], $0x4000  }
0x147: {  	s23 =	simm.s32 $0x0;
	s21 =	ssub.s32 $0x0, s21;
	[sflag:s17] =	ssyncset.done $0x0  }
0x148: {  	s28 =	rddreg [dreg:$0xf];
	s21 =	sand.u32 $0xFFFFFC00, s21;
	[sflag:s17] =	ssyncadd.s32 $0xFFFFC000  }
0x149: {  	[tilespmem:s29], [sflag:$0x3] =	stream.linear.gather [hbm4b:s28+s0], $0x4000, $0x38;
	[tilespmem:$0x1C400] =	vst v63  }
0x14a: {  	s24 =	sand.u32 $0x380, s23;
	s21 =	sadd.s32 s22, s21;
	_ =	swait.ge [sflag:s4], $0x4000  }
0x14b: {  	s0 =	sand.u32 $0x40, s0;
	s21 =	sor.u32 s24, s21;
	[sflag:s4] =	ssyncset.done $0x0  }
0x14c: {  	s21 =	sor.u32 s0, s21;
	[sflag:s4] =	ssyncadd.s32 $0xFFFFC000  }
0x14d: {  	v4 =	vld [tilespmem:s21+$0x18430]  }
0x14e: {  	s25 =	simm.s32 $0x200;
	v5 =	vld [tilespmem:s21+$0x18400]  }
0x14f: {  	s0 =	sand.u32 $0xFFFFE000, s25;
	v6 =	vld [tilespmem:s21+$0x18410]  }
0x150: {  	s26 =	simm.s32 $0x40;
	s0 =	ssub.s32 $0x200, s0  }
0x151: {  	s22 =	sand.u32 $0x2000, s26;
	s28 =	simm.s32 $0x8;
	s0 =	sand.u32 $0xFFFFFC00, s0;
	v3 =	vld [tilespmem:s21+$0x18420]  }
0x152: {  	s23 =	simm.s32 $0x40;
	s29 =	sand.u32 $0x380, s28;
	s0 =	sadd.s32 s22, s0;
	[tilespmem:s21+$0x430] =	vst.add.f32.msk $0xffff, v4  }
0x153: {  	s24 =	sand.u32 $0x40, s23;
	s0 =	sor.u32 s29, s0;
	[tilespmem:s21+$0x400] =	vst.add.f32.msk $0xffff, v5  }
0x154: {  	s22 =	sor.u32 s24, s0;
	[tilespmem:s21+$0x410] =	vst.add.f32.msk $0xffff, v6  }
0x155: {  	s26 =	simm.s32 $0x8;
	s25 =	simm.s32 $0x200;
	s24 =	simm.s32 $0x4;
	v4 =	vld [tilespmem:s22+$0x18430]  }
.LBB2_12:
0x156: {  	s0 =	sshll.u32 s26, $0x7;
	v5 =	vld [tilespmem:s22+$0x18400];
	s24 =	sadd.s32 $0x4, s24  }
0x157: {  	s25 =	sadd.s32 $0x200, s25;
	s0 =	sand.u32 $0xFFFFE000, s0;
	v6 =	vld [tilespmem:s22+$0x18410];
	s28 =	sshll.u32 s24, $0x4  }
0x158: {  	p0 =	slt.u32 s24, $0x3FC;
	s29 =	sshll.u32 s24, $0x1;
	s0 =	ssub.s32 s25, s0;
	v7 =	vld [tilespmem:s22+$0x18420]  }
.Ltmp5:
0x159: {  	s28 =	sand.u32 $0x2000, s28;
	s0 =	sand.u32 $0xFFFFFC00, s0;
	[tilespmem:s21+$0x420] =	vst.add.f32.msk $0xffff, v3;
	(pc) =	sbr.rel @p0 .LBB2_12-.Ltmp5, $4  }
0x15a: {  	s23 =	sadd.s32 $0x40, s23;
	s21 =	sand.u32 $0x380, s29;
	s0 =	sadd.s32 s28, s0;
	[tilespmem:s22+$0x430] =	vst.add.f32.msk $0xffff, v4  }
0x15b: {  	s28 =	sand.u32 $0x40, s23;
	s0 =	sor.u32 s21, s0;
	[tilespmem:s22+$0x400] =	vst.add.f32.msk $0xffff, v5;
	s21 =	smov.u32 s22  }
0x15c: {  	s22 =	sor.u32 s28, s0;
	[tilespmem:s21+$0x410] =	vst.add.f32.msk $0xffff, v6  }
0x15d: {  	s26 =	sadd.s32 $0x4, s26;
	v4 =	vld [tilespmem:s22+$0x18430];
	v3 =	vmov v7  }
0x15e: {  	v5 =	vld [tilespmem:s22+$0x18400]  }
0x15f: {  	v6 =	vld [tilespmem:s22+$0x18410]  }
0x160: {  	v7 =	vld [tilespmem:s22+$0x18420]  }
0x161: {  	[tilespmem:s21+$0x420] =	vst.add.f32.msk $0xffff, v3  }
0x162: {  	[tilespmem:s22+$0x430] =	vst.add.f32.msk $0xffff, v4  }
0x163: {  	[tilespmem:s22+$0x400] =	vst.add.f32.msk $0xffff, v5  }
0x164: {  	[tilespmem:s22+$0x410] =	vst.add.f32.msk $0xffff, v6  }
0x165: {  	s0 =	simm.s32 $0x0;
	[tilespmem:s22+$0x420] =	vst.add.f32.msk $0xffff, v7  }
0x166: {  	s23 =	simm.s32 $0x0;
	s22 =	simm.s32 $0x0;
	s21 =	rddreg [dreg:$0x10]  }
0x167: {  	[hbm4b:s21+s0] =	stream.linear.scatter [tilespmem:s30], [sflag:$0x6], $0x4000, $0x38;
	[tilespmem:$0x1C400] =	vst v63  }
0x168: {  	s21 =	sand.u32 $0xFFFFE000, s22;
	s22 =	sand.u32 $0x2000, s23;
	_ =	swait.ge [sflag:s18], $0x4000  }
0x169: {  	s23 =	simm.s32 $0x0;
	s21 =	ssub.s32 $0x0, s21;
	[sflag:s18] =	ssyncset.done $0x0  }
0x16a: {  	s29 =	rddreg [dreg:$0x11];
	s21 =	sand.u32 $0xFFFFFC00, s21;
	[sflag:s18] =	ssyncadd.s32 $0xFFFFC000  }
0x16b: {  	[tilespmem:s5], [sflag:$0x4] =	stream.linear.gather [hbm4b:s29+s0], $0x4000, $0x38;
	[tilespmem:$0x1C400] =	vst v63  }
0x16c: {  	s24 =	sand.u32 $0x380, s23;
	s21 =	sadd.s32 s22, s21;
	_ =	swait.ge [sflag:s6], $0x4000  }
0x16d: {  	s0 =	sand.u32 $0x40, s0;
	s21 =	sor.u32 s24, s21;
	[sflag:s6] =	ssyncset.done $0x0  }
0x16e: {  	s21 =	sor.u32 s0, s21;
	[sflag:s6] =	ssyncadd.s32 $0xFFFFC000  }
0x16f: {  	v4 =	vld [tilespmem:s21+$0x18430]  }
0x170: {  	s25 =	simm.s32 $0x200;
	v5 =	vld [tilespmem:s21+$0x18400]  }
0x171: {  	s0 =	sand.u32 $0xFFFFE000, s25;
	v6 =	vld [tilespmem:s21+$0x18410]  }
0x172: {  	s26 =	simm.s32 $0x40;
	s0 =	ssub.s32 $0x200, s0  }
0x173: {  	s28 =	simm.s32 $0x8;
	s22 =	sand.u32 $0x2000, s26;
	s0 =	sand.u32 $0xFFFFFC00, s0;
	v3 =	vld [tilespmem:s21+$0x18420]  }
0x174: {  	s23 =	simm.s32 $0x40;
	s29 =	sand.u32 $0x380, s28;
	s0 =	sadd.s32 s22, s0;
	[tilespmem:s21+$0x4430] =	vst.add.f32.msk $0xffff, v4  }
0x175: {  	s24 =	sand.u32 $0x40, s23;
	s0 =	sor.u32 s29, s0;
	[tilespmem:s21+$0x4400] =	vst.add.f32.msk $0xffff, v5  }
0x176: {  	s22 =	sor.u32 s24, s0;
	[tilespmem:s21+$0x4410] =	vst.add.f32.msk $0xffff, v6  }
0x177: {  	s26 =	simm.s32 $0x8;
	s25 =	simm.s32 $0x200;
	s24 =	simm.s32 $0x4;
	v4 =	vld [tilespmem:s22+$0x18430]  }
.LBB2_14:
0x178: {  	s0 =	sshll.u32 s26, $0x7;
	v5 =	vld [tilespmem:s22+$0x18400];
	s24 =	sadd.s32 $0x4, s24  }
0x179: {  	s25 =	sadd.s32 $0x200, s25;
	s0 =	sand.u32 $0xFFFFE000, s0;
	v6 =	vld [tilespmem:s22+$0x18410];
	s28 =	sshll.u32 s24, $0x4  }
0x17a: {  	p0 =	slt.u32 s24, $0x3FC;
	s29 =	sshll.u32 s24, $0x1;
	s0 =	ssub.s32 s25, s0;
	v7 =	vld [tilespmem:s22+$0x18420]  }
.Ltmp6:
0x17b: {  	s28 =	sand.u32 $0x2000, s28;
	s0 =	sand.u32 $0xFFFFFC00, s0;
	[tilespmem:s21+$0x4420] =	vst.add.f32.msk $0xffff, v3;
	(pc) =	sbr.rel @p0 .LBB2_14-.Ltmp6, $4  }
0x17c: {  	s23 =	sadd.s32 $0x40, s23;
	s21 =	sand.u32 $0x380, s29;
	s0 =	sadd.s32 s28, s0;
	[tilespmem:s22+$0x4430] =	vst.add.f32.msk $0xffff, v4  }
0x17d: {  	s28 =	sand.u32 $0x40, s23;
	s0 =	sor.u32 s21, s0;
	[tilespmem:s22+$0x4400] =	vst.add.f32.msk $0xffff, v5;
	s21 =	smov.u32 s22  }
0x17e: {  	s22 =	sor.u32 s28, s0;
	[tilespmem:s21+$0x4410] =	vst.add.f32.msk $0xffff, v6  }
0x17f: {  	s26 =	sadd.s32 $0x4, s26;
	v4 =	vld [tilespmem:s22+$0x18430];
	v3 =	vmov v7  }
0x180: {  	v5 =	vld [tilespmem:s22+$0x18400]  }
0x181: {  	v6 =	vld [tilespmem:s22+$0x18410]  }
0x182: {  	v7 =	vld [tilespmem:s22+$0x18420]  }
0x183: {  	[tilespmem:s21+$0x4420] =	vst.add.f32.msk $0xffff, v3  }
0x184: {  	[tilespmem:s22+$0x4430] =	vst.add.f32.msk $0xffff, v4  }
0x185: {  	[tilespmem:s22+$0x4400] =	vst.add.f32.msk $0xffff, v5  }
0x186: {  	[tilespmem:s22+$0x4410] =	vst.add.f32.msk $0xffff, v6  }
0x187: {  	s0 =	simm.s32 $0x0;
	[tilespmem:s22+$0x4420] =	vst.add.f32.msk $0xffff, v7  }
0x188: {  	s23 =	simm.s32 $0x0;
	s22 =	simm.s32 $0x0;
	s21 =	rddreg [dreg:$0x12]  }
0x189: {  	[hbm4b:s21+s0] =	stream.linear.scatter [tilespmem:s31], [sflag:$0x7], $0x4000, $0x38;
	[tilespmem:$0x1C400] =	vst v63  }
0x18a: {  	s21 =	sand.u32 $0xFFFFE000, s22;
	s22 =	sand.u32 $0x2000, s23;
	_ =	swait.ge [sflag:s19], $0x4000  }
0x18b: {  	s23 =	simm.s32 $0x0;
	s21 =	ssub.s32 $0x0, s21;
	[sflag:s19] =	ssyncset.done $0x0  }
0x18c: {  	s29 =	rddreg [dreg:$0x13];
	s21 =	sand.u32 $0xFFFFFC00, s21;
	[sflag:s19] =	ssyncadd.s32 $0xFFFFC000  }
0x18d: {  	[tilespmem:s7], [sflag:$0x5] =	stream.linear.gather [hbm4b:s29+s0], $0x4000, $0x38;
	[tilespmem:$0x1C400] =	vst v63  }
0x18e: {  	s24 =	sand.u32 $0x380, s23;
	s21 =	sadd.s32 s22, s21;
	_ =	swait.ge [sflag:s8], $0x4000  }
0x18f: {  	s0 =	sand.u32 $0x40, s0;
	s21 =	sor.u32 s24, s21;
	[sflag:s8] =	ssyncset.done $0x0  }
0x190: {  	s21 =	sor.u32 s0, s21;
	[sflag:s8] =	ssyncadd.s32 $0xFFFFC000  }
0x191: {  	v4 =	vld [tilespmem:s21+$0x18430]  }
0x192: {  	s25 =	simm.s32 $0x200;
	v5 =	vld [tilespmem:s21+$0x18400]  }
0x193: {  	s0 =	sand.u32 $0xFFFFE000, s25;
	v6 =	vld [tilespmem:s21+$0x18410]  }
0x194: {  	s26 =	simm.s32 $0x40;
	s0 =	ssub.s32 $0x200, s0  }
0x195: {  	s28 =	simm.s32 $0x8;
	s22 =	sand.u32 $0x2000, s26;
	s0 =	sand.u32 $0xFFFFFC00, s0;
	v3 =	vld [tilespmem:s21+$0x18420]  }
0x196: {  	s23 =	simm.s32 $0x40;
	s29 =	sand.u32 $0x380, s28;
	s0 =	sadd.s32 s22, s0;
	[tilespmem:s21+$0x8430] =	vst.add.f32.msk $0xffff, v4  }
0x197: {  	s24 =	sand.u32 $0x40, s23;
	s0 =	sor.u32 s29, s0;
	[tilespmem:s21+$0x8400] =	vst.add.f32.msk $0xffff, v5  }
0x198: {  	s22 =	sor.u32 s24, s0;
	[tilespmem:s21+$0x8410] =	vst.add.f32.msk $0xffff, v6  }
0x199: {  	s26 =	simm.s32 $0x8;
	s25 =	simm.s32 $0x200;
	s24 =	simm.s32 $0x4;
	v4 =	vld [tilespmem:s22+$0x18430]  }
.LBB2_16:
0x19a: {  	s0 =	sshll.u32 s26, $0x7;
	v5 =	vld [tilespmem:s22+$0x18400];
	s24 =	sadd.s32 $0x4, s24  }
0x19b: {  	s25 =	sadd.s32 $0x200, s25;
	s0 =	sand.u32 $0xFFFFE000, s0;
	v6 =	vld [tilespmem:s22+$0x18410];
	s28 =	sshll.u32 s24, $0x4  }
0x19c: {  	p0 =	slt.u32 s24, $0x3FC;
	s29 =	sshll.u32 s24, $0x1;
	s0 =	ssub.s32 s25, s0;
	v7 =	vld [tilespmem:s22+$0x18420]  }
.Ltmp7:
0x19d: {  	s28 =	sand.u32 $0x2000, s28;
	s0 =	sand.u32 $0xFFFFFC00, s0;
	[tilespmem:s21+$0x8420] =	vst.add.f32.msk $0xffff, v3;
	(pc) =	sbr.rel @p0 .LBB2_16-.Ltmp7, $4  }
0x19e: {  	s23 =	sadd.s32 $0x40, s23;
	s21 =	sand.u32 $0x380, s29;
	s0 =	sadd.s32 s28, s0;
	[tilespmem:s22+$0x8430] =	vst.add.f32.msk $0xffff, v4  }
0x19f: {  	s28 =	sand.u32 $0x40, s23;
	s0 =	sor.u32 s21, s0;
	[tilespmem:s22+$0x8400] =	vst.add.f32.msk $0xffff, v5;
	s21 =	smov.u32 s22  }
0x1a0: {  	s22 =	sor.u32 s28, s0;
	[tilespmem:s21+$0x8410] =	vst.add.f32.msk $0xffff, v6  }
0x1a1: {  	s26 =	sadd.s32 $0x4, s26;
	v4 =	vld [tilespmem:s22+$0x18430];
	v3 =	vmov v7  }
0x1a2: {  	v5 =	vld [tilespmem:s22+$0x18400]  }
0x1a3: {  	v6 =	vld [tilespmem:s22+$0x18410]  }
0x1a4: {  	v7 =	vld [tilespmem:s22+$0x18420]  }
0x1a5: {  	[tilespmem:s21+$0x8420] =	vst.add.f32.msk $0xffff, v3  }
0x1a6: {  	[tilespmem:s22+$0x8430] =	vst.add.f32.msk $0xffff, v4  }
0x1a7: {  	[tilespmem:s22+$0x8400] =	vst.add.f32.msk $0xffff, v5  }
0x1a8: {  	[tilespmem:s22+$0x8410] =	vst.add.f32.msk $0xffff, v6  }
0x1a9: {  	[tilespmem:s22+$0x8420] =	vst.add.f32.msk $0xffff, v7  }
0x1aa: {  	s0 =	simm.s32 $0x0;
	s26 =	simm.s32 $0x8400;
	s21 =	rddreg [dreg:$0x14]  }
0x1ab: {  	[hbm4b:s21+s0] =	stream.linear.scatter [tilespmem:s26], [sflag:$0x8], $0x4000, $0x38;
	[tilespmem:$0x1C400] =	vst v63  }
0x1ac: {  	v3 =	vld [tilespmem:$0x180];
	_ =	sdelay $0x4  }
0x1ad: {  	v4 =	vshll.u32 v3, $0x3  }
0x1ae: {  	v3 =	vand.u32 $0x7, v3;
	v4 =	vand.u32 $0xFFFFFFC0, v4  }
0x1af: {  	v3 =	vor.u32 v3, v4  }
0x1b0: {  	v4 =	vperm.xlane v3, v0;
	_ =	sdelay $0x1  }
0x1b1: {  	v4 =	vadd.s32 v1, v4;
	_ =	sdelay $0x3  }
0x1b2: {  	s28 =	simm.s32 $0x18400  }
0x1b3: {  	[tilespmem:s28], [sflag:$0xC] =	stream.indirect_vreg.gather [hbm4b:s3+s0], $0x80, v4, vm0, $0xb8;
	[tilespmem:$0x1C400] =	vst v63  }
0x1b4: {  	s29 =	simm.s32 $0x18C00;
	v3 =	vperm.xlane v3, v2  }
0x1b5: {  	[tilespmem:s29], [sflag:$0xC] =	stream.indirect_vreg.gather [hbm4b:s9+s0], $0x80, v4, vm0, $0xb8;
	[tilespmem:$0x1C400] =	vst v63  }
0x1b6: {  	s22 =	simm.s32 $0x19400;
	v3 =	vadd.s32 v1, v3  }
0x1b7: {  	[tilespmem:s22], [sflag:$0xC] =	stream.indirect_vreg.gather [hbm4b:s10+s0], $0x80, v4, vm0, $0xb8;
	[tilespmem:$0x1C400] =	vst v63  }
0x1b8: {  	s23 =	simm.s32 $0x19C00  }
0x1b9: {  	[tilespmem:s23], [sflag:$0xC] =	stream.indirect_vreg.gather [hbm4b:s11+s0], $0x80, v4, vm0, $0xb8;
	[tilespmem:$0x1C400] =	vst v63  }
0x1ba: {  	s24 =	simm.s32 $0x1A400  }
0x1bb: {  	[tilespmem:s24], [sflag:$0xC] =	stream.indirect_vreg.gather [hbm4b:s3+s0], $0x80, v3, vm0, $0xb8;
	[tilespmem:$0x1C400] =	vst v63  }
0x1bc: {  	s25 =	simm.s32 $0x1AC00  }
0x1bd: {  	[tilespmem:s25], [sflag:$0xC] =	stream.indirect_vreg.gather [hbm4b:s9+s0], $0x80, v3, vm0, $0xb8;
	[tilespmem:$0x1C400] =	vst v63  }
0x1be: {  	s26 =	simm.s32 $0x1B400  }
0x1bf: {  	[tilespmem:s26], [sflag:$0xC] =	stream.indirect_vreg.gather [hbm4b:s10+s0], $0x80, v3, vm0, $0xb8;
	[tilespmem:$0x1C400] =	vst v63  }
0x1c0: {  	s28 =	simm.s32 $0x1BC00  }
0x1c1: {  	[tilespmem:s28], [sflag:$0xC] =	stream.indirect_vreg.gather [hbm4b:s11+s0], $0x80, v3, vm0, $0xb8;
	[tilespmem:$0x1C400] =	vst v63  }
0x1c2: {  	_ =	swait.ge [sflag:s12], $0x4000  }
0x1c3: {  	[sflag:s12] =	ssyncset.done $0x0  }
0x1c4: {  	s22 =	simm.s32 $0x0;
	s29 =	rddreg [dreg:$0x17];
	[sflag:s12] =	ssyncadd.s32 $0xFFFFC000  }
0x1c5: {  	[tilespmem:s30], [sflag:$0x1] =	stream.linear.gather [hbm4b:s29+s0], $0x4000, $0x38;
	[tilespmem:$0x1C400] =	vst v63  }
0x1c6: {  	s21 =	sand.u32 $0xFFFFE000, s22;
	s23 =	simm.s32 $0x0;
	_ =	swait.ge [sflag:s2], $0x4000  }
0x1c7: {  	s21 =	ssub.s32 $0x0, s21;
	s22 =	sand.u32 $0x2000, s23;
	[sflag:s2] =	ssyncset.done $0x0  }
0x1c8: {  	s21 =	sand.u32 $0xFFFFFC00, s21;
	s23 =	simm.s32 $0x0;
	[sflag:s2] =	ssyncadd.s32 $0xFFFFC000  }
0x1c9: {  	s21 =	sadd.s32 s22, s21;
	s24 =	sand.u32 $0x380, s23;
	_ =	swait.ge [sflag:s13], $0x4000  }
0x1ca: {  	s21 =	sor.u32 s24, s21;
	s0 =	sand.u32 $0x40, s0;
	[sflag:s13] =	ssyncset.done $0x0  }
0x1cb: {  	s21 =	sor.u32 s0, s21;
	[sflag:s13] =	ssyncadd.s32 $0xFFFFC000  }
0x1cc: {  	v4 =	vld [tilespmem:s21+$0x14430]  }
0x1cd: {  	s25 =	simm.s32 $0x200;
	v5 =	vld [tilespmem:s21+$0x14400]  }
0x1ce: {  	s0 =	sand.u32 $0xFFFFE000, s25;
	v6 =	vld [tilespmem:s21+$0x14410]  }
0x1cf: {  	s26 =	simm.s32 $0x40;
	s0 =	ssub.s32 $0x200, s0  }
0x1d0: {  	s22 =	sand.u32 $0x2000, s26;
	s28 =	simm.s32 $0x8;
	s0 =	sand.u32 $0xFFFFFC00, s0;
	v3 =	vld [tilespmem:s21+$0x14420]  }
0x1d1: {  	s23 =	simm.s32 $0x40;
	s29 =	sand.u32 $0x380, s28;
	s0 =	sadd.s32 s22, s0;
	[tilespmem:s21+$0xC430] =	vst.add.f32.msk $0xffff, v4  }
0x1d2: {  	s24 =	sand.u32 $0x40, s23;
	s0 =	sor.u32 s29, s0;
	[tilespmem:s21+$0xC400] =	vst.add.f32.msk $0xffff, v5  }
0x1d3: {  	s22 =	sor.u32 s24, s0;
	[tilespmem:s21+$0xC410] =	vst.add.f32.msk $0xffff, v6  }
0x1d4: {  	s26 =	simm.s32 $0x8;
	s25 =	simm.s32 $0x200;
	s24 =	simm.s32 $0x4;
	v4 =	vld [tilespmem:s22+$0x14430]  }
.LBB2_18:
0x1d5: {  	s0 =	sshll.u32 s26, $0x7;
	v5 =	vld [tilespmem:s22+$0x14400];
	s24 =	sadd.s32 $0x4, s24  }
0x1d6: {  	s25 =	sadd.s32 $0x200, s25;
	s0 =	sand.u32 $0xFFFFE000, s0;
	v6 =	vld [tilespmem:s22+$0x14410];
	s28 =	sshll.u32 s24, $0x4  }
0x1d7: {  	p0 =	slt.u32 s24, $0x3FC;
	s29 =	sshll.u32 s24, $0x1;
	s0 =	ssub.s32 s25, s0;
	v7 =	vld [tilespmem:s22+$0x14420]  }
.Ltmp8:
0x1d8: {  	s28 =	sand.u32 $0x2000, s28;
	s0 =	sand.u32 $0xFFFFFC00, s0;
	[tilespmem:s21+$0xC420] =	vst.add.f32.msk $0xffff, v3;
	(pc) =	sbr.rel @p0 .LBB2_18-.Ltmp8, $4  }
0x1d9: {  	s23 =	sadd.s32 $0x40, s23;
	s21 =	sand.u32 $0x380, s29;
	s0 =	sadd.s32 s28, s0;
	[tilespmem:s22+$0xC430] =	vst.add.f32.msk $0xffff, v4  }
0x1da: {  	s28 =	sand.u32 $0x40, s23;
	s0 =	sor.u32 s21, s0;
	[tilespmem:s22+$0xC400] =	vst.add.f32.msk $0xffff, v5;
	s21 =	smov.u32 s22  }
0x1db: {  	s22 =	sor.u32 s28, s0;
	[tilespmem:s21+$0xC410] =	vst.add.f32.msk $0xffff, v6  }
0x1dc: {  	s26 =	sadd.s32 $0x4, s26;
	v4 =	vld [tilespmem:s22+$0x14430];
	v3 =	vmov v7  }
0x1dd: {  	v5 =	vld [tilespmem:s22+$0x14400]  }
0x1de: {  	v6 =	vld [tilespmem:s22+$0x14410]  }
0x1df: {  	v7 =	vld [tilespmem:s22+$0x14420]  }
0x1e0: {  	[tilespmem:s21+$0xC420] =	vst.add.f32.msk $0xffff, v3  }
0x1e1: {  	[tilespmem:s22+$0xC430] =	vst.add.f32.msk $0xffff, v4  }
0x1e2: {  	[tilespmem:s22+$0xC400] =	vst.add.f32.msk $0xffff, v5  }
0x1e3: {  	[tilespmem:s22+$0xC410] =	vst.add.f32.msk $0xffff, v6  }
0x1e4: {  	s0 =	simm.s32 $0x0;
	[tilespmem:s22+$0xC420] =	vst.add.f32.msk $0xffff, v7  }
0x1e5: {  	s23 =	simm.s32 $0x0;
	s22 =	simm.s32 $0x0;
	s21 =	rddreg [dreg:$0x15]  }
0x1e6: {  	[hbm4b:s21+s0] =	stream.linear.scatter [tilespmem:s5], [sflag:$0x9], $0x4000, $0x38;
	[tilespmem:$0x1C400] =	vst v63  }
0x1e7: {  	s21 =	sand.u32 $0xFFFFE000, s22;
	s22 =	sand.u32 $0x2000, s23;
	_ =	swait.ge [sflag:s14], $0x4000  }
0x1e8: {  	s23 =	simm.s32 $0x0;
	s21 =	ssub.s32 $0x0, s21;
	[sflag:s14] =	ssyncset.done $0x0  }
0x1e9: {  	s29 =	rddreg [dreg:$0x19];
	s21 =	sand.u32 $0xFFFFFC00, s21;
	[sflag:s14] =	ssyncadd.s32 $0xFFFFC000  }
0x1ea: {  	[tilespmem:s31], [sflag:$0x2] =	stream.linear.gather [hbm4b:s29+s0], $0x4000, $0x38;
	[tilespmem:$0x1C400] =	vst v63  }
0x1eb: {  	s24 =	sand.u32 $0x380, s23;
	s21 =	sadd.s32 s22, s21;
	_ =	swait.ge [sflag:s16], $0x4000  }
0x1ec: {  	s0 =	sand.u32 $0x40, s0;
	s21 =	sor.u32 s24, s21;
	[sflag:s16] =	ssyncset.done $0x0  }
0x1ed: {  	s21 =	sor.u32 s0, s21;
	[sflag:s16] =	ssyncadd.s32 $0xFFFFC000  }
0x1ee: {  	v4 =	vld [tilespmem:s21+$0x14430]  }
0x1ef: {  	s25 =	simm.s32 $0x200;
	v5 =	vld [tilespmem:s21+$0x14400]  }
0x1f0: {  	s0 =	sand.u32 $0xFFFFE000, s25;
	v6 =	vld [tilespmem:s21+$0x14410]  }
0x1f1: {  	s26 =	simm.s32 $0x40;
	s0 =	ssub.s32 $0x200, s0  }
0x1f2: {  	s28 =	simm.s32 $0x8;
	s22 =	sand.u32 $0x2000, s26;
	s0 =	sand.u32 $0xFFFFFC00, s0;
	v3 =	vld [tilespmem:s21+$0x14420]  }
0x1f3: {  	s23 =	simm.s32 $0x40;
	s29 =	sand.u32 $0x380, s28;
	s0 =	sadd.s32 s22, s0;
	[tilespmem:s21+$0x10430] =	vst.add.f32.msk $0xffff, v4  }
0x1f4: {  	s24 =	sand.u32 $0x40, s23;
	s0 =	sor.u32 s29, s0;
	[tilespmem:s21+$0x10400] =	vst.add.f32.msk $0xffff, v5  }
0x1f5: {  	s22 =	sor.u32 s24, s0;
	[tilespmem:s21+$0x10410] =	vst.add.f32.msk $0xffff, v6  }
0x1f6: {  	s26 =	simm.s32 $0x8;
	s25 =	simm.s32 $0x200;
	s24 =	simm.s32 $0x4;
	v4 =	vld [tilespmem:s22+$0x14430]  }
.LBB2_20:
0x1f7: {  	s0 =	sshll.u32 s26, $0x7;
	v5 =	vld [tilespmem:s22+$0x14400];
	s24 =	sadd.s32 $0x4, s24  }
0x1f8: {  	s25 =	sadd.s32 $0x200, s25;
	s0 =	sand.u32 $0xFFFFE000, s0;
	v6 =	vld [tilespmem:s22+$0x14410];
	s28 =	sshll.u32 s24, $0x4  }
0x1f9: {  	p0 =	slt.u32 s24, $0x3FC;
	s29 =	sshll.u32 s24, $0x1;
	s0 =	ssub.s32 s25, s0;
	v7 =	vld [tilespmem:s22+$0x14420]  }
.Ltmp9:
0x1fa: {  	s28 =	sand.u32 $0x2000, s28;
	s0 =	sand.u32 $0xFFFFFC00, s0;
	[tilespmem:s21+$0x10420] =	vst.add.f32.msk $0xffff, v3;
	(pc) =	sbr.rel @p0 .LBB2_20-.Ltmp9, $4  }
0x1fb: {  	s23 =	sadd.s32 $0x40, s23;
	s21 =	sand.u32 $0x380, s29;
	s0 =	sadd.s32 s28, s0;
	[tilespmem:s22+$0x10430] =	vst.add.f32.msk $0xffff, v4  }
0x1fc: {  	s28 =	sand.u32 $0x40, s23;
	s0 =	sor.u32 s21, s0;
	[tilespmem:s22+$0x10400] =	vst.add.f32.msk $0xffff, v5;
	s21 =	smov.u32 s22  }
0x1fd: {  	s22 =	sor.u32 s28, s0;
	[tilespmem:s21+$0x10410] =	vst.add.f32.msk $0xffff, v6  }
0x1fe: {  	s26 =	sadd.s32 $0x4, s26;
	v4 =	vld [tilespmem:s22+$0x14430];
	v3 =	vmov v7  }
0x1ff: {  	v5 =	vld [tilespmem:s22+$0x14400]  }
0x200: {  	v6 =	vld [tilespmem:s22+$0x14410]  }
0x201: {  	v7 =	vld [tilespmem:s22+$0x14420]  }
0x202: {  	[tilespmem:s21+$0x10420] =	vst.add.f32.msk $0xffff, v3  }
0x203: {  	[tilespmem:s22+$0x10430] =	vst.add.f32.msk $0xffff, v4  }
0x204: {  	[tilespmem:s22+$0x10400] =	vst.add.f32.msk $0xffff, v5  }
0x205: {  	[tilespmem:s22+$0x10410] =	vst.add.f32.msk $0xffff, v6  }
0x206: {  	s0 =	simm.s32 $0x0;
	s29 =	simm.s32 $0x8400;
	[tilespmem:s22+$0x10420] =	vst.add.f32.msk $0xffff, v7  }
0x207: {  	s23 =	simm.s32 $0x0;
	s22 =	simm.s32 $0x0;
	s21 =	rddreg [dreg:$0x16]  }
0x208: {  	[hbm4b:s21+s0] =	stream.linear.scatter [tilespmem:s7], [sflag:$0xA], $0x4000, $0x38;
	[tilespmem:$0x1C400] =	vst v63  }
0x209: {  	s21 =	sand.u32 $0xFFFFE000, s22;
	s22 =	sand.u32 $0x2000, s23;
	_ =	swait.ge [sflag:s17], $0x4000  }
0x20a: {  	s23 =	simm.s32 $0x0;
	s21 =	ssub.s32 $0x0, s21;
	[sflag:s17] =	ssyncset.done $0x0  }
0x20b: {  	s28 =	rddreg [dreg:$0x1b];
	s21 =	sand.u32 $0xFFFFFC00, s21;
	[sflag:s17] =	ssyncadd.s32 $0xFFFFC000  }
0x20c: {  	[tilespmem:s29], [sflag:$0x3] =	stream.linear.gather [hbm4b:s28+s0], $0x4000, $0x38;
	[tilespmem:$0x1C400] =	vst v63  }
0x20d: {  	s24 =	sand.u32 $0x380, s23;
	s21 =	sadd.s32 s22, s21;
	_ =	swait.ge [sflag:s4], $0x4000  }
0x20e: {  	s0 =	sand.u32 $0x40, s0;
	s21 =	sor.u32 s24, s21;
	[sflag:s4] =	ssyncset.done $0x0  }
0x20f: {  	s21 =	sor.u32 s0, s21;
	[sflag:s4] =	ssyncadd.s32 $0xFFFFC000  }
0x210: {  	v4 =	vld [tilespmem:s21+$0x14430]  }
0x211: {  	s25 =	simm.s32 $0x200;
	v5 =	vld [tilespmem:s21+$0x14400]  }
0x212: {  	s0 =	sand.u32 $0xFFFFE000, s25;
	v6 =	vld [tilespmem:s21+$0x14410]  }
0x213: {  	s26 =	simm.s32 $0x40;
	s0 =	ssub.s32 $0x200, s0  }
0x214: {  	s22 =	sand.u32 $0x2000, s26;
	s28 =	simm.s32 $0x8;
	s0 =	sand.u32 $0xFFFFFC00, s0;
	v3 =	vld [tilespmem:s21+$0x14420]  }
0x215: {  	s23 =	simm.s32 $0x40;
	s29 =	sand.u32 $0x380, s28;
	s0 =	sadd.s32 s22, s0;
	[tilespmem:s21+$0x430] =	vst.add.f32.msk $0xffff, v4  }
0x216: {  	s24 =	sand.u32 $0x40, s23;
	s0 =	sor.u32 s29, s0;
	[tilespmem:s21+$0x400] =	vst.add.f32.msk $0xffff, v5  }
0x217: {  	s22 =	sor.u32 s24, s0;
	[tilespmem:s21+$0x410] =	vst.add.f32.msk $0xffff, v6  }
0x218: {  	s26 =	simm.s32 $0x8;
	s25 =	simm.s32 $0x200;
	s24 =	simm.s32 $0x4;
	v4 =	vld [tilespmem:s22+$0x14430]  }
.LBB2_22:
0x219: {  	s0 =	sshll.u32 s26, $0x7;
	v5 =	vld [tilespmem:s22+$0x14400];
	s24 =	sadd.s32 $0x4, s24  }
0x21a: {  	s25 =	sadd.s32 $0x200, s25;
	s0 =	sand.u32 $0xFFFFE000, s0;
	v6 =	vld [tilespmem:s22+$0x14410];
	s28 =	sshll.u32 s24, $0x4  }
0x21b: {  	p0 =	slt.u32 s24, $0x3FC;
	s29 =	sshll.u32 s24, $0x1;
	s0 =	ssub.s32 s25, s0;
	v7 =	vld [tilespmem:s22+$0x14420]  }
.Ltmp10:
0x21c: {  	s28 =	sand.u32 $0x2000, s28;
	s0 =	sand.u32 $0xFFFFFC00, s0;
	[tilespmem:s21+$0x420] =	vst.add.f32.msk $0xffff, v3;
	(pc) =	sbr.rel @p0 .LBB2_22-.Ltmp10, $4  }
0x21d: {  	s23 =	sadd.s32 $0x40, s23;
	s21 =	sand.u32 $0x380, s29;
	s0 =	sadd.s32 s28, s0;
	[tilespmem:s22+$0x430] =	vst.add.f32.msk $0xffff, v4  }
0x21e: {  	s28 =	sand.u32 $0x40, s23;
	s0 =	sor.u32 s21, s0;
	[tilespmem:s22+$0x400] =	vst.add.f32.msk $0xffff, v5;
	s21 =	smov.u32 s22  }
0x21f: {  	s22 =	sor.u32 s28, s0;
	[tilespmem:s21+$0x410] =	vst.add.f32.msk $0xffff, v6  }
0x220: {  	s26 =	sadd.s32 $0x4, s26;
	v4 =	vld [tilespmem:s22+$0x14430];
	v3 =	vmov v7  }
0x221: {  	v5 =	vld [tilespmem:s22+$0x14400]  }
0x222: {  	v6 =	vld [tilespmem:s22+$0x14410]  }
0x223: {  	v7 =	vld [tilespmem:s22+$0x14420]  }
0x224: {  	[tilespmem:s21+$0x420] =	vst.add.f32.msk $0xffff, v3  }
0x225: {  	[tilespmem:s22+$0x430] =	vst.add.f32.msk $0xffff, v4  }
0x226: {  	[tilespmem:s22+$0x400] =	vst.add.f32.msk $0xffff, v5  }
0x227: {  	[tilespmem:s22+$0x410] =	vst.add.f32.msk $0xffff, v6  }
0x228: {  	s0 =	simm.s32 $0x0;
	[tilespmem:s22+$0x420] =	vst.add.f32.msk $0xffff, v7  }
0x229: {  	s23 =	simm.s32 $0x0;
	s22 =	simm.s32 $0x0;
	s21 =	rddreg [dreg:$0x18]  }
0x22a: {  	[hbm4b:s21+s0] =	stream.linear.scatter [tilespmem:s30], [sflag:$0x6], $0x4000, $0x38;
	[tilespmem:$0x1C400] =	vst v63  }
0x22b: {  	s21 =	sand.u32 $0xFFFFE000, s22;
	s22 =	sand.u32 $0x2000, s23;
	_ =	swait.ge [sflag:s18], $0x4000  }
0x22c: {  	s23 =	simm.s32 $0x0;
	s21 =	ssub.s32 $0x0, s21;
	[sflag:s18] =	ssyncset.done $0x0  }
0x22d: {  	s29 =	rddreg [dreg:$0x1d];
	s21 =	sand.u32 $0xFFFFFC00, s21;
	[sflag:s18] =	ssyncadd.s32 $0xFFFFC000  }
0x22e: {  	[tilespmem:s5], [sflag:$0x4] =	stream.linear.gather [hbm4b:s29+s0], $0x4000, $0x38;
	[tilespmem:$0x1C400] =	vst v63  }
0x22f: {  	s24 =	sand.u32 $0x380, s23;
	s21 =	sadd.s32 s22, s21;
	_ =	swait.ge [sflag:s6], $0x4000  }
0x230: {  	s0 =	sand.u32 $0x40, s0;
	s21 =	sor.u32 s24, s21;
	[sflag:s6] =	ssyncset.done $0x0  }
0x231: {  	s21 =	sor.u32 s0, s21;
	[sflag:s6] =	ssyncadd.s32 $0xFFFFC000  }
0x232: {  	v4 =	vld [tilespmem:s21+$0x14430]  }
0x233: {  	s25 =	simm.s32 $0x200;
	v5 =	vld [tilespmem:s21+$0x14400]  }
0x234: {  	s0 =	sand.u32 $0xFFFFE000, s25;
	v6 =	vld [tilespmem:s21+$0x14410]  }
0x235: {  	s26 =	simm.s32 $0x40;
	s0 =	ssub.s32 $0x200, s0  }
0x236: {  	s28 =	simm.s32 $0x8;
	s22 =	sand.u32 $0x2000, s26;
	s0 =	sand.u32 $0xFFFFFC00, s0;
	v3 =	vld [tilespmem:s21+$0x14420]  }
0x237: {  	s23 =	simm.s32 $0x40;
	s29 =	sand.u32 $0x380, s28;
	s0 =	sadd.s32 s22, s0;
	[tilespmem:s21+$0x4430] =	vst.add.f32.msk $0xffff, v4  }
0x238: {  	s24 =	sand.u32 $0x40, s23;
	s0 =	sor.u32 s29, s0;
	[tilespmem:s21+$0x4400] =	vst.add.f32.msk $0xffff, v5  }
0x239: {  	s22 =	sor.u32 s24, s0;
	[tilespmem:s21+$0x4410] =	vst.add.f32.msk $0xffff, v6  }
0x23a: {  	s26 =	simm.s32 $0x8;
	s25 =	simm.s32 $0x200;
	s24 =	simm.s32 $0x4;
	v4 =	vld [tilespmem:s22+$0x14430]  }
.LBB2_24:
0x23b: {  	s0 =	sshll.u32 s26, $0x7;
	v5 =	vld [tilespmem:s22+$0x14400];
	s24 =	sadd.s32 $0x4, s24  }
0x23c: {  	s25 =	sadd.s32 $0x200, s25;
	s0 =	sand.u32 $0xFFFFE000, s0;
	v6 =	vld [tilespmem:s22+$0x14410];
	s28 =	sshll.u32 s24, $0x4  }
0x23d: {  	p0 =	slt.u32 s24, $0x3FC;
	s29 =	sshll.u32 s24, $0x1;
	s0 =	ssub.s32 s25, s0;
	v7 =	vld [tilespmem:s22+$0x14420]  }
.Ltmp11:
0x23e: {  	s28 =	sand.u32 $0x2000, s28;
	s0 =	sand.u32 $0xFFFFFC00, s0;
	[tilespmem:s21+$0x4420] =	vst.add.f32.msk $0xffff, v3;
	(pc) =	sbr.rel @p0 .LBB2_24-.Ltmp11, $4  }
0x23f: {  	s23 =	sadd.s32 $0x40, s23;
	s21 =	sand.u32 $0x380, s29;
	s0 =	sadd.s32 s28, s0;
	[tilespmem:s22+$0x4430] =	vst.add.f32.msk $0xffff, v4  }
0x240: {  	s28 =	sand.u32 $0x40, s23;
	s0 =	sor.u32 s21, s0;
	[tilespmem:s22+$0x4400] =	vst.add.f32.msk $0xffff, v5;
	s21 =	smov.u32 s22  }
0x241: {  	s22 =	sor.u32 s28, s0;
	[tilespmem:s21+$0x4410] =	vst.add.f32.msk $0xffff, v6  }
0x242: {  	s26 =	sadd.s32 $0x4, s26;
	v4 =	vld [tilespmem:s22+$0x14430];
	v3 =	vmov v7  }
0x243: {  	v5 =	vld [tilespmem:s22+$0x14400]  }
0x244: {  	v6 =	vld [tilespmem:s22+$0x14410]  }
0x245: {  	v7 =	vld [tilespmem:s22+$0x14420]  }
0x246: {  	[tilespmem:s21+$0x4420] =	vst.add.f32.msk $0xffff, v3  }
0x247: {  	[tilespmem:s22+$0x4430] =	vst.add.f32.msk $0xffff, v4  }
0x248: {  	[tilespmem:s22+$0x4400] =	vst.add.f32.msk $0xffff, v5  }
0x249: {  	[tilespmem:s22+$0x4410] =	vst.add.f32.msk $0xffff, v6  }
0x24a: {  	[tilespmem:s22+$0x4420] =	vst.add.f32.msk $0xffff, v7  }
0x24b: {  	s0 =	simm.s32 $0x0;
	s21 =	rddreg [dreg:$0x1a]  }
0x24c: {  	[hbm4b:s21+s0] =	stream.linear.scatter [tilespmem:s31], [sflag:$0x7], $0x4000, $0x38;
	[tilespmem:$0x1C400] =	vst v63  }
0x24d: {  	v3 =	vld [tilespmem:$0x200];
	_ =	sdelay $0x4  }
0x24e: {  	v4 =	vshll.u32 v3, $0x3  }
0x24f: {  	v3 =	vand.u32 $0x7, v3;
	v4 =	vand.u32 $0xFFFFFFC0, v4  }
0x250: {  	v3 =	vor.u32 v3, v4  }
0x251: {  	v4 =	vperm.xlane v3, v0;
	_ =	sdelay $0x1  }
0x252: {  	v4 =	vadd.s32 v1, v4;
	_ =	sdelay $0x3  }
0x253: {  	s28 =	simm.s32 $0x14400  }
0x254: {  	[tilespmem:s28], [sflag:$0xB] =	stream.indirect_vreg.gather [hbm4b:s3+s0], $0x80, v4, vm0, $0xb8;
	[tilespmem:$0x1C400] =	vst v63  }
0x255: {  	s29 =	simm.s32 $0x14C00;
	v3 =	vperm.xlane v3, v2  }
0x256: {  	[tilespmem:s29], [sflag:$0xB] =	stream.indirect_vreg.gather [hbm4b:s9+s0], $0x80, v4, vm0, $0xb8;
	[tilespmem:$0x1C400] =	vst v63  }
0x257: {  	s22 =	simm.s32 $0x15400;
	v3 =	vadd.s32 v1, v3  }
0x258: {  	[tilespmem:s22], [sflag:$0xB] =	stream.indirect_vreg.gather [hbm4b:s10+s0], $0x80, v4, vm0, $0xb8;
	[tilespmem:$0x1C400] =	vst v63  }
0x259: {  	s23 =	simm.s32 $0x15C00  }
0x25a: {  	[tilespmem:s23], [sflag:$0xB] =	stream.indirect_vreg.gather [hbm4b:s11+s0], $0x80, v4, vm0, $0xb8;
	[tilespmem:$0x1C400] =	vst v63  }
0x25b: {  	s24 =	simm.s32 $0x16400  }
0x25c: {  	[tilespmem:s24], [sflag:$0xB] =	stream.indirect_vreg.gather [hbm4b:s3+s0], $0x80, v3, vm0, $0xb8;
	[tilespmem:$0x1C400] =	vst v63  }
0x25d: {  	s25 =	simm.s32 $0x16C00  }
0x25e: {  	[tilespmem:s25], [sflag:$0xB] =	stream.indirect_vreg.gather [hbm4b:s9+s0], $0x80, v3, vm0, $0xb8;
	[tilespmem:$0x1C400] =	vst v63  }
0x25f: {  	s26 =	simm.s32 $0x17400  }
0x260: {  	[tilespmem:s26], [sflag:$0xB] =	stream.indirect_vreg.gather [hbm4b:s10+s0], $0x80, v3, vm0, $0xb8;
	[tilespmem:$0x1C400] =	vst v63  }
0x261: {  	s28 =	simm.s32 $0x17C00  }
0x262: {  	[tilespmem:s28], [sflag:$0xB] =	stream.indirect_vreg.gather [hbm4b:s11+s0], $0x80, v3, vm0, $0xb8;
	[tilespmem:$0x1C400] =	vst v63  }
0x263: {  	_ =	swait.ge [sflag:s19], $0x4000  }
0x264: {  	[sflag:s19] =	ssyncset.done $0x0  }
0x265: {  	s22 =	simm.s32 $0x0;
	s29 =	rddreg [dreg:$0x1f];
	[sflag:s19] =	ssyncadd.s32 $0xFFFFC000  }
0x266: {  	[tilespmem:s7], [sflag:$0x5] =	stream.linear.gather [hbm4b:s29+s0], $0x4000, $0x38;
	[tilespmem:$0x1C400] =	vst v63  }
0x267: {  	s21 =	sand.u32 $0xFFFFE000, s22;
	s23 =	simm.s32 $0x0;
	_ =	swait.ge [sflag:s15], $0x4000  }
0x268: {  	s21 =	ssub.s32 $0x0, s21;
	s22 =	sand.u32 $0x2000, s23;
	[sflag:s15] =	ssyncset.done $0x0  }
0x269: {  	s21 =	sand.u32 $0xFFFFFC00, s21;
	s23 =	simm.s32 $0x0;
	[sflag:s15] =	ssyncadd.s32 $0xFFFFC000  }
0x26a: {  	s21 =	sadd.s32 s22, s21;
	s24 =	sand.u32 $0x380, s23;
	_ =	swait.ge [sflag:s8], $0x4000  }
0x26b: {  	s21 =	sor.u32 s24, s21;
	s0 =	sand.u32 $0x40, s0;
	[sflag:s8] =	ssyncset.done $0x0  }
0x26c: {  	s21 =	sor.u32 s0, s21;
	[sflag:s8] =	ssyncadd.s32 $0xFFFFC000  }
0x26d: {  	v4 =	vld [tilespmem:s21+$0x18430]  }
0x26e: {  	s25 =	simm.s32 $0x200;
	v5 =	vld [tilespmem:s21+$0x18400]  }
0x26f: {  	s0 =	sand.u32 $0xFFFFE000, s25;
	v6 =	vld [tilespmem:s21+$0x18410]  }
0x270: {  	s26 =	simm.s32 $0x40;
	s0 =	ssub.s32 $0x200, s0  }
0x271: {  	s22 =	sand.u32 $0x2000, s26;
	s28 =	simm.s32 $0x8;
	s0 =	sand.u32 $0xFFFFFC00, s0;
	v3 =	vld [tilespmem:s21+$0x18420]  }
0x272: {  	s23 =	simm.s32 $0x40;
	s29 =	sand.u32 $0x380, s28;
	s0 =	sadd.s32 s22, s0;
	[tilespmem:s21+$0x8430] =	vst.add.f32.msk $0xffff, v4  }
0x273: {  	s24 =	sand.u32 $0x40, s23;
	s0 =	sor.u32 s29, s0;
	[tilespmem:s21+$0x8400] =	vst.add.f32.msk $0xffff, v5  }
0x274: {  	s22 =	sor.u32 s24, s0;
	[tilespmem:s21+$0x8410] =	vst.add.f32.msk $0xffff, v6  }
0x275: {  	s26 =	simm.s32 $0x8;
	s25 =	simm.s32 $0x200;
	s24 =	simm.s32 $0x4;
	v4 =	vld [tilespmem:s22+$0x18430]  }
.LBB2_26:
0x276: {  	s0 =	sshll.u32 s26, $0x7;
	v5 =	vld [tilespmem:s22+$0x18400];
	s24 =	sadd.s32 $0x4, s24  }
0x277: {  	s25 =	sadd.s32 $0x200, s25;
	s0 =	sand.u32 $0xFFFFE000, s0;
	v6 =	vld [tilespmem:s22+$0x18410];
	s28 =	sshll.u32 s24, $0x4  }
0x278: {  	p0 =	slt.u32 s24, $0x3FC;
	s29 =	sshll.u32 s24, $0x1;
	s0 =	ssub.s32 s25, s0;
	v7 =	vld [tilespmem:s22+$0x18420]  }
.Ltmp12:
0x279: {  	s28 =	sand.u32 $0x2000, s28;
	s0 =	sand.u32 $0xFFFFFC00, s0;
	[tilespmem:s21+$0x8420] =	vst.add.f32.msk $0xffff, v3;
	(pc) =	sbr.rel @p0 .LBB2_26-.Ltmp12, $4  }
0x27a: {  	s23 =	sadd.s32 $0x40, s23;
	s21 =	sand.u32 $0x380, s29;
	s0 =	sadd.s32 s28, s0;
	[tilespmem:s22+$0x8430] =	vst.add.f32.msk $0xffff, v4  }
0x27b: {  	s28 =	sand.u32 $0x40, s23;
	s0 =	sor.u32 s21, s0;
	[tilespmem:s22+$0x8400] =	vst.add.f32.msk $0xffff, v5;
	s21 =	smov.u32 s22  }
0x27c: {  	s22 =	sor.u32 s28, s0;
	[tilespmem:s21+$0x8410] =	vst.add.f32.msk $0xffff, v6  }
0x27d: {  	s26 =	sadd.s32 $0x4, s26;
	v4 =	vld [tilespmem:s22+$0x18430];
	v3 =	vmov v7  }
0x27e: {  	v5 =	vld [tilespmem:s22+$0x18400]  }
0x27f: {  	v6 =	vld [tilespmem:s22+$0x18410]  }
0x280: {  	v7 =	vld [tilespmem:s22+$0x18420]  }
0x281: {  	[tilespmem:s21+$0x8420] =	vst.add.f32.msk $0xffff, v3  }
0x282: {  	[tilespmem:s22+$0x8430] =	vst.add.f32.msk $0xffff, v4  }
0x283: {  	[tilespmem:s22+$0x8400] =	vst.add.f32.msk $0xffff, v5  }
0x284: {  	[tilespmem:s22+$0x8410] =	vst.add.f32.msk $0xffff, v6  }
0x285: {  	[tilespmem:s22+$0x8420] =	vst.add.f32.msk $0xffff, v7  }
0x286: {  	s0 =	simm.s32 $0x0;
	s28 =	simm.s32 $0x8400;
	s21 =	rddreg [dreg:$0x1c]  }
0x287: {  	[hbm4b:s21+s0] =	stream.linear.scatter [tilespmem:s28], [sflag:$0x8], $0x4000, $0x38;
	[tilespmem:$0x1C400] =	vst v63  }
0x288: {  	s22 =	simm.s32 $0x0;
	_ =	swait.ge [sflag:s12], $0x4000  }
0x289: {  	s23 =	simm.s32 $0x0;
	s21 =	sand.u32 $0xFFFFE000, s22;
	s29 =	sld [smem:$0x7D8]  }
0x28a: {  	s22 =	sand.u32 $0x2000, s23;
	s21 =	ssub.s32 $0x0, s21;
	[sflag:s12] =	ssyncset.done $0x0  }
0x28b: {  	s23 =	simm.s32 $0x0;
	s21 =	sand.u32 $0xFFFFFC00, s21;
	[sflag:s12] =	ssyncadd.s32 $0xFFFFC000  }
0x28c: {  	[tilespmem:s30], [sflag:$0x1] =	stream.linear.gather [hbm4b:s29+s0], $0x4000, $0x38;
	[tilespmem:$0x1C400] =	vst v63  }
0x28d: {  	s24 =	sand.u32 $0x380, s23;
	s21 =	sadd.s32 s22, s21;
	_ =	swait.ge [sflag:s13], $0x4000  }
0x28e: {  	s21 =	sor.u32 s24, s21;
	s0 =	sand.u32 $0x40, s0;
	[sflag:s13] =	ssyncset.done $0x0  }
0x28f: {  	s21 =	sor.u32 s0, s21;
	[sflag:s13] =	ssyncadd.s32 $0xFFFFC000  }
0x290: {  	v4 =	vld [tilespmem:s21+$0x18430]  }
0x291: {  	s25 =	simm.s32 $0x200;
	v5 =	vld [tilespmem:s21+$0x18400]  }
0x292: {  	s0 =	sand.u32 $0xFFFFE000, s25;
	v6 =	vld [tilespmem:s21+$0x18410]  }
0x293: {  	s26 =	simm.s32 $0x40;
	s0 =	ssub.s32 $0x200, s0  }
0x294: {  	s28 =	simm.s32 $0x8;
	s22 =	sand.u32 $0x2000, s26;
	s0 =	sand.u32 $0xFFFFFC00, s0;
	v3 =	vld [tilespmem:s21+$0x18420]  }
0x295: {  	s23 =	simm.s32 $0x40;
	s29 =	sand.u32 $0x380, s28;
	s0 =	sadd.s32 s22, s0;
	[tilespmem:s21+$0xC430] =	vst.add.f32.msk $0xffff, v4  }
0x296: {  	s24 =	sand.u32 $0x40, s23;
	s0 =	sor.u32 s29, s0;
	[tilespmem:s21+$0xC400] =	vst.add.f32.msk $0xffff, v5  }
0x297: {  	s22 =	sor.u32 s24, s0;
	[tilespmem:s21+$0xC410] =	vst.add.f32.msk $0xffff, v6  }
0x298: {  	s26 =	simm.s32 $0x8;
	s25 =	simm.s32 $0x200;
	s24 =	simm.s32 $0x4;
	v4 =	vld [tilespmem:s22+$0x18430]  }
.LBB2_28:
0x299: {  	s0 =	sshll.u32 s26, $0x7;
	v5 =	vld [tilespmem:s22+$0x18400];
	s24 =	sadd.s32 $0x4, s24  }
0x29a: {  	s25 =	sadd.s32 $0x200, s25;
	s0 =	sand.u32 $0xFFFFE000, s0;
	v6 =	vld [tilespmem:s22+$0x18410];
	s28 =	sshll.u32 s24, $0x4  }
0x29b: {  	p0 =	slt.u32 s24, $0x3FC;
	s29 =	sshll.u32 s24, $0x1;
	s0 =	ssub.s32 s25, s0;
	v7 =	vld [tilespmem:s22+$0x18420]  }
.Ltmp13:
0x29c: {  	s28 =	sand.u32 $0x2000, s28;
	s0 =	sand.u32 $0xFFFFFC00, s0;
	[tilespmem:s21+$0xC420] =	vst.add.f32.msk $0xffff, v3;
	(pc) =	sbr.rel @p0 .LBB2_28-.Ltmp13, $4  }
0x29d: {  	s23 =	sadd.s32 $0x40, s23;
	s21 =	sand.u32 $0x380, s29;
	s0 =	sadd.s32 s28, s0;
	[tilespmem:s22+$0xC430] =	vst.add.f32.msk $0xffff, v4  }
0x29e: {  	s28 =	sand.u32 $0x40, s23;
	s0 =	sor.u32 s21, s0;
	[tilespmem:s22+$0xC400] =	vst.add.f32.msk $0xffff, v5;
	s21 =	smov.u32 s22  }
0x29f: {  	s22 =	sor.u32 s28, s0;
	[tilespmem:s21+$0xC410] =	vst.add.f32.msk $0xffff, v6  }
0x2a0: {  	s26 =	sadd.s32 $0x4, s26;
	v4 =	vld [tilespmem:s22+$0x18430];
	v3 =	vmov v7  }
0x2a1: {  	v5 =	vld [tilespmem:s22+$0x18400]  }
0x2a2: {  	v6 =	vld [tilespmem:s22+$0x18410]  }
0x2a3: {  	v7 =	vld [tilespmem:s22+$0x18420]  }
0x2a4: {  	[tilespmem:s21+$0xC420] =	vst.add.f32.msk $0xffff, v3  }
0x2a5: {  	[tilespmem:s22+$0xC430] =	vst.add.f32.msk $0xffff, v4  }
0x2a6: {  	[tilespmem:s22+$0xC400] =	vst.add.f32.msk $0xffff, v5  }
0x2a7: {  	[tilespmem:s22+$0xC410] =	vst.add.f32.msk $0xffff, v6  }
0x2a8: {  	[tilespmem:s22+$0xC420] =	vst.add.f32.msk $0xffff, v7  }
0x2a9: {  	s0 =	simm.s32 $0x0;
	s21 =	rddreg [dreg:$0x1e]  }
0x2aa: {  	[hbm4b:s21+s0] =	stream.linear.scatter [tilespmem:s5], [sflag:$0x9], $0x4000, $0x38;
	[tilespmem:$0x1C400] =	vst v63  }
0x2ab: {  	s22 =	simm.s32 $0x0;
	_ =	swait.ge [sflag:s14], $0x4000  }
0x2ac: {  	s23 =	simm.s32 $0x0;
	s21 =	sand.u32 $0xFFFFE000, s22;
	s29 =	sld [smem:$0x7DA]  }
0x2ad: {  	s22 =	sand.u32 $0x2000, s23;
	s21 =	ssub.s32 $0x0, s21;
	[sflag:s14] =	ssyncset.done $0x0  }
0x2ae: {  	s23 =	simm.s32 $0x0;
	s21 =	sand.u32 $0xFFFFFC00, s21;
	[sflag:s14] =	ssyncadd.s32 $0xFFFFC000  }
0x2af: {  	[tilespmem:s31], [sflag:$0x2] =	stream.linear.gather [hbm4b:s29+s0], $0x4000, $0x38;
	[tilespmem:$0x1C400] =	vst v63  }
0x2b0: {  	s24 =	sand.u32 $0x380, s23;
	s21 =	sadd.s32 s22, s21;
	_ =	swait.ge [sflag:s16], $0x4000  }
0x2b1: {  	s21 =	sor.u32 s24, s21;
	s0 =	sand.u32 $0x40, s0;
	[sflag:s16] =	ssyncset.done $0x0  }
0x2b2: {  	s21 =	sor.u32 s0, s21;
	[sflag:s16] =	ssyncadd.s32 $0xFFFFC000  }
0x2b3: {  	v4 =	vld [tilespmem:s21+$0x18430]  }
0x2b4: {  	s25 =	simm.s32 $0x200;
	v5 =	vld [tilespmem:s21+$0x18400]  }
0x2b5: {  	s0 =	sand.u32 $0xFFFFE000, s25;
	v6 =	vld [tilespmem:s21+$0x18410]  }
0x2b6: {  	s26 =	simm.s32 $0x40;
	s0 =	ssub.s32 $0x200, s0  }
0x2b7: {  	s28 =	simm.s32 $0x8;
	s22 =	sand.u32 $0x2000, s26;
	s0 =	sand.u32 $0xFFFFFC00, s0;
	v3 =	vld [tilespmem:s21+$0x18420]  }
0x2b8: {  	s23 =	simm.s32 $0x40;
	s29 =	sand.u32 $0x380, s28;
	s0 =	sadd.s32 s22, s0;
	[tilespmem:s21+$0x10430] =	vst.add.f32.msk $0xffff, v4  }
0x2b9: {  	s24 =	sand.u32 $0x40, s23;
	s0 =	sor.u32 s29, s0;
	[tilespmem:s21+$0x10400] =	vst.add.f32.msk $0xffff, v5  }
0x2ba: {  	s22 =	sor.u32 s24, s0;
	[tilespmem:s21+$0x10410] =	vst.add.f32.msk $0xffff, v6  }
0x2bb: {  	s26 =	simm.s32 $0x8;
	s25 =	simm.s32 $0x200;
	s24 =	simm.s32 $0x4;
	v4 =	vld [tilespmem:s22+$0x18430]  }
.LBB2_30:
0x2bc: {  	s0 =	sshll.u32 s26, $0x7;
	v5 =	vld [tilespmem:s22+$0x18400];
	s24 =	sadd.s32 $0x4, s24  }
0x2bd: {  	s25 =	sadd.s32 $0x200, s25;
	s0 =	sand.u32 $0xFFFFE000, s0;
	v6 =	vld [tilespmem:s22+$0x18410];
	s28 =	sshll.u32 s24, $0x4  }
0x2be: {  	p0 =	slt.u32 s24, $0x3FC;
	s29 =	sshll.u32 s24, $0x1;
	s0 =	ssub.s32 s25, s0;
	v7 =	vld [tilespmem:s22+$0x18420]  }
.Ltmp14:
0x2bf: {  	s28 =	sand.u32 $0x2000, s28;
	s0 =	sand.u32 $0xFFFFFC00, s0;
	[tilespmem:s21+$0x10420] =	vst.add.f32.msk $0xffff, v3;
	(pc) =	sbr.rel @p0 .LBB2_30-.Ltmp14, $4  }
0x2c0: {  	s23 =	sadd.s32 $0x40, s23;
	s21 =	sand.u32 $0x380, s29;
	s0 =	sadd.s32 s28, s0;
	[tilespmem:s22+$0x10430] =	vst.add.f32.msk $0xffff, v4  }
0x2c1: {  	s28 =	sand.u32 $0x40, s23;
	s0 =	sor.u32 s21, s0;
	[tilespmem:s22+$0x10400] =	vst.add.f32.msk $0xffff, v5;
	s21 =	smov.u32 s22  }
0x2c2: {  	s22 =	sor.u32 s28, s0;
	[tilespmem:s21+$0x10410] =	vst.add.f32.msk $0xffff, v6  }
0x2c3: {  	s26 =	sadd.s32 $0x4, s26;
	v4 =	vld [tilespmem:s22+$0x18430];
	v3 =	vmov v7  }
0x2c4: {  	v5 =	vld [tilespmem:s22+$0x18400]  }
0x2c5: {  	v6 =	vld [tilespmem:s22+$0x18410]  }
0x2c6: {  	v7 =	vld [tilespmem:s22+$0x18420]  }
0x2c7: {  	[tilespmem:s21+$0x10420] =	vst.add.f32.msk $0xffff, v3  }
0x2c8: {  	[tilespmem:s22+$0x10430] =	vst.add.f32.msk $0xffff, v4  }
0x2c9: {  	[tilespmem:s22+$0x10400] =	vst.add.f32.msk $0xffff, v5  }
0x2ca: {  	[tilespmem:s22+$0x10410] =	vst.add.f32.msk $0xffff, v6  }
0x2cb: {  	[tilespmem:s22+$0x10420] =	vst.add.f32.msk $0xffff, v7  }
0x2cc: {  	s21 =	sld [smem:$0x7D7];
	_ =	sdelay $0x1  }
0x2cd: {  	s0 =	simm.s32 $0x0  }
0x2ce: {  	[hbm4b:s21+s0] =	stream.linear.scatter [tilespmem:s7], [sflag:$0xA], $0x4000, $0x38;
	[tilespmem:$0x1C400] =	vst v63  }
0x2cf: {  	s29 =	simm.s32 $0x8400;
	s22 =	simm.s32 $0x0;
	_ =	swait.ge [sflag:s17], $0x4000  }
0x2d0: {  	s23 =	simm.s32 $0x0;
	s21 =	sand.u32 $0xFFFFE000, s22;
	s28 =	sld [smem:$0x7DC]  }
0x2d1: {  	s22 =	sand.u32 $0x2000, s23;
	s21 =	ssub.s32 $0x0, s21;
	[sflag:s17] =	ssyncset.done $0x0  }
0x2d2: {  	s23 =	simm.s32 $0x0;
	s21 =	sand.u32 $0xFFFFFC00, s21;
	[sflag:s17] =	ssyncadd.s32 $0xFFFFC000  }
0x2d3: {  	[tilespmem:s29], [sflag:$0x3] =	stream.linear.gather [hbm4b:s28+s0], $0x4000, $0x38;
	[tilespmem:$0x1C400] =	vst v63  }
0x2d4: {  	s24 =	sand.u32 $0x380, s23;
	s21 =	sadd.s32 s22, s21;
	_ =	swait.ge [sflag:s4], $0x4000  }
0x2d5: {  	s21 =	sor.u32 s24, s21;
	s0 =	sand.u32 $0x40, s0;
	[sflag:s4] =	ssyncset.done $0x0  }
0x2d6: {  	s21 =	sor.u32 s0, s21;
	[sflag:s4] =	ssyncadd.s32 $0xFFFFC000  }
0x2d7: {  	v4 =	vld [tilespmem:s21+$0x18430]  }
0x2d8: {  	s25 =	simm.s32 $0x200;
	v5 =	vld [tilespmem:s21+$0x18400]  }
0x2d9: {  	s0 =	sand.u32 $0xFFFFE000, s25;
	v6 =	vld [tilespmem:s21+$0x18410]  }
0x2da: {  	s26 =	simm.s32 $0x40;
	s0 =	ssub.s32 $0x200, s0  }
0x2db: {  	s22 =	sand.u32 $0x2000, s26;
	s28 =	simm.s32 $0x8;
	s0 =	sand.u32 $0xFFFFFC00, s0;
	v3 =	vld [tilespmem:s21+$0x18420]  }
0x2dc: {  	s23 =	simm.s32 $0x40;
	s29 =	sand.u32 $0x380, s28;
	s0 =	sadd.s32 s22, s0;
	[tilespmem:s21+$0x430] =	vst.add.f32.msk $0xffff, v4  }
0x2dd: {  	s24 =	sand.u32 $0x40, s23;
	s0 =	sor.u32 s29, s0;
	[tilespmem:s21+$0x400] =	vst.add.f32.msk $0xffff, v5  }
0x2de: {  	s22 =	sor.u32 s24, s0;
	[tilespmem:s21+$0x410] =	vst.add.f32.msk $0xffff, v6  }
0x2df: {  	s26 =	simm.s32 $0x8;
	s25 =	simm.s32 $0x200;
	s24 =	simm.s32 $0x4;
	v4 =	vld [tilespmem:s22+$0x18430]  }
.LBB2_32:
0x2e0: {  	s0 =	sshll.u32 s26, $0x7;
	v5 =	vld [tilespmem:s22+$0x18400];
	s24 =	sadd.s32 $0x4, s24  }
0x2e1: {  	s25 =	sadd.s32 $0x200, s25;
	s0 =	sand.u32 $0xFFFFE000, s0;
	v6 =	vld [tilespmem:s22+$0x18410];
	s28 =	sshll.u32 s24, $0x4  }
0x2e2: {  	p0 =	slt.u32 s24, $0x3FC;
	s29 =	sshll.u32 s24, $0x1;
	s0 =	ssub.s32 s25, s0;
	v7 =	vld [tilespmem:s22+$0x18420]  }
.Ltmp15:
0x2e3: {  	s28 =	sand.u32 $0x2000, s28;
	s0 =	sand.u32 $0xFFFFFC00, s0;
	[tilespmem:s21+$0x420] =	vst.add.f32.msk $0xffff, v3;
	(pc) =	sbr.rel @p0 .LBB2_32-.Ltmp15, $4  }
0x2e4: {  	s23 =	sadd.s32 $0x40, s23;
	s21 =	sand.u32 $0x380, s29;
	s0 =	sadd.s32 s28, s0;
	[tilespmem:s22+$0x430] =	vst.add.f32.msk $0xffff, v4  }
0x2e5: {  	s28 =	sand.u32 $0x40, s23;
	s0 =	sor.u32 s21, s0;
	[tilespmem:s22+$0x400] =	vst.add.f32.msk $0xffff, v5;
	s21 =	smov.u32 s22  }
0x2e6: {  	s22 =	sor.u32 s28, s0;
	[tilespmem:s21+$0x410] =	vst.add.f32.msk $0xffff, v6  }
0x2e7: {  	s26 =	sadd.s32 $0x4, s26;
	v4 =	vld [tilespmem:s22+$0x18430];
	v3 =	vmov v7  }
0x2e8: {  	v5 =	vld [tilespmem:s22+$0x18400]  }
0x2e9: {  	v6 =	vld [tilespmem:s22+$0x18410]  }
0x2ea: {  	v7 =	vld [tilespmem:s22+$0x18420]  }
0x2eb: {  	[tilespmem:s21+$0x420] =	vst.add.f32.msk $0xffff, v3  }
0x2ec: {  	[tilespmem:s22+$0x430] =	vst.add.f32.msk $0xffff, v4  }
0x2ed: {  	[tilespmem:s22+$0x400] =	vst.add.f32.msk $0xffff, v5  }
0x2ee: {  	[tilespmem:s22+$0x410] =	vst.add.f32.msk $0xffff, v6  }
0x2ef: {  	[tilespmem:s22+$0x420] =	vst.add.f32.msk $0xffff, v7  }
0x2f0: {  	s21 =	sld [smem:$0x7D9];
	_ =	sdelay $0x1  }
0x2f1: {  	s0 =	simm.s32 $0x0  }
0x2f2: {  	[hbm4b:s21+s0] =	stream.linear.scatter [tilespmem:s30], [sflag:$0x6], $0x4000, $0x38;
	[tilespmem:$0x1C400] =	vst v63  }
0x2f3: {  	v3 =	vld [tilespmem:$0x280];
	_ =	sdelay $0x4  }
0x2f4: {  	v4 =	vshll.u32 v3, $0x3  }
0x2f5: {  	v3 =	vand.u32 $0x7, v3;
	v4 =	vand.u32 $0xFFFFFFC0, v4  }
0x2f6: {  	v3 =	vor.u32 v3, v4  }
0x2f7: {  	v4 =	vperm.xlane v3, v0;
	_ =	sdelay $0x1  }
0x2f8: {  	v4 =	vadd.s32 v1, v4;
	_ =	sdelay $0x3  }
0x2f9: {  	s28 =	simm.s32 $0x18400  }
0x2fa: {  	[tilespmem:s28], [sflag:$0xC] =	stream.indirect_vreg.gather [hbm4b:s3+s0], $0x80, v4, vm0, $0xb8;
	[tilespmem:$0x1C400] =	vst v63  }
0x2fb: {  	s29 =	simm.s32 $0x18C00;
	v3 =	vperm.xlane v3, v2  }
0x2fc: {  	[tilespmem:s29], [sflag:$0xC] =	stream.indirect_vreg.gather [hbm4b:s9+s0], $0x80, v4, vm0, $0xb8;
	[tilespmem:$0x1C400] =	vst v63  }
0x2fd: {  	s22 =	simm.s32 $0x19400;
	v3 =	vadd.s32 v1, v3  }
0x2fe: {  	[tilespmem:s22], [sflag:$0xC] =	stream.indirect_vreg.gather [hbm4b:s10+s0], $0x80, v4, vm0, $0xb8;
	[tilespmem:$0x1C400] =	vst v63  }
0x2ff: {  	s23 =	simm.s32 $0x19C00  }
0x300: {  	[tilespmem:s23], [sflag:$0xC] =	stream.indirect_vreg.gather [hbm4b:s11+s0], $0x80, v4, vm0, $0xb8;
	[tilespmem:$0x1C400] =	vst v63  }
0x301: {  	s24 =	simm.s32 $0x1A400  }
0x302: {  	[tilespmem:s24], [sflag:$0xC] =	stream.indirect_vreg.gather [hbm4b:s3+s0], $0x80, v3, vm0, $0xb8;
	[tilespmem:$0x1C400] =	vst v63  }
0x303: {  	s25 =	simm.s32 $0x1AC00  }
0x304: {  	[tilespmem:s25], [sflag:$0xC] =	stream.indirect_vreg.gather [hbm4b:s9+s0], $0x80, v3, vm0, $0xb8;
	[tilespmem:$0x1C400] =	vst v63  }
0x305: {  	s26 =	simm.s32 $0x1B400  }
0x306: {  	[tilespmem:s26], [sflag:$0xC] =	stream.indirect_vreg.gather [hbm4b:s10+s0], $0x80, v3, vm0, $0xb8;
	[tilespmem:$0x1C400] =	vst v63  }
0x307: {  	s28 =	simm.s32 $0x1BC00  }
0x308: {  	[tilespmem:s28], [sflag:$0xC] =	stream.indirect_vreg.gather [hbm4b:s11+s0], $0x80, v3, vm0, $0xb8;
	[tilespmem:$0x1C400] =	vst v63  }
0x309: {  	_ =	swait.ge [sflag:s18], $0x4000  }
0x30a: {  	s29 =	sld [smem:$0x7DE]  }
0x30b: {  	[sflag:s18] =	ssyncset.done $0x0  }
0x30c: {  	s22 =	simm.s32 $0x0;
	[sflag:s18] =	ssyncadd.s32 $0xFFFFC000  }
0x30d: {  	[tilespmem:s5], [sflag:$0x4] =	stream.linear.gather [hbm4b:s29+s0], $0x4000, $0x38;
	[tilespmem:$0x1C400] =	vst v63  }
0x30e: {  	s21 =	sand.u32 $0xFFFFE000, s22;
	s23 =	simm.s32 $0x0;
	_ =	swait.ge [sflag:s2], $0x4000  }
0x30f: {  	s21 =	ssub.s32 $0x0, s21;
	s22 =	sand.u32 $0x2000, s23;
	[sflag:s2] =	ssyncset.done $0x0  }
0x310: {  	s21 =	sand.u32 $0xFFFFFC00, s21;
	s23 =	simm.s32 $0x0;
	[sflag:s2] =	ssyncadd.s32 $0xFFFFC000  }
0x311: {  	s21 =	sadd.s32 s22, s21;
	s24 =	sand.u32 $0x380, s23;
	_ =	swait.ge [sflag:s6], $0x4000  }
0x312: {  	s21 =	sor.u32 s24, s21;
	s0 =	sand.u32 $0x40, s0;
	[sflag:s6] =	ssyncset.done $0x0  }
0x313: {  	s21 =	sor.u32 s0, s21;
	[sflag:s6] =	ssyncadd.s32 $0xFFFFC000  }
0x314: {  	v4 =	vld [tilespmem:s21+$0x14430]  }
0x315: {  	s25 =	simm.s32 $0x200;
	v5 =	vld [tilespmem:s21+$0x14400]  }
0x316: {  	s0 =	sand.u32 $0xFFFFE000, s25;
	v6 =	vld [tilespmem:s21+$0x14410]  }
0x317: {  	s26 =	simm.s32 $0x40;
	s0 =	ssub.s32 $0x200, s0  }
0x318: {  	s22 =	sand.u32 $0x2000, s26;
	s28 =	simm.s32 $0x8;
	s0 =	sand.u32 $0xFFFFFC00, s0;
	v3 =	vld [tilespmem:s21+$0x14420]  }
0x319: {  	s23 =	simm.s32 $0x40;
	s29 =	sand.u32 $0x380, s28;
	s0 =	sadd.s32 s22, s0;
	[tilespmem:s21+$0x4430] =	vst.add.f32.msk $0xffff, v4  }
0x31a: {  	s24 =	sand.u32 $0x40, s23;
	s0 =	sor.u32 s29, s0;
	[tilespmem:s21+$0x4400] =	vst.add.f32.msk $0xffff, v5  }
0x31b: {  	s22 =	sor.u32 s24, s0;
	[tilespmem:s21+$0x4410] =	vst.add.f32.msk $0xffff, v6  }
0x31c: {  	s26 =	simm.s32 $0x8;
	s25 =	simm.s32 $0x200;
	s24 =	simm.s32 $0x4;
	v4 =	vld [tilespmem:s22+$0x14430]  }
.LBB2_34:
0x31d: {  	s0 =	sshll.u32 s26, $0x7;
	v5 =	vld [tilespmem:s22+$0x14400];
	s24 =	sadd.s32 $0x4, s24  }
0x31e: {  	s25 =	sadd.s32 $0x200, s25;
	s0 =	sand.u32 $0xFFFFE000, s0;
	v6 =	vld [tilespmem:s22+$0x14410];
	s28 =	sshll.u32 s24, $0x4  }
0x31f: {  	p0 =	slt.u32 s24, $0x3FC;
	s29 =	sshll.u32 s24, $0x1;
	s0 =	ssub.s32 s25, s0;
	v7 =	vld [tilespmem:s22+$0x14420]  }
.Ltmp16:
0x320: {  	s28 =	sand.u32 $0x2000, s28;
	s0 =	sand.u32 $0xFFFFFC00, s0;
	[tilespmem:s21+$0x4420] =	vst.add.f32.msk $0xffff, v3;
	(pc) =	sbr.rel @p0 .LBB2_34-.Ltmp16, $4  }
0x321: {  	s23 =	sadd.s32 $0x40, s23;
	s21 =	sand.u32 $0x380, s29;
	s0 =	sadd.s32 s28, s0;
	[tilespmem:s22+$0x4430] =	vst.add.f32.msk $0xffff, v4  }
0x322: {  	s28 =	sand.u32 $0x40, s23;
	s0 =	sor.u32 s21, s0;
	[tilespmem:s22+$0x4400] =	vst.add.f32.msk $0xffff, v5;
	s21 =	smov.u32 s22  }
0x323: {  	s22 =	sor.u32 s28, s0;
	[tilespmem:s21+$0x4410] =	vst.add.f32.msk $0xffff, v6  }
0x324: {  	s26 =	sadd.s32 $0x4, s26;
	v4 =	vld [tilespmem:s22+$0x14430];
	v3 =	vmov v7  }
0x325: {  	v5 =	vld [tilespmem:s22+$0x14400]  }
0x326: {  	v6 =	vld [tilespmem:s22+$0x14410]  }
0x327: {  	v7 =	vld [tilespmem:s22+$0x14420]  }
0x328: {  	[tilespmem:s21+$0x4420] =	vst.add.f32.msk $0xffff, v3  }
0x329: {  	[tilespmem:s22+$0x4430] =	vst.add.f32.msk $0xffff, v4  }
0x32a: {  	[tilespmem:s22+$0x4400] =	vst.add.f32.msk $0xffff, v5  }
0x32b: {  	[tilespmem:s22+$0x4410] =	vst.add.f32.msk $0xffff, v6  }
0x32c: {  	[tilespmem:s22+$0x4420] =	vst.add.f32.msk $0xffff, v7  }
0x32d: {  	s21 =	sld [smem:$0x7DB];
	_ =	sdelay $0x1  }
0x32e: {  	s0 =	simm.s32 $0x0  }
0x32f: {  	[hbm4b:s21+s0] =	stream.linear.scatter [tilespmem:s31], [sflag:$0x7], $0x4000, $0x38;
	[tilespmem:$0x1C400] =	vst v63  }
0x330: {  	s22 =	simm.s32 $0x0;
	_ =	swait.ge [sflag:s19], $0x4000  }
0x331: {  	s23 =	simm.s32 $0x0;
	s21 =	sand.u32 $0xFFFFE000, s22;
	s29 =	sld [smem:$0x7E0]  }
0x332: {  	s22 =	sand.u32 $0x2000, s23;
	s21 =	ssub.s32 $0x0, s21;
	[sflag:s19] =	ssyncset.done $0x0  }
0x333: {  	s23 =	simm.s32 $0x0;
	s21 =	sand.u32 $0xFFFFFC00, s21;
	[sflag:s19] =	ssyncadd.s32 $0xFFFFC000  }
0x334: {  	[tilespmem:s7], [sflag:$0x5] =	stream.linear.gather [hbm4b:s29+s0], $0x4000, $0x38;
	[tilespmem:$0x1C400] =	vst v63  }
0x335: {  	s24 =	sand.u32 $0x380, s23;
	s21 =	sadd.s32 s22, s21;
	_ =	swait.ge [sflag:s8], $0x4000  }
0x336: {  	s21 =	sor.u32 s24, s21;
	s0 =	sand.u32 $0x40, s0;
	[sflag:s8] =	ssyncset.done $0x0  }
0x337: {  	s21 =	sor.u32 s0, s21;
	[sflag:s8] =	ssyncadd.s32 $0xFFFFC000  }
0x338: {  	v4 =	vld [tilespmem:s21+$0x14430]  }
0x339: {  	s25 =	simm.s32 $0x200;
	v5 =	vld [tilespmem:s21+$0x14400]  }
0x33a: {  	s0 =	sand.u32 $0xFFFFE000, s25;
	v6 =	vld [tilespmem:s21+$0x14410]  }
0x33b: {  	s26 =	simm.s32 $0x40;
	s0 =	ssub.s32 $0x200, s0  }
0x33c: {  	s28 =	simm.s32 $0x8;
	s22 =	sand.u32 $0x2000, s26;
	s0 =	sand.u32 $0xFFFFFC00, s0;
	v3 =	vld [tilespmem:s21+$0x14420]  }
0x33d: {  	s23 =	simm.s32 $0x40;
	s29 =	sand.u32 $0x380, s28;
	s0 =	sadd.s32 s22, s0;
	[tilespmem:s21+$0x8430] =	vst.add.f32.msk $0xffff, v4  }
0x33e: {  	s24 =	sand.u32 $0x40, s23;
	s0 =	sor.u32 s29, s0;
	[tilespmem:s21+$0x8400] =	vst.add.f32.msk $0xffff, v5  }
0x33f: {  	s22 =	sor.u32 s24, s0;
	[tilespmem:s21+$0x8410] =	vst.add.f32.msk $0xffff, v6  }
0x340: {  	s26 =	simm.s32 $0x8;
	s25 =	simm.s32 $0x200;
	s24 =	simm.s32 $0x4;
	v4 =	vld [tilespmem:s22+$0x14430]  }
.LBB2_36:
0x341: {  	s0 =	sshll.u32 s26, $0x7;
	v5 =	vld [tilespmem:s22+$0x14400];
	s24 =	sadd.s32 $0x4, s24  }
0x342: {  	s25 =	sadd.s32 $0x200, s25;
	s0 =	sand.u32 $0xFFFFE000, s0;
	v6 =	vld [tilespmem:s22+$0x14410];
	s28 =	sshll.u32 s24, $0x4  }
0x343: {  	p0 =	slt.u32 s24, $0x3FC;
	s29 =	sshll.u32 s24, $0x1;
	s0 =	ssub.s32 s25, s0;
	v7 =	vld [tilespmem:s22+$0x14420]  }
.Ltmp17:
0x344: {  	s28 =	sand.u32 $0x2000, s28;
	s0 =	sand.u32 $0xFFFFFC00, s0;
	[tilespmem:s21+$0x8420] =	vst.add.f32.msk $0xffff, v3;
	(pc) =	sbr.rel @p0 .LBB2_36-.Ltmp17, $4  }
0x345: {  	s23 =	sadd.s32 $0x40, s23;
	s21 =	sand.u32 $0x380, s29;
	s0 =	sadd.s32 s28, s0;
	[tilespmem:s22+$0x8430] =	vst.add.f32.msk $0xffff, v4  }
0x346: {  	s28 =	sand.u32 $0x40, s23;
	s0 =	sor.u32 s21, s0;
	[tilespmem:s22+$0x8400] =	vst.add.f32.msk $0xffff, v5;
	s21 =	smov.u32 s22  }
0x347: {  	s22 =	sor.u32 s28, s0;
	[tilespmem:s21+$0x8410] =	vst.add.f32.msk $0xffff, v6  }
0x348: {  	s26 =	sadd.s32 $0x4, s26;
	v4 =	vld [tilespmem:s22+$0x14430];
	v3 =	vmov v7  }
0x349: {  	v5 =	vld [tilespmem:s22+$0x14400]  }
0x34a: {  	v6 =	vld [tilespmem:s22+$0x14410]  }
0x34b: {  	v7 =	vld [tilespmem:s22+$0x14420]  }
0x34c: {  	[tilespmem:s21+$0x8420] =	vst.add.f32.msk $0xffff, v3  }
0x34d: {  	[tilespmem:s22+$0x8430] =	vst.add.f32.msk $0xffff, v4  }
0x34e: {  	[tilespmem:s22+$0x8400] =	vst.add.f32.msk $0xffff, v5  }
0x34f: {  	[tilespmem:s22+$0x8410] =	vst.add.f32.msk $0xffff, v6  }
0x350: {  	[tilespmem:s22+$0x8420] =	vst.add.f32.msk $0xffff, v7  }
0x351: {  	s21 =	sld [smem:$0x7DD];
	_ =	sdelay $0x1  }
0x352: {  	s0 =	simm.s32 $0x0;
	s28 =	simm.s32 $0x8400  }
0x353: {  	[hbm4b:s21+s0] =	stream.linear.scatter [tilespmem:s28], [sflag:$0x8], $0x4000, $0x38;
	[tilespmem:$0x1C400] =	vst v63  }
0x354: {  	s22 =	simm.s32 $0x0;
	_ =	swait.ge [sflag:s12], $0x4000  }
0x355: {  	s23 =	simm.s32 $0x0;
	s21 =	sand.u32 $0xFFFFE000, s22;
	s29 =	sld [smem:$0x7E2]  }
0x356: {  	s22 =	sand.u32 $0x2000, s23;
	s21 =	ssub.s32 $0x0, s21;
	[sflag:s12] =	ssyncset.done $0x0  }
0x357: {  	s23 =	simm.s32 $0x0;
	s21 =	sand.u32 $0xFFFFFC00, s21;
	[sflag:s12] =	ssyncadd.s32 $0xFFFFC000  }
0x358: {  	[tilespmem:s30], [sflag:$0x1] =	stream.linear.gather [hbm4b:s29+s0], $0x4000, $0x38;
	[tilespmem:$0x1C400] =	vst v63  }
0x359: {  	s24 =	sand.u32 $0x380, s23;
	s21 =	sadd.s32 s22, s21;
	_ =	swait.ge [sflag:s13], $0x4000  }
0x35a: {  	s21 =	sor.u32 s24, s21;
	s0 =	sand.u32 $0x40, s0;
	[sflag:s13] =	ssyncset.done $0x0  }
0x35b: {  	s21 =	sor.u32 s0, s21;
	[sflag:s13] =	ssyncadd.s32 $0xFFFFC000  }
0x35c: {  	v4 =	vld [tilespmem:s21+$0x14430]  }
0x35d: {  	s25 =	simm.s32 $0x200;
	v5 =	vld [tilespmem:s21+$0x14400]  }
0x35e: {  	s0 =	sand.u32 $0xFFFFE000, s25;
	v6 =	vld [tilespmem:s21+$0x14410]  }
0x35f: {  	s26 =	simm.s32 $0x40;
	s0 =	ssub.s32 $0x200, s0  }
0x360: {  	s28 =	simm.s32 $0x8;
	s22 =	sand.u32 $0x2000, s26;
	s0 =	sand.u32 $0xFFFFFC00, s0;
	v3 =	vld [tilespmem:s21+$0x14420]  }
0x361: {  	s23 =	simm.s32 $0x40;
	s29 =	sand.u32 $0x380, s28;
	s0 =	sadd.s32 s22, s0;
	[tilespmem:s21+$0xC430] =	vst.add.f32.msk $0xffff, v4  }
0x362: {  	s24 =	sand.u32 $0x40, s23;
	s0 =	sor.u32 s29, s0;
	[tilespmem:s21+$0xC400] =	vst.add.f32.msk $0xffff, v5  }
0x363: {  	s22 =	sor.u32 s24, s0;
	[tilespmem:s21+$0xC410] =	vst.add.f32.msk $0xffff, v6  }
0x364: {  	s26 =	simm.s32 $0x8;
	s25 =	simm.s32 $0x200;
	s24 =	simm.s32 $0x4;
	v4 =	vld [tilespmem:s22+$0x14430]  }
.LBB2_38:
0x365: {  	s0 =	sshll.u32 s26, $0x7;
	v5 =	vld [tilespmem:s22+$0x14400];
	s24 =	sadd.s32 $0x4, s24  }
0x366: {  	s25 =	sadd.s32 $0x200, s25;
	s0 =	sand.u32 $0xFFFFE000, s0;
	v6 =	vld [tilespmem:s22+$0x14410];
	s28 =	sshll.u32 s24, $0x4  }
0x367: {  	p0 =	slt.u32 s24, $0x3FC;
	s29 =	sshll.u32 s24, $0x1;
	s0 =	ssub.s32 s25, s0;
	v7 =	vld [tilespmem:s22+$0x14420]  }
.Ltmp18:
0x368: {  	s28 =	sand.u32 $0x2000, s28;
	s0 =	sand.u32 $0xFFFFFC00, s0;
	[tilespmem:s21+$0xC420] =	vst.add.f32.msk $0xffff, v3;
	(pc) =	sbr.rel @p0 .LBB2_38-.Ltmp18, $4  }
0x369: {  	s23 =	sadd.s32 $0x40, s23;
	s21 =	sand.u32 $0x380, s29;
	s0 =	sadd.s32 s28, s0;
	[tilespmem:s22+$0xC430] =	vst.add.f32.msk $0xffff, v4  }
0x36a: {  	s28 =	sand.u32 $0x40, s23;
	s0 =	sor.u32 s21, s0;
	[tilespmem:s22+$0xC400] =	vst.add.f32.msk $0xffff, v5;
	s21 =	smov.u32 s22  }
0x36b: {  	s22 =	sor.u32 s28, s0;
	[tilespmem:s21+$0xC410] =	vst.add.f32.msk $0xffff, v6  }
0x36c: {  	s26 =	sadd.s32 $0x4, s26;
	v4 =	vld [tilespmem:s22+$0x14430];
	v3 =	vmov v7  }
0x36d: {  	v5 =	vld [tilespmem:s22+$0x14400]  }
0x36e: {  	v6 =	vld [tilespmem:s22+$0x14410]  }
0x36f: {  	v7 =	vld [tilespmem:s22+$0x14420]  }
0x370: {  	[tilespmem:s21+$0xC420] =	vst.add.f32.msk $0xffff, v3  }
0x371: {  	[tilespmem:s22+$0xC430] =	vst.add.f32.msk $0xffff, v4  }
0x372: {  	[tilespmem:s22+$0xC400] =	vst.add.f32.msk $0xffff, v5  }
0x373: {  	[tilespmem:s22+$0xC410] =	vst.add.f32.msk $0xffff, v6  }
0x374: {  	[tilespmem:s22+$0xC420] =	vst.add.f32.msk $0xffff, v7  }
0x375: {  	s21 =	sld [smem:$0x7DF];
	_ =	sdelay $0x1  }
0x376: {  	s0 =	simm.s32 $0x0  }
0x377: {  	[hbm4b:s21+s0] =	stream.linear.scatter [tilespmem:s5], [sflag:$0x9], $0x4000, $0x38;
	[tilespmem:$0x1C400] =	vst v63  }
0x378: {  	s22 =	simm.s32 $0x0;
	_ =	swait.ge [sflag:s14], $0x4000  }
0x379: {  	s23 =	simm.s32 $0x0;
	s21 =	sand.u32 $0xFFFFE000, s22;
	s29 =	sld [smem:$0x7E4]  }
0x37a: {  	s22 =	sand.u32 $0x2000, s23;
	s21 =	ssub.s32 $0x0, s21;
	[sflag:s14] =	ssyncset.done $0x0  }
0x37b: {  	s23 =	simm.s32 $0x0;
	s21 =	sand.u32 $0xFFFFFC00, s21;
	[sflag:s14] =	ssyncadd.s32 $0xFFFFC000  }
0x37c: {  	[tilespmem:s31], [sflag:$0x2] =	stream.linear.gather [hbm4b:s29+s0], $0x4000, $0x38;
	[tilespmem:$0x1C400] =	vst v63  }
0x37d: {  	s24 =	sand.u32 $0x380, s23;
	s21 =	sadd.s32 s22, s21;
	_ =	swait.ge [sflag:s16], $0x4000  }
0x37e: {  	s21 =	sor.u32 s24, s21;
	s0 =	sand.u32 $0x40, s0;
	[sflag:s16] =	ssyncset.done $0x0  }
0x37f: {  	s21 =	sor.u32 s0, s21;
	[sflag:s16] =	ssyncadd.s32 $0xFFFFC000  }
0x380: {  	v4 =	vld [tilespmem:s21+$0x14430]  }
0x381: {  	s25 =	simm.s32 $0x200;
	v5 =	vld [tilespmem:s21+$0x14400]  }
0x382: {  	s0 =	sand.u32 $0xFFFFE000, s25;
	v6 =	vld [tilespmem:s21+$0x14410]  }
0x383: {  	s26 =	simm.s32 $0x40;
	s0 =	ssub.s32 $0x200, s0  }
0x384: {  	s28 =	simm.s32 $0x8;
	s22 =	sand.u32 $0x2000, s26;
	s0 =	sand.u32 $0xFFFFFC00, s0;
	v3 =	vld [tilespmem:s21+$0x14420]  }
0x385: {  	s23 =	simm.s32 $0x40;
	s29 =	sand.u32 $0x380, s28;
	s0 =	sadd.s32 s22, s0;
	[tilespmem:s21+$0x10430] =	vst.add.f32.msk $0xffff, v4  }
0x386: {  	s24 =	sand.u32 $0x40, s23;
	s0 =	sor.u32 s29, s0;
	[tilespmem:s21+$0x10400] =	vst.add.f32.msk $0xffff, v5  }
0x387: {  	s22 =	sor.u32 s24, s0;
	[tilespmem:s21+$0x10410] =	vst.add.f32.msk $0xffff, v6  }
0x388: {  	s26 =	simm.s32 $0x8;
	s25 =	simm.s32 $0x200;
	s24 =	simm.s32 $0x4;
	v4 =	vld [tilespmem:s22+$0x14430]  }
.LBB2_40:
0x389: {  	s0 =	sshll.u32 s26, $0x7;
	v5 =	vld [tilespmem:s22+$0x14400];
	s24 =	sadd.s32 $0x4, s24  }
0x38a: {  	s25 =	sadd.s32 $0x200, s25;
	s0 =	sand.u32 $0xFFFFE000, s0;
	v6 =	vld [tilespmem:s22+$0x14410];
	s28 =	sshll.u32 s24, $0x4  }
0x38b: {  	p0 =	slt.u32 s24, $0x3FC;
	s29 =	sshll.u32 s24, $0x1;
	s0 =	ssub.s32 s25, s0;
	v7 =	vld [tilespmem:s22+$0x14420]  }
.Ltmp19:
0x38c: {  	s28 =	sand.u32 $0x2000, s28;
	s0 =	sand.u32 $0xFFFFFC00, s0;
	[tilespmem:s21+$0x10420] =	vst.add.f32.msk $0xffff, v3;
	(pc) =	sbr.rel @p0 .LBB2_40-.Ltmp19, $4  }
0x38d: {  	s23 =	sadd.s32 $0x40, s23;
	s21 =	sand.u32 $0x380, s29;
	s0 =	sadd.s32 s28, s0;
	[tilespmem:s22+$0x10430] =	vst.add.f32.msk $0xffff, v4  }
0x38e: {  	s28 =	sand.u32 $0x40, s23;
	s0 =	sor.u32 s21, s0;
	[tilespmem:s22+$0x10400] =	vst.add.f32.msk $0xffff, v5;
	s21 =	smov.u32 s22  }
0x38f: {  	s22 =	sor.u32 s28, s0;
	[tilespmem:s21+$0x10410] =	vst.add.f32.msk $0xffff, v6  }
0x390: {  	s26 =	sadd.s32 $0x4, s26;
	v4 =	vld [tilespmem:s22+$0x14430];
	v3 =	vmov v7  }
0x391: {  	v5 =	vld [tilespmem:s22+$0x14400]  }
0x392: {  	v6 =	vld [tilespmem:s22+$0x14410]  }
0x393: {  	v7 =	vld [tilespmem:s22+$0x14420]  }
0x394: {  	[tilespmem:s21+$0x10420] =	vst.add.f32.msk $0xffff, v3  }
0x395: {  	[tilespmem:s22+$0x10430] =	vst.add.f32.msk $0xffff, v4  }
0x396: {  	[tilespmem:s22+$0x10400] =	vst.add.f32.msk $0xffff, v5  }
0x397: {  	[tilespmem:s22+$0x10410] =	vst.add.f32.msk $0xffff, v6  }
0x398: {  	[tilespmem:s22+$0x10420] =	vst.add.f32.msk $0xffff, v7  }
0x399: {  	s21 =	sld [smem:$0x7E1];
	_ =	sdelay $0x1  }
0x39a: {  	s0 =	simm.s32 $0x0  }
0x39b: {  	[hbm4b:s21+s0] =	stream.linear.scatter [tilespmem:s7], [sflag:$0xA], $0x4000, $0x38;
	[tilespmem:$0x1C400] =	vst v63  }
0x39c: {  	v3 =	vld [tilespmem:$0x300];
	_ =	sdelay $0x4  }
0x39d: {  	v4 =	vshll.u32 v3, $0x3  }
0x39e: {  	v3 =	vand.u32 $0x7, v3;
	v4 =	vand.u32 $0xFFFFFFC0, v4  }
0x39f: {  	v3 =	vor.u32 v3, v4  }
0x3a0: {  	v4 =	vperm.xlane v3, v0;
	_ =	sdelay $0x1  }
0x3a1: {  	v4 =	vadd.s32 v1, v4;
	_ =	sdelay $0x3  }
0x3a2: {  	s26 =	simm.s32 $0x14400  }
0x3a3: {  	[tilespmem:s26], [sflag:$0xB] =	stream.indirect_vreg.gather [hbm4b:s3+s0], $0x80, v4, vm0, $0xb8;
	[tilespmem:$0x1C400] =	vst v63  }
0x3a4: {  	s28 =	simm.s32 $0x14C00;
	v3 =	vperm.xlane v3, v2  }
0x3a5: {  	[tilespmem:s28], [sflag:$0xB] =	stream.indirect_vreg.gather [hbm4b:s9+s0], $0x80, v4, vm0, $0xb8;
	[tilespmem:$0x1C400] =	vst v63  }
0x3a6: {  	s29 =	simm.s32 $0x15400;
	v3 =	vadd.s32 v1, v3  }
0x3a7: {  	[tilespmem:s29], [sflag:$0xB] =	stream.indirect_vreg.gather [hbm4b:s10+s0], $0x80, v4, vm0, $0xb8;
	[tilespmem:$0x1C400] =	vst v63  }
0x3a8: {  	s22 =	simm.s32 $0x15C00  }
0x3a9: {  	[tilespmem:s22], [sflag:$0xB] =	stream.indirect_vreg.gather [hbm4b:s11+s0], $0x80, v4, vm0, $0xb8;
	[tilespmem:$0x1C400] =	vst v63  }
0x3aa: {  	s23 =	simm.s32 $0x16400  }
0x3ab: {  	[tilespmem:s23], [sflag:$0xB] =	stream.indirect_vreg.gather [hbm4b:s3+s0], $0x80, v3, vm0, $0xb8;
	[tilespmem:$0x1C400] =	vst v63  }
0x3ac: {  	s24 =	simm.s32 $0x16C00  }
0x3ad: {  	[tilespmem:s24], [sflag:$0xB] =	stream.indirect_vreg.gather [hbm4b:s9+s0], $0x80, v3, vm0, $0xb8;
	[tilespmem:$0x1C400] =	vst v63  }
0x3ae: {  	s25 =	simm.s32 $0x17400  }
0x3af: {  	[tilespmem:s25], [sflag:$0xB] =	stream.indirect_vreg.gather [hbm4b:s10+s0], $0x80, v3, vm0, $0xb8;
	[tilespmem:$0x1C400] =	vst v63  }
0x3b0: {  	s26 =	simm.s32 $0x17C00  }
0x3b1: {  	[tilespmem:s26], [sflag:$0xB] =	stream.indirect_vreg.gather [hbm4b:s11+s0], $0x80, v3, vm0, $0xb8;
	[tilespmem:$0x1C400] =	vst v63  }
0x3b2: {  	_ =	swait.ge [sflag:s17], $0x4000  }
0x3b3: {  	s28 =	sld [smem:$0x7E6]  }
0x3b4: {  	[sflag:s17] =	ssyncset.done $0x0  }
0x3b5: {  	s29 =	simm.s32 $0x8400;
	s22 =	simm.s32 $0x0;
	[sflag:s17] =	ssyncadd.s32 $0xFFFFC000  }
0x3b6: {  	[tilespmem:s29], [sflag:$0x3] =	stream.linear.gather [hbm4b:s28+s0], $0x4000, $0x38;
	[tilespmem:$0x1C400] =	vst v63  }
0x3b7: {  	s21 =	sand.u32 $0xFFFFE000, s22;
	s23 =	simm.s32 $0x0;
	_ =	swait.ge [sflag:s15], $0x4000  }
0x3b8: {  	s21 =	ssub.s32 $0x0, s21;
	s22 =	sand.u32 $0x2000, s23;
	[sflag:s15] =	ssyncset.done $0x0  }
0x3b9: {  	s21 =	sand.u32 $0xFFFFFC00, s21;
	s23 =	simm.s32 $0x0;
	[sflag:s15] =	ssyncadd.s32 $0xFFFFC000  }
0x3ba: {  	s21 =	sadd.s32 s22, s21;
	s24 =	sand.u32 $0x380, s23;
	_ =	swait.ge [sflag:s4], $0x4000  }
0x3bb: {  	s21 =	sor.u32 s24, s21;
	s0 =	sand.u32 $0x40, s0;
	[sflag:s4] =	ssyncset.done $0x0  }
0x3bc: {  	s21 =	sor.u32 s0, s21;
	[sflag:s4] =	ssyncadd.s32 $0xFFFFC000  }
0x3bd: {  	v4 =	vld [tilespmem:s21+$0x18430]  }
0x3be: {  	s25 =	simm.s32 $0x200;
	v5 =	vld [tilespmem:s21+$0x18400]  }
0x3bf: {  	s0 =	sand.u32 $0xFFFFE000, s25;
	v6 =	vld [tilespmem:s21+$0x18410]  }
0x3c0: {  	s26 =	simm.s32 $0x40;
	s0 =	ssub.s32 $0x200, s0  }
0x3c1: {  	s22 =	sand.u32 $0x2000, s26;
	s28 =	simm.s32 $0x8;
	s0 =	sand.u32 $0xFFFFFC00, s0;
	v3 =	vld [tilespmem:s21+$0x18420]  }
0x3c2: {  	s23 =	simm.s32 $0x40;
	s29 =	sand.u32 $0x380, s28;
	s0 =	sadd.s32 s22, s0;
	[tilespmem:s21+$0x430] =	vst.add.f32.msk $0xffff, v4  }
0x3c3: {  	s24 =	sand.u32 $0x40, s23;
	s0 =	sor.u32 s29, s0;
	[tilespmem:s21+$0x400] =	vst.add.f32.msk $0xffff, v5  }
0x3c4: {  	s22 =	sor.u32 s24, s0;
	[tilespmem:s21+$0x410] =	vst.add.f32.msk $0xffff, v6  }
0x3c5: {  	s26 =	simm.s32 $0x8;
	s25 =	simm.s32 $0x200;
	s24 =	simm.s32 $0x4;
	v4 =	vld [tilespmem:s22+$0x18430]  }
.LBB2_42:
0x3c6: {  	s0 =	sshll.u32 s26, $0x7;
	v5 =	vld [tilespmem:s22+$0x18400];
	s24 =	sadd.s32 $0x4, s24  }
0x3c7: {  	s25 =	sadd.s32 $0x200, s25;
	s0 =	sand.u32 $0xFFFFE000, s0;
	v6 =	vld [tilespmem:s22+$0x18410];
	s28 =	sshll.u32 s24, $0x4  }
0x3c8: {  	p0 =	slt.u32 s24, $0x3FC;
	s29 =	sshll.u32 s24, $0x1;
	s0 =	ssub.s32 s25, s0;
	v7 =	vld [tilespmem:s22+$0x18420]  }
.Ltmp20:
0x3c9: {  	s28 =	sand.u32 $0x2000, s28;
	s0 =	sand.u32 $0xFFFFFC00, s0;
	[tilespmem:s21+$0x420] =	vst.add.f32.msk $0xffff, v3;
	(pc) =	sbr.rel @p0 .LBB2_42-.Ltmp20, $4  }
0x3ca: {  	s23 =	sadd.s32 $0x40, s23;
	s21 =	sand.u32 $0x380, s29;
	s0 =	sadd.s32 s28, s0;
	[tilespmem:s22+$0x430] =	vst.add.f32.msk $0xffff, v4  }
0x3cb: {  	s28 =	sand.u32 $0x40, s23;
	s0 =	sor.u32 s21, s0;
	[tilespmem:s22+$0x400] =	vst.add.f32.msk $0xffff, v5;
	s21 =	smov.u32 s22  }
0x3cc: {  	s22 =	sor.u32 s28, s0;
	[tilespmem:s21+$0x410] =	vst.add.f32.msk $0xffff, v6  }
0x3cd: {  	s26 =	sadd.s32 $0x4, s26;
	v4 =	vld [tilespmem:s22+$0x18430];
	v3 =	vmov v7  }
0x3ce: {  	v5 =	vld [tilespmem:s22+$0x18400]  }
0x3cf: {  	v6 =	vld [tilespmem:s22+$0x18410]  }
0x3d0: {  	v7 =	vld [tilespmem:s22+$0x18420]  }
0x3d1: {  	[tilespmem:s21+$0x420] =	vst.add.f32.msk $0xffff, v3  }
0x3d2: {  	[tilespmem:s22+$0x430] =	vst.add.f32.msk $0xffff, v4  }
0x3d3: {  	[tilespmem:s22+$0x400] =	vst.add.f32.msk $0xffff, v5  }
0x3d4: {  	[tilespmem:s22+$0x410] =	vst.add.f32.msk $0xffff, v6  }
0x3d5: {  	[tilespmem:s22+$0x420] =	vst.add.f32.msk $0xffff, v7  }
0x3d6: {  	s21 =	sld [smem:$0x7E3];
	_ =	sdelay $0x1  }
0x3d7: {  	s0 =	simm.s32 $0x0  }
0x3d8: {  	[hbm4b:s21+s0] =	stream.linear.scatter [tilespmem:s30], [sflag:$0x6], $0x4000, $0x38;
	[tilespmem:$0x1C400] =	vst v63  }
0x3d9: {  	s22 =	simm.s32 $0x0;
	_ =	swait.ge [sflag:s18], $0x4000  }
0x3da: {  	s23 =	simm.s32 $0x0;
	s21 =	sand.u32 $0xFFFFE000, s22;
	s29 =	sld [smem:$0x7E8]  }
0x3db: {  	s22 =	sand.u32 $0x2000, s23;
	s21 =	ssub.s32 $0x0, s21;
	[sflag:s18] =	ssyncset.done $0x0  }
0x3dc: {  	s23 =	simm.s32 $0x0;
	s21 =	sand.u32 $0xFFFFFC00, s21;
	[sflag:s18] =	ssyncadd.s32 $0xFFFFC000  }
0x3dd: {  	[tilespmem:s5], [sflag:$0x4] =	stream.linear.gather [hbm4b:s29+s0], $0x4000, $0x38;
	[tilespmem:$0x1C400] =	vst v63  }
0x3de: {  	s24 =	sand.u32 $0x380, s23;
	s21 =	sadd.s32 s22, s21;
	_ =	swait.ge [sflag:s6], $0x4000  }
0x3df: {  	s21 =	sor.u32 s24, s21;
	s0 =	sand.u32 $0x40, s0;
	[sflag:s6] =	ssyncset.done $0x0  }
0x3e0: {  	s21 =	sor.u32 s0, s21;
	[sflag:s6] =	ssyncadd.s32 $0xFFFFC000  }
0x3e1: {  	v4 =	vld [tilespmem:s21+$0x18430]  }
0x3e2: {  	s25 =	simm.s32 $0x200;
	v5 =	vld [tilespmem:s21+$0x18400]  }
0x3e3: {  	s0 =	sand.u32 $0xFFFFE000, s25;
	v6 =	vld [tilespmem:s21+$0x18410]  }
0x3e4: {  	s26 =	simm.s32 $0x40;
	s0 =	ssub.s32 $0x200, s0  }
0x3e5: {  	s28 =	simm.s32 $0x8;
	s22 =	sand.u32 $0x2000, s26;
	s0 =	sand.u32 $0xFFFFFC00, s0;
	v3 =	vld [tilespmem:s21+$0x18420]  }
0x3e6: {  	s23 =	simm.s32 $0x40;
	s29 =	sand.u32 $0x380, s28;
	s0 =	sadd.s32 s22, s0;
	[tilespmem:s21+$0x4430] =	vst.add.f32.msk $0xffff, v4  }
0x3e7: {  	s24 =	sand.u32 $0x40, s23;
	s0 =	sor.u32 s29, s0;
	[tilespmem:s21+$0x4400] =	vst.add.f32.msk $0xffff, v5  }
0x3e8: {  	s22 =	sor.u32 s24, s0;
	[tilespmem:s21+$0x4410] =	vst.add.f32.msk $0xffff, v6  }
0x3e9: {  	s26 =	simm.s32 $0x8;
	s25 =	simm.s32 $0x200;
	s24 =	simm.s32 $0x4;
	v4 =	vld [tilespmem:s22+$0x18430]  }
.LBB2_44:
0x3ea: {  	s0 =	sshll.u32 s26, $0x7;
	v5 =	vld [tilespmem:s22+$0x18400];
	s24 =	sadd.s32 $0x4, s24  }
0x3eb: {  	s25 =	sadd.s32 $0x200, s25;
	s0 =	sand.u32 $0xFFFFE000, s0;
	v6 =	vld [tilespmem:s22+$0x18410];
	s28 =	sshll.u32 s24, $0x4  }
0x3ec: {  	p0 =	slt.u32 s24, $0x3FC;
	s29 =	sshll.u32 s24, $0x1;
	s0 =	ssub.s32 s25, s0;
	v7 =	vld [tilespmem:s22+$0x18420]  }
.Ltmp21:
0x3ed: {  	s28 =	sand.u32 $0x2000, s28;
	s0 =	sand.u32 $0xFFFFFC00, s0;
	[tilespmem:s21+$0x4420] =	vst.add.f32.msk $0xffff, v3;
	(pc) =	sbr.rel @p0 .LBB2_44-.Ltmp21, $4  }
0x3ee: {  	s23 =	sadd.s32 $0x40, s23;
	s21 =	sand.u32 $0x380, s29;
	s0 =	sadd.s32 s28, s0;
	[tilespmem:s22+$0x4430] =	vst.add.f32.msk $0xffff, v4  }
0x3ef: {  	s28 =	sand.u32 $0x40, s23;
	s0 =	sor.u32 s21, s0;
	[tilespmem:s22+$0x4400] =	vst.add.f32.msk $0xffff, v5;
	s21 =	smov.u32 s22  }
0x3f0: {  	s22 =	sor.u32 s28, s0;
	[tilespmem:s21+$0x4410] =	vst.add.f32.msk $0xffff, v6  }
0x3f1: {  	s26 =	sadd.s32 $0x4, s26;
	v4 =	vld [tilespmem:s22+$0x18430];
	v3 =	vmov v7  }
0x3f2: {  	v5 =	vld [tilespmem:s22+$0x18400]  }
0x3f3: {  	v6 =	vld [tilespmem:s22+$0x18410]  }
0x3f4: {  	v7 =	vld [tilespmem:s22+$0x18420]  }
0x3f5: {  	[tilespmem:s21+$0x4420] =	vst.add.f32.msk $0xffff, v3  }
0x3f6: {  	[tilespmem:s22+$0x4430] =	vst.add.f32.msk $0xffff, v4  }
0x3f7: {  	[tilespmem:s22+$0x4400] =	vst.add.f32.msk $0xffff, v5  }
0x3f8: {  	[tilespmem:s22+$0x4410] =	vst.add.f32.msk $0xffff, v6  }
0x3f9: {  	[tilespmem:s22+$0x4420] =	vst.add.f32.msk $0xffff, v7  }
0x3fa: {  	s21 =	sld [smem:$0x7E5];
	_ =	sdelay $0x1  }
0x3fb: {  	s0 =	simm.s32 $0x0  }
0x3fc: {  	[hbm4b:s21+s0] =	stream.linear.scatter [tilespmem:s31], [sflag:$0x7], $0x4000, $0x38;
	[tilespmem:$0x1C400] =	vst v63  }
0x3fd: {  	s22 =	simm.s32 $0x0;
	_ =	swait.ge [sflag:s19], $0x4000  }
0x3fe: {  	s23 =	simm.s32 $0x0;
	s21 =	sand.u32 $0xFFFFE000, s22;
	s29 =	sld [smem:$0x7EA]  }
0x3ff: {  	s22 =	sand.u32 $0x2000, s23;
	s21 =	ssub.s32 $0x0, s21;
	[sflag:s19] =	ssyncset.done $0x0  }
0x400: {  	s23 =	simm.s32 $0x0;
	s21 =	sand.u32 $0xFFFFFC00, s21;
	[sflag:s19] =	ssyncadd.s32 $0xFFFFC000  }
0x401: {  	[tilespmem:s7], [sflag:$0x5] =	stream.linear.gather [hbm4b:s29+s0], $0x4000, $0x38;
	[tilespmem:$0x1C400] =	vst v63  }
0x402: {  	s24 =	sand.u32 $0x380, s23;
	s21 =	sadd.s32 s22, s21;
	_ =	swait.ge [sflag:s8], $0x4000  }
0x403: {  	s21 =	sor.u32 s24, s21;
	s0 =	sand.u32 $0x40, s0;
	[sflag:s8] =	ssyncset.done $0x0  }
0x404: {  	s21 =	sor.u32 s0, s21;
	[sflag:s8] =	ssyncadd.s32 $0xFFFFC000  }
0x405: {  	v4 =	vld [tilespmem:s21+$0x18430]  }
0x406: {  	s25 =	simm.s32 $0x200;
	v5 =	vld [tilespmem:s21+$0x18400]  }
0x407: {  	s0 =	sand.u32 $0xFFFFE000, s25;
	v6 =	vld [tilespmem:s21+$0x18410]  }
0x408: {  	s26 =	simm.s32 $0x40;
	s0 =	ssub.s32 $0x200, s0  }
0x409: {  	s28 =	simm.s32 $0x8;
	s22 =	sand.u32 $0x2000, s26;
	s0 =	sand.u32 $0xFFFFFC00, s0;
	v3 =	vld [tilespmem:s21+$0x18420]  }
0x40a: {  	s23 =	simm.s32 $0x40;
	s29 =	sand.u32 $0x380, s28;
	s0 =	sadd.s32 s22, s0;
	[tilespmem:s21+$0x8430] =	vst.add.f32.msk $0xffff, v4  }
0x40b: {  	s24 =	sand.u32 $0x40, s23;
	s0 =	sor.u32 s29, s0;
	[tilespmem:s21+$0x8400] =	vst.add.f32.msk $0xffff, v5  }
0x40c: {  	s22 =	sor.u32 s24, s0;
	[tilespmem:s21+$0x8410] =	vst.add.f32.msk $0xffff, v6  }
0x40d: {  	s26 =	simm.s32 $0x8;
	s25 =	simm.s32 $0x200;
	s24 =	simm.s32 $0x4;
	v4 =	vld [tilespmem:s22+$0x18430]  }
.LBB2_46:
0x40e: {  	s0 =	sshll.u32 s26, $0x7;
	v5 =	vld [tilespmem:s22+$0x18400];
	s24 =	sadd.s32 $0x4, s24  }
0x40f: {  	s25 =	sadd.s32 $0x200, s25;
	s0 =	sand.u32 $0xFFFFE000, s0;
	v6 =	vld [tilespmem:s22+$0x18410];
	s28 =	sshll.u32 s24, $0x4  }
0x410: {  	p0 =	slt.u32 s24, $0x3FC;
	s29 =	sshll.u32 s24, $0x1;
	s0 =	ssub.s32 s25, s0;
	v7 =	vld [tilespmem:s22+$0x18420]  }
.Ltmp22:
0x411: {  	s28 =	sand.u32 $0x2000, s28;
	s0 =	sand.u32 $0xFFFFFC00, s0;
	[tilespmem:s21+$0x8420] =	vst.add.f32.msk $0xffff, v3;
	(pc) =	sbr.rel @p0 .LBB2_46-.Ltmp22, $4  }
0x412: {  	s23 =	sadd.s32 $0x40, s23;
	s21 =	sand.u32 $0x380, s29;
	s0 =	sadd.s32 s28, s0;
	[tilespmem:s22+$0x8430] =	vst.add.f32.msk $0xffff, v4  }
0x413: {  	s28 =	sand.u32 $0x40, s23;
	s0 =	sor.u32 s21, s0;
	[tilespmem:s22+$0x8400] =	vst.add.f32.msk $0xffff, v5;
	s21 =	smov.u32 s22  }
0x414: {  	s22 =	sor.u32 s28, s0;
	[tilespmem:s21+$0x8410] =	vst.add.f32.msk $0xffff, v6  }
0x415: {  	s26 =	sadd.s32 $0x4, s26;
	v4 =	vld [tilespmem:s22+$0x18430];
	v3 =	vmov v7  }
0x416: {  	v5 =	vld [tilespmem:s22+$0x18400]  }
0x417: {  	v6 =	vld [tilespmem:s22+$0x18410]  }
0x418: {  	v7 =	vld [tilespmem:s22+$0x18420]  }
0x419: {  	[tilespmem:s21+$0x8420] =	vst.add.f32.msk $0xffff, v3  }
0x41a: {  	[tilespmem:s22+$0x8430] =	vst.add.f32.msk $0xffff, v4  }
0x41b: {  	[tilespmem:s22+$0x8400] =	vst.add.f32.msk $0xffff, v5  }
0x41c: {  	[tilespmem:s22+$0x8410] =	vst.add.f32.msk $0xffff, v6  }
0x41d: {  	[tilespmem:s22+$0x8420] =	vst.add.f32.msk $0xffff, v7  }
0x41e: {  	s21 =	sld [smem:$0x7E7];
	_ =	sdelay $0x1  }
0x41f: {  	s0 =	simm.s32 $0x0;
	s28 =	simm.s32 $0x8400  }
0x420: {  	[hbm4b:s21+s0] =	stream.linear.scatter [tilespmem:s28], [sflag:$0x8], $0x4000, $0x38;
	[tilespmem:$0x1C400] =	vst v63  }
0x421: {  	s22 =	simm.s32 $0x0;
	_ =	swait.ge [sflag:s12], $0x4000  }
0x422: {  	s23 =	simm.s32 $0x0;
	s21 =	sand.u32 $0xFFFFE000, s22;
	s29 =	sld [smem:$0x7EC]  }
0x423: {  	s22 =	sand.u32 $0x2000, s23;
	s21 =	ssub.s32 $0x0, s21;
	[sflag:s12] =	ssyncset.done $0x0  }
0x424: {  	s23 =	simm.s32 $0x0;
	s21 =	sand.u32 $0xFFFFFC00, s21;
	[sflag:s12] =	ssyncadd.s32 $0xFFFFC000  }
0x425: {  	[tilespmem:s30], [sflag:$0x1] =	stream.linear.gather [hbm4b:s29+s0], $0x4000, $0x38;
	[tilespmem:$0x1C400] =	vst v63  }
0x426: {  	s24 =	sand.u32 $0x380, s23;
	s21 =	sadd.s32 s22, s21;
	_ =	swait.ge [sflag:s13], $0x4000  }
0x427: {  	s21 =	sor.u32 s24, s21;
	s0 =	sand.u32 $0x40, s0;
	[sflag:s13] =	ssyncset.done $0x0  }
0x428: {  	s21 =	sor.u32 s0, s21;
	[sflag:s13] =	ssyncadd.s32 $0xFFFFC000  }
0x429: {  	v4 =	vld [tilespmem:s21+$0x18430]  }
0x42a: {  	s25 =	simm.s32 $0x200;
	v5 =	vld [tilespmem:s21+$0x18400]  }
0x42b: {  	s0 =	sand.u32 $0xFFFFE000, s25;
	v6 =	vld [tilespmem:s21+$0x18410]  }
0x42c: {  	s26 =	simm.s32 $0x40;
	s0 =	ssub.s32 $0x200, s0  }
0x42d: {  	s28 =	simm.s32 $0x8;
	s22 =	sand.u32 $0x2000, s26;
	s0 =	sand.u32 $0xFFFFFC00, s0;
	v3 =	vld [tilespmem:s21+$0x18420]  }
0x42e: {  	s23 =	simm.s32 $0x40;
	s29 =	sand.u32 $0x380, s28;
	s0 =	sadd.s32 s22, s0;
	[tilespmem:s21+$0xC430] =	vst.add.f32.msk $0xffff, v4  }
0x42f: {  	s24 =	sand.u32 $0x40, s23;
	s0 =	sor.u32 s29, s0;
	[tilespmem:s21+$0xC400] =	vst.add.f32.msk $0xffff, v5  }
0x430: {  	s22 =	sor.u32 s24, s0;
	[tilespmem:s21+$0xC410] =	vst.add.f32.msk $0xffff, v6  }
0x431: {  	s26 =	simm.s32 $0x8;
	s25 =	simm.s32 $0x200;
	s24 =	simm.s32 $0x4;
	v4 =	vld [tilespmem:s22+$0x18430]  }
.LBB2_48:
0x432: {  	s0 =	sshll.u32 s26, $0x7;
	v5 =	vld [tilespmem:s22+$0x18400];
	s24 =	sadd.s32 $0x4, s24  }
0x433: {  	s25 =	sadd.s32 $0x200, s25;
	s0 =	sand.u32 $0xFFFFE000, s0;
	v6 =	vld [tilespmem:s22+$0x18410];
	s28 =	sshll.u32 s24, $0x4  }
0x434: {  	p0 =	slt.u32 s24, $0x3FC;
	s29 =	sshll.u32 s24, $0x1;
	s0 =	ssub.s32 s25, s0;
	v7 =	vld [tilespmem:s22+$0x18420]  }
.Ltmp23:
0x435: {  	s28 =	sand.u32 $0x2000, s28;
	s0 =	sand.u32 $0xFFFFFC00, s0;
	[tilespmem:s21+$0xC420] =	vst.add.f32.msk $0xffff, v3;
	(pc) =	sbr.rel @p0 .LBB2_48-.Ltmp23, $4  }
0x436: {  	s23 =	sadd.s32 $0x40, s23;
	s21 =	sand.u32 $0x380, s29;
	s0 =	sadd.s32 s28, s0;
	[tilespmem:s22+$0xC430] =	vst.add.f32.msk $0xffff, v4  }
0x437: {  	s28 =	sand.u32 $0x40, s23;
	s0 =	sor.u32 s21, s0;
	[tilespmem:s22+$0xC400] =	vst.add.f32.msk $0xffff, v5;
	s21 =	smov.u32 s22  }
0x438: {  	s22 =	sor.u32 s28, s0;
	[tilespmem:s21+$0xC410] =	vst.add.f32.msk $0xffff, v6  }
0x439: {  	s26 =	sadd.s32 $0x4, s26;
	v4 =	vld [tilespmem:s22+$0x18430];
	v3 =	vmov v7  }
0x43a: {  	v5 =	vld [tilespmem:s22+$0x18400]  }
0x43b: {  	v6 =	vld [tilespmem:s22+$0x18410]  }
0x43c: {  	v7 =	vld [tilespmem:s22+$0x18420]  }
0x43d: {  	[tilespmem:s21+$0xC420] =	vst.add.f32.msk $0xffff, v3  }
0x43e: {  	[tilespmem:s22+$0xC430] =	vst.add.f32.msk $0xffff, v4  }
0x43f: {  	[tilespmem:s22+$0xC400] =	vst.add.f32.msk $0xffff, v5  }
0x440: {  	[tilespmem:s22+$0xC410] =	vst.add.f32.msk $0xffff, v6  }
0x441: {  	[tilespmem:s22+$0xC420] =	vst.add.f32.msk $0xffff, v7  }
0x442: {  	s21 =	sld [smem:$0x7E9];
	_ =	sdelay $0x1  }
0x443: {  	s0 =	simm.s32 $0x0  }
0x444: {  	[hbm4b:s21+s0] =	stream.linear.scatter [tilespmem:s5], [sflag:$0x9], $0x4000, $0x38;
	[tilespmem:$0x1C400] =	vst v63  }
0x445: {  	v3 =	vld [tilespmem:$0x380];
	_ =	sdelay $0x4  }
0x446: {  	v4 =	vshll.u32 v3, $0x3  }
0x447: {  	v3 =	vand.u32 $0x7, v3;
	v4 =	vand.u32 $0xFFFFFFC0, v4  }
0x448: {  	v3 =	vor.u32 v3, v4  }
0x449: {  	v4 =	vperm.xlane v3, v0;
	_ =	sdelay $0x1  }
0x44a: {  	v4 =	vadd.s32 v1, v4;
	_ =	sdelay $0x3  }
0x44b: {  	s28 =	simm.s32 $0x18400  }
0x44c: {  	[tilespmem:s28], [sflag:$0xC] =	stream.indirect_vreg.gather [hbm4b:s3+s0], $0x80, v4, vm0, $0xb8;
	[tilespmem:$0x1C400] =	vst v63  }
0x44d: {  	s29 =	simm.s32 $0x18C00;
	v3 =	vperm.xlane v3, v2  }
0x44e: {  	[tilespmem:s29], [sflag:$0xC] =	stream.indirect_vreg.gather [hbm4b:s9+s0], $0x80, v4, vm0, $0xb8;
	[tilespmem:$0x1C400] =	vst v63  }
0x44f: {  	s22 =	simm.s32 $0x19400;
	v3 =	vadd.s32 v1, v3  }
0x450: {  	[tilespmem:s22], [sflag:$0xC] =	stream.indirect_vreg.gather [hbm4b:s10+s0], $0x80, v4, vm0, $0xb8;
	[tilespmem:$0x1C400] =	vst v63  }
0x451: {  	s23 =	simm.s32 $0x19C00  }
0x452: {  	[tilespmem:s23], [sflag:$0xC] =	stream.indirect_vreg.gather [hbm4b:s11+s0], $0x80, v4, vm0, $0xb8;
	[tilespmem:$0x1C400] =	vst v63  }
0x453: {  	s24 =	simm.s32 $0x1A400  }
0x454: {  	[tilespmem:s24], [sflag:$0xC] =	stream.indirect_vreg.gather [hbm4b:s3+s0], $0x80, v3, vm0, $0xb8;
	[tilespmem:$0x1C400] =	vst v63  }
0x455: {  	s25 =	simm.s32 $0x1AC00  }
0x456: {  	[tilespmem:s25], [sflag:$0xC] =	stream.indirect_vreg.gather [hbm4b:s9+s0], $0x80, v3, vm0, $0xb8;
	[tilespmem:$0x1C400] =	vst v63  }
0x457: {  	s26 =	simm.s32 $0x1B400  }
0x458: {  	[tilespmem:s26], [sflag:$0xC] =	stream.indirect_vreg.gather [hbm4b:s10+s0], $0x80, v3, vm0, $0xb8;
	[tilespmem:$0x1C400] =	vst v63  }
0x459: {  	s28 =	simm.s32 $0x1BC00  }
0x45a: {  	[tilespmem:s28], [sflag:$0xC] =	stream.indirect_vreg.gather [hbm4b:s11+s0], $0x80, v3, vm0, $0xb8;
	[tilespmem:$0x1C400] =	vst v63  }
0x45b: {  	_ =	swait.ge [sflag:s14], $0x4000  }
0x45c: {  	s29 =	sld [smem:$0x7EE]  }
0x45d: {  	[sflag:s14] =	ssyncset.done $0x0  }
0x45e: {  	s22 =	simm.s32 $0x0;
	[sflag:s14] =	ssyncadd.s32 $0xFFFFC000  }
0x45f: {  	[tilespmem:s31], [sflag:$0x2] =	stream.linear.gather [hbm4b:s29+s0], $0x4000, $0x38;
	[tilespmem:$0x1C400] =	vst v63  }
0x460: {  	s21 =	sand.u32 $0xFFFFE000, s22;
	s23 =	simm.s32 $0x0;
	_ =	swait.ge [sflag:s2], $0x4000  }
0x461: {  	s21 =	ssub.s32 $0x0, s21;
	s22 =	sand.u32 $0x2000, s23;
	[sflag:s2] =	ssyncset.done $0x0  }
0x462: {  	s21 =	sand.u32 $0xFFFFFC00, s21;
	s23 =	simm.s32 $0x0;
	[sflag:s2] =	ssyncadd.s32 $0xFFFFC000  }
0x463: {  	s21 =	sadd.s32 s22, s21;
	s24 =	sand.u32 $0x380, s23;
	_ =	swait.ge [sflag:s16], $0x4000  }
0x464: {  	s21 =	sor.u32 s24, s21;
	s0 =	sand.u32 $0x40, s0;
	[sflag:s16] =	ssyncset.done $0x0  }
0x465: {  	s21 =	sor.u32 s0, s21;
	[sflag:s16] =	ssyncadd.s32 $0xFFFFC000  }
0x466: {  	v4 =	vld [tilespmem:s21+$0x14430]  }
0x467: {  	s25 =	simm.s32 $0x200;
	v5 =	vld [tilespmem:s21+$0x14400]  }
0x468: {  	s0 =	sand.u32 $0xFFFFE000, s25;
	v6 =	vld [tilespmem:s21+$0x14410]  }
0x469: {  	s26 =	simm.s32 $0x40;
	s0 =	ssub.s32 $0x200, s0  }
0x46a: {  	s22 =	sand.u32 $0x2000, s26;
	s28 =	simm.s32 $0x8;
	s0 =	sand.u32 $0xFFFFFC00, s0;
	v3 =	vld [tilespmem:s21+$0x14420]  }
0x46b: {  	s23 =	simm.s32 $0x40;
	s29 =	sand.u32 $0x380, s28;
	s0 =	sadd.s32 s22, s0;
	[tilespmem:s21+$0x10430] =	vst.add.f32.msk $0xffff, v4  }
0x46c: {  	s24 =	sand.u32 $0x40, s23;
	s0 =	sor.u32 s29, s0;
	[tilespmem:s21+$0x10400] =	vst.add.f32.msk $0xffff, v5  }
0x46d: {  	s22 =	sor.u32 s24, s0;
	[tilespmem:s21+$0x10410] =	vst.add.f32.msk $0xffff, v6  }
0x46e: {  	s26 =	simm.s32 $0x8;
	s25 =	simm.s32 $0x200;
	s24 =	simm.s32 $0x4;
	v4 =	vld [tilespmem:s22+$0x14430]  }
.LBB2_50:
0x46f: {  	s0 =	sshll.u32 s26, $0x7;
	v5 =	vld [tilespmem:s22+$0x14400];
	s24 =	sadd.s32 $0x4, s24  }
0x470: {  	s25 =	sadd.s32 $0x200, s25;
	s0 =	sand.u32 $0xFFFFE000, s0;
	v6 =	vld [tilespmem:s22+$0x14410];
	s28 =	sshll.u32 s24, $0x4  }
0x471: {  	p0 =	slt.u32 s24, $0x3FC;
	s29 =	sshll.u32 s24, $0x1;
	s0 =	ssub.s32 s25, s0;
	v7 =	vld [tilespmem:s22+$0x14420]  }
.Ltmp24:
0x472: {  	s28 =	sand.u32 $0x2000, s28;
	s0 =	sand.u32 $0xFFFFFC00, s0;
	[tilespmem:s21+$0x10420] =	vst.add.f32.msk $0xffff, v3;
	(pc) =	sbr.rel @p0 .LBB2_50-.Ltmp24, $4  }
0x473: {  	s23 =	sadd.s32 $0x40, s23;
	s21 =	sand.u32 $0x380, s29;
	s0 =	sadd.s32 s28, s0;
	[tilespmem:s22+$0x10430] =	vst.add.f32.msk $0xffff, v4  }
0x474: {  	s28 =	sand.u32 $0x40, s23;
	s0 =	sor.u32 s21, s0;
	[tilespmem:s22+$0x10400] =	vst.add.f32.msk $0xffff, v5;
	s21 =	smov.u32 s22  }
0x475: {  	s22 =	sor.u32 s28, s0;
	[tilespmem:s21+$0x10410] =	vst.add.f32.msk $0xffff, v6  }
0x476: {  	s26 =	sadd.s32 $0x4, s26;
	v4 =	vld [tilespmem:s22+$0x14430];
	v3 =	vmov v7  }
0x477: {  	v5 =	vld [tilespmem:s22+$0x14400]  }
0x478: {  	v6 =	vld [tilespmem:s22+$0x14410]  }
0x479: {  	v7 =	vld [tilespmem:s22+$0x14420]  }
0x47a: {  	[tilespmem:s21+$0x10420] =	vst.add.f32.msk $0xffff, v3  }
0x47b: {  	[tilespmem:s22+$0x10430] =	vst.add.f32.msk $0xffff, v4  }
0x47c: {  	[tilespmem:s22+$0x10400] =	vst.add.f32.msk $0xffff, v5  }
0x47d: {  	[tilespmem:s22+$0x10410] =	vst.add.f32.msk $0xffff, v6  }
0x47e: {  	[tilespmem:s22+$0x10420] =	vst.add.f32.msk $0xffff, v7  }
0x47f: {  	s21 =	sld [smem:$0x7EB];
	_ =	sdelay $0x1  }
0x480: {  	s0 =	simm.s32 $0x0  }
0x481: {  	[hbm4b:s21+s0] =	stream.linear.scatter [tilespmem:s7], [sflag:$0xA], $0x4000, $0x38;
	[tilespmem:$0x1C400] =	vst v63  }
0x482: {  	s29 =	simm.s32 $0x8400;
	s22 =	simm.s32 $0x0;
	_ =	swait.ge [sflag:s17], $0x4000  }
0x483: {  	s23 =	simm.s32 $0x0;
	s21 =	sand.u32 $0xFFFFE000, s22;
	s28 =	sld [smem:$0x7F0]  }
0x484: {  	s22 =	sand.u32 $0x2000, s23;
	s21 =	ssub.s32 $0x0, s21;
	[sflag:s17] =	ssyncset.done $0x0  }
0x485: {  	s23 =	simm.s32 $0x0;
	s21 =	sand.u32 $0xFFFFFC00, s21;
	[sflag:s17] =	ssyncadd.s32 $0xFFFFC000  }
0x486: {  	[tilespmem:s29], [sflag:$0x3] =	stream.linear.gather [hbm4b:s28+s0], $0x4000, $0x38;
	[tilespmem:$0x1C400] =	vst v63  }
0x487: {  	s24 =	sand.u32 $0x380, s23;
	s21 =	sadd.s32 s22, s21;
	_ =	swait.ge [sflag:s4], $0x4000  }
0x488: {  	s21 =	sor.u32 s24, s21;
	s0 =	sand.u32 $0x40, s0;
	[sflag:s4] =	ssyncset.done $0x0  }
0x489: {  	s21 =	sor.u32 s0, s21;
	[sflag:s4] =	ssyncadd.s32 $0xFFFFC000  }
0x48a: {  	v4 =	vld [tilespmem:s21+$0x14430]  }
0x48b: {  	s25 =	simm.s32 $0x200;
	v5 =	vld [tilespmem:s21+$0x14400]  }
0x48c: {  	s0 =	sand.u32 $0xFFFFE000, s25;
	v6 =	vld [tilespmem:s21+$0x14410]  }
0x48d: {  	s26 =	simm.s32 $0x40;
	s0 =	ssub.s32 $0x200, s0  }
0x48e: {  	s22 =	sand.u32 $0x2000, s26;
	s28 =	simm.s32 $0x8;
	s0 =	sand.u32 $0xFFFFFC00, s0;
	v3 =	vld [tilespmem:s21+$0x14420]  }
0x48f: {  	s23 =	simm.s32 $0x40;
	s29 =	sand.u32 $0x380, s28;
	s0 =	sadd.s32 s22, s0;
	[tilespmem:s21+$0x430] =	vst.add.f32.msk $0xffff, v4  }
0x490: {  	s24 =	sand.u32 $0x40, s23;
	s0 =	sor.u32 s29, s0;
	[tilespmem:s21+$0x400] =	vst.add.f32.msk $0xffff, v5  }
0x491: {  	s22 =	sor.u32 s24, s0;
	[tilespmem:s21+$0x410] =	vst.add.f32.msk $0xffff, v6  }
0x492: {  	s26 =	simm.s32 $0x8;
	s25 =	simm.s32 $0x200;
	s24 =	simm.s32 $0x4;
	v4 =	vld [tilespmem:s22+$0x14430]  }
.LBB2_52:
0x493: {  	s0 =	sshll.u32 s26, $0x7;
	v5 =	vld [tilespmem:s22+$0x14400];
	s24 =	sadd.s32 $0x4, s24  }
0x494: {  	s25 =	sadd.s32 $0x200, s25;
	s0 =	sand.u32 $0xFFFFE000, s0;
	v6 =	vld [tilespmem:s22+$0x14410];
	s28 =	sshll.u32 s24, $0x4  }
0x495: {  	p0 =	slt.u32 s24, $0x3FC;
	s29 =	sshll.u32 s24, $0x1;
	s0 =	ssub.s32 s25, s0;
	v7 =	vld [tilespmem:s22+$0x14420]  }
.Ltmp25:
0x496: {  	s28 =	sand.u32 $0x2000, s28;
	s0 =	sand.u32 $0xFFFFFC00, s0;
	[tilespmem:s21+$0x420] =	vst.add.f32.msk $0xffff, v3;
	(pc) =	sbr.rel @p0 .LBB2_52-.Ltmp25, $4  }
0x497: {  	s23 =	sadd.s32 $0x40, s23;
	s21 =	sand.u32 $0x380, s29;
	s0 =	sadd.s32 s28, s0;
	[tilespmem:s22+$0x430] =	vst.add.f32.msk $0xffff, v4  }
0x498: {  	s28 =	sand.u32 $0x40, s23;
	s0 =	sor.u32 s21, s0;
	[tilespmem:s22+$0x400] =	vst.add.f32.msk $0xffff, v5;
	s21 =	smov.u32 s22  }
0x499: {  	s22 =	sor.u32 s28, s0;
	[tilespmem:s21+$0x410] =	vst.add.f32.msk $0xffff, v6  }
0x49a: {  	s26 =	sadd.s32 $0x4, s26;
	v4 =	vld [tilespmem:s22+$0x14430];
	v3 =	vmov v7  }
0x49b: {  	v5 =	vld [tilespmem:s22+$0x14400]  }
0x49c: {  	v6 =	vld [tilespmem:s22+$0x14410]  }
0x49d: {  	v7 =	vld [tilespmem:s22+$0x14420]  }
0x49e: {  	[tilespmem:s21+$0x420] =	vst.add.f32.msk $0xffff, v3  }
0x49f: {  	[tilespmem:s22+$0x430] =	vst.add.f32.msk $0xffff, v4  }
0x4a0: {  	[tilespmem:s22+$0x400] =	vst.add.f32.msk $0xffff, v5  }
0x4a1: {  	[tilespmem:s22+$0x410] =	vst.add.f32.msk $0xffff, v6  }
0x4a2: {  	[tilespmem:s22+$0x420] =	vst.add.f32.msk $0xffff, v7  }
0x4a3: {  	s21 =	sld [smem:$0x7ED];
	_ =	sdelay $0x1  }
0x4a4: {  	s0 =	simm.s32 $0x0  }
0x4a5: {  	[hbm4b:s21+s0] =	stream.linear.scatter [tilespmem:s30], [sflag:$0x6], $0x4000, $0x38;
	[tilespmem:$0x1C400] =	vst v63  }
0x4a6: {  	s22 =	simm.s32 $0x0;
	_ =	swait.ge [sflag:s18], $0x4000  }
0x4a7: {  	s23 =	simm.s32 $0x0;
	s21 =	sand.u32 $0xFFFFE000, s22;
	s29 =	sld [smem:$0x7F2]  }
0x4a8: {  	s22 =	sand.u32 $0x2000, s23;
	s21 =	ssub.s32 $0x0, s21;
	[sflag:s18] =	ssyncset.done $0x0  }
0x4a9: {  	s23 =	simm.s32 $0x0;
	s21 =	sand.u32 $0xFFFFFC00, s21;
	[sflag:s18] =	ssyncadd.s32 $0xFFFFC000  }
0x4aa: {  	[tilespmem:s5], [sflag:$0x4] =	stream.linear.gather [hbm4b:s29+s0], $0x4000, $0x38;
	[tilespmem:$0x1C400] =	vst v63  }
0x4ab: {  	s24 =	sand.u32 $0x380, s23;
	s21 =	sadd.s32 s22, s21;
	_ =	swait.ge [sflag:s6], $0x4000  }
0x4ac: {  	s21 =	sor.u32 s24, s21;
	s0 =	sand.u32 $0x40, s0;
	[sflag:s6] =	ssyncset.done $0x0  }
0x4ad: {  	s21 =	sor.u32 s0, s21;
	[sflag:s6] =	ssyncadd.s32 $0xFFFFC000  }
0x4ae: {  	v4 =	vld [tilespmem:s21+$0x14430]  }
0x4af: {  	s25 =	simm.s32 $0x200;
	v5 =	vld [tilespmem:s21+$0x14400]  }
0x4b0: {  	s0 =	sand.u32 $0xFFFFE000, s25;
	v6 =	vld [tilespmem:s21+$0x14410]  }
0x4b1: {  	s26 =	simm.s32 $0x40;
	s0 =	ssub.s32 $0x200, s0  }
0x4b2: {  	s28 =	simm.s32 $0x8;
	s22 =	sand.u32 $0x2000, s26;
	s0 =	sand.u32 $0xFFFFFC00, s0;
	v3 =	vld [tilespmem:s21+$0x14420]  }
0x4b3: {  	s23 =	simm.s32 $0x40;
	s29 =	sand.u32 $0x380, s28;
	s0 =	sadd.s32 s22, s0;
	[tilespmem:s21+$0x4430] =	vst.add.f32.msk $0xffff, v4  }
0x4b4: {  	s24 =	sand.u32 $0x40, s23;
	s0 =	sor.u32 s29, s0;
	[tilespmem:s21+$0x4400] =	vst.add.f32.msk $0xffff, v5  }
0x4b5: {  	s22 =	sor.u32 s24, s0;
	[tilespmem:s21+$0x4410] =	vst.add.f32.msk $0xffff, v6  }
0x4b6: {  	s26 =	simm.s32 $0x8;
	s25 =	simm.s32 $0x200;
	s24 =	simm.s32 $0x4;
	v4 =	vld [tilespmem:s22+$0x14430]  }
.LBB2_54:
0x4b7: {  	s0 =	sshll.u32 s26, $0x7;
	v5 =	vld [tilespmem:s22+$0x14400];
	s24 =	sadd.s32 $0x4, s24  }
0x4b8: {  	s25 =	sadd.s32 $0x200, s25;
	s0 =	sand.u32 $0xFFFFE000, s0;
	v6 =	vld [tilespmem:s22+$0x14410];
	s28 =	sshll.u32 s24, $0x4  }
0x4b9: {  	p0 =	slt.u32 s24, $0x3FC;
	s29 =	sshll.u32 s24, $0x1;
	s0 =	ssub.s32 s25, s0;
	v7 =	vld [tilespmem:s22+$0x14420]  }
.Ltmp26:
0x4ba: {  	s28 =	sand.u32 $0x2000, s28;
	s0 =	sand.u32 $0xFFFFFC00, s0;
	[tilespmem:s21+$0x4420] =	vst.add.f32.msk $0xffff, v3;
	(pc) =	sbr.rel @p0 .LBB2_54-.Ltmp26, $4  }
0x4bb: {  	s23 =	sadd.s32 $0x40, s23;
	s21 =	sand.u32 $0x380, s29;
	s0 =	sadd.s32 s28, s0;
	[tilespmem:s22+$0x4430] =	vst.add.f32.msk $0xffff, v4  }
0x4bc: {  	s28 =	sand.u32 $0x40, s23;
	s0 =	sor.u32 s21, s0;
	[tilespmem:s22+$0x4400] =	vst.add.f32.msk $0xffff, v5;
	s21 =	smov.u32 s22  }
0x4bd: {  	s22 =	sor.u32 s28, s0;
	[tilespmem:s21+$0x4410] =	vst.add.f32.msk $0xffff, v6  }
0x4be: {  	s26 =	sadd.s32 $0x4, s26;
	v4 =	vld [tilespmem:s22+$0x14430];
	v3 =	vmov v7  }
0x4bf: {  	v5 =	vld [tilespmem:s22+$0x14400]  }
0x4c0: {  	v6 =	vld [tilespmem:s22+$0x14410]  }
0x4c1: {  	v7 =	vld [tilespmem:s22+$0x14420]  }
0x4c2: {  	[tilespmem:s21+$0x4420] =	vst.add.f32.msk $0xffff, v3  }
0x4c3: {  	[tilespmem:s22+$0x4430] =	vst.add.f32.msk $0xffff, v4  }
0x4c4: {  	[tilespmem:s22+$0x4400] =	vst.add.f32.msk $0xffff, v5  }
0x4c5: {  	[tilespmem:s22+$0x4410] =	vst.add.f32.msk $0xffff, v6  }
0x4c6: {  	[tilespmem:s22+$0x4420] =	vst.add.f32.msk $0xffff, v7  }
0x4c7: {  	s21 =	sld [smem:$0x7EF];
	_ =	sdelay $0x1  }
0x4c8: {  	s0 =	simm.s32 $0x0  }
0x4c9: {  	[hbm4b:s21+s0] =	stream.linear.scatter [tilespmem:s31], [sflag:$0x7], $0x4000, $0x38;
	[tilespmem:$0x1C400] =	vst v63  }
0x4ca: {  	s22 =	simm.s32 $0x0;
	_ =	swait.ge [sflag:s19], $0x4000  }
0x4cb: {  	s23 =	simm.s32 $0x0;
	s21 =	sand.u32 $0xFFFFE000, s22;
	s29 =	sld [smem:$0x7F6]  }
0x4cc: {  	s22 =	sand.u32 $0x2000, s23;
	s21 =	ssub.s32 $0x0, s21;
	[sflag:s19] =	ssyncset.done $0x0  }
0x4cd: {  	s23 =	simm.s32 $0x0;
	s21 =	sand.u32 $0xFFFFFC00, s21;
	[sflag:s19] =	ssyncadd.s32 $0xFFFFC000  }
0x4ce: {  	[tilespmem:s7], [sflag:$0x5] =	stream.linear.gather [hbm4b:s29+s0], $0x4000, $0x38;
	[tilespmem:$0x1C400] =	vst v63  }
0x4cf: {  	s24 =	sand.u32 $0x380, s23;
	s21 =	sadd.s32 s22, s21;
	_ =	swait.ge [sflag:s8], $0x4000  }
0x4d0: {  	s21 =	sor.u32 s24, s21;
	s0 =	sand.u32 $0x40, s0;
	[sflag:s8] =	ssyncset.done $0x0  }
0x4d1: {  	s21 =	sor.u32 s0, s21;
	[sflag:s8] =	ssyncadd.s32 $0xFFFFC000  }
0x4d2: {  	v4 =	vld [tilespmem:s21+$0x14430]  }
0x4d3: {  	s25 =	simm.s32 $0x200;
	v5 =	vld [tilespmem:s21+$0x14400]  }
0x4d4: {  	s0 =	sand.u32 $0xFFFFE000, s25;
	v6 =	vld [tilespmem:s21+$0x14410]  }
0x4d5: {  	s26 =	simm.s32 $0x40;
	s0 =	ssub.s32 $0x200, s0  }
0x4d6: {  	s28 =	simm.s32 $0x8;
	s22 =	sand.u32 $0x2000, s26;
	s0 =	sand.u32 $0xFFFFFC00, s0;
	v3 =	vld [tilespmem:s21+$0x14420]  }
0x4d7: {  	s23 =	simm.s32 $0x40;
	s29 =	sand.u32 $0x380, s28;
	s0 =	sadd.s32 s22, s0;
	[tilespmem:s21+$0x8430] =	vst.add.f32.msk $0xffff, v4  }
0x4d8: {  	s24 =	sand.u32 $0x40, s23;
	s0 =	sor.u32 s29, s0;
	[tilespmem:s21+$0x8400] =	vst.add.f32.msk $0xffff, v5  }
0x4d9: {  	s22 =	sor.u32 s24, s0;
	[tilespmem:s21+$0x8410] =	vst.add.f32.msk $0xffff, v6  }
0x4da: {  	s26 =	simm.s32 $0x8;
	s25 =	simm.s32 $0x200;
	s24 =	simm.s32 $0x4;
	v4 =	vld [tilespmem:s22+$0x14430]  }
.LBB2_56:
0x4db: {  	s0 =	sshll.u32 s26, $0x7;
	v5 =	vld [tilespmem:s22+$0x14400];
	s24 =	sadd.s32 $0x4, s24  }
0x4dc: {  	s25 =	sadd.s32 $0x200, s25;
	s0 =	sand.u32 $0xFFFFE000, s0;
	v6 =	vld [tilespmem:s22+$0x14410];
	s28 =	sshll.u32 s24, $0x4  }
0x4dd: {  	p0 =	slt.u32 s24, $0x3FC;
	s29 =	sshll.u32 s24, $0x1;
	s0 =	ssub.s32 s25, s0;
	v7 =	vld [tilespmem:s22+$0x14420]  }
.Ltmp27:
0x4de: {  	s28 =	sand.u32 $0x2000, s28;
	s0 =	sand.u32 $0xFFFFFC00, s0;
	[tilespmem:s21+$0x8420] =	vst.add.f32.msk $0xffff, v3;
	(pc) =	sbr.rel @p0 .LBB2_56-.Ltmp27, $4  }
0x4df: {  	s23 =	sadd.s32 $0x40, s23;
	s21 =	sand.u32 $0x380, s29;
	s0 =	sadd.s32 s28, s0;
	[tilespmem:s22+$0x8430] =	vst.add.f32.msk $0xffff, v4  }
0x4e0: {  	s28 =	sand.u32 $0x40, s23;
	s0 =	sor.u32 s21, s0;
	[tilespmem:s22+$0x8400] =	vst.add.f32.msk $0xffff, v5;
	s21 =	smov.u32 s22  }
0x4e1: {  	s22 =	sor.u32 s28, s0;
	[tilespmem:s21+$0x8410] =	vst.add.f32.msk $0xffff, v6  }
0x4e2: {  	s26 =	sadd.s32 $0x4, s26;
	v4 =	vld [tilespmem:s22+$0x14430];
	v3 =	vmov v7  }
0x4e3: {  	v5 =	vld [tilespmem:s22+$0x14400]  }
0x4e4: {  	v6 =	vld [tilespmem:s22+$0x14410]  }
0x4e5: {  	v7 =	vld [tilespmem:s22+$0x14420]  }
0x4e6: {  	[tilespmem:s21+$0x8420] =	vst.add.f32.msk $0xffff, v3  }
0x4e7: {  	[tilespmem:s22+$0x8430] =	vst.add.f32.msk $0xffff, v4  }
0x4e8: {  	[tilespmem:s22+$0x8400] =	vst.add.f32.msk $0xffff, v5  }
0x4e9: {  	[tilespmem:s22+$0x8410] =	vst.add.f32.msk $0xffff, v6  }
0x4ea: {  	[tilespmem:s22+$0x8420] =	vst.add.f32.msk $0xffff, v7  }
0x4eb: {  	s21 =	sld [smem:$0x7F1];
	_ =	sdelay $0x1  }
0x4ec: {  	s0 =	simm.s32 $0x0;
	s28 =	simm.s32 $0x8400  }
0x4ed: {  	[hbm4b:s21+s0] =	stream.linear.scatter [tilespmem:s28], [sflag:$0x8], $0x4000, $0x38;
	[tilespmem:$0x1C400] =	vst v63  }
0x4ee: {  	_ =	swait.ge [sflag:s12], $0x4000  }
0x4ef: {  	s29 =	sld [smem:$0x7F7]  }
0x4f0: {  	[sflag:s12] =	ssyncset.done $0x0  }
0x4f1: {  	s22 =	simm.s32 $0x0;
	[sflag:s12] =	ssyncadd.s32 $0xFFFFC000  }
0x4f2: {  	[tilespmem:s30], [sflag:$0x1] =	stream.linear.gather [hbm4b:s29+s0], $0x4000, $0x38;
	[tilespmem:$0x1C400] =	vst v63  }
0x4f3: {  	s23 =	simm.s32 $0x0;
	s21 =	sand.u32 $0xFFFFE000, s22;
	_ =	swait.ge [sflag:s15], $0x4000  }
0x4f4: {  	s22 =	sand.u32 $0x2000, s23;
	s21 =	ssub.s32 $0x0, s21;
	[sflag:s15] =	ssyncset.done $0x0  }
0x4f5: {  	s23 =	simm.s32 $0x0;
	s21 =	sand.u32 $0xFFFFFC00, s21;
	[sflag:s15] =	ssyncadd.s32 $0xFFFFC000  }
0x4f6: {  	s24 =	sand.u32 $0x380, s23;
	s21 =	sadd.s32 s22, s21;
	_ =	swait.ge [sflag:s13], $0x4000  }
0x4f7: {  	s21 =	sor.u32 s24, s21;
	s0 =	sand.u32 $0x40, s0;
	[sflag:s13] =	ssyncset.done $0x0  }
0x4f8: {  	s21 =	sor.u32 s0, s21;
	[sflag:s13] =	ssyncadd.s32 $0xFFFFC000  }
0x4f9: {  	v4 =	vld [tilespmem:s21+$0x18430]  }
0x4fa: {  	s25 =	simm.s32 $0x200;
	v5 =	vld [tilespmem:s21+$0x18400]  }
0x4fb: {  	s0 =	sand.u32 $0xFFFFE000, s25;
	v6 =	vld [tilespmem:s21+$0x18410]  }
0x4fc: {  	s26 =	simm.s32 $0x40;
	s0 =	ssub.s32 $0x200, s0  }
0x4fd: {  	s28 =	simm.s32 $0x8;
	s22 =	sand.u32 $0x2000, s26;
	s0 =	sand.u32 $0xFFFFFC00, s0;
	v3 =	vld [tilespmem:s21+$0x18420]  }
0x4fe: {  	s23 =	simm.s32 $0x40;
	s29 =	sand.u32 $0x380, s28;
	s0 =	sadd.s32 s22, s0;
	[tilespmem:s21+$0xC430] =	vst.add.f32.msk $0xffff, v4  }
0x4ff: {  	s24 =	sand.u32 $0x40, s23;
	s0 =	sor.u32 s29, s0;
	[tilespmem:s21+$0xC400] =	vst.add.f32.msk $0xffff, v5  }
0x500: {  	s22 =	sor.u32 s24, s0;
	[tilespmem:s21+$0xC410] =	vst.add.f32.msk $0xffff, v6  }
0x501: {  	s26 =	simm.s32 $0x8;
	s25 =	simm.s32 $0x200;
	s24 =	simm.s32 $0x4;
	v4 =	vld [tilespmem:s22+$0x18430]  }
.LBB2_58:
0x502: {  	s0 =	sshll.u32 s26, $0x7;
	v5 =	vld [tilespmem:s22+$0x18400];
	s24 =	sadd.s32 $0x4, s24  }
0x503: {  	s25 =	sadd.s32 $0x200, s25;
	s0 =	sand.u32 $0xFFFFE000, s0;
	v6 =	vld [tilespmem:s22+$0x18410];
	s28 =	sshll.u32 s24, $0x4  }
0x504: {  	p0 =	slt.u32 s24, $0x3FC;
	s29 =	sshll.u32 s24, $0x1;
	s0 =	ssub.s32 s25, s0;
	v7 =	vld [tilespmem:s22+$0x18420]  }
.Ltmp28:
0x505: {  	s28 =	sand.u32 $0x2000, s28;
	s0 =	sand.u32 $0xFFFFFC00, s0;
	[tilespmem:s21+$0xC420] =	vst.add.f32.msk $0xffff, v3;
	(pc) =	sbr.rel @p0 .LBB2_58-.Ltmp28, $4  }
0x506: {  	s23 =	sadd.s32 $0x40, s23;
	s21 =	sand.u32 $0x380, s29;
	s0 =	sadd.s32 s28, s0;
	[tilespmem:s22+$0xC430] =	vst.add.f32.msk $0xffff, v4  }
0x507: {  	s28 =	sand.u32 $0x40, s23;
	s0 =	sor.u32 s21, s0;
	[tilespmem:s22+$0xC400] =	vst.add.f32.msk $0xffff, v5;
	s21 =	smov.u32 s22  }
0x508: {  	s22 =	sor.u32 s28, s0;
	[tilespmem:s21+$0xC410] =	vst.add.f32.msk $0xffff, v6  }
0x509: {  	s26 =	sadd.s32 $0x4, s26;
	v4 =	vld [tilespmem:s22+$0x18430];
	v3 =	vmov v7  }
0x50a: {  	v5 =	vld [tilespmem:s22+$0x18400]  }
0x50b: {  	v6 =	vld [tilespmem:s22+$0x18410]  }
0x50c: {  	v7 =	vld [tilespmem:s22+$0x18420]  }
0x50d: {  	[tilespmem:s21+$0xC420] =	vst.add.f32.msk $0xffff, v3  }
0x50e: {  	[tilespmem:s22+$0xC430] =	vst.add.f32.msk $0xffff, v4  }
0x50f: {  	[tilespmem:s22+$0xC400] =	vst.add.f32.msk $0xffff, v5  }
0x510: {  	[tilespmem:s22+$0xC410] =	vst.add.f32.msk $0xffff, v6  }
0x511: {  	[tilespmem:s22+$0xC420] =	vst.add.f32.msk $0xffff, v7  }
0x512: {  	s21 =	sld [smem:$0x7F3];
	_ =	sdelay $0x1  }
0x513: {  	s0 =	simm.s32 $0x0  }
0x514: {  	[hbm4b:s21+s0] =	stream.linear.scatter [tilespmem:s5], [sflag:$0x9], $0x4000, $0x38;
	[tilespmem:$0x1C400] =	vst v63  }
0x515: {  	s22 =	simm.s32 $0x0;
	_ =	swait.ge [sflag:s14], $0x4000  }
0x516: {  	s23 =	simm.s32 $0x0;
	s21 =	sand.u32 $0xFFFFE000, s22;
	s29 =	sld [smem:$0x7F8]  }
0x517: {  	s22 =	sand.u32 $0x2000, s23;
	s21 =	ssub.s32 $0x0, s21;
	[sflag:s14] =	ssyncset.done $0x0  }
0x518: {  	s23 =	simm.s32 $0x0;
	s21 =	sand.u32 $0xFFFFFC00, s21;
	[sflag:s14] =	ssyncadd.s32 $0xFFFFC000  }
0x519: {  	[tilespmem:s31], [sflag:$0x2] =	stream.linear.gather [hbm4b:s29+s0], $0x4000, $0x38;
	[tilespmem:$0x1C400] =	vst v63  }
0x51a: {  	s24 =	sand.u32 $0x380, s23;
	s21 =	sadd.s32 s22, s21;
	_ =	swait.ge [sflag:s16], $0x4000  }
0x51b: {  	s21 =	sor.u32 s24, s21;
	s0 =	sand.u32 $0x40, s0;
	[sflag:s16] =	ssyncset.done $0x0  }
0x51c: {  	s21 =	sor.u32 s0, s21;
	[sflag:s16] =	ssyncadd.s32 $0xFFFFC000  }
0x51d: {  	v4 =	vld [tilespmem:s21+$0x18430]  }
0x51e: {  	s25 =	simm.s32 $0x200;
	v5 =	vld [tilespmem:s21+$0x18400]  }
0x51f: {  	s0 =	sand.u32 $0xFFFFE000, s25;
	v6 =	vld [tilespmem:s21+$0x18410]  }
0x520: {  	s26 =	simm.s32 $0x40;
	s0 =	ssub.s32 $0x200, s0  }
0x521: {  	s28 =	simm.s32 $0x8;
	s22 =	sand.u32 $0x2000, s26;
	s0 =	sand.u32 $0xFFFFFC00, s0;
	v3 =	vld [tilespmem:s21+$0x18420]  }
0x522: {  	s23 =	simm.s32 $0x40;
	s29 =	sand.u32 $0x380, s28;
	s0 =	sadd.s32 s22, s0;
	[tilespmem:s21+$0x10430] =	vst.add.f32.msk $0xffff, v4  }
0x523: {  	s24 =	sand.u32 $0x40, s23;
	s0 =	sor.u32 s29, s0;
	[tilespmem:s21+$0x10400] =	vst.add.f32.msk $0xffff, v5  }
0x524: {  	s22 =	sor.u32 s24, s0;
	[tilespmem:s21+$0x10410] =	vst.add.f32.msk $0xffff, v6  }
0x525: {  	s26 =	simm.s32 $0x8;
	s25 =	simm.s32 $0x200;
	s24 =	simm.s32 $0x4;
	v4 =	vld [tilespmem:s22+$0x18430]  }
.LBB2_60:
0x526: {  	s0 =	sshll.u32 s26, $0x7;
	v5 =	vld [tilespmem:s22+$0x18400];
	s24 =	sadd.s32 $0x4, s24  }
0x527: {  	s25 =	sadd.s32 $0x200, s25;
	s0 =	sand.u32 $0xFFFFE000, s0;
	v6 =	vld [tilespmem:s22+$0x18410];
	s28 =	sshll.u32 s24, $0x4  }
0x528: {  	p0 =	slt.u32 s24, $0x3FC;
	s29 =	sshll.u32 s24, $0x1;
	s0 =	ssub.s32 s25, s0;
	v7 =	vld [tilespmem:s22+$0x18420]  }
.Ltmp29:
0x529: {  	s28 =	sand.u32 $0x2000, s28;
	s0 =	sand.u32 $0xFFFFFC00, s0;
	[tilespmem:s21+$0x10420] =	vst.add.f32.msk $0xffff, v3;
	(pc) =	sbr.rel @p0 .LBB2_60-.Ltmp29, $4  }
0x52a: {  	s23 =	sadd.s32 $0x40, s23;
	s21 =	sand.u32 $0x380, s29;
	s0 =	sadd.s32 s28, s0;
	[tilespmem:s22+$0x10430] =	vst.add.f32.msk $0xffff, v4  }
0x52b: {  	s28 =	sand.u32 $0x40, s23;
	s0 =	sor.u32 s21, s0;
	[tilespmem:s22+$0x10400] =	vst.add.f32.msk $0xffff, v5;
	s21 =	smov.u32 s22  }
0x52c: {  	s22 =	sor.u32 s28, s0;
	[tilespmem:s21+$0x10410] =	vst.add.f32.msk $0xffff, v6  }
0x52d: {  	s26 =	sadd.s32 $0x4, s26;
	v4 =	vld [tilespmem:s22+$0x18430];
	v3 =	vmov v7  }
0x52e: {  	v5 =	vld [tilespmem:s22+$0x18400]  }
0x52f: {  	v6 =	vld [tilespmem:s22+$0x18410]  }
0x530: {  	v7 =	vld [tilespmem:s22+$0x18420]  }
0x531: {  	[tilespmem:s21+$0x10420] =	vst.add.f32.msk $0xffff, v3  }
0x532: {  	[tilespmem:s22+$0x10430] =	vst.add.f32.msk $0xffff, v4  }
0x533: {  	[tilespmem:s22+$0x10400] =	vst.add.f32.msk $0xffff, v5  }
0x534: {  	[tilespmem:s22+$0x10410] =	vst.add.f32.msk $0xffff, v6  }
0x535: {  	[tilespmem:s22+$0x10420] =	vst.add.f32.msk $0xffff, v7  }
0x536: {  	s21 =	sld [smem:$0x7F9];
	_ =	sdelay $0x1  }
0x537: {  	s0 =	simm.s32 $0x0;
	s22 =	simm.s32 $0x0  }
0x538: {  	[hbm4b:s21+s0] =	stream.linear.scatter [tilespmem:s7], [sflag:$0xA], $0x4000, $0x38;
	[tilespmem:$0x1C400] =	vst v63  }
0x539: {  	s21 =	sand.u32 $0xFFFFE000, s22  }
0x53a: {  	s23 =	simm.s32 $0x0;
	s21 =	ssub.s32 $0x0, s21  }
0x53b: {  	s22 =	sand.u32 $0x2000, s23;
	s23 =	simm.s32 $0x0;
	s21 =	sand.u32 $0xFFFFFC00, s21  }
0x53c: {  	_ =	swait.ge [sflag:s4], $0x4000;
	s24 =	sand.u32 $0x380, s23;
	s21 =	sadd.s32 s22, s21  }
0x53d: {  	s0 =	sand.u32 $0x40, s0;
	[sflag:s4] =	ssyncset.done $0x0;
	s21 =	sor.u32 s24, s21  }
0x53e: {  	[sflag:s4] =	ssyncadd.s32 $0xFFFFC000;
	s21 =	sor.u32 s0, s21  }
0x53f: {  	v4 =	vld [tilespmem:s21+$0x18430]  }
0x540: {  	s25 =	simm.s32 $0x200;
	v5 =	vld [tilespmem:s21+$0x18400]  }
0x541: {  	s0 =	sand.u32 $0xFFFFE000, s25;
	v6 =	vld [tilespmem:s21+$0x18410]  }
0x542: {  	s26 =	simm.s32 $0x40;
	s0 =	ssub.s32 $0x200, s0  }
0x543: {  	s28 =	simm.s32 $0x8;
	s22 =	sand.u32 $0x2000, s26;
	v3 =	vld [tilespmem:s21+$0x18420];
	s0 =	sand.u32 $0xFFFFFC00, s0  }
0x544: {  	s29 =	sand.u32 $0x380, s28;
	s23 =	simm.s32 $0x40;
	s0 =	sadd.s32 s22, s0;
	[tilespmem:s21+$0x430] =	vst.add.f32.msk $0xffff, v4  }
0x545: {  	s24 =	sand.u32 $0x40, s23;
	s0 =	sor.u32 s29, s0;
	[tilespmem:s21+$0x400] =	vst.add.f32.msk $0xffff, v5  }
0x546: {  	s22 =	sor.u32 s24, s0;
	[tilespmem:s21+$0x410] =	vst.add.f32.msk $0xffff, v6  }
0x547: {  	s26 =	simm.s32 $0x8;
	s25 =	simm.s32 $0x200;
	s24 =	simm.s32 $0x4;
	v4 =	vld [tilespmem:s22+$0x18430]  }
.LBB2_62:
0x548: {  	s0 =	sshll.u32 s26, $0x7;
	v5 =	vld [tilespmem:s22+$0x18400];
	s24 =	sadd.s32 $0x4, s24  }
0x549: {  	s25 =	sadd.s32 $0x200, s25;
	s0 =	sand.u32 $0xFFFFE000, s0;
	v6 =	vld [tilespmem:s22+$0x18410];
	s28 =	sshll.u32 s24, $0x4  }
0x54a: {  	p0 =	slt.u32 s24, $0x3FC;
	s29 =	sshll.u32 s24, $0x1;
	s0 =	ssub.s32 s25, s0;
	v7 =	vld [tilespmem:s22+$0x18420]  }
.Ltmp30:
0x54b: {  	s28 =	sand.u32 $0x2000, s28;
	s0 =	sand.u32 $0xFFFFFC00, s0;
	[tilespmem:s21+$0x420] =	vst.add.f32.msk $0xffff, v3;
	(pc) =	sbr.rel @p0 .LBB2_62-.Ltmp30, $4  }
0x54c: {  	s23 =	sadd.s32 $0x40, s23;
	s21 =	sand.u32 $0x380, s29;
	s0 =	sadd.s32 s28, s0;
	[tilespmem:s22+$0x430] =	vst.add.f32.msk $0xffff, v4  }
0x54d: {  	s28 =	sand.u32 $0x40, s23;
	s0 =	sor.u32 s21, s0;
	[tilespmem:s22+$0x400] =	vst.add.f32.msk $0xffff, v5;
	s21 =	smov.u32 s22  }
0x54e: {  	s22 =	sor.u32 s28, s0;
	[tilespmem:s21+$0x410] =	vst.add.f32.msk $0xffff, v6  }
0x54f: {  	s26 =	sadd.s32 $0x4, s26;
	v4 =	vld [tilespmem:s22+$0x18430];
	v3 =	vmov v7  }
0x550: {  	v5 =	vld [tilespmem:s22+$0x18400]  }
0x551: {  	v6 =	vld [tilespmem:s22+$0x18410]  }
0x552: {  	v7 =	vld [tilespmem:s22+$0x18420]  }
0x553: {  	[tilespmem:s21+$0x420] =	vst.add.f32.msk $0xffff, v3  }
0x554: {  	[tilespmem:s22+$0x430] =	vst.add.f32.msk $0xffff, v4  }
0x555: {  	[tilespmem:s22+$0x400] =	vst.add.f32.msk $0xffff, v5  }
0x556: {  	[tilespmem:s22+$0x410] =	vst.add.f32.msk $0xffff, v6  }
0x557: {  	[tilespmem:s22+$0x420] =	vst.add.f32.msk $0xffff, v7  }
0x558: {  	s21 =	sld [smem:$0x7FA];
	_ =	sdelay $0x1  }
0x559: {  	s0 =	simm.s32 $0x0;
	s22 =	simm.s32 $0x0  }
0x55a: {  	[hbm4b:s21+s0] =	stream.linear.scatter [tilespmem:s30], [sflag:$0x6], $0x4000, $0x38;
	[tilespmem:$0x1C400] =	vst v63  }
0x55b: {  	s21 =	sand.u32 $0xFFFFE000, s22  }
0x55c: {  	s23 =	simm.s32 $0x0;
	s21 =	ssub.s32 $0x0, s21  }
0x55d: {  	s22 =	sand.u32 $0x2000, s23;
	s23 =	simm.s32 $0x0;
	s21 =	sand.u32 $0xFFFFFC00, s21  }
0x55e: {  	_ =	swait.ge [sflag:s6], $0x4000;
	s24 =	sand.u32 $0x380, s23;
	s21 =	sadd.s32 s22, s21  }
0x55f: {  	s0 =	sand.u32 $0x40, s0;
	[sflag:s6] =	ssyncset.done $0x0;
	s21 =	sor.u32 s24, s21  }
0x560: {  	[sflag:s6] =	ssyncadd.s32 $0xFFFFC000;
	s21 =	sor.u32 s0, s21  }
0x561: {  	v4 =	vld [tilespmem:s21+$0x18430]  }
0x562: {  	s25 =	simm.s32 $0x200;
	v5 =	vld [tilespmem:s21+$0x18400]  }
0x563: {  	s0 =	sand.u32 $0xFFFFE000, s25;
	v6 =	vld [tilespmem:s21+$0x18410]  }
0x564: {  	s26 =	simm.s32 $0x40;
	s0 =	ssub.s32 $0x200, s0  }
0x565: {  	s28 =	simm.s32 $0x8;
	s22 =	sand.u32 $0x2000, s26;
	v3 =	vld [tilespmem:s21+$0x18420];
	s0 =	sand.u32 $0xFFFFFC00, s0  }
0x566: {  	s29 =	sand.u32 $0x380, s28;
	s23 =	simm.s32 $0x40;
	s0 =	sadd.s32 s22, s0;
	[tilespmem:s21+$0x4430] =	vst.add.f32.msk $0xffff, v4  }
0x567: {  	s24 =	sand.u32 $0x40, s23;
	s0 =	sor.u32 s29, s0;
	[tilespmem:s21+$0x4400] =	vst.add.f32.msk $0xffff, v5  }
0x568: {  	s22 =	sor.u32 s24, s0;
	[tilespmem:s21+$0x4410] =	vst.add.f32.msk $0xffff, v6  }
0x569: {  	s26 =	simm.s32 $0x8;
	s25 =	simm.s32 $0x200;
	s24 =	simm.s32 $0x4;
	v4 =	vld [tilespmem:s22+$0x18430]  }
.LBB2_64:
0x56a: {  	s0 =	sshll.u32 s26, $0x7;
	v5 =	vld [tilespmem:s22+$0x18400];
	s24 =	sadd.s32 $0x4, s24  }
0x56b: {  	s25 =	sadd.s32 $0x200, s25;
	s0 =	sand.u32 $0xFFFFE000, s0;
	v6 =	vld [tilespmem:s22+$0x18410];
	s28 =	sshll.u32 s24, $0x4  }
0x56c: {  	p0 =	slt.u32 s24, $0x3FC;
	s29 =	sshll.u32 s24, $0x1;
	s0 =	ssub.s32 s25, s0;
	v7 =	vld [tilespmem:s22+$0x18420]  }
.Ltmp31:
0x56d: {  	s28 =	sand.u32 $0x2000, s28;
	s0 =	sand.u32 $0xFFFFFC00, s0;
	[tilespmem:s21+$0x4420] =	vst.add.f32.msk $0xffff, v3;
	(pc) =	sbr.rel @p0 .LBB2_64-.Ltmp31, $4  }
0x56e: {  	s23 =	sadd.s32 $0x40, s23;
	s21 =	sand.u32 $0x380, s29;
	s0 =	sadd.s32 s28, s0;
	[tilespmem:s22+$0x4430] =	vst.add.f32.msk $0xffff, v4  }
0x56f: {  	s28 =	sand.u32 $0x40, s23;
	s0 =	sor.u32 s21, s0;
	[tilespmem:s22+$0x4400] =	vst.add.f32.msk $0xffff, v5;
	s21 =	smov.u32 s22  }
0x570: {  	s22 =	sor.u32 s28, s0;
	[tilespmem:s21+$0x4410] =	vst.add.f32.msk $0xffff, v6  }
0x571: {  	s26 =	sadd.s32 $0x4, s26;
	v4 =	vld [tilespmem:s22+$0x18430];
	v3 =	vmov v7  }
0x572: {  	v5 =	vld [tilespmem:s22+$0x18400]  }
0x573: {  	v6 =	vld [tilespmem:s22+$0x18410]  }
0x574: {  	v7 =	vld [tilespmem:s22+$0x18420]  }
0x575: {  	[tilespmem:s21+$0x4420] =	vst.add.f32.msk $0xffff, v3  }
0x576: {  	[tilespmem:s22+$0x4430] =	vst.add.f32.msk $0xffff, v4  }
0x577: {  	[tilespmem:s22+$0x4400] =	vst.add.f32.msk $0xffff, v5  }
0x578: {  	[tilespmem:s22+$0x4410] =	vst.add.f32.msk $0xffff, v6  }
0x579: {  	[tilespmem:s22+$0x4420] =	vst.add.f32.msk $0xffff, v7  }
0x57a: {  	s0 =	sld [smem:$0x7FB];
	_ =	sdelay $0x2  }
0x57b: {  	[hbm4b:s0+s1] =	stream.linear.scatter [tilespmem:s31], [sflag:$0x7], $0x4000, $0x38;
	[tilespmem:$0x1C400] =	vst v63  }
0x57c: {  	_ =	swait.ge [sflag:s17], $0x4000  }
0x57d: {  	[sflag:s17] =	ssyncset.done $0x0  }
0x57e: {  	[sflag:s17] =	ssyncadd.s32 $0xFFFFC000  }
0x57f: {  	_ =	swait.ge [sflag:s18], $0x4000  }
0x580: {  	[sflag:s18] =	ssyncset.done $0x0  }
0x581: {  	[sflag:s18] =	ssyncadd.s32 $0xFFFFC000  }
0x582: {  	_ =	swait.ge [sflag:s19], $0x4000  }
0x583: {  	[sflag:s19] =	ssyncset.done $0x0  }
0x584: {  	[sflag:s19] =	ssyncadd.s32 $0xFFFFC000  }
0x585: {  	_ =	swait.ge [sflag:s12], $0x4000  }
0x586: {  	[sflag:s12] =	ssyncset.done $0x0  }
0x587: {  	[sflag:s12] =	ssyncadd.s32 $0xFFFFC000  }
0x588: {  	_ =	swait.ge [sflag:s14], $0x4000  }
0x589: {  	s29 =	sld [smem:$0x7FD];
	_ =	sdelay $0x1  }
0x58a: {  	s20 =	sadd.s32 $0x1, s20  }
0x58b: {  	p0 =	sne.s32 s20, s29  }
.Ltmp32:
0x58c: {  	_ = 	snop;
	(pc) =	sbr.rel @p0 .LBB2_1-.Ltmp32, $3  }
0x58d: {  	_ =	sdelay $0x1  }
0x58e: {  	[sflag:s14] =	ssyncset.done $0x0  }
0x58f: {  	[sflag:s14] =	ssyncadd.s32 $0xFFFFC000  }
0x590: {  	_ =	sfence.sel $0x180000  }
0x591: {  	[bflag:$0x0] =	sbarrier.arrive $0xFFFF  }
0x592: {  	_ =	strace $0x90000047  }
0x593: {  	s0 =	stileid.u32;
	[bflag:$0x2] =	sbarrier.arrive $0xFFFF  }
0x594: {  	p0 =	sne.s32 s0, $0x0;
	s0 =	rddreg [dreg:$0x4]  }
0x595: {  	s0 =	sadd.s32 @!p0 $0x100000, s0  }
0x596: {  	[sflag:s0] =	ssyncadd.tile.s32 @!p0 $0x1;
	_ =	shalt  }
.Lfunc_end2:
_tile_overlayer_lowered:
.L_overlay_start_2:
0x597: {  	(tag) =	ssettag $0x2  }
0x598: {  	s0 =	rddreg [dreg:$0x0];
	s2 =	stileid.u32  }
0x599: {  	s1 =	rddreg [dreg:$0x1];
	p0 =	sne.s32 s2, $0x0  }
0x59a: {  	s3 =	rddreg [dreg:$0x2];
	[bflag:$0x3] =	sbarrier.arrive $0xFFFF;
	s2 =	simm.s32 @!p0 $0x1C0D  }
0x59b: {  	[timem:s3], [sflag:s2] =	dma.local @!p0 [hbm:s0], s1  }
0x59c: {  	s0 =	simm.s32 @!p0 $0xD  }
0x59d: {  	_ =	swait.ge @!p0 [sflag:s0], s1  }
0x59e: {  	s1 =	ssub.s32 @!p0 $0x0, s1;
	[sflag:s0] =	ssyncset.done @!p0 $0x0  }
0x59f: {  	[sflag:s0] =	ssyncadd.s32 @!p0 s1  }
0x5a0: {  	[bflag:$0x3] =	sbarrier.arrive $0xFFFF  }
0x5a1: {  	_ =	shalt  }

</sc_bundles>
